<compile_context>
chip_gen: v7x
topology: tpu7x:2x2x1
jax: 0.10.2.dev20260603
libtpu: 0.0.44.dev20260713+nightly
codegen_flags: <defaults>
</compile_context>

<pallas_src>
import functools

import jax
import jax.numpy as jnp
from jax import lax
from jax.experimental import pallas as pl
from jax.experimental.pallas import tpu as pltpu
from jax.experimental.pallas import tpu_sc as plsc

NUM_CLASS = 100000
N_CLS_CTX = 4
CTX_DIM = 512
B = 1024
PREFIX_LEN = 9
SUFFIX_LEN = 64
TOK = PREFIX_LEN + N_CLS_CTX + SUFFIX_LEN
NBCAST = PREFIX_LEN + SUFFIX_LEN
N_ITEMS = 2 * NBCAST

LANES = 16

NC, NS = 2, 16
NW = NC * NS
B_PER_W = B // NW
RB = 8
N_ROUNDS = B_PER_W // RB
REP = 32
HALF_B = B // 2
N_SEG = HALF_B // REP


def _splat_lane(vec, pos):
  ii = lax.iota(jnp.int32, LANES)
  sel = jnp.where(ii == pos, vec, 0)
  return jnp.full((LANES,), jnp.sum(sel), dtype=jnp.int32)


def _sc_assemble(label, tlab, llab, alab, cls_ctx, t3, l3, a3, pre2, suf2):
  mesh = plsc.VectorSubcoreMesh(
      core_axis_name="c", subcore_axis_name="s",
      num_cores=NC, num_subcores=NS)

  @functools.partial(
      pl.kernel,
      out_type=jax.ShapeDtypeStruct((TOK, B, CTX_DIM), jnp.float32),
      mesh=mesh,
      compiler_params=pltpu.CompilerParams(
          needs_layout_passes=False,
          disable_bounds_checks=True,
          disable_semaphore_checks=True),
      scratch_types=[
          pltpu.VMEM((B_PER_W,), jnp.int32),
          pltpu.VMEM((B_PER_W,), jnp.int32),
          pltpu.VMEM((B_PER_W,), jnp.int32),
          pltpu.VMEM((B_PER_W,), jnp.int32),
          pltpu.VMEM((REP,), jnp.int32),
          pltpu.VMEM((3, N_CLS_CTX, CTX_DIM), jnp.float32),
          pltpu.VMEM((2, N_CLS_CTX, CTX_DIM), jnp.float32),
          pltpu.VMEM((4, N_CLS_CTX, CTX_DIM), jnp.float32),
          pltpu.VMEM((RB, N_CLS_CTX, CTX_DIM), jnp.float32),
          pltpu.VMEM((RB, N_CLS_CTX, CTX_DIM), jnp.float32),
          pltpu.VMEM((N_CLS_CTX, RB, CTX_DIM), jnp.float32),
          pltpu.VMEM((REP, CTX_DIM), jnp.float32),
          pltpu.VMEM((REP, CTX_DIM), jnp.float32),
          pltpu.SemaphoreType.DMA,
          pltpu.SemaphoreType.DMA,
          pltpu.SemaphoreType.DMA,
          pltpu.SemaphoreType.DMA,
          pltpu.SemaphoreType.DMA,
      ],
  )
  def k(label_h, tlab_h, llab_h, alab_h, cls_h, t_h, l_h, a_h, pre_h, suf_h,
        out_h,
        lab_v, tl_v, ll_v, al_v, rep_idx, t_v, l_v, a_v,
        cls0, cls1, ctx_t, stage0, stage1,
        sem_g, sem_s, sem_o, sem_p0, sem_p1):
    wid = lax.axis_index("s") * NC + lax.axis_index("c")
    base = wid * B_PER_W
    clsb = (cls0, cls1)
    stages = (stage0, stage1)
    psems = (sem_p0, sem_p1)

    pltpu.sync_copy(t_h, t_v)
    pltpu.sync_copy(l_h, l_v)
    pltpu.sync_copy(a_h, a_v)
    pltpu.sync_copy(label_h.at[pl.ds(base, B_PER_W)], lab_v)
    pltpu.sync_copy(tlab_h.at[pl.ds(base, B_PER_W)], tl_v)
    pltpu.sync_copy(llab_h.at[pl.ds(base, B_PER_W)], ll_v)
    pltpu.sync_copy(alab_h.at[pl.ds(base, B_PER_W)], al_v)
    g_next = pltpu.async_copy(cls_h.at[lab_v.at[pl.ds(0, RB)]], cls0, sem_g)

    def plane_item(item, buf):
      q = item // 2
      halfsel = item - 2 * q
      in_suf = q >= PREFIX_LEN
      p = q + jnp.where(in_suf, TOK - NBCAST, 0)
      qq = q - jnp.where(in_suf, PREFIX_LEN, 0)
      qv = jnp.full((LANES,), qq, dtype=jnp.int32)
      rep_idx[pl.ds(0, LANES)] = qv
      rep_idx[pl.ds(LANES, LANES)] = qv
      @pl.when(jnp.logical_not(in_suf))
      def _():
        pltpu.async_copy(pre_h.at[rep_idx], stages[buf], sem_s).wait()
      @pl.when(in_suf)
      def _():
        pltpu.async_copy(suf_h.at[rep_idx], stages[buf], sem_s).wait()
      last = None
      for kk in range(N_SEG):
        last = pltpu.async_copy(
            stages[buf],
            out_h.at[p, pl.ds(halfsel * HALF_B + kk * REP, REP)],
            psems[buf])
      return last

    state = {"ctx_handle": None, "g_next": g_next}

    def ctx_round(r):
      state["g_next"].wait()
      if r + 1 < N_ROUNDS:
        state["g_next"] = pltpu.async_copy(
            cls_h.at[lab_v.at[pl.ds((r + 1) * RB, RB)]],
            clsb[(r + 1) % 2], sem_g)
      if state["ctx_handle"] is not None:
        for _ in range(N_CLS_CTX):
          state["ctx_handle"].wait()
      cls_rows = clsb[r % 2]
      tl_c = tl_v[pl.ds((r // 2) * LANES, LANES)]
      ll_c = ll_v[pl.ds((r // 2) * LANES, LANES)]
      al_c = al_v[pl.ds((r // 2) * LANES, LANES)]
      roff = (r % 2) * RB

      def row_body(i, carry):
        pos = roff + i
        trow = _splat_lane(tl_c, pos)
        lrow = _splat_lane(ll_c, pos)
        arow = _splat_lane(al_c, pos)
        for c in range(N_CLS_CTX):
          cspl = jnp.full((LANES,), c, dtype=jnp.int32)
          def chunk_body(j, cc, c=c, cspl=cspl):
            o = j * LANES
            s = pl.ds(o, LANES)
            col = lax.iota(jnp.int32, LANES) + o
            mod = (plsc.load_gather(t_v, [trow, cspl, col])
                   + plsc.load_gather(l_v, [lrow, cspl, col])
                   + plsc.load_gather(a_v, [arow, cspl, col]))
            ctx_t[c, i, s] = cls_rows[i, c, s] + mod
            return cc
          lax.fori_loop(0, CTX_DIM // LANES, chunk_body, 0)
        return carry
      lax.fori_loop(0, RB, row_body, 0)
      bb = base + r * RB
      for c in range(N_CLS_CTX):
        state["ctx_handle"] = pltpu.async_copy(
            ctx_t.at[c], out_h.at[PREFIX_LEN + c, pl.ds(bb, RB)], sem_o)

    w0 = plane_item(wid, 0)
    w1 = plane_item(wid + NW, 1)
    ctx_round(0)
    for _ in range(N_SEG):
      w0.wait()
    w2 = plane_item(wid + NW * 2, 0)
    ctx_round(1)
    for _ in range(N_SEG):
      w1.wait()
    w3 = plane_item(wid + NW * 3, 1)
    ctx_round(2)
    for _ in range(N_SEG):
      w2.wait()
    item4 = wid + NW * 4
    has4 = item4 < N_ITEMS

    @pl.when(has4)
    def _():
      plane_item(item4, 0)
    ctx_round(3)
    for _ in range(N_SEG):
      w3.wait()

    @pl.when(has4)
    def _():
      for kk in range(N_SEG):
        pltpu.make_async_copy(
            stage0, out_h.at[0, pl.ds(kk * REP, REP)], sem_p0).wait()

    for _ in range(N_CLS_CTX):
      state["ctx_handle"].wait()

  return k(label, tlab, llab, alab, cls_ctx, t3, l3, a3, pre2, suf2)


def kernel(label, temperature_label, light_label, angle,
           cls_ctx, temperature_ctx, light_ctx, angle_ctx,
           token_prefix, token_suffix):
  out_t = _sc_assemble(
      label.astype(jnp.int32),
      temperature_label.astype(jnp.int32),
      light_label.astype(jnp.int32),
      angle.astype(jnp.int32),
      cls_ctx, temperature_ctx, light_ctx, angle_ctx,
      token_prefix.reshape(PREFIX_LEN, CTX_DIM),
      token_suffix.reshape(SUFFIX_LEN, CTX_DIM))
  return out_t.transpose(1, 0, 2)

# --- scband reference (transcript-rebuilt; emitter-appended) ---
"""Pipeline reference for scband-prompt-learner-75093208203676 (READ-ONLY COPY).

The authoritative reference and input builder live on the scoring server;
editing this copy changes nothing except your own understanding.
"""

import jax, jax.numpy as jnp
import numpy as np

NUM_CLASS = 100000
N_CLS_CTX = 4
CTX_DIM = 512
B = 1024
PREFIX_LEN = 9   # n_ctx + 1 tokens of 'A photo of a ...'
SUFFIX_LEN = 64  # 77 - (n_ctx + 1 + n_cls_ctx)


def setup_inputs(seed: int = 0) -> dict:
    key = jax.random.key(seed)
    ks = jax.random.split(key, 10)
    label = jax.random.randint(ks[0], (B,), 0, NUM_CLASS)
    temperature_label = jax.random.randint(ks[1], (B,), 0, 3)
    light_label = jax.random.randint(ks[2], (B,), 0, 2)
    angle = jax.random.randint(ks[3], (B,), 0, 4)
    cls_ctx = jax.random.normal(ks[4], (NUM_CLASS, N_CLS_CTX, CTX_DIM), dtype=jnp.float32) * 0.02
    temperature_ctx = jax.random.normal(ks[5], (3, N_CLS_CTX, CTX_DIM), dtype=jnp.float32) * 0.02
    light_ctx = jax.random.normal(ks[6], (2, N_CLS_CTX, CTX_DIM), dtype=jnp.float32) * 0.02
    angle_ctx = jax.random.normal(ks[7], (4, N_CLS_CTX, CTX_DIM), dtype=jnp.float32) * 0.02
    token_prefix = jax.random.normal(ks[8], (1, PREFIX_LEN, CTX_DIM), dtype=jnp.float32) * 0.02
    token_suffix = jax.random.normal(ks[9], (1, SUFFIX_LEN, CTX_DIM), dtype=jnp.float32) * 0.02
    return {
        'label': label,
        'temperature_label': temperature_label,
        'light_label': light_label,
        'angle': angle,
        'cls_ctx': cls_ctx,
        'temperature_ctx': temperature_ctx,
        'light_ctx': light_ctx,
        'angle_ctx': angle_ctx,
        'token_prefix': token_prefix,
        'token_suffix': token_suffix,
    }


def reference(label, temperature_label, light_label, angle,
              cls_ctx, temperature_ctx, light_ctx, angle_ctx,
              token_prefix, token_suffix):
    # cls_ctx = self.cls_ctx[label]
    ctx = jnp.take(cls_ctx, label, axis=0)
    # all modifier labels are provided -> add modifier context embeddings
    ctx = ctx + jnp.take(temperature_ctx, temperature_label, axis=0) \
              + jnp.take(light_ctx, light_label, axis=0) \
              + jnp.take(angle_ctx, angle, axis=0)
    b = label.shape[0]
    prefix = jnp.broadcast_to(token_prefix, (b, token_prefix.shape[1], token_prefix.shape[2]))
    suffix = jnp.broadcast_to(token_suffix, (b, token_suffix.shape[1], token_suffix.shape[2]))
    prompts = jnp.concatenate([prefix, ctx, suffix], axis=1)
    return prompts

if __name__ == "__main__":
    import jax
    _d = setup_inputs()
    print(jax.jit(kernel)(*tuple(_d.values())))

</pallas_src>

<mosaic_0001>
#map = affine_map<(d0, d1) -> (0)>
#map1 = affine_map<(d0, d1) -> (0, 0, 0)>
#map2 = affine_map<(d0, d1) -> (0, 0)>
module attributes {stable_mosaic.version = 14 : i64} {
  func.func @k(%arg0: i32, %arg1: i32, %arg2: memref<1024xi32, #tpu.memory_space<hbm>>, %arg3: memref<1024xi32, #tpu.memory_space<hbm>>, %arg4: memref<1024xi32, #tpu.memory_space<hbm>>, %arg5: memref<1024xi32, #tpu.memory_space<hbm>>, %arg6: memref<100000x4x512xf32, #tpu.memory_space<hbm>>, %arg7: memref<3x4x512xf32, #tpu.memory_space<hbm>>, %arg8: memref<2x4x512xf32, #tpu.memory_space<hbm>>, %arg9: memref<4x4x512xf32, #tpu.memory_space<hbm>>, %arg10: memref<9x512xf32, #tpu.memory_space<hbm>>, %arg11: memref<64x512xf32, #tpu.memory_space<hbm>>, %arg12: memref<77x1024x512xf32, #tpu.memory_space<hbm>>, %arg13: memref<32xi32, #tpu.memory_space<vmem>>, %arg14: memref<32xi32, #tpu.memory_space<vmem>>, %arg15: memref<32xi32, #tpu.memory_space<vmem>>, %arg16: memref<32xi32, #tpu.memory_space<vmem>>, %arg17: memref<32xi32, #tpu.memory_space<vmem>>, %arg18: memref<3x4x512xf32, #tpu.memory_space<vmem>>, %arg19: memref<2x4x512xf32, #tpu.memory_space<vmem>>, %arg20: memref<4x4x512xf32, #tpu.memory_space<vmem>>, %arg21: memref<8x4x512xf32, #tpu.memory_space<vmem>>, %arg22: memref<8x4x512xf32, #tpu.memory_space<vmem>>, %arg23: memref<4x8x512xf32, #tpu.memory_space<vmem>>, %arg24: memref<32x512xf32, #tpu.memory_space<vmem>>, %arg25: memref<32x512xf32, #tpu.memory_space<vmem>>, %arg26: memref<!tpu.dma_semaphore, #tpu.memory_space<semaphore_mem>>, %arg27: memref<!tpu.dma_semaphore, #tpu.memory_space<semaphore_mem>>, %arg28: memref<!tpu.dma_semaphore, #tpu.memory_space<semaphore_mem>>, %arg29: memref<!tpu.dma_semaphore, #tpu.memory_space<semaphore_mem>>, %arg30: memref<!tpu.dma_semaphore, #tpu.memory_space<semaphore_mem>>) attributes {dimension_semantics = [#tpu.dimension_semantics<core_parallel>, #tpu.dimension_semantics<subcore_parallel>], iteration_bounds = array<i64: 2, 16>, scalar_prefetch = 0 : i64, scratch_operands = 18 : i64, tpu.core_type = #tpu.core_type<sc_vector_subcore>, window_params = [{transform_indices = #map}, {transform_indices = #map}, {transform_indices = #map}, {transform_indices = #map}, {transform_indices = #map1}, {transform_indices = #map1}, {transform_indices = #map1}, {transform_indices = #map1}, {transform_indices = #map2}, {transform_indices = #map2}, {transform_indices = #map1}]} {
    %mul3A = arith.constant 2 : i32
    %mul3A_0 = arith.muli %arg1, %mul3A : i32
    %add3A = arith.addi %mul3A_0, %arg0 : i32
    %mul3A_1 = arith.constant 32 : i32
    %mul3A_2 = arith.muli %add3A, %mul3A_1 : i32
    "tpu.region"() ({
      %run_scoped3A = tpu.sem_alloc : memref<!tpu.dma_semaphore, #tpu.memory_space<semaphore_mem>>
      tpu.enqueue_dma source(%arg7 : memref<3x4x512xf32, #tpu.memory_space<hbm>>) target(%arg18 : memref<3x4x512xf32, #tpu.memory_space<vmem>>) target_semaphore(%run_scoped3A : memref<!tpu.dma_semaphore, #tpu.memory_space<semaphore_mem>>)
      tpu.wait_dma2 semaphore(%run_scoped3A : memref<!tpu.dma_semaphore, #tpu.memory_space<semaphore_mem>>) src(%arg7 : memref<3x4x512xf32, #tpu.memory_space<hbm>>) dst(%arg18 : memref<3x4x512xf32, #tpu.memory_space<vmem>>)
      tpu.yield
    }) : () -> ()
    "tpu.region"() ({
      %run_scoped3A = tpu.sem_alloc : memref<!tpu.dma_semaphore, #tpu.memory_space<semaphore_mem>>
      tpu.enqueue_dma source(%arg8 : memref<2x4x512xf32, #tpu.memory_space<hbm>>) target(%arg19 : memref<2x4x512xf32, #tpu.memory_space<vmem>>) target_semaphore(%run_scoped3A : memref<!tpu.dma_semaphore, #tpu.memory_space<semaphore_mem>>)
      tpu.wait_dma2 semaphore(%run_scoped3A : memref<!tpu.dma_semaphore, #tpu.memory_space<semaphore_mem>>) src(%arg8 : memref<2x4x512xf32, #tpu.memory_space<hbm>>) dst(%arg19 : memref<2x4x512xf32, #tpu.memory_space<vmem>>)
      tpu.yield
    }) : () -> ()
    "tpu.region"() ({
      %run_scoped3A = tpu.sem_alloc : memref<!tpu.dma_semaphore, #tpu.memory_space<semaphore_mem>>
      tpu.enqueue_dma source(%arg9 : memref<4x4x512xf32, #tpu.memory_space<hbm>>) target(%arg20 : memref<4x4x512xf32, #tpu.memory_space<vmem>>) target_semaphore(%run_scoped3A : memref<!tpu.dma_semaphore, #tpu.memory_space<semaphore_mem>>)
      tpu.wait_dma2 semaphore(%run_scoped3A : memref<!tpu.dma_semaphore, #tpu.memory_space<semaphore_mem>>) src(%arg9 : memref<4x4x512xf32, #tpu.memory_space<hbm>>) dst(%arg20 : memref<4x4x512xf32, #tpu.memory_space<vmem>>)
      tpu.yield
    }) : () -> ()
    "tpu.region"() ({
      %run_scoped3A = tpu.sem_alloc : memref<!tpu.dma_semaphore, #tpu.memory_space<semaphore_mem>>
      %dma_start3A_1840 = tpu.memref_slice %arg2[%mul3A_2] : memref<1024xi32, #tpu.memory_space<hbm>> -> memref<32xi32, #tpu.memory_space<hbm>>
      %dma_start3A_1841 = tpu.memref_slice %arg2[%mul3A_2] : memref<1024xi32, #tpu.memory_space<hbm>> -> memref<32xi32, #tpu.memory_space<hbm>>
      tpu.enqueue_dma source(%dma_start3A_1841 : memref<32xi32, #tpu.memory_space<hbm>>) target(%arg13 : memref<32xi32, #tpu.memory_space<vmem>>) target_semaphore(%run_scoped3A : memref<!tpu.dma_semaphore, #tpu.memory_space<semaphore_mem>>)
      %dma_wait3A_1842 = tpu.memref_slice %arg2[%mul3A_2] : memref<1024xi32, #tpu.memory_space<hbm>> -> memref<32xi32, #tpu.memory_space<hbm>>
      %dma_wait3A_1843 = tpu.memref_slice %arg2[%mul3A_2] : memref<1024xi32, #tpu.memory_space<hbm>> -> memref<32xi32, #tpu.memory_space<hbm>>
      tpu.wait_dma2 semaphore(%run_scoped3A : memref<!tpu.dma_semaphore, #tpu.memory_space<semaphore_mem>>) src(%dma_wait3A_1843 : memref<32xi32, #tpu.memory_space<hbm>>) dst(%arg13 : memref<32xi32, #tpu.memory_space<vmem>>)
      tpu.yield
    }) : () -> ()
    "tpu.region"() ({
      %run_scoped3A = tpu.sem_alloc : memref<!tpu.dma_semaphore, #tpu.memory_space<semaphore_mem>>
      %dma_start3A_1840 = tpu.memref_slice %arg3[%mul3A_2] : memref<1024xi32, #tpu.memory_space<hbm>> -> memref<32xi32, #tpu.memory_space<hbm>>
      %dma_start3A_1841 = tpu.memref_slice %arg3[%mul3A_2] : memref<1024xi32, #tpu.memory_space<hbm>> -> memref<32xi32, #tpu.memory_space<hbm>>
      tpu.enqueue_dma source(%dma_start3A_1841 : memref<32xi32, #tpu.memory_space<hbm>>) target(%arg14 : memref<32xi32, #tpu.memory_space<vmem>>) target_semaphore(%run_scoped3A : memref<!tpu.dma_semaphore, #tpu.memory_space<semaphore_mem>>)
      %dma_wait3A_1842 = tpu.memref_slice %arg3[%mul3A_2] : memref<1024xi32, #tpu.memory_space<hbm>> -> memref<32xi32, #tpu.memory_space<hbm>>
      %dma_wait3A_1843 = tpu.memref_slice %arg3[%mul3A_2] : memref<1024xi32, #tpu.memory_space<hbm>> -> memref<32xi32, #tpu.memory_space<hbm>>
      tpu.wait_dma2 semaphore(%run_scoped3A : memref<!tpu.dma_semaphore, #tpu.memory_space<semaphore_mem>>) src(%dma_wait3A_1843 : memref<32xi32, #tpu.memory_space<hbm>>) dst(%arg14 : memref<32xi32, #tpu.memory_space<vmem>>)
      tpu.yield
    }) : () -> ()
    "tpu.region"() ({
      %run_scoped3A = tpu.sem_alloc : memref<!tpu.dma_semaphore, #tpu.memory_space<semaphore_mem>>
      %dma_start3A_1840 = tpu.memref_slice %arg4[%mul3A_2] : memref<1024xi32, #tpu.memory_space<hbm>> -> memref<32xi32, #tpu.memory_space<hbm>>
      %dma_start3A_1841 = tpu.memref_slice %arg4[%mul3A_2] : memref<1024xi32, #tpu.memory_space<hbm>> -> memref<32xi32, #tpu.memory_space<hbm>>
      tpu.enqueue_dma source(%dma_start3A_1841 : memref<32xi32, #tpu.memory_space<hbm>>) target(%arg15 : memref<32xi32, #tpu.memory_space<vmem>>) target_semaphore(%run_scoped3A : memref<!tpu.dma_semaphore, #tpu.memory_space<semaphore_mem>>)
      %dma_wait3A_1842 = tpu.memref_slice %arg4[%mul3A_2] : memref<1024xi32, #tpu.memory_space<hbm>> -> memref<32xi32, #tpu.memory_space<hbm>>
      %dma_wait3A_1843 = tpu.memref_slice %arg4[%mul3A_2] : memref<1024xi32, #tpu.memory_space<hbm>> -> memref<32xi32, #tpu.memory_space<hbm>>
      tpu.wait_dma2 semaphore(%run_scoped3A : memref<!tpu.dma_semaphore, #tpu.memory_space<semaphore_mem>>) src(%dma_wait3A_1843 : memref<32xi32, #tpu.memory_space<hbm>>) dst(%arg15 : memref<32xi32, #tpu.memory_space<vmem>>)
      tpu.yield
    }) : () -> ()
    "tpu.region"() ({
      %run_scoped3A = tpu.sem_alloc : memref<!tpu.dma_semaphore, #tpu.memory_space<semaphore_mem>>
      %dma_start3A_1840 = tpu.memref_slice %arg5[%mul3A_2] : memref<1024xi32, #tpu.memory_space<hbm>> -> memref<32xi32, #tpu.memory_space<hbm>>
      %dma_start3A_1841 = tpu.memref_slice %arg5[%mul3A_2] : memref<1024xi32, #tpu.memory_space<hbm>> -> memref<32xi32, #tpu.memory_space<hbm>>
      tpu.enqueue_dma source(%dma_start3A_1841 : memref<32xi32, #tpu.memory_space<hbm>>) target(%arg16 : memref<32xi32, #tpu.memory_space<vmem>>) target_semaphore(%run_scoped3A : memref<!tpu.dma_semaphore, #tpu.memory_space<semaphore_mem>>)
      %dma_wait3A_1842 = tpu.memref_slice %arg5[%mul3A_2] : memref<1024xi32, #tpu.memory_space<hbm>> -> memref<32xi32, #tpu.memory_space<hbm>>
      %dma_wait3A_1843 = tpu.memref_slice %arg5[%mul3A_2] : memref<1024xi32, #tpu.memory_space<hbm>> -> memref<32xi32, #tpu.memory_space<hbm>>
      tpu.wait_dma2 semaphore(%run_scoped3A : memref<!tpu.dma_semaphore, #tpu.memory_space<semaphore_mem>>) src(%dma_wait3A_1843 : memref<32xi32, #tpu.memory_space<hbm>>) dst(%arg16 : memref<32xi32, #tpu.memory_space<vmem>>)
      tpu.yield
    }) : () -> ()
    %dma_start3A = arith.constant 0 : i32
    %dma_start3A_3 = tpu.memref_slice %arg13[%dma_start3A] : memref<32xi32, #tpu.memory_space<vmem>> -> memref<8xi32, #tpu.memory_space<vmem>>
    %dma_start3A_4 = arith.constant 0 : i32
    %dma_start3A_5 = arith.constant 0 : i32
    %dma_start3A_6 = arith.constant 0 : i32
    %dma_start3A_7 = tpu.memref_slice %arg6[%dma_start3A_4, %dma_start3A_5, %dma_start3A_6] : memref<100000x4x512xf32, #tpu.memory_space<hbm>> -> memref<100000x4x512xf32, #tpu.memory_space<hbm>>
    tpu.enqueue_indirect_dma source(%dma_start3A_7 : memref<100000x4x512xf32, #tpu.memory_space<hbm>>) target(%arg21 : memref<8x4x512xf32, #tpu.memory_space<vmem>>) offsets(%dma_start3A_3 : memref<8xi32, #tpu.memory_space<vmem>>) semaphore(%arg26 : memref<!tpu.dma_semaphore, #tpu.memory_space<semaphore_mem>>)
    %jit3A = arith.constant 2 : i32
    %div3A = arith.divsi %add3A, %jit3A : i32
    %sign3A = arith.constant 0 : i32
    %sign3A_8 = arith.cmpi sgt, %add3A, %sign3A : i32
    %sign3A_9 = arith.extui %sign3A_8 : i1 to i32
    %sign3A_10 = arith.constant 0 : i32
    %sign3A_11 = arith.cmpi slt, %add3A, %sign3A_10 : i32
    %sign3A_12 = arith.extui %sign3A_11 : i1 to i32
    %sign3A_13 = arith.subi %sign3A_9, %sign3A_12 : i32
    %sign3A_14 = arith.constant 0 : i32
    %sign3A_15 = arith.cmpi sgt, %jit3A, %sign3A_14 : i32
    %sign3A_16 = arith.extui %sign3A_15 : i1 to i32
    %sign3A_17 = arith.constant 0 : i32
    %sign3A_18 = arith.cmpi slt, %jit3A, %sign3A_17 : i32
    %sign3A_19 = arith.extui %sign3A_18 : i1 to i32
    %sign3A_20 = arith.subi %sign3A_16, %sign3A_19 : i32
    %ne3A = arith.cmpi ne, %sign3A_13, %sign3A_20 : i32
    %rem3A = arith.remsi %add3A, %jit3A : i32
    %ne3A_21 = arith.constant 0 : i32
    %ne3A_22 = arith.cmpi ne, %rem3A, %ne3A_21 : i32
    %and3A = arith.andi %ne3A, %ne3A_22 : i1
    %sub3A = arith.constant 1 : i32
    %sub3A_23 = arith.subi %div3A, %sub3A : i32
    %select_n3A = arith.select %and3A, %sub3A_23, %div3A : i32
    %mul3A_24 = arith.constant 2 : i32
    %mul3A_25 = arith.muli %mul3A_24, %select_n3A : i32
    %sub3A_26 = arith.subi %add3A, %mul3A_25 : i32
    %ge3A = arith.constant 9 : i32
    %ge3A_27 = arith.cmpi sge, %select_n3A, %ge3A : i32
    %jit3A_28 = arith.constant 4 : i32
    %jit3A_29 = arith.constant 0 : i32
    %select_n3A_30 = arith.select %ge3A_27, %jit3A_28, %jit3A_29 : i32
    %add3A_31 = arith.addi %select_n3A, %select_n3A_30 : i32
    %jit3A_32 = arith.constant 9 : i32
    %jit3A_33 = arith.constant 0 : i32
    %select_n3A_34 = arith.select %ge3A_27, %jit3A_32, %jit3A_33 : i32
    %sub3A_35 = arith.subi %select_n3A, %select_n3A_34 : i32
    %broadcast_in_dim3A = vector.broadcast %sub3A_35 : i32 to vector<16xi32>
    %swap3A = arith.constant 0 : index
    %swap3A_36 = tpu.vector_load %arg17[%swap3A] {strides = array<i32>} : memref<32xi32, #tpu.memory_space<vmem>>, vector<16xi32>,
    tpu.vector_store %arg17[%swap3A], %broadcast_in_dim3A {strides = array<i32>} : memref<32xi32, #tpu.memory_space<vmem>>, vector<16xi32>,
    %swap3A_37 = arith.constant 16 : index
    %swap3A_38 = tpu.vector_load %arg17[%swap3A_37] {strides = array<i32>} : memref<32xi32, #tpu.memory_space<vmem>>, vector<16xi32>,
    tpu.vector_store %arg17[%swap3A_37], %broadcast_in_dim3A {strides = array<i32>} : memref<32xi32, #tpu.memory_space<vmem>>, vector<16xi32>,
    %not3A = arith.constant true
    %not3A_39 = arith.xori %ge3A_27, %not3A : i1
    %convert_element_type3A = arith.extui %not3A_39 : i1 to i32
    %cond3A = arith.constant 0 : i32
    %cond3A_40 = arith.cmpi ne, %convert_element_type3A, %cond3A : i32
    scf.if %cond3A_40 {
      %dma_start3A_1840 = arith.constant 0 : i32
      %dma_start3A_1841 = arith.constant 0 : i32
      %dma_start3A_1842 = tpu.memref_slice %arg10[%dma_start3A_1840, %dma_start3A_1841] : memref<9x512xf32, #tpu.memory_space<hbm>> -> memref<9x512xf32, #tpu.memory_space<hbm>>
      tpu.enqueue_indirect_dma source(%dma_start3A_1842 : memref<9x512xf32, #tpu.memory_space<hbm>>) target(%arg24 : memref<32x512xf32, #tpu.memory_space<vmem>>) offsets(%arg17 : memref<32xi32, #tpu.memory_space<vmem>>) semaphore(%arg27 : memref<!tpu.dma_semaphore, #tpu.memory_space<semaphore_mem>>)
      %dma_wait3A_1843 = arith.constant 0 : i32
      %dma_wait3A_1844 = arith.constant 0 : i32
      %dma_wait3A_1845 = tpu.memref_slice %arg10[%dma_wait3A_1843, %dma_wait3A_1844] : memref<9x512xf32, #tpu.memory_space<hbm>> -> memref<9x512xf32, #tpu.memory_space<hbm>>
      tpu.wait_indirect_dma semaphore(%arg27 : memref<!tpu.dma_semaphore, #tpu.memory_space<semaphore_mem>>) src(%dma_wait3A_1845 : memref<9x512xf32, #tpu.memory_space<hbm>>) dst(%arg24 : memref<32x512xf32, #tpu.memory_space<vmem>>)
    } else {
    }
    %convert_element_type3A_41 = arith.extui %ge3A_27 : i1 to i32
    %cond3A_42 = arith.constant 0 : i32
    %cond3A_43 = arith.cmpi ne, %convert_element_type3A_41, %cond3A_42 : i32
    scf.if %cond3A_43 {
      %dma_start3A_1840 = arith.constant 0 : i32
      %dma_start3A_1841 = arith.constant 0 : i32
      %dma_start3A_1842 = tpu.memref_slice %arg11[%dma_start3A_1840, %dma_start3A_1841] : memref<64x512xf32, #tpu.memory_space<hbm>> -> memref<64x512xf32, #tpu.memory_space<hbm>>
      tpu.enqueue_indirect_dma source(%dma_start3A_1842 : memref<64x512xf32, #tpu.memory_space<hbm>>) target(%arg24 : memref<32x512xf32, #tpu.memory_space<vmem>>) offsets(%arg17 : memref<32xi32, #tpu.memory_space<vmem>>) semaphore(%arg27 : memref<!tpu.dma_semaphore, #tpu.memory_space<semaphore_mem>>)
      %dma_wait3A_1843 = arith.constant 0 : i32
      %dma_wait3A_1844 = arith.constant 0 : i32
      %dma_wait3A_1845 = tpu.memref_slice %arg11[%dma_wait3A_1843, %dma_wait3A_1844] : memref<64x512xf32, #tpu.memory_space<hbm>> -> memref<64x512xf32, #tpu.memory_space<hbm>>
      tpu.wait_indirect_dma semaphore(%arg27 : memref<!tpu.dma_semaphore, #tpu.memory_space<semaphore_mem>>) src(%dma_wait3A_1845 : memref<64x512xf32, #tpu.memory_space<hbm>>) dst(%arg24 : memref<32x512xf32, #tpu.memory_space<vmem>>)
    } else {
    }
    %mul3A_44 = arith.constant 512 : i32
    %mul3A_45 = arith.muli %sub3A_26, %mul3A_44 : i32
    %add3A_46 = arith.constant 0 : i32
    %add3A_47 = arith.addi %mul3A_45, %add3A_46 : i32
    %dma_start3A_48 = arith.constant 0 : i32
    %dma_start3A_49 = tpu.memref_slice %arg12[%add3A_31, %add3A_47, %dma_start3A_48] : memref<77x1024x512xf32, #tpu.memory_space<hbm>> -> memref<1x32x512xf32, #tpu.memory_space<hbm>>
    %dma_start3A_50 = tpu.memref_squeeze %dma_start3A_49 : memref<1x32x512xf32, #tpu.memory_space<hbm>> -> memref<32x512xf32, #tpu.memory_space<hbm>>
    %dma_start3A_51 = arith.constant 0 : i32
    %dma_start3A_52 = tpu.memref_slice %arg12[%add3A_31, %add3A_47, %dma_start3A_51] : memref<77x1024x512xf32, #tpu.memory_space<hbm>> -> memref<1x32x512xf32, #tpu.memory_space<hbm>>
    %dma_start3A_53 = tpu.memref_squeeze %dma_start3A_52 : memref<1x32x512xf32, #tpu.memory_space<hbm>> -> memref<32x512xf32, #tpu.memory_space<hbm>>
    tpu.enqueue_dma source(%arg24 : memref<32x512xf32, #tpu.memory_space<vmem>>) target(%dma_start3A_53 : memref<32x512xf32, #tpu.memory_space<hbm>>) target_semaphore(%arg29 : memref<!tpu.dma_semaphore, #tpu.memory_space<semaphore_mem>>)
    %mul3A_54 = arith.constant 512 : i32
    %mul3A_55 = arith.muli %sub3A_26, %mul3A_54 : i32
    %add3A_56 = arith.constant 32 : i32
    %add3A_57 = arith.addi %mul3A_55, %add3A_56 : i32
    %dma_start3A_58 = arith.constant 0 : i32
    %dma_start3A_59 = tpu.memref_slice %arg12[%add3A_31, %add3A_57, %dma_start3A_58] : memref<77x1024x512xf32, #tpu.memory_space<hbm>> -> memref<1x32x512xf32, #tpu.memory_space<hbm>>
    %dma_start3A_60 = tpu.memref_squeeze %dma_start3A_59 : memref<1x32x512xf32, #tpu.memory_space<hbm>> -> memref<32x512xf32, #tpu.memory_space<hbm>>
    %dma_start3A_61 = arith.constant 0 : i32
    %dma_start3A_62 = tpu.memref_slice %arg12[%add3A_31, %add3A_57, %dma_start3A_61] : memref<77x1024x512xf32, #tpu.memory_space<hbm>> -> memref<1x32x512xf32, #tpu.memory_space<hbm>>
    %dma_start3A_63 = tpu.memref_squeeze %dma_start3A_62 : memref<1x32x512xf32, #tpu.memory_space<hbm>> -> memref<32x512xf32, #tpu.memory_space<hbm>>
    tpu.enqueue_dma source(%arg24 : memref<32x512xf32, #tpu.memory_space<vmem>>) target(%dma_start3A_63 : memref<32x512xf32, #tpu.memory_space<hbm>>) target_semaphore(%arg29 : memref<!tpu.dma_semaphore, #tpu.memory_space<semaphore_mem>>)
    %mul3A_64 = arith.constant 512 : i32
    %mul3A_65 = arith.muli %sub3A_26, %mul3A_64 : i32
    %add3A_66 = arith.constant 64 : i32
    %add3A_67 = arith.addi %mul3A_65, %add3A_66 : i32
    %dma_start3A_68 = arith.constant 0 : i32
    %dma_start3A_69 = tpu.memref_slice %arg12[%add3A_31, %add3A_67, %dma_start3A_68] : memref<77x1024x512xf32, #tpu.memory_space<hbm>> -> memref<1x32x512xf32, #tpu.memory_space<hbm>>
    %dma_start3A_70 = tpu.memref_squeeze %dma_start3A_69 : memref<1x32x512xf32, #tpu.memory_space<hbm>> -> memref<32x512xf32, #tpu.memory_space<hbm>>
    %dma_start3A_71 = arith.constant 0 : i32
    %dma_start3A_72 = tpu.memref_slice %arg12[%add3A_31, %add3A_67, %dma_start3A_71] : memref<77x1024x512xf32, #tpu.memory_space<hbm>> -> memref<1x32x512xf32, #tpu.memory_space<hbm>>
    %dma_start3A_73 = tpu.memref_squeeze %dma_start3A_72 : memref<1x32x512xf32, #tpu.memory_space<hbm>> -> memref<32x512xf32, #tpu.memory_space<hbm>>
    tpu.enqueue_dma source(%arg24 : memref<32x512xf32, #tpu.memory_space<vmem>>) target(%dma_start3A_73 : memref<32x512xf32, #tpu.memory_space<hbm>>) target_semaphore(%arg29 : memref<!tpu.dma_semaphore, #tpu.memory_space<semaphore_mem>>)
    %mul3A_74 = arith.constant 512 : i32
    %mul3A_75 = arith.muli %sub3A_26, %mul3A_74 : i32
    %add3A_76 = arith.constant 96 : i32
    %add3A_77 = arith.addi %mul3A_75, %add3A_76 : i32
    %dma_start3A_78 = arith.constant 0 : i32
    %dma_start3A_79 = tpu.memref_slice %arg12[%add3A_31, %add3A_77, %dma_start3A_78] : memref<77x1024x512xf32, #tpu.memory_space<hbm>> -> memref<1x32x512xf32, #tpu.memory_space<hbm>>
    %dma_start3A_80 = tpu.memref_squeeze %dma_start3A_79 : memref<1x32x512xf32, #tpu.memory_space<hbm>> -> memref<32x512xf32, #tpu.memory_space<hbm>>
    %dma_start3A_81 = arith.constant 0 : i32
    %dma_start3A_82 = tpu.memref_slice %arg12[%add3A_31, %add3A_77, %dma_start3A_81] : memref<77x1024x512xf32, #tpu.memory_space<hbm>> -> memref<1x32x512xf32, #tpu.memory_space<hbm>>
    %dma_start3A_83 = tpu.memref_squeeze %dma_start3A_82 : memref<1x32x512xf32, #tpu.memory_space<hbm>> -> memref<32x512xf32, #tpu.memory_space<hbm>>
    tpu.enqueue_dma source(%arg24 : memref<32x512xf32, #tpu.memory_space<vmem>>) target(%dma_start3A_83 : memref<32x512xf32, #tpu.memory_space<hbm>>) target_semaphore(%arg29 : memref<!tpu.dma_semaphore, #tpu.memory_space<semaphore_mem>>)
    %mul3A_84 = arith.constant 512 : i32
    %mul3A_85 = arith.muli %sub3A_26, %mul3A_84 : i32
    %add3A_86 = arith.constant 128 : i32
    %add3A_87 = arith.addi %mul3A_85, %add3A_86 : i32
    %dma_start3A_88 = arith.constant 0 : i32
    %dma_start3A_89 = tpu.memref_slice %arg12[%add3A_31, %add3A_87, %dma_start3A_88] : memref<77x1024x512xf32, #tpu.memory_space<hbm>> -> memref<1x32x512xf32, #tpu.memory_space<hbm>>
    %dma_start3A_90 = tpu.memref_squeeze %dma_start3A_89 : memref<1x32x512xf32, #tpu.memory_space<hbm>> -> memref<32x512xf32, #tpu.memory_space<hbm>>
    %dma_start3A_91 = arith.constant 0 : i32
    %dma_start3A_92 = tpu.memref_slice %arg12[%add3A_31, %add3A_87, %dma_start3A_91] : memref<77x1024x512xf32, #tpu.memory_space<hbm>> -> memref<1x32x512xf32, #tpu.memory_space<hbm>>
    %dma_start3A_93 = tpu.memref_squeeze %dma_start3A_92 : memref<1x32x512xf32, #tpu.memory_space<hbm>> -> memref<32x512xf32, #tpu.memory_space<hbm>>
    tpu.enqueue_dma source(%arg24 : memref<32x512xf32, #tpu.memory_space<vmem>>) target(%dma_start3A_93 : memref<32x512xf32, #tpu.memory_space<hbm>>) target_semaphore(%arg29 : memref<!tpu.dma_semaphore, #tpu.memory_space<semaphore_mem>>)
    %mul3A_94 = arith.constant 512 : i32
    %mul3A_95 = arith.muli %sub3A_26, %mul3A_94 : i32
    %add3A_96 = arith.constant 160 : i32
    %add3A_97 = arith.addi %mul3A_95, %add3A_96 : i32
    %dma_start3A_98 = arith.constant 0 : i32
    %dma_start3A_99 = tpu.memref_slice %arg12[%add3A_31, %add3A_97, %dma_start3A_98] : memref<77x1024x512xf32, #tpu.memory_space<hbm>> -> memref<1x32x512xf32, #tpu.memory_space<hbm>>
    %dma_start3A_100 = tpu.memref_squeeze %dma_start3A_99 : memref<1x32x512xf32, #tpu.memory_space<hbm>> -> memref<32x512xf32, #tpu.memory_space<hbm>>
    %dma_start3A_101 = arith.constant 0 : i32
    %dma_start3A_102 = tpu.memref_slice %arg12[%add3A_31, %add3A_97, %dma_start3A_101] : memref<77x1024x512xf32, #tpu.memory_space<hbm>> -> memref<1x32x512xf32, #tpu.memory_space<hbm>>
    %dma_start3A_103 = tpu.memref_squeeze %dma_start3A_102 : memref<1x32x512xf32, #tpu.memory_space<hbm>> -> memref<32x512xf32, #tpu.memory_space<hbm>>
    tpu.enqueue_dma source(%arg24 : memref<32x512xf32, #tpu.memory_space<vmem>>) target(%dma_start3A_103 : memref<32x512xf32, #tpu.memory_space<hbm>>) target_semaphore(%arg29 : memref<!tpu.dma_semaphore, #tpu.memory_space<semaphore_mem>>)
    %mul3A_104 = arith.constant 512 : i32
    %mul3A_105 = arith.muli %sub3A_26, %mul3A_104 : i32
    %add3A_106 = arith.constant 192 : i32
    %add3A_107 = arith.addi %mul3A_105, %add3A_106 : i32
    %dma_start3A_108 = arith.constant 0 : i32
    %dma_start3A_109 = tpu.memref_slice %arg12[%add3A_31, %add3A_107, %dma_start3A_108] : memref<77x1024x512xf32, #tpu.memory_space<hbm>> -> memref<1x32x512xf32, #tpu.memory_space<hbm>>
    %dma_start3A_110 = tpu.memref_squeeze %dma_start3A_109 : memref<1x32x512xf32, #tpu.memory_space<hbm>> -> memref<32x512xf32, #tpu.memory_space<hbm>>
    %dma_start3A_111 = arith.constant 0 : i32
    %dma_start3A_112 = tpu.memref_slice %arg12[%add3A_31, %add3A_107, %dma_start3A_111] : memref<77x1024x512xf32, #tpu.memory_space<hbm>> -> memref<1x32x512xf32, #tpu.memory_space<hbm>>
    %dma_start3A_113 = tpu.memref_squeeze %dma_start3A_112 : memref<1x32x512xf32, #tpu.memory_space<hbm>> -> memref<32x512xf32, #tpu.memory_space<hbm>>
    tpu.enqueue_dma source(%arg24 : memref<32x512xf32, #tpu.memory_space<vmem>>) target(%dma_start3A_113 : memref<32x512xf32, #tpu.memory_space<hbm>>) target_semaphore(%arg29 : memref<!tpu.dma_semaphore, #tpu.memory_space<semaphore_mem>>)
    %mul3A_114 = arith.constant 512 : i32
    %mul3A_115 = arith.muli %sub3A_26, %mul3A_114 : i32
    %add3A_116 = arith.constant 224 : i32
    %add3A_117 = arith.addi %mul3A_115, %add3A_116 : i32
    %dma_start3A_118 = arith.constant 0 : i32
    %dma_start3A_119 = tpu.memref_slice %arg12[%add3A_31, %add3A_117, %dma_start3A_118] : memref<77x1024x512xf32, #tpu.memory_space<hbm>> -> memref<1x32x512xf32, #tpu.memory_space<hbm>>
    %dma_start3A_120 = tpu.memref_squeeze %dma_start3A_119 : memref<1x32x512xf32, #tpu.memory_space<hbm>> -> memref<32x512xf32, #tpu.memory_space<hbm>>
    %dma_start3A_121 = arith.constant 0 : i32
    %dma_start3A_122 = tpu.memref_slice %arg12[%add3A_31, %add3A_117, %dma_start3A_121] : memref<77x1024x512xf32, #tpu.memory_space<hbm>> -> memref<1x32x512xf32, #tpu.memory_space<hbm>>
    %dma_start3A_123 = tpu.memref_squeeze %dma_start3A_122 : memref<1x32x512xf32, #tpu.memory_space<hbm>> -> memref<32x512xf32, #tpu.memory_space<hbm>>
    tpu.enqueue_dma source(%arg24 : memref<32x512xf32, #tpu.memory_space<vmem>>) target(%dma_start3A_123 : memref<32x512xf32, #tpu.memory_space<hbm>>) target_semaphore(%arg29 : memref<!tpu.dma_semaphore, #tpu.memory_space<semaphore_mem>>)
    %mul3A_124 = arith.constant 512 : i32
    %mul3A_125 = arith.muli %sub3A_26, %mul3A_124 : i32
    %add3A_126 = arith.constant 256 : i32
    %add3A_127 = arith.addi %mul3A_125, %add3A_126 : i32
    %dma_start3A_128 = arith.constant 0 : i32
    %dma_start3A_129 = tpu.memref_slice %arg12[%add3A_31, %add3A_127, %dma_start3A_128] : memref<77x1024x512xf32, #tpu.memory_space<hbm>> -> memref<1x32x512xf32, #tpu.memory_space<hbm>>
    %dma_start3A_130 = tpu.memref_squeeze %dma_start3A_129 : memref<1x32x512xf32, #tpu.memory_space<hbm>> -> memref<32x512xf32, #tpu.memory_space<hbm>>
    %dma_start3A_131 = arith.constant 0 : i32
    %dma_start3A_132 = tpu.memref_slice %arg12[%add3A_31, %add3A_127, %dma_start3A_131] : memref<77x1024x512xf32, #tpu.memory_space<hbm>> -> memref<1x32x512xf32, #tpu.memory_space<hbm>>
    %dma_start3A_133 = tpu.memref_squeeze %dma_start3A_132 : memref<1x32x512xf32, #tpu.memory_space<hbm>> -> memref<32x512xf32, #tpu.memory_space<hbm>>
    tpu.enqueue_dma source(%arg24 : memref<32x512xf32, #tpu.memory_space<vmem>>) target(%dma_start3A_133 : memref<32x512xf32, #tpu.memory_space<hbm>>) target_semaphore(%arg29 : memref<!tpu.dma_semaphore, #tpu.memory_space<semaphore_mem>>)
    %mul3A_134 = arith.constant 512 : i32
    %mul3A_135 = arith.muli %sub3A_26, %mul3A_134 : i32
    %add3A_136 = arith.constant 288 : i32
    %add3A_137 = arith.addi %mul3A_135, %add3A_136 : i32
    %dma_start3A_138 = arith.constant 0 : i32
    %dma_start3A_139 = tpu.memref_slice %arg12[%add3A_31, %add3A_137, %dma_start3A_138] : memref<77x1024x512xf32, #tpu.memory_space<hbm>> -> memref<1x32x512xf32, #tpu.memory_space<hbm>>
    %dma_start3A_140 = tpu.memref_squeeze %dma_start3A_139 : memref<1x32x512xf32, #tpu.memory_space<hbm>> -> memref<32x512xf32, #tpu.memory_space<hbm>>
    %dma_start3A_141 = arith.constant 0 : i32
    %dma_start3A_142 = tpu.memref_slice %arg12[%add3A_31, %add3A_137, %dma_start3A_141] : memref<77x1024x512xf32, #tpu.memory_space<hbm>> -> memref<1x32x512xf32, #tpu.memory_space<hbm>>
    %dma_start3A_143 = tpu.memref_squeeze %dma_start3A_142 : memref<1x32x512xf32, #tpu.memory_space<hbm>> -> memref<32x512xf32, #tpu.memory_space<hbm>>
    tpu.enqueue_dma source(%arg24 : memref<32x512xf32, #tpu.memory_space<vmem>>) target(%dma_start3A_143 : memref<32x512xf32, #tpu.memory_space<hbm>>) target_semaphore(%arg29 : memref<!tpu.dma_semaphore, #tpu.memory_space<semaphore_mem>>)
    %mul3A_144 = arith.constant 512 : i32
    %mul3A_145 = arith.muli %sub3A_26, %mul3A_144 : i32
    %add3A_146 = arith.constant 320 : i32
    %add3A_147 = arith.addi %mul3A_145, %add3A_146 : i32
    %dma_start3A_148 = arith.constant 0 : i32
    %dma_start3A_149 = tpu.memref_slice %arg12[%add3A_31, %add3A_147, %dma_start3A_148] : memref<77x1024x512xf32, #tpu.memory_space<hbm>> -> memref<1x32x512xf32, #tpu.memory_space<hbm>>
    %dma_start3A_150 = tpu.memref_squeeze %dma_start3A_149 : memref<1x32x512xf32, #tpu.memory_space<hbm>> -> memref<32x512xf32, #tpu.memory_space<hbm>>
    %dma_start3A_151 = arith.constant 0 : i32
    %dma_start3A_152 = tpu.memref_slice %arg12[%add3A_31, %add3A_147, %dma_start3A_151] : memref<77x1024x512xf32, #tpu.memory_space<hbm>> -> memref<1x32x512xf32, #tpu.memory_space<hbm>>
    %dma_start3A_153 = tpu.memref_squeeze %dma_start3A_152 : memref<1x32x512xf32, #tpu.memory_space<hbm>> -> memref<32x512xf32, #tpu.memory_space<hbm>>
    tpu.enqueue_dma source(%arg24 : memref<32x512xf32, #tpu.memory_space<vmem>>) target(%dma_start3A_153 : memref<32x512xf32, #tpu.memory_space<hbm>>) target_semaphore(%arg29 : memref<!tpu.dma_semaphore, #tpu.memory_space<semaphore_mem>>)
    %mul3A_154 = arith.constant 512 : i32
    %mul3A_155 = arith.muli %sub3A_26, %mul3A_154 : i32
    %add3A_156 = arith.constant 352 : i32
    %add3A_157 = arith.addi %mul3A_155, %add3A_156 : i32
    %dma_start3A_158 = arith.constant 0 : i32
    %dma_start3A_159 = tpu.memref_slice %arg12[%add3A_31, %add3A_157, %dma_start3A_158] : memref<77x1024x512xf32, #tpu.memory_space<hbm>> -> memref<1x32x512xf32, #tpu.memory_space<hbm>>
    %dma_start3A_160 = tpu.memref_squeeze %dma_start3A_159 : memref<1x32x512xf32, #tpu.memory_space<hbm>> -> memref<32x512xf32, #tpu.memory_space<hbm>>
    %dma_start3A_161 = arith.constant 0 : i32
    %dma_start3A_162 = tpu.memref_slice %arg12[%add3A_31, %add3A_157, %dma_start3A_161] : memref<77x1024x512xf32, #tpu.memory_space<hbm>> -> memref<1x32x512xf32, #tpu.memory_space<hbm>>
    %dma_start3A_163 = tpu.memref_squeeze %dma_start3A_162 : memref<1x32x512xf32, #tpu.memory_space<hbm>> -> memref<32x512xf32, #tpu.memory_space<hbm>>
    tpu.enqueue_dma source(%arg24 : memref<32x512xf32, #tpu.memory_space<vmem>>) target(%dma_start3A_163 : memref<32x512xf32, #tpu.memory_space<hbm>>) target_semaphore(%arg29 : memref<!tpu.dma_semaphore, #tpu.memory_space<semaphore_mem>>)
    %mul3A_164 = arith.constant 512 : i32
    %mul3A_165 = arith.muli %sub3A_26, %mul3A_164 : i32
    %add3A_166 = arith.constant 384 : i32
    %add3A_167 = arith.addi %mul3A_165, %add3A_166 : i32
    %dma_start3A_168 = arith.constant 0 : i32
    %dma_start3A_169 = tpu.memref_slice %arg12[%add3A_31, %add3A_167, %dma_start3A_168] : memref<77x1024x512xf32, #tpu.memory_space<hbm>> -> memref<1x32x512xf32, #tpu.memory_space<hbm>>
    %dma_start3A_170 = tpu.memref_squeeze %dma_start3A_169 : memref<1x32x512xf32, #tpu.memory_space<hbm>> -> memref<32x512xf32, #tpu.memory_space<hbm>>
    %dma_start3A_171 = arith.constant 0 : i32
    %dma_start3A_172 = tpu.memref_slice %arg12[%add3A_31, %add3A_167, %dma_start3A_171] : memref<77x1024x512xf32, #tpu.memory_space<hbm>> -> memref<1x32x512xf32, #tpu.memory_space<hbm>>
    %dma_start3A_173 = tpu.memref_squeeze %dma_start3A_172 : memref<1x32x512xf32, #tpu.memory_space<hbm>> -> memref<32x512xf32, #tpu.memory_space<hbm>>
    tpu.enqueue_dma source(%arg24 : memref<32x512xf32, #tpu.memory_space<vmem>>) target(%dma_start3A_173 : memref<32x512xf32, #tpu.memory_space<hbm>>) target_semaphore(%arg29 : memref<!tpu.dma_semaphore, #tpu.memory_space<semaphore_mem>>)
    %mul3A_174 = arith.constant 512 : i32
    %mul3A_175 = arith.muli %sub3A_26, %mul3A_174 : i32
    %add3A_176 = arith.constant 416 : i32
    %add3A_177 = arith.addi %mul3A_175, %add3A_176 : i32
    %dma_start3A_178 = arith.constant 0 : i32
    %dma_start3A_179 = tpu.memref_slice %arg12[%add3A_31, %add3A_177, %dma_start3A_178] : memref<77x1024x512xf32, #tpu.memory_space<hbm>> -> memref<1x32x512xf32, #tpu.memory_space<hbm>>
    %dma_start3A_180 = tpu.memref_squeeze %dma_start3A_179 : memref<1x32x512xf32, #tpu.memory_space<hbm>> -> memref<32x512xf32, #tpu.memory_space<hbm>>
    %dma_start3A_181 = arith.constant 0 : i32
    %dma_start3A_182 = tpu.memref_slice %arg12[%add3A_31, %add3A_177, %dma_start3A_181] : memref<77x1024x512xf32, #tpu.memory_space<hbm>> -> memref<1x32x512xf32, #tpu.memory_space<hbm>>
    %dma_start3A_183 = tpu.memref_squeeze %dma_start3A_182 : memref<1x32x512xf32, #tpu.memory_space<hbm>> -> memref<32x512xf32, #tpu.memory_space<hbm>>
    tpu.enqueue_dma source(%arg24 : memref<32x512xf32, #tpu.memory_space<vmem>>) target(%dma_start3A_183 : memref<32x512xf32, #tpu.memory_space<hbm>>) target_semaphore(%arg29 : memref<!tpu.dma_semaphore, #tpu.memory_space<semaphore_mem>>)
    %mul3A_184 = arith.constant 512 : i32
    %mul3A_185 = arith.muli %sub3A_26, %mul3A_184 : i32
    %add3A_186 = arith.constant 448 : i32
    %add3A_187 = arith.addi %mul3A_185, %add3A_186 : i32
    %dma_start3A_188 = arith.constant 0 : i32
    %dma_start3A_189 = tpu.memref_slice %arg12[%add3A_31, %add3A_187, %dma_start3A_188] : memref<77x1024x512xf32, #tpu.memory_space<hbm>> -> memref<1x32x512xf32, #tpu.memory_space<hbm>>
    %dma_start3A_190 = tpu.memref_squeeze %dma_start3A_189 : memref<1x32x512xf32, #tpu.memory_space<hbm>> -> memref<32x512xf32, #tpu.memory_space<hbm>>
    %dma_start3A_191 = arith.constant 0 : i32
    %dma_start3A_192 = tpu.memref_slice %arg12[%add3A_31, %add3A_187, %dma_start3A_191] : memref<77x1024x512xf32, #tpu.memory_space<hbm>> -> memref<1x32x512xf32, #tpu.memory_space<hbm>>
    %dma_start3A_193 = tpu.memref_squeeze %dma_start3A_192 : memref<1x32x512xf32, #tpu.memory_space<hbm>> -> memref<32x512xf32, #tpu.memory_space<hbm>>
    tpu.enqueue_dma source(%arg24 : memref<32x512xf32, #tpu.memory_space<vmem>>) target(%dma_start3A_193 : memref<32x512xf32, #tpu.memory_space<hbm>>) target_semaphore(%arg29 : memref<!tpu.dma_semaphore, #tpu.memory_space<semaphore_mem>>)
    %mul3A_194 = arith.constant 512 : i32
    %mul3A_195 = arith.muli %sub3A_26, %mul3A_194 : i32
    %add3A_196 = arith.constant 480 : i32
    %add3A_197 = arith.addi %mul3A_195, %add3A_196 : i32
    %dma_start3A_198 = arith.constant 0 : i32
    %dma_start3A_199 = tpu.memref_slice %arg12[%add3A_31, %add3A_197, %dma_start3A_198] : memref<77x1024x512xf32, #tpu.memory_space<hbm>> -> memref<1x32x512xf32, #tpu.memory_space<hbm>>
    %dma_start3A_200 = tpu.memref_squeeze %dma_start3A_199 : memref<1x32x512xf32, #tpu.memory_space<hbm>> -> memref<32x512xf32, #tpu.memory_space<hbm>>
    %dma_start3A_201 = arith.constant 0 : i32
    %dma_start3A_202 = tpu.memref_slice %arg12[%add3A_31, %add3A_197, %dma_start3A_201] : memref<77x1024x512xf32, #tpu.memory_space<hbm>> -> memref<1x32x512xf32, #tpu.memory_space<hbm>>
    %dma_start3A_203 = tpu.memref_squeeze %dma_start3A_202 : memref<1x32x512xf32, #tpu.memory_space<hbm>> -> memref<32x512xf32, #tpu.memory_space<hbm>>
    tpu.enqueue_dma source(%arg24 : memref<32x512xf32, #tpu.memory_space<vmem>>) target(%dma_start3A_203 : memref<32x512xf32, #tpu.memory_space<hbm>>) target_semaphore(%arg29 : memref<!tpu.dma_semaphore, #tpu.memory_space<semaphore_mem>>)
    %add3A_204 = arith.constant 32 : i32
    %add3A_205 = arith.addi %add3A, %add3A_204 : i32
    %jit3A_206 = arith.constant 2 : i32
    %div3A_207 = arith.divsi %add3A_205, %jit3A_206 : i32
    %sign3A_208 = arith.constant 0 : i32
    %sign3A_209 = arith.cmpi sgt, %add3A_205, %sign3A_208 : i32
    %sign3A_210 = arith.extui %sign3A_209 : i1 to i32
    %sign3A_211 = arith.constant 0 : i32
    %sign3A_212 = arith.cmpi slt, %add3A_205, %sign3A_211 : i32
    %sign3A_213 = arith.extui %sign3A_212 : i1 to i32
    %sign3A_214 = arith.subi %sign3A_210, %sign3A_213 : i32
    %sign3A_215 = arith.constant 0 : i32
    %sign3A_216 = arith.cmpi sgt, %jit3A_206, %sign3A_215 : i32
    %sign3A_217 = arith.extui %sign3A_216 : i1 to i32
    %sign3A_218 = arith.constant 0 : i32
    %sign3A_219 = arith.cmpi slt, %jit3A_206, %sign3A_218 : i32
    %sign3A_220 = arith.extui %sign3A_219 : i1 to i32
    %sign3A_221 = arith.subi %sign3A_217, %sign3A_220 : i32
    %ne3A_222 = arith.cmpi ne, %sign3A_214, %sign3A_221 : i32
    %rem3A_223 = arith.remsi %add3A_205, %jit3A_206 : i32
    %ne3A_224 = arith.constant 0 : i32
    %ne3A_225 = arith.cmpi ne, %rem3A_223, %ne3A_224 : i32
    %and3A_226 = arith.andi %ne3A_222, %ne3A_225 : i1
    %sub3A_227 = arith.constant 1 : i32
    %sub3A_228 = arith.subi %div3A_207, %sub3A_227 : i32
    %select_n3A_229 = arith.select %and3A_226, %sub3A_228, %div3A_207 : i32
    %mul3A_230 = arith.constant 2 : i32
    %mul3A_231 = arith.muli %mul3A_230, %select_n3A_229 : i32
    %sub3A_232 = arith.subi %add3A_205, %mul3A_231 : i32
    %ge3A_233 = arith.constant 9 : i32
    %ge3A_234 = arith.cmpi sge, %select_n3A_229, %ge3A_233 : i32
    %jit3A_235 = arith.constant 4 : i32
    %jit3A_236 = arith.constant 0 : i32
    %select_n3A_237 = arith.select %ge3A_234, %jit3A_235, %jit3A_236 : i32
    %add3A_238 = arith.addi %select_n3A_229, %select_n3A_237 : i32
    %jit3A_239 = arith.constant 9 : i32
    %jit3A_240 = arith.constant 0 : i32
    %select_n3A_241 = arith.select %ge3A_234, %jit3A_239, %jit3A_240 : i32
    %sub3A_242 = arith.subi %select_n3A_229, %select_n3A_241 : i32
    %broadcast_in_dim3A_243 = vector.broadcast %sub3A_242 : i32 to vector<16xi32>
    %swap3A_244 = arith.constant 0 : index
    %swap3A_245 = tpu.vector_load %arg17[%swap3A_244] {strides = array<i32>} : memref<32xi32, #tpu.memory_space<vmem>>, vector<16xi32>,
    tpu.vector_store %arg17[%swap3A_244], %broadcast_in_dim3A_243 {strides = array<i32>} : memref<32xi32, #tpu.memory_space<vmem>>, vector<16xi32>,
    %swap3A_246 = arith.constant 16 : index
    %swap3A_247 = tpu.vector_load %arg17[%swap3A_246] {strides = array<i32>} : memref<32xi32, #tpu.memory_space<vmem>>, vector<16xi32>,
    tpu.vector_store %arg17[%swap3A_246], %broadcast_in_dim3A_243 {strides = array<i32>} : memref<32xi32, #tpu.memory_space<vmem>>, vector<16xi32>,
    %not3A_248 = arith.constant true
    %not3A_249 = arith.xori %ge3A_234, %not3A_248 : i1
    %convert_element_type3A_250 = arith.extui %not3A_249 : i1 to i32
    %cond3A_251 = arith.constant 0 : i32
    %cond3A_252 = arith.cmpi ne, %convert_element_type3A_250, %cond3A_251 : i32
    scf.if %cond3A_252 {
      %dma_start3A_1840 = arith.constant 0 : i32
      %dma_start3A_1841 = arith.constant 0 : i32
      %dma_start3A_1842 = tpu.memref_slice %arg10[%dma_start3A_1840, %dma_start3A_1841] : memref<9x512xf32, #tpu.memory_space<hbm>> -> memref<9x512xf32, #tpu.memory_space<hbm>>
      tpu.enqueue_indirect_dma source(%dma_start3A_1842 : memref<9x512xf32, #tpu.memory_space<hbm>>) target(%arg25 : memref<32x512xf32, #tpu.memory_space<vmem>>) offsets(%arg17 : memref<32xi32, #tpu.memory_space<vmem>>) semaphore(%arg27 : memref<!tpu.dma_semaphore, #tpu.memory_space<semaphore_mem>>)
      %dma_wait3A_1843 = arith.constant 0 : i32
      %dma_wait3A_1844 = arith.constant 0 : i32
      %dma_wait3A_1845 = tpu.memref_slice %arg10[%dma_wait3A_1843, %dma_wait3A_1844] : memref<9x512xf32, #tpu.memory_space<hbm>> -> memref<9x512xf32, #tpu.memory_space<hbm>>
      tpu.wait_indirect_dma semaphore(%arg27 : memref<!tpu.dma_semaphore, #tpu.memory_space<semaphore_mem>>) src(%dma_wait3A_1845 : memref<9x512xf32, #tpu.memory_space<hbm>>) dst(%arg25 : memref<32x512xf32, #tpu.memory_space<vmem>>)
    } else {
    }
    %convert_element_type3A_253 = arith.extui %ge3A_234 : i1 to i32
    %cond3A_254 = arith.constant 0 : i32
    %cond3A_255 = arith.cmpi ne, %convert_element_type3A_253, %cond3A_254 : i32
    scf.if %cond3A_255 {
      %dma_start3A_1840 = arith.constant 0 : i32
      %dma_start3A_1841 = arith.constant 0 : i32
      %dma_start3A_1842 = tpu.memref_slice %arg11[%dma_start3A_1840, %dma_start3A_1841] : memref<64x512xf32, #tpu.memory_space<hbm>> -> memref<64x512xf32, #tpu.memory_space<hbm>>
      tpu.enqueue_indirect_dma source(%dma_start3A_1842 : memref<64x512xf32, #tpu.memory_space<hbm>>) target(%arg25 : memref<32x512xf32, #tpu.memory_space<vmem>>) offsets(%arg17 : memref<32xi32, #tpu.memory_space<vmem>>) semaphore(%arg27 : memref<!tpu.dma_semaphore, #tpu.memory_space<semaphore_mem>>)
      %dma_wait3A_1843 = arith.constant 0 : i32
      %dma_wait3A_1844 = arith.constant 0 : i32
      %dma_wait3A_1845 = tpu.memref_slice %arg11[%dma_wait3A_1843, %dma_wait3A_1844] : memref<64x512xf32, #tpu.memory_space<hbm>> -> memref<64x512xf32, #tpu.memory_space<hbm>>
      tpu.wait_indirect_dma semaphore(%arg27 : memref<!tpu.dma_semaphore, #tpu.memory_space<semaphore_mem>>) src(%dma_wait3A_1845 : memref<64x512xf32, #tpu.memory_space<hbm>>) dst(%arg25 : memref<32x512xf32, #tpu.memory_space<vmem>>)
    } else {
    }
    %mul3A_256 = arith.constant 512 : i32
    %mul3A_257 = arith.muli %sub3A_232, %mul3A_256 : i32
    %add3A_258 = arith.constant 0 : i32
    %add3A_259 = arith.addi %mul3A_257, %add3A_258 : i32
    %dma_start3A_260 = arith.constant 0 : i32
    %dma_start3A_261 = tpu.memref_slice %arg12[%add3A_238, %add3A_259, %dma_start3A_260] : memref<77x1024x512xf32, #tpu.memory_space<hbm>> -> memref<1x32x512xf32, #tpu.memory_space<hbm>>
    %dma_start3A_262 = tpu.memref_squeeze %dma_start3A_261 : memref<1x32x512xf32, #tpu.memory_space<hbm>> -> memref<32x512xf32, #tpu.memory_space<hbm>>
    %dma_start3A_263 = arith.constant 0 : i32
    %dma_start3A_264 = tpu.memref_slice %arg12[%add3A_238, %add3A_259, %dma_start3A_263] : memref<77x1024x512xf32, #tpu.memory_space<hbm>> -> memref<1x32x512xf32, #tpu.memory_space<hbm>>
    %dma_start3A_265 = tpu.memref_squeeze %dma_start3A_264 : memref<1x32x512xf32, #tpu.memory_space<hbm>> -> memref<32x512xf32, #tpu.memory_space<hbm>>
    tpu.enqueue_dma source(%arg25 : memref<32x512xf32, #tpu.memory_space<vmem>>) target(%dma_start3A_265 : memref<32x512xf32, #tpu.memory_space<hbm>>) target_semaphore(%arg30 : memref<!tpu.dma_semaphore, #tpu.memory_space<semaphore_mem>>)
    %mul3A_266 = arith.constant 512 : i32
    %mul3A_267 = arith.muli %sub3A_232, %mul3A_266 : i32
    %add3A_268 = arith.constant 32 : i32
    %add3A_269 = arith.addi %mul3A_267, %add3A_268 : i32
    %dma_start3A_270 = arith.constant 0 : i32
    %dma_start3A_271 = tpu.memref_slice %arg12[%add3A_238, %add3A_269, %dma_start3A_270] : memref<77x1024x512xf32, #tpu.memory_space<hbm>> -> memref<1x32x512xf32, #tpu.memory_space<hbm>>
    %dma_start3A_272 = tpu.memref_squeeze %dma_start3A_271 : memref<1x32x512xf32, #tpu.memory_space<hbm>> -> memref<32x512xf32, #tpu.memory_space<hbm>>
    %dma_start3A_273 = arith.constant 0 : i32
    %dma_start3A_274 = tpu.memref_slice %arg12[%add3A_238, %add3A_269, %dma_start3A_273] : memref<77x1024x512xf32, #tpu.memory_space<hbm>> -> memref<1x32x512xf32, #tpu.memory_space<hbm>>
    %dma_start3A_275 = tpu.memref_squeeze %dma_start3A_274 : memref<1x32x512xf32, #tpu.memory_space<hbm>> -> memref<32x512xf32, #tpu.memory_space<hbm>>
    tpu.enqueue_dma source(%arg25 : memref<32x512xf32, #tpu.memory_space<vmem>>) target(%dma_start3A_275 : memref<32x512xf32, #tpu.memory_space<hbm>>) target_semaphore(%arg30 : memref<!tpu.dma_semaphore, #tpu.memory_space<semaphore_mem>>)
    %mul3A_276 = arith.constant 512 : i32
    %mul3A_277 = arith.muli %sub3A_232, %mul3A_276 : i32
    %add3A_278 = arith.constant 64 : i32
    %add3A_279 = arith.addi %mul3A_277, %add3A_278 : i32
    %dma_start3A_280 = arith.constant 0 : i32
    %dma_start3A_281 = tpu.memref_slice %arg12[%add3A_238, %add3A_279, %dma_start3A_280] : memref<77x1024x512xf32, #tpu.memory_space<hbm>> -> memref<1x32x512xf32, #tpu.memory_space<hbm>>
    %dma_start3A_282 = tpu.memref_squeeze %dma_start3A_281 : memref<1x32x512xf32, #tpu.memory_space<hbm>> -> memref<32x512xf32, #tpu.memory_space<hbm>>
    %dma_start3A_283 = arith.constant 0 : i32
    %dma_start3A_284 = tpu.memref_slice %arg12[%add3A_238, %add3A_279, %dma_start3A_283] : memref<77x1024x512xf32, #tpu.memory_space<hbm>> -> memref<1x32x512xf32, #tpu.memory_space<hbm>>
    %dma_start3A_285 = tpu.memref_squeeze %dma_start3A_284 : memref<1x32x512xf32, #tpu.memory_space<hbm>> -> memref<32x512xf32, #tpu.memory_space<hbm>>
    tpu.enqueue_dma source(%arg25 : memref<32x512xf32, #tpu.memory_space<vmem>>) target(%dma_start3A_285 : memref<32x512xf32, #tpu.memory_space<hbm>>) target_semaphore(%arg30 : memref<!tpu.dma_semaphore, #tpu.memory_space<semaphore_mem>>)
    %mul3A_286 = arith.constant 512 : i32
    %mul3A_287 = arith.muli %sub3A_232, %mul3A_286 : i32
    %add3A_288 = arith.constant 96 : i32
    %add3A_289 = arith.addi %mul3A_287, %add3A_288 : i32
    %dma_start3A_290 = arith.constant 0 : i32
    %dma_start3A_291 = tpu.memref_slice %arg12[%add3A_238, %add3A_289, %dma_start3A_290] : memref<77x1024x512xf32, #tpu.memory_space<hbm>> -> memref<1x32x512xf32, #tpu.memory_space<hbm>>
    %dma_start3A_292 = tpu.memref_squeeze %dma_start3A_291 : memref<1x32x512xf32, #tpu.memory_space<hbm>> -> memref<32x512xf32, #tpu.memory_space<hbm>>
    %dma_start3A_293 = arith.constant 0 : i32
    %dma_start3A_294 = tpu.memref_slice %arg12[%add3A_238, %add3A_289, %dma_start3A_293] : memref<77x1024x512xf32, #tpu.memory_space<hbm>> -> memref<1x32x512xf32, #tpu.memory_space<hbm>>
    %dma_start3A_295 = tpu.memref_squeeze %dma_start3A_294 : memref<1x32x512xf32, #tpu.memory_space<hbm>> -> memref<32x512xf32, #tpu.memory_space<hbm>>
    tpu.enqueue_dma source(%arg25 : memref<32x512xf32, #tpu.memory_space<vmem>>) target(%dma_start3A_295 : memref<32x512xf32, #tpu.memory_space<hbm>>) target_semaphore(%arg30 : memref<!tpu.dma_semaphore, #tpu.memory_space<semaphore_mem>>)
    %mul3A_296 = arith.constant 512 : i32
    %mul3A_297 = arith.muli %sub3A_232, %mul3A_296 : i32
    %add3A_298 = arith.constant 128 : i32
    %add3A_299 = arith.addi %mul3A_297, %add3A_298 : i32
    %dma_start3A_300 = arith.constant 0 : i32
    %dma_start3A_301 = tpu.memref_slice %arg12[%add3A_238, %add3A_299, %dma_start3A_300] : memref<77x1024x512xf32, #tpu.memory_space<hbm>> -> memref<1x32x512xf32, #tpu.memory_space<hbm>>
    %dma_start3A_302 = tpu.memref_squeeze %dma_start3A_301 : memref<1x32x512xf32, #tpu.memory_space<hbm>> -> memref<32x512xf32, #tpu.memory_space<hbm>>
    %dma_start3A_303 = arith.constant 0 : i32
    %dma_start3A_304 = tpu.memref_slice %arg12[%add3A_238, %add3A_299, %dma_start3A_303] : memref<77x1024x512xf32, #tpu.memory_space<hbm>> -> memref<1x32x512xf32, #tpu.memory_space<hbm>>
    %dma_start3A_305 = tpu.memref_squeeze %dma_start3A_304 : memref<1x32x512xf32, #tpu.memory_space<hbm>> -> memref<32x512xf32, #tpu.memory_space<hbm>>
    tpu.enqueue_dma source(%arg25 : memref<32x512xf32, #tpu.memory_space<vmem>>) target(%dma_start3A_305 : memref<32x512xf32, #tpu.memory_space<hbm>>) target_semaphore(%arg30 : memref<!tpu.dma_semaphore, #tpu.memory_space<semaphore_mem>>)
    %mul3A_306 = arith.constant 512 : i32
    %mul3A_307 = arith.muli %sub3A_232, %mul3A_306 : i32
    %add3A_308 = arith.constant 160 : i32
    %add3A_309 = arith.addi %mul3A_307, %add3A_308 : i32
    %dma_start3A_310 = arith.constant 0 : i32
    %dma_start3A_311 = tpu.memref_slice %arg12[%add3A_238, %add3A_309, %dma_start3A_310] : memref<77x1024x512xf32, #tpu.memory_space<hbm>> -> memref<1x32x512xf32, #tpu.memory_space<hbm>>
    %dma_start3A_312 = tpu.memref_squeeze %dma_start3A_311 : memref<1x32x512xf32, #tpu.memory_space<hbm>> -> memref<32x512xf32, #tpu.memory_space<hbm>>
    %dma_start3A_313 = arith.constant 0 : i32
    %dma_start3A_314 = tpu.memref_slice %arg12[%add3A_238, %add3A_309, %dma_start3A_313] : memref<77x1024x512xf32, #tpu.memory_space<hbm>> -> memref<1x32x512xf32, #tpu.memory_space<hbm>>
    %dma_start3A_315 = tpu.memref_squeeze %dma_start3A_314 : memref<1x32x512xf32, #tpu.memory_space<hbm>> -> memref<32x512xf32, #tpu.memory_space<hbm>>
    tpu.enqueue_dma source(%arg25 : memref<32x512xf32, #tpu.memory_space<vmem>>) target(%dma_start3A_315 : memref<32x512xf32, #tpu.memory_space<hbm>>) target_semaphore(%arg30 : memref<!tpu.dma_semaphore, #tpu.memory_space<semaphore_mem>>)
    %mul3A_316 = arith.constant 512 : i32
    %mul3A_317 = arith.muli %sub3A_232, %mul3A_316 : i32
    %add3A_318 = arith.constant 192 : i32
    %add3A_319 = arith.addi %mul3A_317, %add3A_318 : i32
    %dma_start3A_320 = arith.constant 0 : i32
    %dma_start3A_321 = tpu.memref_slice %arg12[%add3A_238, %add3A_319, %dma_start3A_320] : memref<77x1024x512xf32, #tpu.memory_space<hbm>> -> memref<1x32x512xf32, #tpu.memory_space<hbm>>
    %dma_start3A_322 = tpu.memref_squeeze %dma_start3A_321 : memref<1x32x512xf32, #tpu.memory_space<hbm>> -> memref<32x512xf32, #tpu.memory_space<hbm>>
    %dma_start3A_323 = arith.constant 0 : i32
    %dma_start3A_324 = tpu.memref_slice %arg12[%add3A_238, %add3A_319, %dma_start3A_323] : memref<77x1024x512xf32, #tpu.memory_space<hbm>> -> memref<1x32x512xf32, #tpu.memory_space<hbm>>
    %dma_start3A_325 = tpu.memref_squeeze %dma_start3A_324 : memref<1x32x512xf32, #tpu.memory_space<hbm>> -> memref<32x512xf32, #tpu.memory_space<hbm>>
    tpu.enqueue_dma source(%arg25 : memref<32x512xf32, #tpu.memory_space<vmem>>) target(%dma_start3A_325 : memref<32x512xf32, #tpu.memory_space<hbm>>) target_semaphore(%arg30 : memref<!tpu.dma_semaphore, #tpu.memory_space<semaphore_mem>>)
    %mul3A_326 = arith.constant 512 : i32
    %mul3A_327 = arith.muli %sub3A_232, %mul3A_326 : i32
    %add3A_328 = arith.constant 224 : i32
    %add3A_329 = arith.addi %mul3A_327, %add3A_328 : i32
    %dma_start3A_330 = arith.constant 0 : i32
    %dma_start3A_331 = tpu.memref_slice %arg12[%add3A_238, %add3A_329, %dma_start3A_330] : memref<77x1024x512xf32, #tpu.memory_space<hbm>> -> memref<1x32x512xf32, #tpu.memory_space<hbm>>
    %dma_start3A_332 = tpu.memref_squeeze %dma_start3A_331 : memref<1x32x512xf32, #tpu.memory_space<hbm>> -> memref<32x512xf32, #tpu.memory_space<hbm>>
    %dma_start3A_333 = arith.constant 0 : i32
    %dma_start3A_334 = tpu.memref_slice %arg12[%add3A_238, %add3A_329, %dma_start3A_333] : memref<77x1024x512xf32, #tpu.memory_space<hbm>> -> memref<1x32x512xf32, #tpu.memory_space<hbm>>
    %dma_start3A_335 = tpu.memref_squeeze %dma_start3A_334 : memref<1x32x512xf32, #tpu.memory_space<hbm>> -> memref<32x512xf32, #tpu.memory_space<hbm>>
    tpu.enqueue_dma source(%arg25 : memref<32x512xf32, #tpu.memory_space<vmem>>) target(%dma_start3A_335 : memref<32x512xf32, #tpu.memory_space<hbm>>) target_semaphore(%arg30 : memref<!tpu.dma_semaphore, #tpu.memory_space<semaphore_mem>>)
    %mul3A_336 = arith.constant 512 : i32
    %mul3A_337 = arith.muli %sub3A_232, %mul3A_336 : i32
    %add3A_338 = arith.constant 256 : i32
    %add3A_339 = arith.addi %mul3A_337, %add3A_338 : i32
    %dma_start3A_340 = arith.constant 0 : i32
    %dma_start3A_341 = tpu.memref_slice %arg12[%add3A_238, %add3A_339, %dma_start3A_340] : memref<77x1024x512xf32, #tpu.memory_space<hbm>> -> memref<1x32x512xf32, #tpu.memory_space<hbm>>
    %dma_start3A_342 = tpu.memref_squeeze %dma_start3A_341 : memref<1x32x512xf32, #tpu.memory_space<hbm>> -> memref<32x512xf32, #tpu.memory_space<hbm>>
    %dma_start3A_343 = arith.constant 0 : i32
    %dma_start3A_344 = tpu.memref_slice %arg12[%add3A_238, %add3A_339, %dma_start3A_343] : memref<77x1024x512xf32, #tpu.memory_space<hbm>> -> memref<1x32x512xf32, #tpu.memory_space<hbm>>
    %dma_start3A_345 = tpu.memref_squeeze %dma_start3A_344 : memref<1x32x512xf32, #tpu.memory_space<hbm>> -> memref<32x512xf32, #tpu.memory_space<hbm>>
    tpu.enqueue_dma source(%arg25 : memref<32x512xf32, #tpu.memory_space<vmem>>) target(%dma_start3A_345 : memref<32x512xf32, #tpu.memory_space<hbm>>) target_semaphore(%arg30 : memref<!tpu.dma_semaphore, #tpu.memory_space<semaphore_mem>>)
    %mul3A_346 = arith.constant 512 : i32
    %mul3A_347 = arith.muli %sub3A_232, %mul3A_346 : i32
    %add3A_348 = arith.constant 288 : i32
    %add3A_349 = arith.addi %mul3A_347, %add3A_348 : i32
    %dma_start3A_350 = arith.constant 0 : i32
    %dma_start3A_351 = tpu.memref_slice %arg12[%add3A_238, %add3A_349, %dma_start3A_350] : memref<77x1024x512xf32, #tpu.memory_space<hbm>> -> memref<1x32x512xf32, #tpu.memory_space<hbm>>
    %dma_start3A_352 = tpu.memref_squeeze %dma_start3A_351 : memref<1x32x512xf32, #tpu.memory_space<hbm>> -> memref<32x512xf32, #tpu.memory_space<hbm>>
    %dma_start3A_353 = arith.constant 0 : i32
    %dma_start3A_354 = tpu.memref_slice %arg12[%add3A_238, %add3A_349, %dma_start3A_353] : memref<77x1024x512xf32, #tpu.memory_space<hbm>> -> memref<1x32x512xf32, #tpu.memory_space<hbm>>
    %dma_start3A_355 = tpu.memref_squeeze %dma_start3A_354 : memref<1x32x512xf32, #tpu.memory_space<hbm>> -> memref<32x512xf32, #tpu.memory_space<hbm>>
    tpu.enqueue_dma source(%arg25 : memref<32x512xf32, #tpu.memory_space<vmem>>) target(%dma_start3A_355 : memref<32x512xf32, #tpu.memory_space<hbm>>) target_semaphore(%arg30 : memref<!tpu.dma_semaphore, #tpu.memory_space<semaphore_mem>>)
    %mul3A_356 = arith.constant 512 : i32
    %mul3A_357 = arith.muli %sub3A_232, %mul3A_356 : i32
    %add3A_358 = arith.constant 320 : i32
    %add3A_359 = arith.addi %mul3A_357, %add3A_358 : i32
    %dma_start3A_360 = arith.constant 0 : i32
    %dma_start3A_361 = tpu.memref_slice %arg12[%add3A_238, %add3A_359, %dma_start3A_360] : memref<77x1024x512xf32, #tpu.memory_space<hbm>> -> memref<1x32x512xf32, #tpu.memory_space<hbm>>
    %dma_start3A_362 = tpu.memref_squeeze %dma_start3A_361 : memref<1x32x512xf32, #tpu.memory_space<hbm>> -> memref<32x512xf32, #tpu.memory_space<hbm>>
    %dma_start3A_363 = arith.constant 0 : i32
    %dma_start3A_364 = tpu.memref_slice %arg12[%add3A_238, %add3A_359, %dma_start3A_363] : memref<77x1024x512xf32, #tpu.memory_space<hbm>> -> memref<1x32x512xf32, #tpu.memory_space<hbm>>
    %dma_start3A_365 = tpu.memref_squeeze %dma_start3A_364 : memref<1x32x512xf32, #tpu.memory_space<hbm>> -> memref<32x512xf32, #tpu.memory_space<hbm>>
    tpu.enqueue_dma source(%arg25 : memref<32x512xf32, #tpu.memory_space<vmem>>) target(%dma_start3A_365 : memref<32x512xf32, #tpu.memory_space<hbm>>) target_semaphore(%arg30 : memref<!tpu.dma_semaphore, #tpu.memory_space<semaphore_mem>>)
    %mul3A_366 = arith.constant 512 : i32
    %mul3A_367 = arith.muli %sub3A_232, %mul3A_366 : i32
    %add3A_368 = arith.constant 352 : i32
    %add3A_369 = arith.addi %mul3A_367, %add3A_368 : i32
    %dma_start3A_370 = arith.constant 0 : i32
    %dma_start3A_371 = tpu.memref_slice %arg12[%add3A_238, %add3A_369, %dma_start3A_370] : memref<77x1024x512xf32, #tpu.memory_space<hbm>> -> memref<1x32x512xf32, #tpu.memory_space<hbm>>
    %dma_start3A_372 = tpu.memref_squeeze %dma_start3A_371 : memref<1x32x512xf32, #tpu.memory_space<hbm>> -> memref<32x512xf32, #tpu.memory_space<hbm>>
    %dma_start3A_373 = arith.constant 0 : i32
    %dma_start3A_374 = tpu.memref_slice %arg12[%add3A_238, %add3A_369, %dma_start3A_373] : memref<77x1024x512xf32, #tpu.memory_space<hbm>> -> memref<1x32x512xf32, #tpu.memory_space<hbm>>
    %dma_start3A_375 = tpu.memref_squeeze %dma_start3A_374 : memref<1x32x512xf32, #tpu.memory_space<hbm>> -> memref<32x512xf32, #tpu.memory_space<hbm>>
    tpu.enqueue_dma source(%arg25 : memref<32x512xf32, #tpu.memory_space<vmem>>) target(%dma_start3A_375 : memref<32x512xf32, #tpu.memory_space<hbm>>) target_semaphore(%arg30 : memref<!tpu.dma_semaphore, #tpu.memory_space<semaphore_mem>>)
    %mul3A_376 = arith.constant 512 : i32
    %mul3A_377 = arith.muli %sub3A_232, %mul3A_376 : i32
    %add3A_378 = arith.constant 384 : i32
    %add3A_379 = arith.addi %mul3A_377, %add3A_378 : i32
    %dma_start3A_380 = arith.constant 0 : i32
    %dma_start3A_381 = tpu.memref_slice %arg12[%add3A_238, %add3A_379, %dma_start3A_380] : memref<77x1024x512xf32, #tpu.memory_space<hbm>> -> memref<1x32x512xf32, #tpu.memory_space<hbm>>
    %dma_start3A_382 = tpu.memref_squeeze %dma_start3A_381 : memref<1x32x512xf32, #tpu.memory_space<hbm>> -> memref<32x512xf32, #tpu.memory_space<hbm>>
    %dma_start3A_383 = arith.constant 0 : i32
    %dma_start3A_384 = tpu.memref_slice %arg12[%add3A_238, %add3A_379, %dma_start3A_383] : memref<77x1024x512xf32, #tpu.memory_space<hbm>> -> memref<1x32x512xf32, #tpu.memory_space<hbm>>
    %dma_start3A_385 = tpu.memref_squeeze %dma_start3A_384 : memref<1x32x512xf32, #tpu.memory_space<hbm>> -> memref<32x512xf32, #tpu.memory_space<hbm>>
    tpu.enqueue_dma source(%arg25 : memref<32x512xf32, #tpu.memory_space<vmem>>) target(%dma_start3A_385 : memref<32x512xf32, #tpu.memory_space<hbm>>) target_semaphore(%arg30 : memref<!tpu.dma_semaphore, #tpu.memory_space<semaphore_mem>>)
    %mul3A_386 = arith.constant 512 : i32
    %mul3A_387 = arith.muli %sub3A_232, %mul3A_386 : i32
    %add3A_388 = arith.constant 416 : i32
    %add3A_389 = arith.addi %mul3A_387, %add3A_388 : i32
    %dma_start3A_390 = arith.constant 0 : i32
    %dma_start3A_391 = tpu.memref_slice %arg12[%add3A_238, %add3A_389, %dma_start3A_390] : memref<77x1024x512xf32, #tpu.memory_space<hbm>> -> memref<1x32x512xf32, #tpu.memory_space<hbm>>
    %dma_start3A_392 = tpu.memref_squeeze %dma_start3A_391 : memref<1x32x512xf32, #tpu.memory_space<hbm>> -> memref<32x512xf32, #tpu.memory_space<hbm>>
    %dma_start3A_393 = arith.constant 0 : i32
    %dma_start3A_394 = tpu.memref_slice %arg12[%add3A_238, %add3A_389, %dma_start3A_393] : memref<77x1024x512xf32, #tpu.memory_space<hbm>> -> memref<1x32x512xf32, #tpu.memory_space<hbm>>
    %dma_start3A_395 = tpu.memref_squeeze %dma_start3A_394 : memref<1x32x512xf32, #tpu.memory_space<hbm>> -> memref<32x512xf32, #tpu.memory_space<hbm>>
    tpu.enqueue_dma source(%arg25 : memref<32x512xf32, #tpu.memory_space<vmem>>) target(%dma_start3A_395 : memref<32x512xf32, #tpu.memory_space<hbm>>) target_semaphore(%arg30 : memref<!tpu.dma_semaphore, #tpu.memory_space<semaphore_mem>>)
    %mul3A_396 = arith.constant 512 : i32
    %mul3A_397 = arith.muli %sub3A_232, %mul3A_396 : i32
    %add3A_398 = arith.constant 448 : i32
    %add3A_399 = arith.addi %mul3A_397, %add3A_398 : i32
    %dma_start3A_400 = arith.constant 0 : i32
    %dma_start3A_401 = tpu.memref_slice %arg12[%add3A_238, %add3A_399, %dma_start3A_400] : memref<77x1024x512xf32, #tpu.memory_space<hbm>> -> memref<1x32x512xf32, #tpu.memory_space<hbm>>
    %dma_start3A_402 = tpu.memref_squeeze %dma_start3A_401 : memref<1x32x512xf32, #tpu.memory_space<hbm>> -> memref<32x512xf32, #tpu.memory_space<hbm>>
    %dma_start3A_403 = arith.constant 0 : i32
    %dma_start3A_404 = tpu.memref_slice %arg12[%add3A_238, %add3A_399, %dma_start3A_403] : memref<77x1024x512xf32, #tpu.memory_space<hbm>> -> memref<1x32x512xf32, #tpu.memory_space<hbm>>
    %dma_start3A_405 = tpu.memref_squeeze %dma_start3A_404 : memref<1x32x512xf32, #tpu.memory_space<hbm>> -> memref<32x512xf32, #tpu.memory_space<hbm>>
    tpu.enqueue_dma source(%arg25 : memref<32x512xf32, #tpu.memory_space<vmem>>) target(%dma_start3A_405 : memref<32x512xf32, #tpu.memory_space<hbm>>) target_semaphore(%arg30 : memref<!tpu.dma_semaphore, #tpu.memory_space<semaphore_mem>>)
    %mul3A_406 = arith.constant 512 : i32
    %mul3A_407 = arith.muli %sub3A_232, %mul3A_406 : i32
    %add3A_408 = arith.constant 480 : i32
    %add3A_409 = arith.addi %mul3A_407, %add3A_408 : i32
    %dma_start3A_410 = arith.constant 0 : i32
    %dma_start3A_411 = tpu.memref_slice %arg12[%add3A_238, %add3A_409, %dma_start3A_410] : memref<77x1024x512xf32, #tpu.memory_space<hbm>> -> memref<1x32x512xf32, #tpu.memory_space<hbm>>
    %dma_start3A_412 = tpu.memref_squeeze %dma_start3A_411 : memref<1x32x512xf32, #tpu.memory_space<hbm>> -> memref<32x512xf32, #tpu.memory_space<hbm>>
    %dma_start3A_413 = arith.constant 0 : i32
    %dma_start3A_414 = tpu.memref_slice %arg12[%add3A_238, %add3A_409, %dma_start3A_413] : memref<77x1024x512xf32, #tpu.memory_space<hbm>> -> memref<1x32x512xf32, #tpu.memory_space<hbm>>
    %dma_start3A_415 = tpu.memref_squeeze %dma_start3A_414 : memref<1x32x512xf32, #tpu.memory_space<hbm>> -> memref<32x512xf32, #tpu.memory_space<hbm>>
    tpu.enqueue_dma source(%arg25 : memref<32x512xf32, #tpu.memory_space<vmem>>) target(%dma_start3A_415 : memref<32x512xf32, #tpu.memory_space<hbm>>) target_semaphore(%arg30 : memref<!tpu.dma_semaphore, #tpu.memory_space<semaphore_mem>>)
    %dma_wait3A = arith.constant 0 : i32
    %dma_wait3A_416 = tpu.memref_slice %arg13[%dma_wait3A] : memref<32xi32, #tpu.memory_space<vmem>> -> memref<8xi32, #tpu.memory_space<vmem>>
    %dma_wait3A_417 = arith.constant 0 : i32
    %dma_wait3A_418 = arith.constant 0 : i32
    %dma_wait3A_419 = arith.constant 0 : i32
    %dma_wait3A_420 = tpu.memref_slice %arg6[%dma_wait3A_417, %dma_wait3A_418, %dma_wait3A_419] : memref<100000x4x512xf32, #tpu.memory_space<hbm>> -> memref<100000x4x512xf32, #tpu.memory_space<hbm>>
    tpu.wait_indirect_dma semaphore(%arg26 : memref<!tpu.dma_semaphore, #tpu.memory_space<semaphore_mem>>) src(%dma_wait3A_420 : memref<100000x4x512xf32, #tpu.memory_space<hbm>>) dst(%arg21 : memref<8x4x512xf32, #tpu.memory_space<vmem>>)
    %dma_start3A_421 = arith.constant 8 : i32
    %dma_start3A_422 = tpu.memref_slice %arg13[%dma_start3A_421] : memref<32xi32, #tpu.memory_space<vmem>> -> memref<8xi32, #tpu.memory_space<vmem>>
    %dma_start3A_423 = arith.constant 0 : i32
    %dma_start3A_424 = arith.constant 0 : i32
    %dma_start3A_425 = arith.constant 0 : i32
    %dma_start3A_426 = tpu.memref_slice %arg6[%dma_start3A_423, %dma_start3A_424, %dma_start3A_425] : memref<100000x4x512xf32, #tpu.memory_space<hbm>> -> memref<100000x4x512xf32, #tpu.memory_space<hbm>>
    tpu.enqueue_indirect_dma source(%dma_start3A_426 : memref<100000x4x512xf32, #tpu.memory_space<hbm>>) target(%arg22 : memref<8x4x512xf32, #tpu.memory_space<vmem>>) offsets(%dma_start3A_422 : memref<8xi32, #tpu.memory_space<vmem>>) semaphore(%arg26 : memref<!tpu.dma_semaphore, #tpu.memory_space<semaphore_mem>>)
    %get3A = arith.constant 0 : index
    %get3A_427 = tpu.vector_load %arg14[%get3A] {strides = array<i32>} : memref<32xi32, #tpu.memory_space<vmem>>, vector<16xi32>,
    %get3A_428 = arith.constant 0 : index
    %get3A_429 = tpu.vector_load %arg15[%get3A_428] {strides = array<i32>} : memref<32xi32, #tpu.memory_space<vmem>>, vector<16xi32>,
    %get3A_430 = arith.constant 0 : index
    %get3A_431 = tpu.vector_load %arg16[%get3A_430] {strides = array<i32>} : memref<32xi32, #tpu.memory_space<vmem>>, vector<16xi32>,
    %scan3A = arith.constant 0 : i32
    %scan3A_432 = arith.constant 0 : i32
    %scan3A_433 = arith.constant 8 : i32
    %scan3A_434 = arith.addi %scan3A_432, %scan3A_433 : i32
    %scan3A_435 = arith.constant 1 : i32
    scf.for %scan3A_1840 = %scan3A_432 to %scan3A_434 step %scan3A_435  : i32 {
      %add3A_1841 = arith.constant 0 : i32
      %add3A_1842 = arith.addi %add3A_1841, %scan3A_1840 : i32
      %iota3A = tpu.iota {dimensions = array<i32: 0>} : vector<16xi32>
      %eq3A = vector.broadcast %add3A_1842 : i32 to vector<16xi32>
      %eq3A_1843 = arith.cmpi eq, %iota3A, %eq3A : vector<16xi32>
      %jit3A_1844 = arith.constant 0 : i32
      %broadcast_in_dim3A_1845 = vector.broadcast %jit3A_1844 : i32 to vector<16xi32>
      %select_n3A_1846 = arith.select %eq3A_1843, %get3A_427, %broadcast_in_dim3A_1845 : vector<16xi1>, vector<16xi32>
      %reduce_sum3A = arith.constant true
      %reduce_sum3A_1847 = vector.broadcast %reduce_sum3A : i1 to vector<16xi1>
      %reduce_sum3A_1848 = tpu.scan <sum>, %select_n3A_1846 masked %reduce_sum3A_1847 : vector<16xi32>, vector<16xi1> -> vector<16xi32>
      %reduce_sum3A_1849 = vector.extract %reduce_sum3A_1848[15] : i32 from vector<16xi32>
      %broadcast_in_dim3A_1850 = vector.broadcast %reduce_sum3A_1849 : i32 to vector<16xi32>
      %iota3A_1851 = tpu.iota {dimensions = array<i32: 0>} : vector<16xi32>
      %eq3A_1852 = vector.broadcast %add3A_1842 : i32 to vector<16xi32>
      %eq3A_1853 = arith.cmpi eq, %iota3A_1851, %eq3A_1852 : vector<16xi32>
      %jit3A_1854 = arith.constant 0 : i32
      %broadcast_in_dim3A_1855 = vector.broadcast %jit3A_1854 : i32 to vector<16xi32>
      %select_n3A_1856 = arith.select %eq3A_1853, %get3A_429, %broadcast_in_dim3A_1855 : vector<16xi1>, vector<16xi32>
      %reduce_sum3A_1857 = arith.constant true
      %reduce_sum3A_1858 = vector.broadcast %reduce_sum3A_1857 : i1 to vector<16xi1>
      %reduce_sum3A_1859 = tpu.scan <sum>, %select_n3A_1856 masked %reduce_sum3A_1858 : vector<16xi32>, vector<16xi1> -> vector<16xi32>
      %reduce_sum3A_1860 = vector.extract %reduce_sum3A_1859[15] : i32 from vector<16xi32>
      %broadcast_in_dim3A_1861 = vector.broadcast %reduce_sum3A_1860 : i32 to vector<16xi32>
      %iota3A_1862 = tpu.iota {dimensions = array<i32: 0>} : vector<16xi32>
      %eq3A_1863 = vector.broadcast %add3A_1842 : i32 to vector<16xi32>
      %eq3A_1864 = arith.cmpi eq, %iota3A_1862, %eq3A_1863 : vector<16xi32>
      %jit3A_1865 = arith.constant 0 : i32
      %broadcast_in_dim3A_1866 = vector.broadcast %jit3A_1865 : i32 to vector<16xi32>
      %select_n3A_1867 = arith.select %eq3A_1864, %get3A_431, %broadcast_in_dim3A_1866 : vector<16xi1>, vector<16xi32>
      %reduce_sum3A_1868 = arith.constant true
      %reduce_sum3A_1869 = vector.broadcast %reduce_sum3A_1868 : i1 to vector<16xi1>
      %reduce_sum3A_1870 = tpu.scan <sum>, %select_n3A_1867 masked %reduce_sum3A_1869 : vector<16xi32>, vector<16xi1> -> vector<16xi32>
      %reduce_sum3A_1871 = vector.extract %reduce_sum3A_1870[15] : i32 from vector<16xi32>
      %broadcast_in_dim3A_1872 = vector.broadcast %reduce_sum3A_1871 : i32 to vector<16xi32>
      %broadcast_in_dim3A_1873 = arith.constant 0 : i32
      %broadcast_in_dim3A_1874 = vector.broadcast %broadcast_in_dim3A_1873 : i32 to vector<16xi32>
      %scan3A_1875 = arith.constant 0 : i32
      %scan3A_1876 = arith.constant 0 : i32
      %scan3A_1877 = arith.constant 32 : i32
      %scan3A_1878 = arith.addi %scan3A_1876, %scan3A_1877 : i32
      %scan3A_1879 = arith.constant 1 : i32
      scf.for %scan3A_1905 = %scan3A_1876 to %scan3A_1878 step %scan3A_1879  : i32 {
        %mul3A_1906 = arith.constant 16 : i32
        %mul3A_1907 = arith.muli %scan3A_1905, %mul3A_1906 : i32
        %iota3A_1908 = tpu.iota {dimensions = array<i32: 0>} : vector<16xi32>
        %add3A_1909 = vector.broadcast %mul3A_1907 : i32 to vector<16xi32>
        %add3A_1910 = arith.addi %iota3A_1908, %add3A_1909 : vector<16xi32>
        %gather3A = tpu.vector_load_idx %arg18[%broadcast_in_dim3A_1850, %broadcast_in_dim3A_1874, %add3A_1910] : memref<3x4x512xf32, #tpu.memory_space<vmem>>[vector<16xi32>, vector<16xi32>, vector<16xi32>], vector<16xf32>,
        %gather3A_1911 = tpu.vector_load_idx %arg19[%broadcast_in_dim3A_1861, %broadcast_in_dim3A_1874, %add3A_1910] : memref<2x4x512xf32, #tpu.memory_space<vmem>>[vector<16xi32>, vector<16xi32>, vector<16xi32>], vector<16xf32>,
        %add3A_1912 = arith.addf %gather3A, %gather3A_1911 : vector<16xf32>
        %gather3A_1913 = tpu.vector_load_idx %arg20[%broadcast_in_dim3A_1872, %broadcast_in_dim3A_1874, %add3A_1910] : memref<4x4x512xf32, #tpu.memory_space<vmem>>[vector<16xi32>, vector<16xi32>, vector<16xi32>], vector<16xf32>,
        %add3A_1914 = arith.addf %add3A_1912, %gather3A_1913 : vector<16xf32>
        %get3A_1915 = arith.constant 0 : i32
        %get3A_1916 = arith.index_cast %scan3A_1840 : i32 to index
        %get3A_1917 = arith.index_cast %get3A_1915 : i32 to index
        %get3A_1918 = arith.index_cast %mul3A_1907 : i32 to index
        %get3A_1919 = tpu.vector_load %arg21[%get3A_1916, %get3A_1917, %get3A_1918] {strides = array<i32>} : memref<8x4x512xf32, #tpu.memory_space<vmem>>, vector<16xf32>,
        %add3A_1920 = arith.addf %get3A_1919, %add3A_1914 : vector<16xf32>
        %swap3A_1921 = arith.constant 0 : i32
        %swap3A_1922 = arith.index_cast %swap3A_1921 : i32 to index
        %swap3A_1923 = arith.index_cast %scan3A_1840 : i32 to index
        %swap3A_1924 = arith.index_cast %mul3A_1907 : i32 to index
        %swap3A_1925 = tpu.vector_load %arg23[%swap3A_1922, %swap3A_1923, %swap3A_1924] {strides = array<i32>} : memref<4x8x512xf32, #tpu.memory_space<vmem>>, vector<16xf32>,
        tpu.vector_store %arg23[%swap3A_1922, %swap3A_1923, %swap3A_1924], %add3A_1920 {strides = array<i32>} : memref<4x8x512xf32, #tpu.memory_space<vmem>>, vector<16xf32>,
      }
      %scan3A_1880 = arith.constant 32 : i32
      %broadcast_in_dim3A_1881 = arith.constant 1 : i32
      %broadcast_in_dim3A_1882 = vector.broadcast %broadcast_in_dim3A_1881 : i32 to vector<16xi32>
      %scan3A_1883 = arith.constant 0 : i32
      %scan3A_1884 = arith.constant 0 : i32
      %scan3A_1885 = arith.constant 32 : i32
      %scan3A_1886 = arith.addi %scan3A_1884, %scan3A_1885 : i32
      %scan3A_1887 = arith.constant 1 : i32
      scf.for %scan3A_1905 = %scan3A_1884 to %scan3A_1886 step %scan3A_1887  : i32 {
        %mul3A_1906 = arith.constant 16 : i32
        %mul3A_1907 = arith.muli %scan3A_1905, %mul3A_1906 : i32
        %iota3A_1908 = tpu.iota {dimensions = array<i32: 0>} : vector<16xi32>
        %add3A_1909 = vector.broadcast %mul3A_1907 : i32 to vector<16xi32>
        %add3A_1910 = arith.addi %iota3A_1908, %add3A_1909 : vector<16xi32>
        %gather3A = tpu.vector_load_idx %arg18[%broadcast_in_dim3A_1850, %broadcast_in_dim3A_1882, %add3A_1910] : memref<3x4x512xf32, #tpu.memory_space<vmem>>[vector<16xi32>, vector<16xi32>, vector<16xi32>], vector<16xf32>,
        %gather3A_1911 = tpu.vector_load_idx %arg19[%broadcast_in_dim3A_1861, %broadcast_in_dim3A_1882, %add3A_1910] : memref<2x4x512xf32, #tpu.memory_space<vmem>>[vector<16xi32>, vector<16xi32>, vector<16xi32>], vector<16xf32>,
        %add3A_1912 = arith.addf %gather3A, %gather3A_1911 : vector<16xf32>
        %gather3A_1913 = tpu.vector_load_idx %arg20[%broadcast_in_dim3A_1872, %broadcast_in_dim3A_1882, %add3A_1910] : memref<4x4x512xf32, #tpu.memory_space<vmem>>[vector<16xi32>, vector<16xi32>, vector<16xi32>], vector<16xf32>,
        %add3A_1914 = arith.addf %add3A_1912, %gather3A_1913 : vector<16xf32>
        %get3A_1915 = arith.constant 1 : i32
        %get3A_1916 = arith.index_cast %scan3A_1840 : i32 to index
        %get3A_1917 = arith.index_cast %get3A_1915 : i32 to index
        %get3A_1918 = arith.index_cast %mul3A_1907 : i32 to index
        %get3A_1919 = tpu.vector_load %arg21[%get3A_1916, %get3A_1917, %get3A_1918] {strides = array<i32>} : memref<8x4x512xf32, #tpu.memory_space<vmem>>, vector<16xf32>,
        %add3A_1920 = arith.addf %get3A_1919, %add3A_1914 : vector<16xf32>
        %swap3A_1921 = arith.constant 1 : i32
        %swap3A_1922 = arith.index_cast %swap3A_1921 : i32 to index
        %swap3A_1923 = arith.index_cast %scan3A_1840 : i32 to index
        %swap3A_1924 = arith.index_cast %mul3A_1907 : i32 to index
        %swap3A_1925 = tpu.vector_load %arg23[%swap3A_1922, %swap3A_1923, %swap3A_1924] {strides = array<i32>} : memref<4x8x512xf32, #tpu.memory_space<vmem>>, vector<16xf32>,
        tpu.vector_store %arg23[%swap3A_1922, %swap3A_1923, %swap3A_1924], %add3A_1920 {strides = array<i32>} : memref<4x8x512xf32, #tpu.memory_space<vmem>>, vector<16xf32>,
      }
      %scan3A_1888 = arith.constant 32 : i32
      %broadcast_in_dim3A_1889 = arith.constant 2 : i32
      %broadcast_in_dim3A_1890 = vector.broadcast %broadcast_in_dim3A_1889 : i32 to vector<16xi32>
      %scan3A_1891 = arith.constant 0 : i32
      %scan3A_1892 = arith.constant 0 : i32
      %scan3A_1893 = arith.constant 32 : i32
      %scan3A_1894 = arith.addi %scan3A_1892, %scan3A_1893 : i32
      %scan3A_1895 = arith.constant 1 : i32
      scf.for %scan3A_1905 = %scan3A_1892 to %scan3A_1894 step %scan3A_1895  : i32 {
        %mul3A_1906 = arith.constant 16 : i32
        %mul3A_1907 = arith.muli %scan3A_1905, %mul3A_1906 : i32
        %iota3A_1908 = tpu.iota {dimensions = array<i32: 0>} : vector<16xi32>
        %add3A_1909 = vector.broadcast %mul3A_1907 : i32 to vector<16xi32>
        %add3A_1910 = arith.addi %iota3A_1908, %add3A_1909 : vector<16xi32>
        %gather3A = tpu.vector_load_idx %arg18[%broadcast_in_dim3A_1850, %broadcast_in_dim3A_1890, %add3A_1910] : memref<3x4x512xf32, #tpu.memory_space<vmem>>[vector<16xi32>, vector<16xi32>, vector<16xi32>], vector<16xf32>,
        %gather3A_1911 = tpu.vector_load_idx %arg19[%broadcast_in_dim3A_1861, %broadcast_in_dim3A_1890, %add3A_1910] : memref<2x4x512xf32, #tpu.memory_space<vmem>>[vector<16xi32>, vector<16xi32>, vector<16xi32>], vector<16xf32>,
        %add3A_1912 = arith.addf %gather3A, %gather3A_1911 : vector<16xf32>
        %gather3A_1913 = tpu.vector_load_idx %arg20[%broadcast_in_dim3A_1872, %broadcast_in_dim3A_1890, %add3A_1910] : memref<4x4x512xf32, #tpu.memory_space<vmem>>[vector<16xi32>, vector<16xi32>, vector<16xi32>], vector<16xf32>,
        %add3A_1914 = arith.addf %add3A_1912, %gather3A_1913 : vector<16xf32>
        %get3A_1915 = arith.constant 2 : i32
        %get3A_1916 = arith.index_cast %scan3A_1840 : i32 to index
        %get3A_1917 = arith.index_cast %get3A_1915 : i32 to index
        %get3A_1918 = arith.index_cast %mul3A_1907 : i32 to index
        %get3A_1919 = tpu.vector_load %arg21[%get3A_1916, %get3A_1917, %get3A_1918] {strides = array<i32>} : memref<8x4x512xf32, #tpu.memory_space<vmem>>, vector<16xf32>,
        %add3A_1920 = arith.addf %get3A_1919, %add3A_1914 : vector<16xf32>
        %swap3A_1921 = arith.constant 2 : i32
        %swap3A_1922 = arith.index_cast %swap3A_1921 : i32 to index
        %swap3A_1923 = arith.index_cast %scan3A_1840 : i32 to index
        %swap3A_1924 = arith.index_cast %mul3A_1907 : i32 to index
        %swap3A_1925 = tpu.vector_load %arg23[%swap3A_1922, %swap3A_1923, %swap3A_1924] {strides = array<i32>} : memref<4x8x512xf32, #tpu.memory_space<vmem>>, vector<16xf32>,
        tpu.vector_store %arg23[%swap3A_1922, %swap3A_1923, %swap3A_1924], %add3A_1920 {strides = array<i32>} : memref<4x8x512xf32, #tpu.memory_space<vmem>>, vector<16xf32>,
      }
      %scan3A_1896 = arith.constant 32 : i32
      %broadcast_in_dim3A_1897 = arith.constant 3 : i32
      %broadcast_in_dim3A_1898 = vector.broadcast %broadcast_in_dim3A_1897 : i32 to vector<16xi32>
      %scan3A_1899 = arith.constant 0 : i32
      %scan3A_1900 = arith.constant 0 : i32
      %scan3A_1901 = arith.constant 32 : i32
      %scan3A_1902 = arith.addi %scan3A_1900, %scan3A_1901 : i32
      %scan3A_1903 = arith.constant 1 : i32
      scf.for %scan3A_1905 = %scan3A_1900 to %scan3A_1902 step %scan3A_1903  : i32 {
        %mul3A_1906 = arith.constant 16 : i32
        %mul3A_1907 = arith.muli %scan3A_1905, %mul3A_1906 : i32
        %iota3A_1908 = tpu.iota {dimensions = array<i32: 0>} : vector<16xi32>
        %add3A_1909 = vector.broadcast %mul3A_1907 : i32 to vector<16xi32>
        %add3A_1910 = arith.addi %iota3A_1908, %add3A_1909 : vector<16xi32>
        %gather3A = tpu.vector_load_idx %arg18[%broadcast_in_dim3A_1850, %broadcast_in_dim3A_1898, %add3A_1910] : memref<3x4x512xf32, #tpu.memory_space<vmem>>[vector<16xi32>, vector<16xi32>, vector<16xi32>], vector<16xf32>,
        %gather3A_1911 = tpu.vector_load_idx %arg19[%broadcast_in_dim3A_1861, %broadcast_in_dim3A_1898, %add3A_1910] : memref<2x4x512xf32, #tpu.memory_space<vmem>>[vector<16xi32>, vector<16xi32>, vector<16xi32>], vector<16xf32>,
        %add3A_1912 = arith.addf %gather3A, %gather3A_1911 : vector<16xf32>
        %gather3A_1913 = tpu.vector_load_idx %arg20[%broadcast_in_dim3A_1872, %broadcast_in_dim3A_1898, %add3A_1910] : memref<4x4x512xf32, #tpu.memory_space<vmem>>[vector<16xi32>, vector<16xi32>, vector<16xi32>], vector<16xf32>,
        %add3A_1914 = arith.addf %add3A_1912, %gather3A_1913 : vector<16xf32>
        %get3A_1915 = arith.constant 3 : i32
        %get3A_1916 = arith.index_cast %scan3A_1840 : i32 to index
        %get3A_1917 = arith.index_cast %get3A_1915 : i32 to index
        %get3A_1918 = arith.index_cast %mul3A_1907 : i32 to index
        %get3A_1919 = tpu.vector_load %arg21[%get3A_1916, %get3A_1917, %get3A_1918] {strides = array<i32>} : memref<8x4x512xf32, #tpu.memory_space<vmem>>, vector<16xf32>,
        %add3A_1920 = arith.addf %get3A_1919, %add3A_1914 : vector<16xf32>
        %swap3A_1921 = arith.constant 3 : i32
        %swap3A_1922 = arith.index_cast %swap3A_1921 : i32 to index
        %swap3A_1923 = arith.index_cast %scan3A_1840 : i32 to index
        %swap3A_1924 = arith.index_cast %mul3A_1907 : i32 to index
        %swap3A_1925 = tpu.vector_load %arg23[%swap3A_1922, %swap3A_1923, %swap3A_1924] {strides = array<i32>} : memref<4x8x512xf32, #tpu.memory_space<vmem>>, vector<16xf32>,
        tpu.vector_store %arg23[%swap3A_1922, %swap3A_1923, %swap3A_1924], %add3A_1920 {strides = array<i32>} : memref<4x8x512xf32, #tpu.memory_space<vmem>>, vector<16xf32>,
      }
      %scan3A_1904 = arith.constant 32 : i32
    }
    %scan3A_436 = arith.constant 8 : i32
    %add3A_437 = arith.constant 0 : i32
    %add3A_438 = arith.addi %mul3A_2, %add3A_437 : i32
    %dma_start3A_439 = arith.constant 0 : i32
    %dma_start3A_440 = arith.constant 9 : i32
    %dma_start3A_441 = arith.constant 0 : i32
    %dma_start3A_442 = arith.constant 0 : i32
    %dma_start3A_443 = tpu.memref_slice %arg23[%dma_start3A_439, %dma_start3A_441, %dma_start3A_442] : memref<4x8x512xf32, #tpu.memory_space<vmem>> -> memref<1x8x512xf32, #tpu.memory_space<vmem>>
    %dma_start3A_444 = tpu.memref_squeeze %dma_start3A_443 : memref<1x8x512xf32, #tpu.memory_space<vmem>> -> memref<8x512xf32, #tpu.memory_space<vmem>>
    %dma_start3A_445 = arith.constant 0 : i32
    %dma_start3A_446 = tpu.memref_slice %arg12[%dma_start3A_440, %add3A_438, %dma_start3A_445] : memref<77x1024x512xf32, #tpu.memory_space<hbm>> -> memref<1x8x512xf32, #tpu.memory_space<hbm>>
    %dma_start3A_447 = tpu.memref_squeeze %dma_start3A_446 : memref<1x8x512xf32, #tpu.memory_space<hbm>> -> memref<8x512xf32, #tpu.memory_space<hbm>>
    %dma_start3A_448 = arith.constant 0 : i32
    %dma_start3A_449 = tpu.memref_slice %arg12[%dma_start3A_440, %add3A_438, %dma_start3A_448] : memref<77x1024x512xf32, #tpu.memory_space<hbm>> -> memref<1x8x512xf32, #tpu.memory_space<hbm>>
    %dma_start3A_450 = tpu.memref_squeeze %dma_start3A_449 : memref<1x8x512xf32, #tpu.memory_space<hbm>> -> memref<8x512xf32, #tpu.memory_space<hbm>>
    %dma_start3A_451 = arith.constant 0 : i32
    %dma_start3A_452 = arith.constant 0 : i32
    %dma_start3A_453 = tpu.memref_slice %arg23[%dma_start3A_439, %dma_start3A_451, %dma_start3A_452] : memref<4x8x512xf32, #tpu.memory_space<vmem>> -> memref<1x8x512xf32, #tpu.memory_space<vmem>>
    %dma_start3A_454 = tpu.memref_squeeze %dma_start3A_453 : memref<1x8x512xf32, #tpu.memory_space<vmem>> -> memref<8x512xf32, #tpu.memory_space<vmem>>
    tpu.enqueue_dma source(%dma_start3A_454 : memref<8x512xf32, #tpu.memory_space<vmem>>) target(%dma_start3A_450 : memref<8x512xf32, #tpu.memory_space<hbm>>) target_semaphore(%arg28 : memref<!tpu.dma_semaphore, #tpu.memory_space<semaphore_mem>>)
    %dma_start3A_455 = arith.constant 1 : i32
    %dma_start3A_456 = arith.constant 10 : i32
    %dma_start3A_457 = arith.constant 0 : i32
    %dma_start3A_458 = arith.constant 0 : i32
    %dma_start3A_459 = tpu.memref_slice %arg23[%dma_start3A_455, %dma_start3A_457, %dma_start3A_458] : memref<4x8x512xf32, #tpu.memory_space<vmem>> -> memref<1x8x512xf32, #tpu.memory_space<vmem>>
    %dma_start3A_460 = tpu.memref_squeeze %dma_start3A_459 : memref<1x8x512xf32, #tpu.memory_space<vmem>> -> memref<8x512xf32, #tpu.memory_space<vmem>>
    %dma_start3A_461 = arith.constant 0 : i32
    %dma_start3A_462 = tpu.memref_slice %arg12[%dma_start3A_456, %add3A_438, %dma_start3A_461] : memref<77x1024x512xf32, #tpu.memory_space<hbm>> -> memref<1x8x512xf32, #tpu.memory_space<hbm>>
    %dma_start3A_463 = tpu.memref_squeeze %dma_start3A_462 : memref<1x8x512xf32, #tpu.memory_space<hbm>> -> memref<8x512xf32, #tpu.memory_space<hbm>>
    %dma_start3A_464 = arith.constant 0 : i32
    %dma_start3A_465 = tpu.memref_slice %arg12[%dma_start3A_456, %add3A_438, %dma_start3A_464] : memref<77x1024x512xf32, #tpu.memory_space<hbm>> -> memref<1x8x512xf32, #tpu.memory_space<hbm>>
    %dma_start3A_466 = tpu.memref_squeeze %dma_start3A_465 : memref<1x8x512xf32, #tpu.memory_space<hbm>> -> memref<8x512xf32, #tpu.memory_space<hbm>>
    %dma_start3A_467 = arith.constant 0 : i32
    %dma_start3A_468 = arith.constant 0 : i32
    %dma_start3A_469 = tpu.memref_slice %arg23[%dma_start3A_455, %dma_start3A_467, %dma_start3A_468] : memref<4x8x512xf32, #tpu.memory_space<vmem>> -> memref<1x8x512xf32, #tpu.memory_space<vmem>>
    %dma_start3A_470 = tpu.memref_squeeze %dma_start3A_469 : memref<1x8x512xf32, #tpu.memory_space<vmem>> -> memref<8x512xf32, #tpu.memory_space<vmem>>
    tpu.enqueue_dma source(%dma_start3A_470 : memref<8x512xf32, #tpu.memory_space<vmem>>) target(%dma_start3A_466 : memref<8x512xf32, #tpu.memory_space<hbm>>) target_semaphore(%arg28 : memref<!tpu.dma_semaphore, #tpu.memory_space<semaphore_mem>>)
    %dma_start3A_471 = arith.constant 2 : i32
    %dma_start3A_472 = arith.constant 11 : i32
    %dma_start3A_473 = arith.constant 0 : i32
    %dma_start3A_474 = arith.constant 0 : i32
    %dma_start3A_475 = tpu.memref_slice %arg23[%dma_start3A_471, %dma_start3A_473, %dma_start3A_474] : memref<4x8x512xf32, #tpu.memory_space<vmem>> -> memref<1x8x512xf32, #tpu.memory_space<vmem>>
    %dma_start3A_476 = tpu.memref_squeeze %dma_start3A_475 : memref<1x8x512xf32, #tpu.memory_space<vmem>> -> memref<8x512xf32, #tpu.memory_space<vmem>>
    %dma_start3A_477 = arith.constant 0 : i32
    %dma_start3A_478 = tpu.memref_slice %arg12[%dma_start3A_472, %add3A_438, %dma_start3A_477] : memref<77x1024x512xf32, #tpu.memory_space<hbm>> -> memref<1x8x512xf32, #tpu.memory_space<hbm>>
    %dma_start3A_479 = tpu.memref_squeeze %dma_start3A_478 : memref<1x8x512xf32, #tpu.memory_space<hbm>> -> memref<8x512xf32, #tpu.memory_space<hbm>>
    %dma_start3A_480 = arith.constant 0 : i32
    %dma_start3A_481 = tpu.memref_slice %arg12[%dma_start3A_472, %add3A_438, %dma_start3A_480] : memref<77x1024x512xf32, #tpu.memory_space<hbm>> -> memref<1x8x512xf32, #tpu.memory_space<hbm>>
    %dma_start3A_482 = tpu.memref_squeeze %dma_start3A_481 : memref<1x8x512xf32, #tpu.memory_space<hbm>> -> memref<8x512xf32, #tpu.memory_space<hbm>>
    %dma_start3A_483 = arith.constant 0 : i32
    %dma_start3A_484 = arith.constant 0 : i32
    %dma_start3A_485 = tpu.memref_slice %arg23[%dma_start3A_471, %dma_start3A_483, %dma_start3A_484] : memref<4x8x512xf32, #tpu.memory_space<vmem>> -> memref<1x8x512xf32, #tpu.memory_space<vmem>>
    %dma_start3A_486 = tpu.memref_squeeze %dma_start3A_485 : memref<1x8x512xf32, #tpu.memory_space<vmem>> -> memref<8x512xf32, #tpu.memory_space<vmem>>
    tpu.enqueue_dma source(%dma_start3A_486 : memref<8x512xf32, #tpu.memory_space<vmem>>) target(%dma_start3A_482 : memref<8x512xf32, #tpu.memory_space<hbm>>) target_semaphore(%arg28 : memref<!tpu.dma_semaphore, #tpu.memory_space<semaphore_mem>>)
    %dma_start3A_487 = arith.constant 3 : i32
    %dma_start3A_488 = arith.constant 12 : i32
    %dma_start3A_489 = arith.constant 0 : i32
    %dma_start3A_490 = arith.constant 0 : i32
    %dma_start3A_491 = tpu.memref_slice %arg23[%dma_start3A_487, %dma_start3A_489, %dma_start3A_490] : memref<4x8x512xf32, #tpu.memory_space<vmem>> -> memref<1x8x512xf32, #tpu.memory_space<vmem>>
    %dma_start3A_492 = tpu.memref_squeeze %dma_start3A_491 : memref<1x8x512xf32, #tpu.memory_space<vmem>> -> memref<8x512xf32, #tpu.memory_space<vmem>>
    %dma_start3A_493 = arith.constant 0 : i32
    %dma_start3A_494 = tpu.memref_slice %arg12[%dma_start3A_488, %add3A_438, %dma_start3A_493] : memref<77x1024x512xf32, #tpu.memory_space<hbm>> -> memref<1x8x512xf32, #tpu.memory_space<hbm>>
    %dma_start3A_495 = tpu.memref_squeeze %dma_start3A_494 : memref<1x8x512xf32, #tpu.memory_space<hbm>> -> memref<8x512xf32, #tpu.memory_space<hbm>>
    %dma_start3A_496 = arith.constant 0 : i32
    %dma_start3A_497 = tpu.memref_slice %arg12[%dma_start3A_488, %add3A_438, %dma_start3A_496] : memref<77x1024x512xf32, #tpu.memory_space<hbm>> -> memref<1x8x512xf32, #tpu.memory_space<hbm>>
    %dma_start3A_498 = tpu.memref_squeeze %dma_start3A_497 : memref<1x8x512xf32, #tpu.memory_space<hbm>> -> memref<8x512xf32, #tpu.memory_space<hbm>>
    %dma_start3A_499 = arith.constant 0 : i32
    %dma_start3A_500 = arith.constant 0 : i32
    %dma_start3A_501 = tpu.memref_slice %arg23[%dma_start3A_487, %dma_start3A_499, %dma_start3A_500] : memref<4x8x512xf32, #tpu.memory_space<vmem>> -> memref<1x8x512xf32, #tpu.memory_space<vmem>>
    %dma_start3A_502 = tpu.memref_squeeze %dma_start3A_501 : memref<1x8x512xf32, #tpu.memory_space<vmem>> -> memref<8x512xf32, #tpu.memory_space<vmem>>
    tpu.enqueue_dma source(%dma_start3A_502 : memref<8x512xf32, #tpu.memory_space<vmem>>) target(%dma_start3A_498 : memref<8x512xf32, #tpu.memory_space<hbm>>) target_semaphore(%arg28 : memref<!tpu.dma_semaphore, #tpu.memory_space<semaphore_mem>>)
    %dma_wait3A_503 = arith.constant 0 : i32
    %dma_wait3A_504 = tpu.memref_slice %arg12[%add3A_31, %add3A_197, %dma_wait3A_503] : memref<77x1024x512xf32, #tpu.memory_space<hbm>> -> memref<1x32x512xf32, #tpu.memory_space<hbm>>
    %dma_wait3A_505 = tpu.memref_squeeze %dma_wait3A_504 : memref<1x32x512xf32, #tpu.memory_space<hbm>> -> memref<32x512xf32, #tpu.memory_space<hbm>>
    %dma_wait3A_506 = arith.constant 0 : i32
    %dma_wait3A_507 = tpu.memref_slice %arg12[%add3A_31, %add3A_197, %dma_wait3A_506] : memref<77x1024x512xf32, #tpu.memory_space<hbm>> -> memref<1x32x512xf32, #tpu.memory_space<hbm>>
    %dma_wait3A_508 = tpu.memref_squeeze %dma_wait3A_507 : memref<1x32x512xf32, #tpu.memory_space<hbm>> -> memref<32x512xf32, #tpu.memory_space<hbm>>
    tpu.wait_dma2 semaphore(%arg29 : memref<!tpu.dma_semaphore, #tpu.memory_space<semaphore_mem>>) src(%arg24 : memref<32x512xf32, #tpu.memory_space<vmem>>) dst(%dma_wait3A_508 : memref<32x512xf32, #tpu.memory_space<hbm>>)
    %dma_wait3A_509 = arith.constant 0 : i32
    %dma_wait3A_510 = tpu.memref_slice %arg12[%add3A_31, %add3A_197, %dma_wait3A_509] : memref<77x1024x512xf32, #tpu.memory_space<hbm>> -> memref<1x32x512xf32, #tpu.memory_space<hbm>>
    %dma_wait3A_511 = tpu.memref_squeeze %dma_wait3A_510 : memref<1x32x512xf32, #tpu.memory_space<hbm>> -> memref<32x512xf32, #tpu.memory_space<hbm>>
    %dma_wait3A_512 = arith.constant 0 : i32
    %dma_wait3A_513 = tpu.memref_slice %arg12[%add3A_31, %add3A_197, %dma_wait3A_512] : memref<77x1024x512xf32, #tpu.memory_space<hbm>> -> memref<1x32x512xf32, #tpu.memory_space<hbm>>
    %dma_wait3A_514 = tpu.memref_squeeze %dma_wait3A_513 : memref<1x32x512xf32, #tpu.memory_space<hbm>> -> memref<32x512xf32, #tpu.memory_space<hbm>>
    tpu.wait_dma2 semaphore(%arg29 : memref<!tpu.dma_semaphore, #tpu.memory_space<semaphore_mem>>) src(%arg24 : memref<32x512xf32, #tpu.memory_space<vmem>>) dst(%dma_wait3A_514 : memref<32x512xf32, #tpu.memory_space<hbm>>)
    %dma_wait3A_515 = arith.constant 0 : i32
    %dma_wait3A_516 = tpu.memref_slice %arg12[%add3A_31, %add3A_197, %dma_wait3A_515] : memref<77x1024x512xf32, #tpu.memory_space<hbm>> -> memref<1x32x512xf32, #tpu.memory_space<hbm>>
    %dma_wait3A_517 = tpu.memref_squeeze %dma_wait3A_516 : memref<1x32x512xf32, #tpu.memory_space<hbm>> -> memref<32x512xf32, #tpu.memory_space<hbm>>
    %dma_wait3A_518 = arith.constant 0 : i32
    %dma_wait3A_519 = tpu.memref_slice %arg12[%add3A_31, %add3A_197, %dma_wait3A_518] : memref<77x1024x512xf32, #tpu.memory_space<hbm>> -> memref<1x32x512xf32, #tpu.memory_space<hbm>>
    %dma_wait3A_520 = tpu.memref_squeeze %dma_wait3A_519 : memref<1x32x512xf32, #tpu.memory_space<hbm>> -> memref<32x512xf32, #tpu.memory_space<hbm>>
    tpu.wait_dma2 semaphore(%arg29 : memref<!tpu.dma_semaphore, #tpu.memory_space<semaphore_mem>>) src(%arg24 : memref<32x512xf32, #tpu.memory_space<vmem>>) dst(%dma_wait3A_520 : memref<32x512xf32, #tpu.memory_space<hbm>>)
    %dma_wait3A_521 = arith.constant 0 : i32
    %dma_wait3A_522 = tpu.memref_slice %arg12[%add3A_31, %add3A_197, %dma_wait3A_521] : memref<77x1024x512xf32, #tpu.memory_space<hbm>> -> memref<1x32x512xf32, #tpu.memory_space<hbm>>
    %dma_wait3A_523 = tpu.memref_squeeze %dma_wait3A_522 : memref<1x32x512xf32, #tpu.memory_space<hbm>> -> memref<32x512xf32, #tpu.memory_space<hbm>>
    %dma_wait3A_524 = arith.constant 0 : i32
    %dma_wait3A_525 = tpu.memref_slice %arg12[%add3A_31, %add3A_197, %dma_wait3A_524] : memref<77x1024x512xf32, #tpu.memory_space<hbm>> -> memref<1x32x512xf32, #tpu.memory_space<hbm>>
    %dma_wait3A_526 = tpu.memref_squeeze %dma_wait3A_525 : memref<1x32x512xf32, #tpu.memory_space<hbm>> -> memref<32x512xf32, #tpu.memory_space<hbm>>
    tpu.wait_dma2 semaphore(%arg29 : memref<!tpu.dma_semaphore, #tpu.memory_space<semaphore_mem>>) src(%arg24 : memref<32x512xf32, #tpu.memory_space<vmem>>) dst(%dma_wait3A_526 : memref<32x512xf32, #tpu.memory_space<hbm>>)
    %dma_wait3A_527 = arith.constant 0 : i32
    %dma_wait3A_528 = tpu.memref_slice %arg12[%add3A_31, %add3A_197, %dma_wait3A_527] : memref<77x1024x512xf32, #tpu.memory_space<hbm>> -> memref<1x32x512xf32, #tpu.memory_space<hbm>>
    %dma_wait3A_529 = tpu.memref_squeeze %dma_wait3A_528 : memref<1x32x512xf32, #tpu.memory_space<hbm>> -> memref<32x512xf32, #tpu.memory_space<hbm>>
    %dma_wait3A_530 = arith.constant 0 : i32
    %dma_wait3A_531 = tpu.memref_slice %arg12[%add3A_31, %add3A_197, %dma_wait3A_530] : memref<77x1024x512xf32, #tpu.memory_space<hbm>> -> memref<1x32x512xf32, #tpu.memory_space<hbm>>
    %dma_wait3A_532 = tpu.memref_squeeze %dma_wait3A_531 : memref<1x32x512xf32, #tpu.memory_space<hbm>> -> memref<32x512xf32, #tpu.memory_space<hbm>>
    tpu.wait_dma2 semaphore(%arg29 : memref<!tpu.dma_semaphore, #tpu.memory_space<semaphore_mem>>) src(%arg24 : memref<32x512xf32, #tpu.memory_space<vmem>>) dst(%dma_wait3A_532 : memref<32x512xf32, #tpu.memory_space<hbm>>)
    %dma_wait3A_533 = arith.constant 0 : i32
    %dma_wait3A_534 = tpu.memref_slice %arg12[%add3A_31, %add3A_197, %dma_wait3A_533] : memref<77x1024x512xf32, #tpu.memory_space<hbm>> -> memref<1x32x512xf32, #tpu.memory_space<hbm>>
    %dma_wait3A_535 = tpu.memref_squeeze %dma_wait3A_534 : memref<1x32x512xf32, #tpu.memory_space<hbm>> -> memref<32x512xf32, #tpu.memory_space<hbm>>
    %dma_wait3A_536 = arith.constant 0 : i32
    %dma_wait3A_537 = tpu.memref_slice %arg12[%add3A_31, %add3A_197, %dma_wait3A_536] : memref<77x1024x512xf32, #tpu.memory_space<hbm>> -> memref<1x32x512xf32, #tpu.memory_space<hbm>>
    %dma_wait3A_538 = tpu.memref_squeeze %dma_wait3A_537 : memref<1x32x512xf32, #tpu.memory_space<hbm>> -> memref<32x512xf32, #tpu.memory_space<hbm>>
    tpu.wait_dma2 semaphore(%arg29 : memref<!tpu.dma_semaphore, #tpu.memory_space<semaphore_mem>>) src(%arg24 : memref<32x512xf32, #tpu.memory_space<vmem>>) dst(%dma_wait3A_538 : memref<32x512xf32, #tpu.memory_space<hbm>>)
    %dma_wait3A_539 = arith.constant 0 : i32
    %dma_wait3A_540 = tpu.memref_slice %arg12[%add3A_31, %add3A_197, %dma_wait3A_539] : memref<77x1024x512xf32, #tpu.memory_space<hbm>> -> memref<1x32x512xf32, #tpu.memory_space<hbm>>
    %dma_wait3A_541 = tpu.memref_squeeze %dma_wait3A_540 : memref<1x32x512xf32, #tpu.memory_space<hbm>> -> memref<32x512xf32, #tpu.memory_space<hbm>>
    %dma_wait3A_542 = arith.constant 0 : i32
    %dma_wait3A_543 = tpu.memref_slice %arg12[%add3A_31, %add3A_197, %dma_wait3A_542] : memref<77x1024x512xf32, #tpu.memory_space<hbm>> -> memref<1x32x512xf32, #tpu.memory_space<hbm>>
    %dma_wait3A_544 = tpu.memref_squeeze %dma_wait3A_543 : memref<1x32x512xf32, #tpu.memory_space<hbm>> -> memref<32x512xf32, #tpu.memory_space<hbm>>
    tpu.wait_dma2 semaphore(%arg29 : memref<!tpu.dma_semaphore, #tpu.memory_space<semaphore_mem>>) src(%arg24 : memref<32x512xf32, #tpu.memory_space<vmem>>) dst(%dma_wait3A_544 : memref<32x512xf32, #tpu.memory_space<hbm>>)
    %dma_wait3A_545 = arith.constant 0 : i32
    %dma_wait3A_546 = tpu.memref_slice %arg12[%add3A_31, %add3A_197, %dma_wait3A_545] : memref<77x1024x512xf32, #tpu.memory_space<hbm>> -> memref<1x32x512xf32, #tpu.memory_space<hbm>>
    %dma_wait3A_547 = tpu.memref_squeeze %dma_wait3A_546 : memref<1x32x512xf32, #tpu.memory_space<hbm>> -> memref<32x512xf32, #tpu.memory_space<hbm>>
    %dma_wait3A_548 = arith.constant 0 : i32
    %dma_wait3A_549 = tpu.memref_slice %arg12[%add3A_31, %add3A_197, %dma_wait3A_548] : memref<77x1024x512xf32, #tpu.memory_space<hbm>> -> memref<1x32x512xf32, #tpu.memory_space<hbm>>
    %dma_wait3A_550 = tpu.memref_squeeze %dma_wait3A_549 : memref<1x32x512xf32, #tpu.memory_space<hbm>> -> memref<32x512xf32, #tpu.memory_space<hbm>>
    tpu.wait_dma2 semaphore(%arg29 : memref<!tpu.dma_semaphore, #tpu.memory_space<semaphore_mem>>) src(%arg24 : memref<32x512xf32, #tpu.memory_space<vmem>>) dst(%dma_wait3A_550 : memref<32x512xf32, #tpu.memory_space<hbm>>)
    %dma_wait3A_551 = arith.constant 0 : i32
    %dma_wait3A_552 = tpu.memref_slice %arg12[%add3A_31, %add3A_197, %dma_wait3A_551] : memref<77x1024x512xf32, #tpu.memory_space<hbm>> -> memref<1x32x512xf32, #tpu.memory_space<hbm>>
    %dma_wait3A_553 = tpu.memref_squeeze %dma_wait3A_552 : memref<1x32x512xf32, #tpu.memory_space<hbm>> -> memref<32x512xf32, #tpu.memory_space<hbm>>
    %dma_wait3A_554 = arith.constant 0 : i32
    %dma_wait3A_555 = tpu.memref_slice %arg12[%add3A_31, %add3A_197, %dma_wait3A_554] : memref<77x1024x512xf32, #tpu.memory_space<hbm>> -> memref<1x32x512xf32, #tpu.memory_space<hbm>>
    %dma_wait3A_556 = tpu.memref_squeeze %dma_wait3A_555 : memref<1x32x512xf32, #tpu.memory_space<hbm>> -> memref<32x512xf32, #tpu.memory_space<hbm>>
    tpu.wait_dma2 semaphore(%arg29 : memref<!tpu.dma_semaphore, #tpu.memory_space<semaphore_mem>>) src(%arg24 : memref<32x512xf32, #tpu.memory_space<vmem>>) dst(%dma_wait3A_556 : memref<32x512xf32, #tpu.memory_space<hbm>>)
    %dma_wait3A_557 = arith.constant 0 : i32
    %dma_wait3A_558 = tpu.memref_slice %arg12[%add3A_31, %add3A_197, %dma_wait3A_557] : memref<77x1024x512xf32, #tpu.memory_space<hbm>> -> memref<1x32x512xf32, #tpu.memory_space<hbm>>
    %dma_wait3A_559 = tpu.memref_squeeze %dma_wait3A_558 : memref<1x32x512xf32, #tpu.memory_space<hbm>> -> memref<32x512xf32, #tpu.memory_space<hbm>>
    %dma_wait3A_560 = arith.constant 0 : i32
    %dma_wait3A_561 = tpu.memref_slice %arg12[%add3A_31, %add3A_197, %dma_wait3A_560] : memref<77x1024x512xf32, #tpu.memory_space<hbm>> -> memref<1x32x512xf32, #tpu.memory_space<hbm>>
    %dma_wait3A_562 = tpu.memref_squeeze %dma_wait3A_561 : memref<1x32x512xf32, #tpu.memory_space<hbm>> -> memref<32x512xf32, #tpu.memory_space<hbm>>
    tpu.wait_dma2 semaphore(%arg29 : memref<!tpu.dma_semaphore, #tpu.memory_space<semaphore_mem>>) src(%arg24 : memref<32x512xf32, #tpu.memory_space<vmem>>) dst(%dma_wait3A_562 : memref<32x512xf32, #tpu.memory_space<hbm>>)
    %dma_wait3A_563 = arith.constant 0 : i32
    %dma_wait3A_564 = tpu.memref_slice %arg12[%add3A_31, %add3A_197, %dma_wait3A_563] : memref<77x1024x512xf32, #tpu.memory_space<hbm>> -> memref<1x32x512xf32, #tpu.memory_space<hbm>>
    %dma_wait3A_565 = tpu.memref_squeeze %dma_wait3A_564 : memref<1x32x512xf32, #tpu.memory_space<hbm>> -> memref<32x512xf32, #tpu.memory_space<hbm>>
    %dma_wait3A_566 = arith.constant 0 : i32
    %dma_wait3A_567 = tpu.memref_slice %arg12[%add3A_31, %add3A_197, %dma_wait3A_566] : memref<77x1024x512xf32, #tpu.memory_space<hbm>> -> memref<1x32x512xf32, #tpu.memory_space<hbm>>
    %dma_wait3A_568 = tpu.memref_squeeze %dma_wait3A_567 : memref<1x32x512xf32, #tpu.memory_space<hbm>> -> memref<32x512xf32, #tpu.memory_space<hbm>>
    tpu.wait_dma2 semaphore(%arg29 : memref<!tpu.dma_semaphore, #tpu.memory_space<semaphore_mem>>) src(%arg24 : memref<32x512xf32, #tpu.memory_space<vmem>>) dst(%dma_wait3A_568 : memref<32x512xf32, #tpu.memory_space<hbm>>)
    %dma_wait3A_569 = arith.constant 0 : i32
    %dma_wait3A_570 = tpu.memref_slice %arg12[%add3A_31, %add3A_197, %dma_wait3A_569] : memref<77x1024x512xf32, #tpu.memory_space<hbm>> -> memref<1x32x512xf32, #tpu.memory_space<hbm>>
    %dma_wait3A_571 = tpu.memref_squeeze %dma_wait3A_570 : memref<1x32x512xf32, #tpu.memory_space<hbm>> -> memref<32x512xf32, #tpu.memory_space<hbm>>
    %dma_wait3A_572 = arith.constant 0 : i32
    %dma_wait3A_573 = tpu.memref_slice %arg12[%add3A_31, %add3A_197, %dma_wait3A_572] : memref<77x1024x512xf32, #tpu.memory_space<hbm>> -> memref<1x32x512xf32, #tpu.memory_space<hbm>>
    %dma_wait3A_574 = tpu.memref_squeeze %dma_wait3A_573 : memref<1x32x512xf32, #tpu.memory_space<hbm>> -> memref<32x512xf32, #tpu.memory_space<hbm>>
    tpu.wait_dma2 semaphore(%arg29 : memref<!tpu.dma_semaphore, #tpu.memory_space<semaphore_mem>>) src(%arg24 : memref<32x512xf32, #tpu.memory_space<vmem>>) dst(%dma_wait3A_574 : memref<32x512xf32, #tpu.memory_space<hbm>>)
    %dma_wait3A_575 = arith.constant 0 : i32
    %dma_wait3A_576 = tpu.memref_slice %arg12[%add3A_31, %add3A_197, %dma_wait3A_575] : memref<77x1024x512xf32, #tpu.memory_space<hbm>> -> memref<1x32x512xf32, #tpu.memory_space<hbm>>
    %dma_wait3A_577 = tpu.memref_squeeze %dma_wait3A_576 : memref<1x32x512xf32, #tpu.memory_space<hbm>> -> memref<32x512xf32, #tpu.memory_space<hbm>>
    %dma_wait3A_578 = arith.constant 0 : i32
    %dma_wait3A_579 = tpu.memref_slice %arg12[%add3A_31, %add3A_197, %dma_wait3A_578] : memref<77x1024x512xf32, #tpu.memory_space<hbm>> -> memref<1x32x512xf32, #tpu.memory_space<hbm>>
    %dma_wait3A_580 = tpu.memref_squeeze %dma_wait3A_579 : memref<1x32x512xf32, #tpu.memory_space<hbm>> -> memref<32x512xf32, #tpu.memory_space<hbm>>
    tpu.wait_dma2 semaphore(%arg29 : memref<!tpu.dma_semaphore, #tpu.memory_space<semaphore_mem>>) src(%arg24 : memref<32x512xf32, #tpu.memory_space<vmem>>) dst(%dma_wait3A_580 : memref<32x512xf32, #tpu.memory_space<hbm>>)
    %dma_wait3A_581 = arith.constant 0 : i32
    %dma_wait3A_582 = tpu.memref_slice %arg12[%add3A_31, %add3A_197, %dma_wait3A_581] : memref<77x1024x512xf32, #tpu.memory_space<hbm>> -> memref<1x32x512xf32, #tpu.memory_space<hbm>>
    %dma_wait3A_583 = tpu.memref_squeeze %dma_wait3A_582 : memref<1x32x512xf32, #tpu.memory_space<hbm>> -> memref<32x512xf32, #tpu.memory_space<hbm>>
    %dma_wait3A_584 = arith.constant 0 : i32
    %dma_wait3A_585 = tpu.memref_slice %arg12[%add3A_31, %add3A_197, %dma_wait3A_584] : memref<77x1024x512xf32, #tpu.memory_space<hbm>> -> memref<1x32x512xf32, #tpu.memory_space<hbm>>
    %dma_wait3A_586 = tpu.memref_squeeze %dma_wait3A_585 : memref<1x32x512xf32, #tpu.memory_space<hbm>> -> memref<32x512xf32, #tpu.memory_space<hbm>>
    tpu.wait_dma2 semaphore(%arg29 : memref<!tpu.dma_semaphore, #tpu.memory_space<semaphore_mem>>) src(%arg24 : memref<32x512xf32, #tpu.memory_space<vmem>>) dst(%dma_wait3A_586 : memref<32x512xf32, #tpu.memory_space<hbm>>)
    %dma_wait3A_587 = arith.constant 0 : i32
    %dma_wait3A_588 = tpu.memref_slice %arg12[%add3A_31, %add3A_197, %dma_wait3A_587] : memref<77x1024x512xf32, #tpu.memory_space<hbm>> -> memref<1x32x512xf32, #tpu.memory_space<hbm>>
    %dma_wait3A_589 = tpu.memref_squeeze %dma_wait3A_588 : memref<1x32x512xf32, #tpu.memory_space<hbm>> -> memref<32x512xf32, #tpu.memory_space<hbm>>
    %dma_wait3A_590 = arith.constant 0 : i32
    %dma_wait3A_591 = tpu.memref_slice %arg12[%add3A_31, %add3A_197, %dma_wait3A_590] : memref<77x1024x512xf32, #tpu.memory_space<hbm>> -> memref<1x32x512xf32, #tpu.memory_space<hbm>>
    %dma_wait3A_592 = tpu.memref_squeeze %dma_wait3A_591 : memref<1x32x512xf32, #tpu.memory_space<hbm>> -> memref<32x512xf32, #tpu.memory_space<hbm>>
    tpu.wait_dma2 semaphore(%arg29 : memref<!tpu.dma_semaphore, #tpu.memory_space<semaphore_mem>>) src(%arg24 : memref<32x512xf32, #tpu.memory_space<vmem>>) dst(%dma_wait3A_592 : memref<32x512xf32, #tpu.memory_space<hbm>>)
    %dma_wait3A_593 = arith.constant 0 : i32
    %dma_wait3A_594 = tpu.memref_slice %arg12[%add3A_31, %add3A_197, %dma_wait3A_593] : memref<77x1024x512xf32, #tpu.memory_space<hbm>> -> memref<1x32x512xf32, #tpu.memory_space<hbm>>
    %dma_wait3A_595 = tpu.memref_squeeze %dma_wait3A_594 : memref<1x32x512xf32, #tpu.memory_space<hbm>> -> memref<32x512xf32, #tpu.memory_space<hbm>>
    %dma_wait3A_596 = arith.constant 0 : i32
    %dma_wait3A_597 = tpu.memref_slice %arg12[%add3A_31, %add3A_197, %dma_wait3A_596] : memref<77x1024x512xf32, #tpu.memory_space<hbm>> -> memref<1x32x512xf32, #tpu.memory_space<hbm>>
    %dma_wait3A_598 = tpu.memref_squeeze %dma_wait3A_597 : memref<1x32x512xf32, #tpu.memory_space<hbm>> -> memref<32x512xf32, #tpu.memory_space<hbm>>
    tpu.wait_dma2 semaphore(%arg29 : memref<!tpu.dma_semaphore, #tpu.memory_space<semaphore_mem>>) src(%arg24 : memref<32x512xf32, #tpu.memory_space<vmem>>) dst(%dma_wait3A_598 : memref<32x512xf32, #tpu.memory_space<hbm>>)
    %add3A_599 = arith.constant 64 : i32
    %add3A_600 = arith.addi %add3A, %add3A_599 : i32
    %jit3A_601 = arith.constant 2 : i32
    %div3A_602 = arith.divsi %add3A_600, %jit3A_601 : i32
    %sign3A_603 = arith.constant 0 : i32
    %sign3A_604 = arith.cmpi sgt, %add3A_600, %sign3A_603 : i32
    %sign3A_605 = arith.extui %sign3A_604 : i1 to i32
    %sign3A_606 = arith.constant 0 : i32
    %sign3A_607 = arith.cmpi slt, %add3A_600, %sign3A_606 : i32
    %sign3A_608 = arith.extui %sign3A_607 : i1 to i32
    %sign3A_609 = arith.subi %sign3A_605, %sign3A_608 : i32
    %sign3A_610 = arith.constant 0 : i32
    %sign3A_611 = arith.cmpi sgt, %jit3A_601, %sign3A_610 : i32
    %sign3A_612 = arith.extui %sign3A_611 : i1 to i32
    %sign3A_613 = arith.constant 0 : i32
    %sign3A_614 = arith.cmpi slt, %jit3A_601, %sign3A_613 : i32
    %sign3A_615 = arith.extui %sign3A_614 : i1 to i32
    %sign3A_616 = arith.subi %sign3A_612, %sign3A_615 : i32
    %ne3A_617 = arith.cmpi ne, %sign3A_609, %sign3A_616 : i32
    %rem3A_618 = arith.remsi %add3A_600, %jit3A_601 : i32
    %ne3A_619 = arith.constant 0 : i32
    %ne3A_620 = arith.cmpi ne, %rem3A_618, %ne3A_619 : i32
    %and3A_621 = arith.andi %ne3A_617, %ne3A_620 : i1
    %sub3A_622 = arith.constant 1 : i32
    %sub3A_623 = arith.subi %div3A_602, %sub3A_622 : i32
    %select_n3A_624 = arith.select %and3A_621, %sub3A_623, %div3A_602 : i32
    %mul3A_625 = arith.constant 2 : i32
    %mul3A_626 = arith.muli %mul3A_625, %select_n3A_624 : i32
    %sub3A_627 = arith.subi %add3A_600, %mul3A_626 : i32
    %ge3A_628 = arith.constant 9 : i32
    %ge3A_629 = arith.cmpi sge, %select_n3A_624, %ge3A_628 : i32
    %jit3A_630 = arith.constant 4 : i32
    %jit3A_631 = arith.constant 0 : i32
    %select_n3A_632 = arith.select %ge3A_629, %jit3A_630, %jit3A_631 : i32
    %add3A_633 = arith.addi %select_n3A_624, %select_n3A_632 : i32
    %jit3A_634 = arith.constant 9 : i32
    %jit3A_635 = arith.constant 0 : i32
    %select_n3A_636 = arith.select %ge3A_629, %jit3A_634, %jit3A_635 : i32
    %sub3A_637 = arith.subi %select_n3A_624, %select_n3A_636 : i32
    %broadcast_in_dim3A_638 = vector.broadcast %sub3A_637 : i32 to vector<16xi32>
    %swap3A_639 = arith.constant 0 : index
    %swap3A_640 = tpu.vector_load %arg17[%swap3A_639] {strides = array<i32>} : memref<32xi32, #tpu.memory_space<vmem>>, vector<16xi32>,
    tpu.vector_store %arg17[%swap3A_639], %broadcast_in_dim3A_638 {strides = array<i32>} : memref<32xi32, #tpu.memory_space<vmem>>, vector<16xi32>,
    %swap3A_641 = arith.constant 16 : index
    %swap3A_642 = tpu.vector_load %arg17[%swap3A_641] {strides = array<i32>} : memref<32xi32, #tpu.memory_space<vmem>>, vector<16xi32>,
    tpu.vector_store %arg17[%swap3A_641], %broadcast_in_dim3A_638 {strides = array<i32>} : memref<32xi32, #tpu.memory_space<vmem>>, vector<16xi32>,
    %not3A_643 = arith.constant true
    %not3A_644 = arith.xori %ge3A_629, %not3A_643 : i1
    %convert_element_type3A_645 = arith.extui %not3A_644 : i1 to i32
    %cond3A_646 = arith.constant 0 : i32
    %cond3A_647 = arith.cmpi ne, %convert_element_type3A_645, %cond3A_646 : i32
    scf.if %cond3A_647 {
      %dma_start3A_1840 = arith.constant 0 : i32
      %dma_start3A_1841 = arith.constant 0 : i32
      %dma_start3A_1842 = tpu.memref_slice %arg10[%dma_start3A_1840, %dma_start3A_1841] : memref<9x512xf32, #tpu.memory_space<hbm>> -> memref<9x512xf32, #tpu.memory_space<hbm>>
      tpu.enqueue_indirect_dma source(%dma_start3A_1842 : memref<9x512xf32, #tpu.memory_space<hbm>>) target(%arg24 : memref<32x512xf32, #tpu.memory_space<vmem>>) offsets(%arg17 : memref<32xi32, #tpu.memory_space<vmem>>) semaphore(%arg27 : memref<!tpu.dma_semaphore, #tpu.memory_space<semaphore_mem>>)
      %dma_wait3A_1843 = arith.constant 0 : i32
      %dma_wait3A_1844 = arith.constant 0 : i32
      %dma_wait3A_1845 = tpu.memref_slice %arg10[%dma_wait3A_1843, %dma_wait3A_1844] : memref<9x512xf32, #tpu.memory_space<hbm>> -> memref<9x512xf32, #tpu.memory_space<hbm>>
      tpu.wait_indirect_dma semaphore(%arg27 : memref<!tpu.dma_semaphore, #tpu.memory_space<semaphore_mem>>) src(%dma_wait3A_1845 : memref<9x512xf32, #tpu.memory_space<hbm>>) dst(%arg24 : memref<32x512xf32, #tpu.memory_space<vmem>>)
    } else {
    }
    %convert_element_type3A_648 = arith.extui %ge3A_629 : i1 to i32
    %cond3A_649 = arith.constant 0 : i32
    %cond3A_650 = arith.cmpi ne, %convert_element_type3A_648, %cond3A_649 : i32
    scf.if %cond3A_650 {
      %dma_start3A_1840 = arith.constant 0 : i32
      %dma_start3A_1841 = arith.constant 0 : i32
      %dma_start3A_1842 = tpu.memref_slice %arg11[%dma_start3A_1840, %dma_start3A_1841] : memref<64x512xf32, #tpu.memory_space<hbm>> -> memref<64x512xf32, #tpu.memory_space<hbm>>
      tpu.enqueue_indirect_dma source(%dma_start3A_1842 : memref<64x512xf32, #tpu.memory_space<hbm>>) target(%arg24 : memref<32x512xf32, #tpu.memory_space<vmem>>) offsets(%arg17 : memref<32xi32, #tpu.memory_space<vmem>>) semaphore(%arg27 : memref<!tpu.dma_semaphore, #tpu.memory_space<semaphore_mem>>)
      %dma_wait3A_1843 = arith.constant 0 : i32
      %dma_wait3A_1844 = arith.constant 0 : i32
      %dma_wait3A_1845 = tpu.memref_slice %arg11[%dma_wait3A_1843, %dma_wait3A_1844] : memref<64x512xf32, #tpu.memory_space<hbm>> -> memref<64x512xf32, #tpu.memory_space<hbm>>
      tpu.wait_indirect_dma semaphore(%arg27 : memref<!tpu.dma_semaphore, #tpu.memory_space<semaphore_mem>>) src(%dma_wait3A_1845 : memref<64x512xf32, #tpu.memory_space<hbm>>) dst(%arg24 : memref<32x512xf32, #tpu.memory_space<vmem>>)
    } else {
    }
    %mul3A_651 = arith.constant 512 : i32
    %mul3A_652 = arith.muli %sub3A_627, %mul3A_651 : i32
    %add3A_653 = arith.constant 0 : i32
    %add3A_654 = arith.addi %mul3A_652, %add3A_653 : i32
    %dma_start3A_655 = arith.constant 0 : i32
    %dma_start3A_656 = tpu.memref_slice %arg12[%add3A_633, %add3A_654, %dma_start3A_655] : memref<77x1024x512xf32, #tpu.memory_space<hbm>> -> memref<1x32x512xf32, #tpu.memory_space<hbm>>
    %dma_start3A_657 = tpu.memref_squeeze %dma_start3A_656 : memref<1x32x512xf32, #tpu.memory_space<hbm>> -> memref<32x512xf32, #tpu.memory_space<hbm>>
    %dma_start3A_658 = arith.constant 0 : i32
    %dma_start3A_659 = tpu.memref_slice %arg12[%add3A_633, %add3A_654, %dma_start3A_658] : memref<77x1024x512xf32, #tpu.memory_space<hbm>> -> memref<1x32x512xf32, #tpu.memory_space<hbm>>
    %dma_start3A_660 = tpu.memref_squeeze %dma_start3A_659 : memref<1x32x512xf32, #tpu.memory_space<hbm>> -> memref<32x512xf32, #tpu.memory_space<hbm>>
    tpu.enqueue_dma source(%arg24 : memref<32x512xf32, #tpu.memory_space<vmem>>) target(%dma_start3A_660 : memref<32x512xf32, #tpu.memory_space<hbm>>) target_semaphore(%arg29 : memref<!tpu.dma_semaphore, #tpu.memory_space<semaphore_mem>>)
    %mul3A_661 = arith.constant 512 : i32
    %mul3A_662 = arith.muli %sub3A_627, %mul3A_661 : i32
    %add3A_663 = arith.constant 32 : i32
    %add3A_664 = arith.addi %mul3A_662, %add3A_663 : i32
    %dma_start3A_665 = arith.constant 0 : i32
    %dma_start3A_666 = tpu.memref_slice %arg12[%add3A_633, %add3A_664, %dma_start3A_665] : memref<77x1024x512xf32, #tpu.memory_space<hbm>> -> memref<1x32x512xf32, #tpu.memory_space<hbm>>
    %dma_start3A_667 = tpu.memref_squeeze %dma_start3A_666 : memref<1x32x512xf32, #tpu.memory_space<hbm>> -> memref<32x512xf32, #tpu.memory_space<hbm>>
    %dma_start3A_668 = arith.constant 0 : i32
    %dma_start3A_669 = tpu.memref_slice %arg12[%add3A_633, %add3A_664, %dma_start3A_668] : memref<77x1024x512xf32, #tpu.memory_space<hbm>> -> memref<1x32x512xf32, #tpu.memory_space<hbm>>
    %dma_start3A_670 = tpu.memref_squeeze %dma_start3A_669 : memref<1x32x512xf32, #tpu.memory_space<hbm>> -> memref<32x512xf32, #tpu.memory_space<hbm>>
    tpu.enqueue_dma source(%arg24 : memref<32x512xf32, #tpu.memory_space<vmem>>) target(%dma_start3A_670 : memref<32x512xf32, #tpu.memory_space<hbm>>) target_semaphore(%arg29 : memref<!tpu.dma_semaphore, #tpu.memory_space<semaphore_mem>>)
    %mul3A_671 = arith.constant 512 : i32
    %mul3A_672 = arith.muli %sub3A_627, %mul3A_671 : i32
    %add3A_673 = arith.constant 64 : i32
    %add3A_674 = arith.addi %mul3A_672, %add3A_673 : i32
    %dma_start3A_675 = arith.constant 0 : i32
    %dma_start3A_676 = tpu.memref_slice %arg12[%add3A_633, %add3A_674, %dma_start3A_675] : memref<77x1024x512xf32, #tpu.memory_space<hbm>> -> memref<1x32x512xf32, #tpu.memory_space<hbm>>
    %dma_start3A_677 = tpu.memref_squeeze %dma_start3A_676 : memref<1x32x512xf32, #tpu.memory_space<hbm>> -> memref<32x512xf32, #tpu.memory_space<hbm>>
    %dma_start3A_678 = arith.constant 0 : i32
    %dma_start3A_679 = tpu.memref_slice %arg12[%add3A_633, %add3A_674, %dma_start3A_678] : memref<77x1024x512xf32, #tpu.memory_space<hbm>> -> memref<1x32x512xf32, #tpu.memory_space<hbm>>
    %dma_start3A_680 = tpu.memref_squeeze %dma_start3A_679 : memref<1x32x512xf32, #tpu.memory_space<hbm>> -> memref<32x512xf32, #tpu.memory_space<hbm>>
    tpu.enqueue_dma source(%arg24 : memref<32x512xf32, #tpu.memory_space<vmem>>) target(%dma_start3A_680 : memref<32x512xf32, #tpu.memory_space<hbm>>) target_semaphore(%arg29 : memref<!tpu.dma_semaphore, #tpu.memory_space<semaphore_mem>>)
    %mul3A_681 = arith.constant 512 : i32
    %mul3A_682 = arith.muli %sub3A_627, %mul3A_681 : i32
    %add3A_683 = arith.constant 96 : i32
    %add3A_684 = arith.addi %mul3A_682, %add3A_683 : i32
    %dma_start3A_685 = arith.constant 0 : i32
    %dma_start3A_686 = tpu.memref_slice %arg12[%add3A_633, %add3A_684, %dma_start3A_685] : memref<77x1024x512xf32, #tpu.memory_space<hbm>> -> memref<1x32x512xf32, #tpu.memory_space<hbm>>
    %dma_start3A_687 = tpu.memref_squeeze %dma_start3A_686 : memref<1x32x512xf32, #tpu.memory_space<hbm>> -> memref<32x512xf32, #tpu.memory_space<hbm>>
    %dma_start3A_688 = arith.constant 0 : i32
    %dma_start3A_689 = tpu.memref_slice %arg12[%add3A_633, %add3A_684, %dma_start3A_688] : memref<77x1024x512xf32, #tpu.memory_space<hbm>> -> memref<1x32x512xf32, #tpu.memory_space<hbm>>
    %dma_start3A_690 = tpu.memref_squeeze %dma_start3A_689 : memref<1x32x512xf32, #tpu.memory_space<hbm>> -> memref<32x512xf32, #tpu.memory_space<hbm>>
    tpu.enqueue_dma source(%arg24 : memref<32x512xf32, #tpu.memory_space<vmem>>) target(%dma_start3A_690 : memref<32x512xf32, #tpu.memory_space<hbm>>) target_semaphore(%arg29 : memref<!tpu.dma_semaphore, #tpu.memory_space<semaphore_mem>>)
    %mul3A_691 = arith.constant 512 : i32
    %mul3A_692 = arith.muli %sub3A_627, %mul3A_691 : i32
    %add3A_693 = arith.constant 128 : i32
    %add3A_694 = arith.addi %mul3A_692, %add3A_693 : i32
    %dma_start3A_695 = arith.constant 0 : i32
    %dma_start3A_696 = tpu.memref_slice %arg12[%add3A_633, %add3A_694, %dma_start3A_695] : memref<77x1024x512xf32, #tpu.memory_space<hbm>> -> memref<1x32x512xf32, #tpu.memory_space<hbm>>
    %dma_start3A_697 = tpu.memref_squeeze %dma_start3A_696 : memref<1x32x512xf32, #tpu.memory_space<hbm>> -> memref<32x512xf32, #tpu.memory_space<hbm>>
    %dma_start3A_698 = arith.constant 0 : i32
    %dma_start3A_699 = tpu.memref_slice %arg12[%add3A_633, %add3A_694, %dma_start3A_698] : memref<77x1024x512xf32, #tpu.memory_space<hbm>> -> memref<1x32x512xf32, #tpu.memory_space<hbm>>
    %dma_start3A_700 = tpu.memref_squeeze %dma_start3A_699 : memref<1x32x512xf32, #tpu.memory_space<hbm>> -> memref<32x512xf32, #tpu.memory_space<hbm>>
    tpu.enqueue_dma source(%arg24 : memref<32x512xf32, #tpu.memory_space<vmem>>) target(%dma_start3A_700 : memref<32x512xf32, #tpu.memory_space<hbm>>) target_semaphore(%arg29 : memref<!tpu.dma_semaphore, #tpu.memory_space<semaphore_mem>>)
    %mul3A_701 = arith.constant 512 : i32
    %mul3A_702 = arith.muli %sub3A_627, %mul3A_701 : i32
    %add3A_703 = arith.constant 160 : i32
    %add3A_704 = arith.addi %mul3A_702, %add3A_703 : i32
    %dma_start3A_705 = arith.constant 0 : i32
    %dma_start3A_706 = tpu.memref_slice %arg12[%add3A_633, %add3A_704, %dma_start3A_705] : memref<77x1024x512xf32, #tpu.memory_space<hbm>> -> memref<1x32x512xf32, #tpu.memory_space<hbm>>
    %dma_start3A_707 = tpu.memref_squeeze %dma_start3A_706 : memref<1x32x512xf32, #tpu.memory_space<hbm>> -> memref<32x512xf32, #tpu.memory_space<hbm>>
    %dma_start3A_708 = arith.constant 0 : i32
    %dma_start3A_709 = tpu.memref_slice %arg12[%add3A_633, %add3A_704, %dma_start3A_708] : memref<77x1024x512xf32, #tpu.memory_space<hbm>> -> memref<1x32x512xf32, #tpu.memory_space<hbm>>
    %dma_start3A_710 = tpu.memref_squeeze %dma_start3A_709 : memref<1x32x512xf32, #tpu.memory_space<hbm>> -> memref<32x512xf32, #tpu.memory_space<hbm>>
    tpu.enqueue_dma source(%arg24 : memref<32x512xf32, #tpu.memory_space<vmem>>) target(%dma_start3A_710 : memref<32x512xf32, #tpu.memory_space<hbm>>) target_semaphore(%arg29 : memref<!tpu.dma_semaphore, #tpu.memory_space<semaphore_mem>>)
    %mul3A_711 = arith.constant 512 : i32
    %mul3A_712 = arith.muli %sub3A_627, %mul3A_711 : i32
    %add3A_713 = arith.constant 192 : i32
    %add3A_714 = arith.addi %mul3A_712, %add3A_713 : i32
    %dma_start3A_715 = arith.constant 0 : i32
    %dma_start3A_716 = tpu.memref_slice %arg12[%add3A_633, %add3A_714, %dma_start3A_715] : memref<77x1024x512xf32, #tpu.memory_space<hbm>> -> memref<1x32x512xf32, #tpu.memory_space<hbm>>
    %dma_start3A_717 = tpu.memref_squeeze %dma_start3A_716 : memref<1x32x512xf32, #tpu.memory_space<hbm>> -> memref<32x512xf32, #tpu.memory_space<hbm>>
    %dma_start3A_718 = arith.constant 0 : i32
    %dma_start3A_719 = tpu.memref_slice %arg12[%add3A_633, %add3A_714, %dma_start3A_718] : memref<77x1024x512xf32, #tpu.memory_space<hbm>> -> memref<1x32x512xf32, #tpu.memory_space<hbm>>
    %dma_start3A_720 = tpu.memref_squeeze %dma_start3A_719 : memref<1x32x512xf32, #tpu.memory_space<hbm>> -> memref<32x512xf32, #tpu.memory_space<hbm>>
    tpu.enqueue_dma source(%arg24 : memref<32x512xf32, #tpu.memory_space<vmem>>) target(%dma_start3A_720 : memref<32x512xf32, #tpu.memory_space<hbm>>) target_semaphore(%arg29 : memref<!tpu.dma_semaphore, #tpu.memory_space<semaphore_mem>>)
    %mul3A_721 = arith.constant 512 : i32
    %mul3A_722 = arith.muli %sub3A_627, %mul3A_721 : i32
    %add3A_723 = arith.constant 224 : i32
    %add3A_724 = arith.addi %mul3A_722, %add3A_723 : i32
    %dma_start3A_725 = arith.constant 0 : i32
    %dma_start3A_726 = tpu.memref_slice %arg12[%add3A_633, %add3A_724, %dma_start3A_725] : memref<77x1024x512xf32, #tpu.memory_space<hbm>> -> memref<1x32x512xf32, #tpu.memory_space<hbm>>
    %dma_start3A_727 = tpu.memref_squeeze %dma_start3A_726 : memref<1x32x512xf32, #tpu.memory_space<hbm>> -> memref<32x512xf32, #tpu.memory_space<hbm>>
    %dma_start3A_728 = arith.constant 0 : i32
    %dma_start3A_729 = tpu.memref_slice %arg12[%add3A_633, %add3A_724, %dma_start3A_728] : memref<77x1024x512xf32, #tpu.memory_space<hbm>> -> memref<1x32x512xf32, #tpu.memory_space<hbm>>
    %dma_start3A_730 = tpu.memref_squeeze %dma_start3A_729 : memref<1x32x512xf32, #tpu.memory_space<hbm>> -> memref<32x512xf32, #tpu.memory_space<hbm>>
    tpu.enqueue_dma source(%arg24 : memref<32x512xf32, #tpu.memory_space<vmem>>) target(%dma_start3A_730 : memref<32x512xf32, #tpu.memory_space<hbm>>) target_semaphore(%arg29 : memref<!tpu.dma_semaphore, #tpu.memory_space<semaphore_mem>>)
    %mul3A_731 = arith.constant 512 : i32
    %mul3A_732 = arith.muli %sub3A_627, %mul3A_731 : i32
    %add3A_733 = arith.constant 256 : i32
    %add3A_734 = arith.addi %mul3A_732, %add3A_733 : i32
    %dma_start3A_735 = arith.constant 0 : i32
    %dma_start3A_736 = tpu.memref_slice %arg12[%add3A_633, %add3A_734, %dma_start3A_735] : memref<77x1024x512xf32, #tpu.memory_space<hbm>> -> memref<1x32x512xf32, #tpu.memory_space<hbm>>
    %dma_start3A_737 = tpu.memref_squeeze %dma_start3A_736 : memref<1x32x512xf32, #tpu.memory_space<hbm>> -> memref<32x512xf32, #tpu.memory_space<hbm>>
    %dma_start3A_738 = arith.constant 0 : i32
    %dma_start3A_739 = tpu.memref_slice %arg12[%add3A_633, %add3A_734, %dma_start3A_738] : memref<77x1024x512xf32, #tpu.memory_space<hbm>> -> memref<1x32x512xf32, #tpu.memory_space<hbm>>
    %dma_start3A_740 = tpu.memref_squeeze %dma_start3A_739 : memref<1x32x512xf32, #tpu.memory_space<hbm>> -> memref<32x512xf32, #tpu.memory_space<hbm>>
    tpu.enqueue_dma source(%arg24 : memref<32x512xf32, #tpu.memory_space<vmem>>) target(%dma_start3A_740 : memref<32x512xf32, #tpu.memory_space<hbm>>) target_semaphore(%arg29 : memref<!tpu.dma_semaphore, #tpu.memory_space<semaphore_mem>>)
    %mul3A_741 = arith.constant 512 : i32
    %mul3A_742 = arith.muli %sub3A_627, %mul3A_741 : i32
    %add3A_743 = arith.constant 288 : i32
    %add3A_744 = arith.addi %mul3A_742, %add3A_743 : i32
    %dma_start3A_745 = arith.constant 0 : i32
    %dma_start3A_746 = tpu.memref_slice %arg12[%add3A_633, %add3A_744, %dma_start3A_745] : memref<77x1024x512xf32, #tpu.memory_space<hbm>> -> memref<1x32x512xf32, #tpu.memory_space<hbm>>
    %dma_start3A_747 = tpu.memref_squeeze %dma_start3A_746 : memref<1x32x512xf32, #tpu.memory_space<hbm>> -> memref<32x512xf32, #tpu.memory_space<hbm>>
    %dma_start3A_748 = arith.constant 0 : i32
    %dma_start3A_749 = tpu.memref_slice %arg12[%add3A_633, %add3A_744, %dma_start3A_748] : memref<77x1024x512xf32, #tpu.memory_space<hbm>> -> memref<1x32x512xf32, #tpu.memory_space<hbm>>
    %dma_start3A_750 = tpu.memref_squeeze %dma_start3A_749 : memref<1x32x512xf32, #tpu.memory_space<hbm>> -> memref<32x512xf32, #tpu.memory_space<hbm>>
    tpu.enqueue_dma source(%arg24 : memref<32x512xf32, #tpu.memory_space<vmem>>) target(%dma_start3A_750 : memref<32x512xf32, #tpu.memory_space<hbm>>) target_semaphore(%arg29 : memref<!tpu.dma_semaphore, #tpu.memory_space<semaphore_mem>>)
    %mul3A_751 = arith.constant 512 : i32
    %mul3A_752 = arith.muli %sub3A_627, %mul3A_751 : i32
    %add3A_753 = arith.constant 320 : i32
    %add3A_754 = arith.addi %mul3A_752, %add3A_753 : i32
    %dma_start3A_755 = arith.constant 0 : i32
    %dma_start3A_756 = tpu.memref_slice %arg12[%add3A_633, %add3A_754, %dma_start3A_755] : memref<77x1024x512xf32, #tpu.memory_space<hbm>> -> memref<1x32x512xf32, #tpu.memory_space<hbm>>
    %dma_start3A_757 = tpu.memref_squeeze %dma_start3A_756 : memref<1x32x512xf32, #tpu.memory_space<hbm>> -> memref<32x512xf32, #tpu.memory_space<hbm>>
    %dma_start3A_758 = arith.constant 0 : i32
    %dma_start3A_759 = tpu.memref_slice %arg12[%add3A_633, %add3A_754, %dma_start3A_758] : memref<77x1024x512xf32, #tpu.memory_space<hbm>> -> memref<1x32x512xf32, #tpu.memory_space<hbm>>
    %dma_start3A_760 = tpu.memref_squeeze %dma_start3A_759 : memref<1x32x512xf32, #tpu.memory_space<hbm>> -> memref<32x512xf32, #tpu.memory_space<hbm>>
    tpu.enqueue_dma source(%arg24 : memref<32x512xf32, #tpu.memory_space<vmem>>) target(%dma_start3A_760 : memref<32x512xf32, #tpu.memory_space<hbm>>) target_semaphore(%arg29 : memref<!tpu.dma_semaphore, #tpu.memory_space<semaphore_mem>>)
    %mul3A_761 = arith.constant 512 : i32
    %mul3A_762 = arith.muli %sub3A_627, %mul3A_761 : i32
    %add3A_763 = arith.constant 352 : i32
    %add3A_764 = arith.addi %mul3A_762, %add3A_763 : i32
    %dma_start3A_765 = arith.constant 0 : i32
    %dma_start3A_766 = tpu.memref_slice %arg12[%add3A_633, %add3A_764, %dma_start3A_765] : memref<77x1024x512xf32, #tpu.memory_space<hbm>> -> memref<1x32x512xf32, #tpu.memory_space<hbm>>
    %dma_start3A_767 = tpu.memref_squeeze %dma_start3A_766 : memref<1x32x512xf32, #tpu.memory_space<hbm>> -> memref<32x512xf32, #tpu.memory_space<hbm>>
    %dma_start3A_768 = arith.constant 0 : i32
    %dma_start3A_769 = tpu.memref_slice %arg12[%add3A_633, %add3A_764, %dma_start3A_768] : memref<77x1024x512xf32, #tpu.memory_space<hbm>> -> memref<1x32x512xf32, #tpu.memory_space<hbm>>
    %dma_start3A_770 = tpu.memref_squeeze %dma_start3A_769 : memref<1x32x512xf32, #tpu.memory_space<hbm>> -> memref<32x512xf32, #tpu.memory_space<hbm>>
    tpu.enqueue_dma source(%arg24 : memref<32x512xf32, #tpu.memory_space<vmem>>) target(%dma_start3A_770 : memref<32x512xf32, #tpu.memory_space<hbm>>) target_semaphore(%arg29 : memref<!tpu.dma_semaphore, #tpu.memory_space<semaphore_mem>>)
    %mul3A_771 = arith.constant 512 : i32
    %mul3A_772 = arith.muli %sub3A_627, %mul3A_771 : i32
    %add3A_773 = arith.constant 384 : i32
    %add3A_774 = arith.addi %mul3A_772, %add3A_773 : i32
    %dma_start3A_775 = arith.constant 0 : i32
    %dma_start3A_776 = tpu.memref_slice %arg12[%add3A_633, %add3A_774, %dma_start3A_775] : memref<77x1024x512xf32, #tpu.memory_space<hbm>> -> memref<1x32x512xf32, #tpu.memory_space<hbm>>
    %dma_start3A_777 = tpu.memref_squeeze %dma_start3A_776 : memref<1x32x512xf32, #tpu.memory_space<hbm>> -> memref<32x512xf32, #tpu.memory_space<hbm>>
    %dma_start3A_778 = arith.constant 0 : i32
    %dma_start3A_779 = tpu.memref_slice %arg12[%add3A_633, %add3A_774, %dma_start3A_778] : memref<77x1024x512xf32, #tpu.memory_space<hbm>> -> memref<1x32x512xf32, #tpu.memory_space<hbm>>
    %dma_start3A_780 = tpu.memref_squeeze %dma_start3A_779 : memref<1x32x512xf32, #tpu.memory_space<hbm>> -> memref<32x512xf32, #tpu.memory_space<hbm>>
    tpu.enqueue_dma source(%arg24 : memref<32x512xf32, #tpu.memory_space<vmem>>) target(%dma_start3A_780 : memref<32x512xf32, #tpu.memory_space<hbm>>) target_semaphore(%arg29 : memref<!tpu.dma_semaphore, #tpu.memory_space<semaphore_mem>>)
    %mul3A_781 = arith.constant 512 : i32
    %mul3A_782 = arith.muli %sub3A_627, %mul3A_781 : i32
    %add3A_783 = arith.constant 416 : i32
    %add3A_784 = arith.addi %mul3A_782, %add3A_783 : i32
    %dma_start3A_785 = arith.constant 0 : i32
    %dma_start3A_786 = tpu.memref_slice %arg12[%add3A_633, %add3A_784, %dma_start3A_785] : memref<77x1024x512xf32, #tpu.memory_space<hbm>> -> memref<1x32x512xf32, #tpu.memory_space<hbm>>
    %dma_start3A_787 = tpu.memref_squeeze %dma_start3A_786 : memref<1x32x512xf32, #tpu.memory_space<hbm>> -> memref<32x512xf32, #tpu.memory_space<hbm>>
    %dma_start3A_788 = arith.constant 0 : i32
    %dma_start3A_789 = tpu.memref_slice %arg12[%add3A_633, %add3A_784, %dma_start3A_788] : memref<77x1024x512xf32, #tpu.memory_space<hbm>> -> memref<1x32x512xf32, #tpu.memory_space<hbm>>
    %dma_start3A_790 = tpu.memref_squeeze %dma_start3A_789 : memref<1x32x512xf32, #tpu.memory_space<hbm>> -> memref<32x512xf32, #tpu.memory_space<hbm>>
    tpu.enqueue_dma source(%arg24 : memref<32x512xf32, #tpu.memory_space<vmem>>) target(%dma_start3A_790 : memref<32x512xf32, #tpu.memory_space<hbm>>) target_semaphore(%arg29 : memref<!tpu.dma_semaphore, #tpu.memory_space<semaphore_mem>>)
    %mul3A_791 = arith.constant 512 : i32
    %mul3A_792 = arith.muli %sub3A_627, %mul3A_791 : i32
    %add3A_793 = arith.constant 448 : i32
    %add3A_794 = arith.addi %mul3A_792, %add3A_793 : i32
    %dma_start3A_795 = arith.constant 0 : i32
    %dma_start3A_796 = tpu.memref_slice %arg12[%add3A_633, %add3A_794, %dma_start3A_795] : memref<77x1024x512xf32, #tpu.memory_space<hbm>> -> memref<1x32x512xf32, #tpu.memory_space<hbm>>
    %dma_start3A_797 = tpu.memref_squeeze %dma_start3A_796 : memref<1x32x512xf32, #tpu.memory_space<hbm>> -> memref<32x512xf32, #tpu.memory_space<hbm>>
    %dma_start3A_798 = arith.constant 0 : i32
    %dma_start3A_799 = tpu.memref_slice %arg12[%add3A_633, %add3A_794, %dma_start3A_798] : memref<77x1024x512xf32, #tpu.memory_space<hbm>> -> memref<1x32x512xf32, #tpu.memory_space<hbm>>
    %dma_start3A_800 = tpu.memref_squeeze %dma_start3A_799 : memref<1x32x512xf32, #tpu.memory_space<hbm>> -> memref<32x512xf32, #tpu.memory_space<hbm>>
    tpu.enqueue_dma source(%arg24 : memref<32x512xf32, #tpu.memory_space<vmem>>) target(%dma_start3A_800 : memref<32x512xf32, #tpu.memory_space<hbm>>) target_semaphore(%arg29 : memref<!tpu.dma_semaphore, #tpu.memory_space<semaphore_mem>>)
    %mul3A_801 = arith.constant 512 : i32
    %mul3A_802 = arith.muli %sub3A_627, %mul3A_801 : i32
    %add3A_803 = arith.constant 480 : i32
    %add3A_804 = arith.addi %mul3A_802, %add3A_803 : i32
    %dma_start3A_805 = arith.constant 0 : i32
    %dma_start3A_806 = tpu.memref_slice %arg12[%add3A_633, %add3A_804, %dma_start3A_805] : memref<77x1024x512xf32, #tpu.memory_space<hbm>> -> memref<1x32x512xf32, #tpu.memory_space<hbm>>
    %dma_start3A_807 = tpu.memref_squeeze %dma_start3A_806 : memref<1x32x512xf32, #tpu.memory_space<hbm>> -> memref<32x512xf32, #tpu.memory_space<hbm>>
    %dma_start3A_808 = arith.constant 0 : i32
    %dma_start3A_809 = tpu.memref_slice %arg12[%add3A_633, %add3A_804, %dma_start3A_808] : memref<77x1024x512xf32, #tpu.memory_space<hbm>> -> memref<1x32x512xf32, #tpu.memory_space<hbm>>
    %dma_start3A_810 = tpu.memref_squeeze %dma_start3A_809 : memref<1x32x512xf32, #tpu.memory_space<hbm>> -> memref<32x512xf32, #tpu.memory_space<hbm>>
    tpu.enqueue_dma source(%arg24 : memref<32x512xf32, #tpu.memory_space<vmem>>) target(%dma_start3A_810 : memref<32x512xf32, #tpu.memory_space<hbm>>) target_semaphore(%arg29 : memref<!tpu.dma_semaphore, #tpu.memory_space<semaphore_mem>>)
    %dma_wait3A_811 = arith.constant 8 : i32
    %dma_wait3A_812 = tpu.memref_slice %arg13[%dma_wait3A_811] : memref<32xi32, #tpu.memory_space<vmem>> -> memref<8xi32, #tpu.memory_space<vmem>>
    %dma_wait3A_813 = arith.constant 0 : i32
    %dma_wait3A_814 = arith.constant 0 : i32
    %dma_wait3A_815 = arith.constant 0 : i32
    %dma_wait3A_816 = tpu.memref_slice %arg6[%dma_wait3A_813, %dma_wait3A_814, %dma_wait3A_815] : memref<100000x4x512xf32, #tpu.memory_space<hbm>> -> memref<100000x4x512xf32, #tpu.memory_space<hbm>>
    tpu.wait_indirect_dma semaphore(%arg26 : memref<!tpu.dma_semaphore, #tpu.memory_space<semaphore_mem>>) src(%dma_wait3A_816 : memref<100000x4x512xf32, #tpu.memory_space<hbm>>) dst(%arg22 : memref<8x4x512xf32, #tpu.memory_space<vmem>>)
    %dma_start3A_817 = arith.constant 16 : i32
    %dma_start3A_818 = tpu.memref_slice %arg13[%dma_start3A_817] : memref<32xi32, #tpu.memory_space<vmem>> -> memref<8xi32, #tpu.memory_space<vmem>>
    %dma_start3A_819 = arith.constant 0 : i32
    %dma_start3A_820 = arith.constant 0 : i32
    %dma_start3A_821 = arith.constant 0 : i32
    %dma_start3A_822 = tpu.memref_slice %arg6[%dma_start3A_819, %dma_start3A_820, %dma_start3A_821] : memref<100000x4x512xf32, #tpu.memory_space<hbm>> -> memref<100000x4x512xf32, #tpu.memory_space<hbm>>
    tpu.enqueue_indirect_dma source(%dma_start3A_822 : memref<100000x4x512xf32, #tpu.memory_space<hbm>>) target(%arg21 : memref<8x4x512xf32, #tpu.memory_space<vmem>>) offsets(%dma_start3A_818 : memref<8xi32, #tpu.memory_space<vmem>>) semaphore(%arg26 : memref<!tpu.dma_semaphore, #tpu.memory_space<semaphore_mem>>)
    %dma_wait3A_823 = arith.constant 3 : i32
    %dma_wait3A_824 = arith.constant 12 : i32
    %dma_wait3A_825 = arith.constant 0 : i32
    %dma_wait3A_826 = arith.constant 0 : i32
    %dma_wait3A_827 = tpu.memref_slice %arg23[%dma_wait3A_823, %dma_wait3A_825, %dma_wait3A_826] : memref<4x8x512xf32, #tpu.memory_space<vmem>> -> memref<1x8x512xf32, #tpu.memory_space<vmem>>
    %dma_wait3A_828 = tpu.memref_squeeze %dma_wait3A_827 : memref<1x8x512xf32, #tpu.memory_space<vmem>> -> memref<8x512xf32, #tpu.memory_space<vmem>>
    %dma_wait3A_829 = arith.constant 0 : i32
    %dma_wait3A_830 = tpu.memref_slice %arg12[%dma_wait3A_824, %add3A_438, %dma_wait3A_829] : memref<77x1024x512xf32, #tpu.memory_space<hbm>> -> memref<1x8x512xf32, #tpu.memory_space<hbm>>
    %dma_wait3A_831 = tpu.memref_squeeze %dma_wait3A_830 : memref<1x8x512xf32, #tpu.memory_space<hbm>> -> memref<8x512xf32, #tpu.memory_space<hbm>>
    %dma_wait3A_832 = arith.constant 0 : i32
    %dma_wait3A_833 = tpu.memref_slice %arg12[%dma_wait3A_824, %add3A_438, %dma_wait3A_832] : memref<77x1024x512xf32, #tpu.memory_space<hbm>> -> memref<1x8x512xf32, #tpu.memory_space<hbm>>
    %dma_wait3A_834 = tpu.memref_squeeze %dma_wait3A_833 : memref<1x8x512xf32, #tpu.memory_space<hbm>> -> memref<8x512xf32, #tpu.memory_space<hbm>>
    %dma_wait3A_835 = arith.constant 0 : i32
    %dma_wait3A_836 = arith.constant 0 : i32
    %dma_wait3A_837 = tpu.memref_slice %arg23[%dma_wait3A_823, %dma_wait3A_835, %dma_wait3A_836] : memref<4x8x512xf32, #tpu.memory_space<vmem>> -> memref<1x8x512xf32, #tpu.memory_space<vmem>>
    %dma_wait3A_838 = tpu.memref_squeeze %dma_wait3A_837 : memref<1x8x512xf32, #tpu.memory_space<vmem>> -> memref<8x512xf32, #tpu.memory_space<vmem>>
    tpu.wait_dma2 semaphore(%arg28 : memref<!tpu.dma_semaphore, #tpu.memory_space<semaphore_mem>>) src(%dma_wait3A_838 : memref<8x512xf32, #tpu.memory_space<vmem>>) dst(%dma_wait3A_834 : memref<8x512xf32, #tpu.memory_space<hbm>>)
    %dma_wait3A_839 = arith.constant 3 : i32
    %dma_wait3A_840 = arith.constant 12 : i32
    %dma_wait3A_841 = arith.constant 0 : i32
    %dma_wait3A_842 = arith.constant 0 : i32
    %dma_wait3A_843 = tpu.memref_slice %arg23[%dma_wait3A_839, %dma_wait3A_841, %dma_wait3A_842] : memref<4x8x512xf32, #tpu.memory_space<vmem>> -> memref<1x8x512xf32, #tpu.memory_space<vmem>>
    %dma_wait3A_844 = tpu.memref_squeeze %dma_wait3A_843 : memref<1x8x512xf32, #tpu.memory_space<vmem>> -> memref<8x512xf32, #tpu.memory_space<vmem>>
    %dma_wait3A_845 = arith.constant 0 : i32
    %dma_wait3A_846 = tpu.memref_slice %arg12[%dma_wait3A_840, %add3A_438, %dma_wait3A_845] : memref<77x1024x512xf32, #tpu.memory_space<hbm>> -> memref<1x8x512xf32, #tpu.memory_space<hbm>>
    %dma_wait3A_847 = tpu.memref_squeeze %dma_wait3A_846 : memref<1x8x512xf32, #tpu.memory_space<hbm>> -> memref<8x512xf32, #tpu.memory_space<hbm>>
    %dma_wait3A_848 = arith.constant 0 : i32
    %dma_wait3A_849 = tpu.memref_slice %arg12[%dma_wait3A_840, %add3A_438, %dma_wait3A_848] : memref<77x1024x512xf32, #tpu.memory_space<hbm>> -> memref<1x8x512xf32, #tpu.memory_space<hbm>>
    %dma_wait3A_850 = tpu.memref_squeeze %dma_wait3A_849 : memref<1x8x512xf32, #tpu.memory_space<hbm>> -> memref<8x512xf32, #tpu.memory_space<hbm>>
    %dma_wait3A_851 = arith.constant 0 : i32
    %dma_wait3A_852 = arith.constant 0 : i32
    %dma_wait3A_853 = tpu.memref_slice %arg23[%dma_wait3A_839, %dma_wait3A_851, %dma_wait3A_852] : memref<4x8x512xf32, #tpu.memory_space<vmem>> -> memref<1x8x512xf32, #tpu.memory_space<vmem>>
    %dma_wait3A_854 = tpu.memref_squeeze %dma_wait3A_853 : memref<1x8x512xf32, #tpu.memory_space<vmem>> -> memref<8x512xf32, #tpu.memory_space<vmem>>
    tpu.wait_dma2 semaphore(%arg28 : memref<!tpu.dma_semaphore, #tpu.memory_space<semaphore_mem>>) src(%dma_wait3A_854 : memref<8x512xf32, #tpu.memory_space<vmem>>) dst(%dma_wait3A_850 : memref<8x512xf32, #tpu.memory_space<hbm>>)
    %dma_wait3A_855 = arith.constant 3 : i32
    %dma_wait3A_856 = arith.constant 12 : i32
    %dma_wait3A_857 = arith.constant 0 : i32
    %dma_wait3A_858 = arith.constant 0 : i32
    %dma_wait3A_859 = tpu.memref_slice %arg23[%dma_wait3A_855, %dma_wait3A_857, %dma_wait3A_858] : memref<4x8x512xf32, #tpu.memory_space<vmem>> -> memref<1x8x512xf32, #tpu.memory_space<vmem>>
    %dma_wait3A_860 = tpu.memref_squeeze %dma_wait3A_859 : memref<1x8x512xf32, #tpu.memory_space<vmem>> -> memref<8x512xf32, #tpu.memory_space<vmem>>
    %dma_wait3A_861 = arith.constant 0 : i32
    %dma_wait3A_862 = tpu.memref_slice %arg12[%dma_wait3A_856, %add3A_438, %dma_wait3A_861] : memref<77x1024x512xf32, #tpu.memory_space<hbm>> -> memref<1x8x512xf32, #tpu.memory_space<hbm>>
    %dma_wait3A_863 = tpu.memref_squeeze %dma_wait3A_862 : memref<1x8x512xf32, #tpu.memory_space<hbm>> -> memref<8x512xf32, #tpu.memory_space<hbm>>
    %dma_wait3A_864 = arith.constant 0 : i32
    %dma_wait3A_865 = tpu.memref_slice %arg12[%dma_wait3A_856, %add3A_438, %dma_wait3A_864] : memref<77x1024x512xf32, #tpu.memory_space<hbm>> -> memref<1x8x512xf32, #tpu.memory_space<hbm>>
    %dma_wait3A_866 = tpu.memref_squeeze %dma_wait3A_865 : memref<1x8x512xf32, #tpu.memory_space<hbm>> -> memref<8x512xf32, #tpu.memory_space<hbm>>
    %dma_wait3A_867 = arith.constant 0 : i32
    %dma_wait3A_868 = arith.constant 0 : i32
    %dma_wait3A_869 = tpu.memref_slice %arg23[%dma_wait3A_855, %dma_wait3A_867, %dma_wait3A_868] : memref<4x8x512xf32, #tpu.memory_space<vmem>> -> memref<1x8x512xf32, #tpu.memory_space<vmem>>
    %dma_wait3A_870 = tpu.memref_squeeze %dma_wait3A_869 : memref<1x8x512xf32, #tpu.memory_space<vmem>> -> memref<8x512xf32, #tpu.memory_space<vmem>>
    tpu.wait_dma2 semaphore(%arg28 : memref<!tpu.dma_semaphore, #tpu.memory_space<semaphore_mem>>) src(%dma_wait3A_870 : memref<8x512xf32, #tpu.memory_space<vmem>>) dst(%dma_wait3A_866 : memref<8x512xf32, #tpu.memory_space<hbm>>)
    %dma_wait3A_871 = arith.constant 3 : i32
    %dma_wait3A_872 = arith.constant 12 : i32
    %dma_wait3A_873 = arith.constant 0 : i32
    %dma_wait3A_874 = arith.constant 0 : i32
    %dma_wait3A_875 = tpu.memref_slice %arg23[%dma_wait3A_871, %dma_wait3A_873, %dma_wait3A_874] : memref<4x8x512xf32, #tpu.memory_space<vmem>> -> memref<1x8x512xf32, #tpu.memory_space<vmem>>
    %dma_wait3A_876 = tpu.memref_squeeze %dma_wait3A_875 : memref<1x8x512xf32, #tpu.memory_space<vmem>> -> memref<8x512xf32, #tpu.memory_space<vmem>>
    %dma_wait3A_877 = arith.constant 0 : i32
    %dma_wait3A_878 = tpu.memref_slice %arg12[%dma_wait3A_872, %add3A_438, %dma_wait3A_877] : memref<77x1024x512xf32, #tpu.memory_space<hbm>> -> memref<1x8x512xf32, #tpu.memory_space<hbm>>
    %dma_wait3A_879 = tpu.memref_squeeze %dma_wait3A_878 : memref<1x8x512xf32, #tpu.memory_space<hbm>> -> memref<8x512xf32, #tpu.memory_space<hbm>>
    %dma_wait3A_880 = arith.constant 0 : i32
    %dma_wait3A_881 = tpu.memref_slice %arg12[%dma_wait3A_872, %add3A_438, %dma_wait3A_880] : memref<77x1024x512xf32, #tpu.memory_space<hbm>> -> memref<1x8x512xf32, #tpu.memory_space<hbm>>
    %dma_wait3A_882 = tpu.memref_squeeze %dma_wait3A_881 : memref<1x8x512xf32, #tpu.memory_space<hbm>> -> memref<8x512xf32, #tpu.memory_space<hbm>>
    %dma_wait3A_883 = arith.constant 0 : i32
    %dma_wait3A_884 = arith.constant 0 : i32
    %dma_wait3A_885 = tpu.memref_slice %arg23[%dma_wait3A_871, %dma_wait3A_883, %dma_wait3A_884] : memref<4x8x512xf32, #tpu.memory_space<vmem>> -> memref<1x8x512xf32, #tpu.memory_space<vmem>>
    %dma_wait3A_886 = tpu.memref_squeeze %dma_wait3A_885 : memref<1x8x512xf32, #tpu.memory_space<vmem>> -> memref<8x512xf32, #tpu.memory_space<vmem>>
    tpu.wait_dma2 semaphore(%arg28 : memref<!tpu.dma_semaphore, #tpu.memory_space<semaphore_mem>>) src(%dma_wait3A_886 : memref<8x512xf32, #tpu.memory_space<vmem>>) dst(%dma_wait3A_882 : memref<8x512xf32, #tpu.memory_space<hbm>>)
    %get3A_887 = arith.constant 0 : index
    %get3A_888 = tpu.vector_load %arg14[%get3A_887] {strides = array<i32>} : memref<32xi32, #tpu.memory_space<vmem>>, vector<16xi32>,
    %get3A_889 = arith.constant 0 : index
    %get3A_890 = tpu.vector_load %arg15[%get3A_889] {strides = array<i32>} : memref<32xi32, #tpu.memory_space<vmem>>, vector<16xi32>,
    %get3A_891 = arith.constant 0 : index
    %get3A_892 = tpu.vector_load %arg16[%get3A_891] {strides = array<i32>} : memref<32xi32, #tpu.memory_space<vmem>>, vector<16xi32>,
    %scan3A_893 = arith.constant 0 : i32
    %scan3A_894 = arith.constant 0 : i32
    %scan3A_895 = arith.constant 8 : i32
    %scan3A_896 = arith.addi %scan3A_894, %scan3A_895 : i32
    %scan3A_897 = arith.constant 1 : i32
    scf.for %scan3A_1840 = %scan3A_894 to %scan3A_896 step %scan3A_897  : i32 {
      %add3A_1841 = arith.constant 8 : i32
      %add3A_1842 = arith.addi %add3A_1841, %scan3A_1840 : i32
      %iota3A = tpu.iota {dimensions = array<i32: 0>} : vector<16xi32>
      %eq3A = vector.broadcast %add3A_1842 : i32 to vector<16xi32>
      %eq3A_1843 = arith.cmpi eq, %iota3A, %eq3A : vector<16xi32>
      %jit3A_1844 = arith.constant 0 : i32
      %broadcast_in_dim3A_1845 = vector.broadcast %jit3A_1844 : i32 to vector<16xi32>
      %select_n3A_1846 = arith.select %eq3A_1843, %get3A_888, %broadcast_in_dim3A_1845 : vector<16xi1>, vector<16xi32>
      %reduce_sum3A = arith.constant true
      %reduce_sum3A_1847 = vector.broadcast %reduce_sum3A : i1 to vector<16xi1>
      %reduce_sum3A_1848 = tpu.scan <sum>, %select_n3A_1846 masked %reduce_sum3A_1847 : vector<16xi32>, vector<16xi1> -> vector<16xi32>
      %reduce_sum3A_1849 = vector.extract %reduce_sum3A_1848[15] : i32 from vector<16xi32>
      %broadcast_in_dim3A_1850 = vector.broadcast %reduce_sum3A_1849 : i32 to vector<16xi32>
      %iota3A_1851 = tpu.iota {dimensions = array<i32: 0>} : vector<16xi32>
      %eq3A_1852 = vector.broadcast %add3A_1842 : i32 to vector<16xi32>
      %eq3A_1853 = arith.cmpi eq, %iota3A_1851, %eq3A_1852 : vector<16xi32>
      %jit3A_1854 = arith.constant 0 : i32
      %broadcast_in_dim3A_1855 = vector.broadcast %jit3A_1854 : i32 to vector<16xi32>
      %select_n3A_1856 = arith.select %eq3A_1853, %get3A_890, %broadcast_in_dim3A_1855 : vector<16xi1>, vector<16xi32>
      %reduce_sum3A_1857 = arith.constant true
      %reduce_sum3A_1858 = vector.broadcast %reduce_sum3A_1857 : i1 to vector<16xi1>
      %reduce_sum3A_1859 = tpu.scan <sum>, %select_n3A_1856 masked %reduce_sum3A_1858 : vector<16xi32>, vector<16xi1> -> vector<16xi32>
      %reduce_sum3A_1860 = vector.extract %reduce_sum3A_1859[15] : i32 from vector<16xi32>
      %broadcast_in_dim3A_1861 = vector.broadcast %reduce_sum3A_1860 : i32 to vector<16xi32>
      %iota3A_1862 = tpu.iota {dimensions = array<i32: 0>} : vector<16xi32>
      %eq3A_1863 = vector.broadcast %add3A_1842 : i32 to vector<16xi32>
      %eq3A_1864 = arith.cmpi eq, %iota3A_1862, %eq3A_1863 : vector<16xi32>
      %jit3A_1865 = arith.constant 0 : i32
      %broadcast_in_dim3A_1866 = vector.broadcast %jit3A_1865 : i32 to vector<16xi32>
      %select_n3A_1867 = arith.select %eq3A_1864, %get3A_892, %broadcast_in_dim3A_1866 : vector<16xi1>, vector<16xi32>
      %reduce_sum3A_1868 = arith.constant true
      %reduce_sum3A_1869 = vector.broadcast %reduce_sum3A_1868 : i1 to vector<16xi1>
      %reduce_sum3A_1870 = tpu.scan <sum>, %select_n3A_1867 masked %reduce_sum3A_1869 : vector<16xi32>, vector<16xi1> -> vector<16xi32>
      %reduce_sum3A_1871 = vector.extract %reduce_sum3A_1870[15] : i32 from vector<16xi32>
      %broadcast_in_dim3A_1872 = vector.broadcast %reduce_sum3A_1871 : i32 to vector<16xi32>
      %broadcast_in_dim3A_1873 = arith.constant 0 : i32
      %broadcast_in_dim3A_1874 = vector.broadcast %broadcast_in_dim3A_1873 : i32 to vector<16xi32>
      %scan3A_1875 = arith.constant 0 : i32
      %scan3A_1876 = arith.constant 0 : i32
      %scan3A_1877 = arith.constant 32 : i32
      %scan3A_1878 = arith.addi %scan3A_1876, %scan3A_1877 : i32
      %scan3A_1879 = arith.constant 1 : i32
      scf.for %scan3A_1905 = %scan3A_1876 to %scan3A_1878 step %scan3A_1879  : i32 {
        %mul3A_1906 = arith.constant 16 : i32
        %mul3A_1907 = arith.muli %scan3A_1905, %mul3A_1906 : i32
        %iota3A_1908 = tpu.iota {dimensions = array<i32: 0>} : vector<16xi32>
        %add3A_1909 = vector.broadcast %mul3A_1907 : i32 to vector<16xi32>
        %add3A_1910 = arith.addi %iota3A_1908, %add3A_1909 : vector<16xi32>
        %gather3A = tpu.vector_load_idx %arg18[%broadcast_in_dim3A_1850, %broadcast_in_dim3A_1874, %add3A_1910] : memref<3x4x512xf32, #tpu.memory_space<vmem>>[vector<16xi32>, vector<16xi32>, vector<16xi32>], vector<16xf32>,
        %gather3A_1911 = tpu.vector_load_idx %arg19[%broadcast_in_dim3A_1861, %broadcast_in_dim3A_1874, %add3A_1910] : memref<2x4x512xf32, #tpu.memory_space<vmem>>[vector<16xi32>, vector<16xi32>, vector<16xi32>], vector<16xf32>,
        %add3A_1912 = arith.addf %gather3A, %gather3A_1911 : vector<16xf32>
        %gather3A_1913 = tpu.vector_load_idx %arg20[%broadcast_in_dim3A_1872, %broadcast_in_dim3A_1874, %add3A_1910] : memref<4x4x512xf32, #tpu.memory_space<vmem>>[vector<16xi32>, vector<16xi32>, vector<16xi32>], vector<16xf32>,
        %add3A_1914 = arith.addf %add3A_1912, %gather3A_1913 : vector<16xf32>
        %get3A_1915 = arith.constant 0 : i32
        %get3A_1916 = arith.index_cast %scan3A_1840 : i32 to index
        %get3A_1917 = arith.index_cast %get3A_1915 : i32 to index
        %get3A_1918 = arith.index_cast %mul3A_1907 : i32 to index
        %get3A_1919 = tpu.vector_load %arg22[%get3A_1916, %get3A_1917, %get3A_1918] {strides = array<i32>} : memref<8x4x512xf32, #tpu.memory_space<vmem>>, vector<16xf32>,
        %add3A_1920 = arith.addf %get3A_1919, %add3A_1914 : vector<16xf32>
        %swap3A_1921 = arith.constant 0 : i32
        %swap3A_1922 = arith.index_cast %swap3A_1921 : i32 to index
        %swap3A_1923 = arith.index_cast %scan3A_1840 : i32 to index
        %swap3A_1924 = arith.index_cast %mul3A_1907 : i32 to index
        %swap3A_1925 = tpu.vector_load %arg23[%swap3A_1922, %swap3A_1923, %swap3A_1924] {strides = array<i32>} : memref<4x8x512xf32, #tpu.memory_space<vmem>>, vector<16xf32>,
        tpu.vector_store %arg23[%swap3A_1922, %swap3A_1923, %swap3A_1924], %add3A_1920 {strides = array<i32>} : memref<4x8x512xf32, #tpu.memory_space<vmem>>, vector<16xf32>,
      }
      %scan3A_1880 = arith.constant 32 : i32
      %broadcast_in_dim3A_1881 = arith.constant 1 : i32
      %broadcast_in_dim3A_1882 = vector.broadcast %broadcast_in_dim3A_1881 : i32 to vector<16xi32>
      %scan3A_1883 = arith.constant 0 : i32
      %scan3A_1884 = arith.constant 0 : i32
      %scan3A_1885 = arith.constant 32 : i32
      %scan3A_1886 = arith.addi %scan3A_1884, %scan3A_1885 : i32
      %scan3A_1887 = arith.constant 1 : i32
      scf.for %scan3A_1905 = %scan3A_1884 to %scan3A_1886 step %scan3A_1887  : i32 {
        %mul3A_1906 = arith.constant 16 : i32
        %mul3A_1907 = arith.muli %scan3A_1905, %mul3A_1906 : i32
        %iota3A_1908 = tpu.iota {dimensions = array<i32: 0>} : vector<16xi32>
        %add3A_1909 = vector.broadcast %mul3A_1907 : i32 to vector<16xi32>
        %add3A_1910 = arith.addi %iota3A_1908, %add3A_1909 : vector<16xi32>
        %gather3A = tpu.vector_load_idx %arg18[%broadcast_in_dim3A_1850, %broadcast_in_dim3A_1882, %add3A_1910] : memref<3x4x512xf32, #tpu.memory_space<vmem>>[vector<16xi32>, vector<16xi32>, vector<16xi32>], vector<16xf32>,
        %gather3A_1911 = tpu.vector_load_idx %arg19[%broadcast_in_dim3A_1861, %broadcast_in_dim3A_1882, %add3A_1910] : memref<2x4x512xf32, #tpu.memory_space<vmem>>[vector<16xi32>, vector<16xi32>, vector<16xi32>], vector<16xf32>,
        %add3A_1912 = arith.addf %gather3A, %gather3A_1911 : vector<16xf32>
        %gather3A_1913 = tpu.vector_load_idx %arg20[%broadcast_in_dim3A_1872, %broadcast_in_dim3A_1882, %add3A_1910] : memref<4x4x512xf32, #tpu.memory_space<vmem>>[vector<16xi32>, vector<16xi32>, vector<16xi32>], vector<16xf32>,
        %add3A_1914 = arith.addf %add3A_1912, %gather3A_1913 : vector<16xf32>
        %get3A_1915 = arith.constant 1 : i32
        %get3A_1916 = arith.index_cast %scan3A_1840 : i32 to index
        %get3A_1917 = arith.index_cast %get3A_1915 : i32 to index
        %get3A_1918 = arith.index_cast %mul3A_1907 : i32 to index
        %get3A_1919 = tpu.vector_load %arg22[%get3A_1916, %get3A_1917, %get3A_1918] {strides = array<i32>} : memref<8x4x512xf32, #tpu.memory_space<vmem>>, vector<16xf32>,
        %add3A_1920 = arith.addf %get3A_1919, %add3A_1914 : vector<16xf32>
        %swap3A_1921 = arith.constant 1 : i32
        %swap3A_1922 = arith.index_cast %swap3A_1921 : i32 to index
        %swap3A_1923 = arith.index_cast %scan3A_1840 : i32 to index
        %swap3A_1924 = arith.index_cast %mul3A_1907 : i32 to index
        %swap3A_1925 = tpu.vector_load %arg23[%swap3A_1922, %swap3A_1923, %swap3A_1924] {strides = array<i32>} : memref<4x8x512xf32, #tpu.memory_space<vmem>>, vector<16xf32>,
        tpu.vector_store %arg23[%swap3A_1922, %swap3A_1923, %swap3A_1924], %add3A_1920 {strides = array<i32>} : memref<4x8x512xf32, #tpu.memory_space<vmem>>, vector<16xf32>,
      }
      %scan3A_1888 = arith.constant 32 : i32
      %broadcast_in_dim3A_1889 = arith.constant 2 : i32
      %broadcast_in_dim3A_1890 = vector.broadcast %broadcast_in_dim3A_1889 : i32 to vector<16xi32>
      %scan3A_1891 = arith.constant 0 : i32
      %scan3A_1892 = arith.constant 0 : i32
      %scan3A_1893 = arith.constant 32 : i32
      %scan3A_1894 = arith.addi %scan3A_1892, %scan3A_1893 : i32
      %scan3A_1895 = arith.constant 1 : i32
      scf.for %scan3A_1905 = %scan3A_1892 to %scan3A_1894 step %scan3A_1895  : i32 {
        %mul3A_1906 = arith.constant 16 : i32
        %mul3A_1907 = arith.muli %scan3A_1905, %mul3A_1906 : i32
        %iota3A_1908 = tpu.iota {dimensions = array<i32: 0>} : vector<16xi32>
        %add3A_1909 = vector.broadcast %mul3A_1907 : i32 to vector<16xi32>
        %add3A_1910 = arith.addi %iota3A_1908, %add3A_1909 : vector<16xi32>
        %gather3A = tpu.vector_load_idx %arg18[%broadcast_in_dim3A_1850, %broadcast_in_dim3A_1890, %add3A_1910] : memref<3x4x512xf32, #tpu.memory_space<vmem>>[vector<16xi32>, vector<16xi32>, vector<16xi32>], vector<16xf32>,
        %gather3A_1911 = tpu.vector_load_idx %arg19[%broadcast_in_dim3A_1861, %broadcast_in_dim3A_1890, %add3A_1910] : memref<2x4x512xf32, #tpu.memory_space<vmem>>[vector<16xi32>, vector<16xi32>, vector<16xi32>], vector<16xf32>,
        %add3A_1912 = arith.addf %gather3A, %gather3A_1911 : vector<16xf32>
        %gather3A_1913 = tpu.vector_load_idx %arg20[%broadcast_in_dim3A_1872, %broadcast_in_dim3A_1890, %add3A_1910] : memref<4x4x512xf32, #tpu.memory_space<vmem>>[vector<16xi32>, vector<16xi32>, vector<16xi32>], vector<16xf32>,
        %add3A_1914 = arith.addf %add3A_1912, %gather3A_1913 : vector<16xf32>
        %get3A_1915 = arith.constant 2 : i32
        %get3A_1916 = arith.index_cast %scan3A_1840 : i32 to index
        %get3A_1917 = arith.index_cast %get3A_1915 : i32 to index
        %get3A_1918 = arith.index_cast %mul3A_1907 : i32 to index
        %get3A_1919 = tpu.vector_load %arg22[%get3A_1916, %get3A_1917, %get3A_1918] {strides = array<i32>} : memref<8x4x512xf32, #tpu.memory_space<vmem>>, vector<16xf32>,
        %add3A_1920 = arith.addf %get3A_1919, %add3A_1914 : vector<16xf32>
        %swap3A_1921 = arith.constant 2 : i32
        %swap3A_1922 = arith.index_cast %swap3A_1921 : i32 to index
        %swap3A_1923 = arith.index_cast %scan3A_1840 : i32 to index
        %swap3A_1924 = arith.index_cast %mul3A_1907 : i32 to index
        %swap3A_1925 = tpu.vector_load %arg23[%swap3A_1922, %swap3A_1923, %swap3A_1924] {strides = array<i32>} : memref<4x8x512xf32, #tpu.memory_space<vmem>>, vector<16xf32>,
        tpu.vector_store %arg23[%swap3A_1922, %swap3A_1923, %swap3A_1924], %add3A_1920 {strides = array<i32>} : memref<4x8x512xf32, #tpu.memory_space<vmem>>, vector<16xf32>,
      }
      %scan3A_1896 = arith.constant 32 : i32
      %broadcast_in_dim3A_1897 = arith.constant 3 : i32
      %broadcast_in_dim3A_1898 = vector.broadcast %broadcast_in_dim3A_1897 : i32 to vector<16xi32>
      %scan3A_1899 = arith.constant 0 : i32
      %scan3A_1900 = arith.constant 0 : i32
      %scan3A_1901 = arith.constant 32 : i32
      %scan3A_1902 = arith.addi %scan3A_1900, %scan3A_1901 : i32
      %scan3A_1903 = arith.constant 1 : i32
      scf.for %scan3A_1905 = %scan3A_1900 to %scan3A_1902 step %scan3A_1903  : i32 {
        %mul3A_1906 = arith.constant 16 : i32
        %mul3A_1907 = arith.muli %scan3A_1905, %mul3A_1906 : i32
        %iota3A_1908 = tpu.iota {dimensions = array<i32: 0>} : vector<16xi32>
        %add3A_1909 = vector.broadcast %mul3A_1907 : i32 to vector<16xi32>
        %add3A_1910 = arith.addi %iota3A_1908, %add3A_1909 : vector<16xi32>
        %gather3A = tpu.vector_load_idx %arg18[%broadcast_in_dim3A_1850, %broadcast_in_dim3A_1898, %add3A_1910] : memref<3x4x512xf32, #tpu.memory_space<vmem>>[vector<16xi32>, vector<16xi32>, vector<16xi32>], vector<16xf32>,
        %gather3A_1911 = tpu.vector_load_idx %arg19[%broadcast_in_dim3A_1861, %broadcast_in_dim3A_1898, %add3A_1910] : memref<2x4x512xf32, #tpu.memory_space<vmem>>[vector<16xi32>, vector<16xi32>, vector<16xi32>], vector<16xf32>,
        %add3A_1912 = arith.addf %gather3A, %gather3A_1911 : vector<16xf32>
        %gather3A_1913 = tpu.vector_load_idx %arg20[%broadcast_in_dim3A_1872, %broadcast_in_dim3A_1898, %add3A_1910] : memref<4x4x512xf32, #tpu.memory_space<vmem>>[vector<16xi32>, vector<16xi32>, vector<16xi32>], vector<16xf32>,
        %add3A_1914 = arith.addf %add3A_1912, %gather3A_1913 : vector<16xf32>
        %get3A_1915 = arith.constant 3 : i32
        %get3A_1916 = arith.index_cast %scan3A_1840 : i32 to index
        %get3A_1917 = arith.index_cast %get3A_1915 : i32 to index
        %get3A_1918 = arith.index_cast %mul3A_1907 : i32 to index
        %get3A_1919 = tpu.vector_load %arg22[%get3A_1916, %get3A_1917, %get3A_1918] {strides = array<i32>} : memref<8x4x512xf32, #tpu.memory_space<vmem>>, vector<16xf32>,
        %add3A_1920 = arith.addf %get3A_1919, %add3A_1914 : vector<16xf32>
        %swap3A_1921 = arith.constant 3 : i32
        %swap3A_1922 = arith.index_cast %swap3A_1921 : i32 to index
        %swap3A_1923 = arith.index_cast %scan3A_1840 : i32 to index
        %swap3A_1924 = arith.index_cast %mul3A_1907 : i32 to index
        %swap3A_1925 = tpu.vector_load %arg23[%swap3A_1922, %swap3A_1923, %swap3A_1924] {strides = array<i32>} : memref<4x8x512xf32, #tpu.memory_space<vmem>>, vector<16xf32>,
        tpu.vector_store %arg23[%swap3A_1922, %swap3A_1923, %swap3A_1924], %add3A_1920 {strides = array<i32>} : memref<4x8x512xf32, #tpu.memory_space<vmem>>, vector<16xf32>,
      }
      %scan3A_1904 = arith.constant 32 : i32
    }
    %scan3A_898 = arith.constant 8 : i32
    %add3A_899 = arith.constant 8 : i32
    %add3A_900 = arith.addi %mul3A_2, %add3A_899 : i32
    %dma_start3A_901 = arith.constant 0 : i32
    %dma_start3A_902 = arith.constant 9 : i32
    %dma_start3A_903 = arith.constant 0 : i32
    %dma_start3A_904 = arith.constant 0 : i32
    %dma_start3A_905 = tpu.memref_slice %arg23[%dma_start3A_901, %dma_start3A_903, %dma_start3A_904] : memref<4x8x512xf32, #tpu.memory_space<vmem>> -> memref<1x8x512xf32, #tpu.memory_space<vmem>>
    %dma_start3A_906 = tpu.memref_squeeze %dma_start3A_905 : memref<1x8x512xf32, #tpu.memory_space<vmem>> -> memref<8x512xf32, #tpu.memory_space<vmem>>
    %dma_start3A_907 = arith.constant 0 : i32
    %dma_start3A_908 = tpu.memref_slice %arg12[%dma_start3A_902, %add3A_900, %dma_start3A_907] : memref<77x1024x512xf32, #tpu.memory_space<hbm>> -> memref<1x8x512xf32, #tpu.memory_space<hbm>>
    %dma_start3A_909 = tpu.memref_squeeze %dma_start3A_908 : memref<1x8x512xf32, #tpu.memory_space<hbm>> -> memref<8x512xf32, #tpu.memory_space<hbm>>
    %dma_start3A_910 = arith.constant 0 : i32
    %dma_start3A_911 = tpu.memref_slice %arg12[%dma_start3A_902, %add3A_900, %dma_start3A_910] : memref<77x1024x512xf32, #tpu.memory_space<hbm>> -> memref<1x8x512xf32, #tpu.memory_space<hbm>>
    %dma_start3A_912 = tpu.memref_squeeze %dma_start3A_911 : memref<1x8x512xf32, #tpu.memory_space<hbm>> -> memref<8x512xf32, #tpu.memory_space<hbm>>
    %dma_start3A_913 = arith.constant 0 : i32
    %dma_start3A_914 = arith.constant 0 : i32
    %dma_start3A_915 = tpu.memref_slice %arg23[%dma_start3A_901, %dma_start3A_913, %dma_start3A_914] : memref<4x8x512xf32, #tpu.memory_space<vmem>> -> memref<1x8x512xf32, #tpu.memory_space<vmem>>
    %dma_start3A_916 = tpu.memref_squeeze %dma_start3A_915 : memref<1x8x512xf32, #tpu.memory_space<vmem>> -> memref<8x512xf32, #tpu.memory_space<vmem>>
    tpu.enqueue_dma source(%dma_start3A_916 : memref<8x512xf32, #tpu.memory_space<vmem>>) target(%dma_start3A_912 : memref<8x512xf32, #tpu.memory_space<hbm>>) target_semaphore(%arg28 : memref<!tpu.dma_semaphore, #tpu.memory_space<semaphore_mem>>)
    %dma_start3A_917 = arith.constant 1 : i32
    %dma_start3A_918 = arith.constant 10 : i32
    %dma_start3A_919 = arith.constant 0 : i32
    %dma_start3A_920 = arith.constant 0 : i32
    %dma_start3A_921 = tpu.memref_slice %arg23[%dma_start3A_917, %dma_start3A_919, %dma_start3A_920] : memref<4x8x512xf32, #tpu.memory_space<vmem>> -> memref<1x8x512xf32, #tpu.memory_space<vmem>>
    %dma_start3A_922 = tpu.memref_squeeze %dma_start3A_921 : memref<1x8x512xf32, #tpu.memory_space<vmem>> -> memref<8x512xf32, #tpu.memory_space<vmem>>
    %dma_start3A_923 = arith.constant 0 : i32
    %dma_start3A_924 = tpu.memref_slice %arg12[%dma_start3A_918, %add3A_900, %dma_start3A_923] : memref<77x1024x512xf32, #tpu.memory_space<hbm>> -> memref<1x8x512xf32, #tpu.memory_space<hbm>>
    %dma_start3A_925 = tpu.memref_squeeze %dma_start3A_924 : memref<1x8x512xf32, #tpu.memory_space<hbm>> -> memref<8x512xf32, #tpu.memory_space<hbm>>
    %dma_start3A_926 = arith.constant 0 : i32
    %dma_start3A_927 = tpu.memref_slice %arg12[%dma_start3A_918, %add3A_900, %dma_start3A_926] : memref<77x1024x512xf32, #tpu.memory_space<hbm>> -> memref<1x8x512xf32, #tpu.memory_space<hbm>>
    %dma_start3A_928 = tpu.memref_squeeze %dma_start3A_927 : memref<1x8x512xf32, #tpu.memory_space<hbm>> -> memref<8x512xf32, #tpu.memory_space<hbm>>
    %dma_start3A_929 = arith.constant 0 : i32
    %dma_start3A_930 = arith.constant 0 : i32
    %dma_start3A_931 = tpu.memref_slice %arg23[%dma_start3A_917, %dma_start3A_929, %dma_start3A_930] : memref<4x8x512xf32, #tpu.memory_space<vmem>> -> memref<1x8x512xf32, #tpu.memory_space<vmem>>
    %dma_start3A_932 = tpu.memref_squeeze %dma_start3A_931 : memref<1x8x512xf32, #tpu.memory_space<vmem>> -> memref<8x512xf32, #tpu.memory_space<vmem>>
    tpu.enqueue_dma source(%dma_start3A_932 : memref<8x512xf32, #tpu.memory_space<vmem>>) target(%dma_start3A_928 : memref<8x512xf32, #tpu.memory_space<hbm>>) target_semaphore(%arg28 : memref<!tpu.dma_semaphore, #tpu.memory_space<semaphore_mem>>)
    %dma_start3A_933 = arith.constant 2 : i32
    %dma_start3A_934 = arith.constant 11 : i32
    %dma_start3A_935 = arith.constant 0 : i32
    %dma_start3A_936 = arith.constant 0 : i32
    %dma_start3A_937 = tpu.memref_slice %arg23[%dma_start3A_933, %dma_start3A_935, %dma_start3A_936] : memref<4x8x512xf32, #tpu.memory_space<vmem>> -> memref<1x8x512xf32, #tpu.memory_space<vmem>>
    %dma_start3A_938 = tpu.memref_squeeze %dma_start3A_937 : memref<1x8x512xf32, #tpu.memory_space<vmem>> -> memref<8x512xf32, #tpu.memory_space<vmem>>
    %dma_start3A_939 = arith.constant 0 : i32
    %dma_start3A_940 = tpu.memref_slice %arg12[%dma_start3A_934, %add3A_900, %dma_start3A_939] : memref<77x1024x512xf32, #tpu.memory_space<hbm>> -> memref<1x8x512xf32, #tpu.memory_space<hbm>>
    %dma_start3A_941 = tpu.memref_squeeze %dma_start3A_940 : memref<1x8x512xf32, #tpu.memory_space<hbm>> -> memref<8x512xf32, #tpu.memory_space<hbm>>
    %dma_start3A_942 = arith.constant 0 : i32
    %dma_start3A_943 = tpu.memref_slice %arg12[%dma_start3A_934, %add3A_900, %dma_start3A_942] : memref<77x1024x512xf32, #tpu.memory_space<hbm>> -> memref<1x8x512xf32, #tpu.memory_space<hbm>>
    %dma_start3A_944 = tpu.memref_squeeze %dma_start3A_943 : memref<1x8x512xf32, #tpu.memory_space<hbm>> -> memref<8x512xf32, #tpu.memory_space<hbm>>
    %dma_start3A_945 = arith.constant 0 : i32
    %dma_start3A_946 = arith.constant 0 : i32
    %dma_start3A_947 = tpu.memref_slice %arg23[%dma_start3A_933, %dma_start3A_945, %dma_start3A_946] : memref<4x8x512xf32, #tpu.memory_space<vmem>> -> memref<1x8x512xf32, #tpu.memory_space<vmem>>
    %dma_start3A_948 = tpu.memref_squeeze %dma_start3A_947 : memref<1x8x512xf32, #tpu.memory_space<vmem>> -> memref<8x512xf32, #tpu.memory_space<vmem>>
    tpu.enqueue_dma source(%dma_start3A_948 : memref<8x512xf32, #tpu.memory_space<vmem>>) target(%dma_start3A_944 : memref<8x512xf32, #tpu.memory_space<hbm>>) target_semaphore(%arg28 : memref<!tpu.dma_semaphore, #tpu.memory_space<semaphore_mem>>)
    %dma_start3A_949 = arith.constant 3 : i32
    %dma_start3A_950 = arith.constant 12 : i32
    %dma_start3A_951 = arith.constant 0 : i32
    %dma_start3A_952 = arith.constant 0 : i32
    %dma_start3A_953 = tpu.memref_slice %arg23[%dma_start3A_949, %dma_start3A_951, %dma_start3A_952] : memref<4x8x512xf32, #tpu.memory_space<vmem>> -> memref<1x8x512xf32, #tpu.memory_space<vmem>>
    %dma_start3A_954 = tpu.memref_squeeze %dma_start3A_953 : memref<1x8x512xf32, #tpu.memory_space<vmem>> -> memref<8x512xf32, #tpu.memory_space<vmem>>
    %dma_start3A_955 = arith.constant 0 : i32
    %dma_start3A_956 = tpu.memref_slice %arg12[%dma_start3A_950, %add3A_900, %dma_start3A_955] : memref<77x1024x512xf32, #tpu.memory_space<hbm>> -> memref<1x8x512xf32, #tpu.memory_space<hbm>>
    %dma_start3A_957 = tpu.memref_squeeze %dma_start3A_956 : memref<1x8x512xf32, #tpu.memory_space<hbm>> -> memref<8x512xf32, #tpu.memory_space<hbm>>
    %dma_start3A_958 = arith.constant 0 : i32
    %dma_start3A_959 = tpu.memref_slice %arg12[%dma_start3A_950, %add3A_900, %dma_start3A_958] : memref<77x1024x512xf32, #tpu.memory_space<hbm>> -> memref<1x8x512xf32, #tpu.memory_space<hbm>>
    %dma_start3A_960 = tpu.memref_squeeze %dma_start3A_959 : memref<1x8x512xf32, #tpu.memory_space<hbm>> -> memref<8x512xf32, #tpu.memory_space<hbm>>
    %dma_start3A_961 = arith.constant 0 : i32
    %dma_start3A_962 = arith.constant 0 : i32
    %dma_start3A_963 = tpu.memref_slice %arg23[%dma_start3A_949, %dma_start3A_961, %dma_start3A_962] : memref<4x8x512xf32, #tpu.memory_space<vmem>> -> memref<1x8x512xf32, #tpu.memory_space<vmem>>
    %dma_start3A_964 = tpu.memref_squeeze %dma_start3A_963 : memref<1x8x512xf32, #tpu.memory_space<vmem>> -> memref<8x512xf32, #tpu.memory_space<vmem>>
    tpu.enqueue_dma source(%dma_start3A_964 : memref<8x512xf32, #tpu.memory_space<vmem>>) target(%dma_start3A_960 : memref<8x512xf32, #tpu.memory_space<hbm>>) target_semaphore(%arg28 : memref<!tpu.dma_semaphore, #tpu.memory_space<semaphore_mem>>)
    %dma_wait3A_965 = arith.constant 0 : i32
    %dma_wait3A_966 = tpu.memref_slice %arg12[%add3A_238, %add3A_409, %dma_wait3A_965] : memref<77x1024x512xf32, #tpu.memory_space<hbm>> -> memref<1x32x512xf32, #tpu.memory_space<hbm>>
    %dma_wait3A_967 = tpu.memref_squeeze %dma_wait3A_966 : memref<1x32x512xf32, #tpu.memory_space<hbm>> -> memref<32x512xf32, #tpu.memory_space<hbm>>
    %dma_wait3A_968 = arith.constant 0 : i32
    %dma_wait3A_969 = tpu.memref_slice %arg12[%add3A_238, %add3A_409, %dma_wait3A_968] : memref<77x1024x512xf32, #tpu.memory_space<hbm>> -> memref<1x32x512xf32, #tpu.memory_space<hbm>>
    %dma_wait3A_970 = tpu.memref_squeeze %dma_wait3A_969 : memref<1x32x512xf32, #tpu.memory_space<hbm>> -> memref<32x512xf32, #tpu.memory_space<hbm>>
    tpu.wait_dma2 semaphore(%arg30 : memref<!tpu.dma_semaphore, #tpu.memory_space<semaphore_mem>>) src(%arg25 : memref<32x512xf32, #tpu.memory_space<vmem>>) dst(%dma_wait3A_970 : memref<32x512xf32, #tpu.memory_space<hbm>>)
    %dma_wait3A_971 = arith.constant 0 : i32
    %dma_wait3A_972 = tpu.memref_slice %arg12[%add3A_238, %add3A_409, %dma_wait3A_971] : memref<77x1024x512xf32, #tpu.memory_space<hbm>> -> memref<1x32x512xf32, #tpu.memory_space<hbm>>
    %dma_wait3A_973 = tpu.memref_squeeze %dma_wait3A_972 : memref<1x32x512xf32, #tpu.memory_space<hbm>> -> memref<32x512xf32, #tpu.memory_space<hbm>>
    %dma_wait3A_974 = arith.constant 0 : i32
    %dma_wait3A_975 = tpu.memref_slice %arg12[%add3A_238, %add3A_409, %dma_wait3A_974] : memref<77x1024x512xf32, #tpu.memory_space<hbm>> -> memref<1x32x512xf32, #tpu.memory_space<hbm>>
    %dma_wait3A_976 = tpu.memref_squeeze %dma_wait3A_975 : memref<1x32x512xf32, #tpu.memory_space<hbm>> -> memref<32x512xf32, #tpu.memory_space<hbm>>
    tpu.wait_dma2 semaphore(%arg30 : memref<!tpu.dma_semaphore, #tpu.memory_space<semaphore_mem>>) src(%arg25 : memref<32x512xf32, #tpu.memory_space<vmem>>) dst(%dma_wait3A_976 : memref<32x512xf32, #tpu.memory_space<hbm>>)
    %dma_wait3A_977 = arith.constant 0 : i32
    %dma_wait3A_978 = tpu.memref_slice %arg12[%add3A_238, %add3A_409, %dma_wait3A_977] : memref<77x1024x512xf32, #tpu.memory_space<hbm>> -> memref<1x32x512xf32, #tpu.memory_space<hbm>>
    %dma_wait3A_979 = tpu.memref_squeeze %dma_wait3A_978 : memref<1x32x512xf32, #tpu.memory_space<hbm>> -> memref<32x512xf32, #tpu.memory_space<hbm>>
    %dma_wait3A_980 = arith.constant 0 : i32
    %dma_wait3A_981 = tpu.memref_slice %arg12[%add3A_238, %add3A_409, %dma_wait3A_980] : memref<77x1024x512xf32, #tpu.memory_space<hbm>> -> memref<1x32x512xf32, #tpu.memory_space<hbm>>
    %dma_wait3A_982 = tpu.memref_squeeze %dma_wait3A_981 : memref<1x32x512xf32, #tpu.memory_space<hbm>> -> memref<32x512xf32, #tpu.memory_space<hbm>>
    tpu.wait_dma2 semaphore(%arg30 : memref<!tpu.dma_semaphore, #tpu.memory_space<semaphore_mem>>) src(%arg25 : memref<32x512xf32, #tpu.memory_space<vmem>>) dst(%dma_wait3A_982 : memref<32x512xf32, #tpu.memory_space<hbm>>)
    %dma_wait3A_983 = arith.constant 0 : i32
    %dma_wait3A_984 = tpu.memref_slice %arg12[%add3A_238, %add3A_409, %dma_wait3A_983] : memref<77x1024x512xf32, #tpu.memory_space<hbm>> -> memref<1x32x512xf32, #tpu.memory_space<hbm>>
    %dma_wait3A_985 = tpu.memref_squeeze %dma_wait3A_984 : memref<1x32x512xf32, #tpu.memory_space<hbm>> -> memref<32x512xf32, #tpu.memory_space<hbm>>
    %dma_wait3A_986 = arith.constant 0 : i32
    %dma_wait3A_987 = tpu.memref_slice %arg12[%add3A_238, %add3A_409, %dma_wait3A_986] : memref<77x1024x512xf32, #tpu.memory_space<hbm>> -> memref<1x32x512xf32, #tpu.memory_space<hbm>>
    %dma_wait3A_988 = tpu.memref_squeeze %dma_wait3A_987 : memref<1x32x512xf32, #tpu.memory_space<hbm>> -> memref<32x512xf32, #tpu.memory_space<hbm>>
    tpu.wait_dma2 semaphore(%arg30 : memref<!tpu.dma_semaphore, #tpu.memory_space<semaphore_mem>>) src(%arg25 : memref<32x512xf32, #tpu.memory_space<vmem>>) dst(%dma_wait3A_988 : memref<32x512xf32, #tpu.memory_space<hbm>>)
    %dma_wait3A_989 = arith.constant 0 : i32
    %dma_wait3A_990 = tpu.memref_slice %arg12[%add3A_238, %add3A_409, %dma_wait3A_989] : memref<77x1024x512xf32, #tpu.memory_space<hbm>> -> memref<1x32x512xf32, #tpu.memory_space<hbm>>
    %dma_wait3A_991 = tpu.memref_squeeze %dma_wait3A_990 : memref<1x32x512xf32, #tpu.memory_space<hbm>> -> memref<32x512xf32, #tpu.memory_space<hbm>>
    %dma_wait3A_992 = arith.constant 0 : i32
    %dma_wait3A_993 = tpu.memref_slice %arg12[%add3A_238, %add3A_409, %dma_wait3A_992] : memref<77x1024x512xf32, #tpu.memory_space<hbm>> -> memref<1x32x512xf32, #tpu.memory_space<hbm>>
    %dma_wait3A_994 = tpu.memref_squeeze %dma_wait3A_993 : memref<1x32x512xf32, #tpu.memory_space<hbm>> -> memref<32x512xf32, #tpu.memory_space<hbm>>
    tpu.wait_dma2 semaphore(%arg30 : memref<!tpu.dma_semaphore, #tpu.memory_space<semaphore_mem>>) src(%arg25 : memref<32x512xf32, #tpu.memory_space<vmem>>) dst(%dma_wait3A_994 : memref<32x512xf32, #tpu.memory_space<hbm>>)
    %dma_wait3A_995 = arith.constant 0 : i32
    %dma_wait3A_996 = tpu.memref_slice %arg12[%add3A_238, %add3A_409, %dma_wait3A_995] : memref<77x1024x512xf32, #tpu.memory_space<hbm>> -> memref<1x32x512xf32, #tpu.memory_space<hbm>>
    %dma_wait3A_997 = tpu.memref_squeeze %dma_wait3A_996 : memref<1x32x512xf32, #tpu.memory_space<hbm>> -> memref<32x512xf32, #tpu.memory_space<hbm>>
    %dma_wait3A_998 = arith.constant 0 : i32
    %dma_wait3A_999 = tpu.memref_slice %arg12[%add3A_238, %add3A_409, %dma_wait3A_998] : memref<77x1024x512xf32, #tpu.memory_space<hbm>> -> memref<1x32x512xf32, #tpu.memory_space<hbm>>
    %dma_wait3A_1000 = tpu.memref_squeeze %dma_wait3A_999 : memref<1x32x512xf32, #tpu.memory_space<hbm>> -> memref<32x512xf32, #tpu.memory_space<hbm>>
    tpu.wait_dma2 semaphore(%arg30 : memref<!tpu.dma_semaphore, #tpu.memory_space<semaphore_mem>>) src(%arg25 : memref<32x512xf32, #tpu.memory_space<vmem>>) dst(%dma_wait3A_1000 : memref<32x512xf32, #tpu.memory_space<hbm>>)
    %dma_wait3A_1001 = arith.constant 0 : i32
    %dma_wait3A_1002 = tpu.memref_slice %arg12[%add3A_238, %add3A_409, %dma_wait3A_1001] : memref<77x1024x512xf32, #tpu.memory_space<hbm>> -> memref<1x32x512xf32, #tpu.memory_space<hbm>>
    %dma_wait3A_1003 = tpu.memref_squeeze %dma_wait3A_1002 : memref<1x32x512xf32, #tpu.memory_space<hbm>> -> memref<32x512xf32, #tpu.memory_space<hbm>>
    %dma_wait3A_1004 = arith.constant 0 : i32
    %dma_wait3A_1005 = tpu.memref_slice %arg12[%add3A_238, %add3A_409, %dma_wait3A_1004] : memref<77x1024x512xf32, #tpu.memory_space<hbm>> -> memref<1x32x512xf32, #tpu.memory_space<hbm>>
    %dma_wait3A_1006 = tpu.memref_squeeze %dma_wait3A_1005 : memref<1x32x512xf32, #tpu.memory_space<hbm>> -> memref<32x512xf32, #tpu.memory_space<hbm>>
    tpu.wait_dma2 semaphore(%arg30 : memref<!tpu.dma_semaphore, #tpu.memory_space<semaphore_mem>>) src(%arg25 : memref<32x512xf32, #tpu.memory_space<vmem>>) dst(%dma_wait3A_1006 : memref<32x512xf32, #tpu.memory_space<hbm>>)
    %dma_wait3A_1007 = arith.constant 0 : i32
    %dma_wait3A_1008 = tpu.memref_slice %arg12[%add3A_238, %add3A_409, %dma_wait3A_1007] : memref<77x1024x512xf32, #tpu.memory_space<hbm>> -> memref<1x32x512xf32, #tpu.memory_space<hbm>>
    %dma_wait3A_1009 = tpu.memref_squeeze %dma_wait3A_1008 : memref<1x32x512xf32, #tpu.memory_space<hbm>> -> memref<32x512xf32, #tpu.memory_space<hbm>>
    %dma_wait3A_1010 = arith.constant 0 : i32
    %dma_wait3A_1011 = tpu.memref_slice %arg12[%add3A_238, %add3A_409, %dma_wait3A_1010] : memref<77x1024x512xf32, #tpu.memory_space<hbm>> -> memref<1x32x512xf32, #tpu.memory_space<hbm>>
    %dma_wait3A_1012 = tpu.memref_squeeze %dma_wait3A_1011 : memref<1x32x512xf32, #tpu.memory_space<hbm>> -> memref<32x512xf32, #tpu.memory_space<hbm>>
    tpu.wait_dma2 semaphore(%arg30 : memref<!tpu.dma_semaphore, #tpu.memory_space<semaphore_mem>>) src(%arg25 : memref<32x512xf32, #tpu.memory_space<vmem>>) dst(%dma_wait3A_1012 : memref<32x512xf32, #tpu.memory_space<hbm>>)
    %dma_wait3A_1013 = arith.constant 0 : i32
    %dma_wait3A_1014 = tpu.memref_slice %arg12[%add3A_238, %add3A_409, %dma_wait3A_1013] : memref<77x1024x512xf32, #tpu.memory_space<hbm>> -> memref<1x32x512xf32, #tpu.memory_space<hbm>>
    %dma_wait3A_1015 = tpu.memref_squeeze %dma_wait3A_1014 : memref<1x32x512xf32, #tpu.memory_space<hbm>> -> memref<32x512xf32, #tpu.memory_space<hbm>>
    %dma_wait3A_1016 = arith.constant 0 : i32
    %dma_wait3A_1017 = tpu.memref_slice %arg12[%add3A_238, %add3A_409, %dma_wait3A_1016] : memref<77x1024x512xf32, #tpu.memory_space<hbm>> -> memref<1x32x512xf32, #tpu.memory_space<hbm>>
    %dma_wait3A_1018 = tpu.memref_squeeze %dma_wait3A_1017 : memref<1x32x512xf32, #tpu.memory_space<hbm>> -> memref<32x512xf32, #tpu.memory_space<hbm>>
    tpu.wait_dma2 semaphore(%arg30 : memref<!tpu.dma_semaphore, #tpu.memory_space<semaphore_mem>>) src(%arg25 : memref<32x512xf32, #tpu.memory_space<vmem>>) dst(%dma_wait3A_1018 : memref<32x512xf32, #tpu.memory_space<hbm>>)
    %dma_wait3A_1019 = arith.constant 0 : i32
    %dma_wait3A_1020 = tpu.memref_slice %arg12[%add3A_238, %add3A_409, %dma_wait3A_1019] : memref<77x1024x512xf32, #tpu.memory_space<hbm>> -> memref<1x32x512xf32, #tpu.memory_space<hbm>>
    %dma_wait3A_1021 = tpu.memref_squeeze %dma_wait3A_1020 : memref<1x32x512xf32, #tpu.memory_space<hbm>> -> memref<32x512xf32, #tpu.memory_space<hbm>>
    %dma_wait3A_1022 = arith.constant 0 : i32
    %dma_wait3A_1023 = tpu.memref_slice %arg12[%add3A_238, %add3A_409, %dma_wait3A_1022] : memref<77x1024x512xf32, #tpu.memory_space<hbm>> -> memref<1x32x512xf32, #tpu.memory_space<hbm>>
    %dma_wait3A_1024 = tpu.memref_squeeze %dma_wait3A_1023 : memref<1x32x512xf32, #tpu.memory_space<hbm>> -> memref<32x512xf32, #tpu.memory_space<hbm>>
    tpu.wait_dma2 semaphore(%arg30 : memref<!tpu.dma_semaphore, #tpu.memory_space<semaphore_mem>>) src(%arg25 : memref<32x512xf32, #tpu.memory_space<vmem>>) dst(%dma_wait3A_1024 : memref<32x512xf32, #tpu.memory_space<hbm>>)
    %dma_wait3A_1025 = arith.constant 0 : i32
    %dma_wait3A_1026 = tpu.memref_slice %arg12[%add3A_238, %add3A_409, %dma_wait3A_1025] : memref<77x1024x512xf32, #tpu.memory_space<hbm>> -> memref<1x32x512xf32, #tpu.memory_space<hbm>>
    %dma_wait3A_1027 = tpu.memref_squeeze %dma_wait3A_1026 : memref<1x32x512xf32, #tpu.memory_space<hbm>> -> memref<32x512xf32, #tpu.memory_space<hbm>>
    %dma_wait3A_1028 = arith.constant 0 : i32
    %dma_wait3A_1029 = tpu.memref_slice %arg12[%add3A_238, %add3A_409, %dma_wait3A_1028] : memref<77x1024x512xf32, #tpu.memory_space<hbm>> -> memref<1x32x512xf32, #tpu.memory_space<hbm>>
    %dma_wait3A_1030 = tpu.memref_squeeze %dma_wait3A_1029 : memref<1x32x512xf32, #tpu.memory_space<hbm>> -> memref<32x512xf32, #tpu.memory_space<hbm>>
    tpu.wait_dma2 semaphore(%arg30 : memref<!tpu.dma_semaphore, #tpu.memory_space<semaphore_mem>>) src(%arg25 : memref<32x512xf32, #tpu.memory_space<vmem>>) dst(%dma_wait3A_1030 : memref<32x512xf32, #tpu.memory_space<hbm>>)
    %dma_wait3A_1031 = arith.constant 0 : i32
    %dma_wait3A_1032 = tpu.memref_slice %arg12[%add3A_238, %add3A_409, %dma_wait3A_1031] : memref<77x1024x512xf32, #tpu.memory_space<hbm>> -> memref<1x32x512xf32, #tpu.memory_space<hbm>>
    %dma_wait3A_1033 = tpu.memref_squeeze %dma_wait3A_1032 : memref<1x32x512xf32, #tpu.memory_space<hbm>> -> memref<32x512xf32, #tpu.memory_space<hbm>>
    %dma_wait3A_1034 = arith.constant 0 : i32
    %dma_wait3A_1035 = tpu.memref_slice %arg12[%add3A_238, %add3A_409, %dma_wait3A_1034] : memref<77x1024x512xf32, #tpu.memory_space<hbm>> -> memref<1x32x512xf32, #tpu.memory_space<hbm>>
    %dma_wait3A_1036 = tpu.memref_squeeze %dma_wait3A_1035 : memref<1x32x512xf32, #tpu.memory_space<hbm>> -> memref<32x512xf32, #tpu.memory_space<hbm>>
    tpu.wait_dma2 semaphore(%arg30 : memref<!tpu.dma_semaphore, #tpu.memory_space<semaphore_mem>>) src(%arg25 : memref<32x512xf32, #tpu.memory_space<vmem>>) dst(%dma_wait3A_1036 : memref<32x512xf32, #tpu.memory_space<hbm>>)
    %dma_wait3A_1037 = arith.constant 0 : i32
    %dma_wait3A_1038 = tpu.memref_slice %arg12[%add3A_238, %add3A_409, %dma_wait3A_1037] : memref<77x1024x512xf32, #tpu.memory_space<hbm>> -> memref<1x32x512xf32, #tpu.memory_space<hbm>>
    %dma_wait3A_1039 = tpu.memref_squeeze %dma_wait3A_1038 : memref<1x32x512xf32, #tpu.memory_space<hbm>> -> memref<32x512xf32, #tpu.memory_space<hbm>>
    %dma_wait3A_1040 = arith.constant 0 : i32
    %dma_wait3A_1041 = tpu.memref_slice %arg12[%add3A_238, %add3A_409, %dma_wait3A_1040] : memref<77x1024x512xf32, #tpu.memory_space<hbm>> -> memref<1x32x512xf32, #tpu.memory_space<hbm>>
    %dma_wait3A_1042 = tpu.memref_squeeze %dma_wait3A_1041 : memref<1x32x512xf32, #tpu.memory_space<hbm>> -> memref<32x512xf32, #tpu.memory_space<hbm>>
    tpu.wait_dma2 semaphore(%arg30 : memref<!tpu.dma_semaphore, #tpu.memory_space<semaphore_mem>>) src(%arg25 : memref<32x512xf32, #tpu.memory_space<vmem>>) dst(%dma_wait3A_1042 : memref<32x512xf32, #tpu.memory_space<hbm>>)
    %dma_wait3A_1043 = arith.constant 0 : i32
    %dma_wait3A_1044 = tpu.memref_slice %arg12[%add3A_238, %add3A_409, %dma_wait3A_1043] : memref<77x1024x512xf32, #tpu.memory_space<hbm>> -> memref<1x32x512xf32, #tpu.memory_space<hbm>>
    %dma_wait3A_1045 = tpu.memref_squeeze %dma_wait3A_1044 : memref<1x32x512xf32, #tpu.memory_space<hbm>> -> memref<32x512xf32, #tpu.memory_space<hbm>>
    %dma_wait3A_1046 = arith.constant 0 : i32
    %dma_wait3A_1047 = tpu.memref_slice %arg12[%add3A_238, %add3A_409, %dma_wait3A_1046] : memref<77x1024x512xf32, #tpu.memory_space<hbm>> -> memref<1x32x512xf32, #tpu.memory_space<hbm>>
    %dma_wait3A_1048 = tpu.memref_squeeze %dma_wait3A_1047 : memref<1x32x512xf32, #tpu.memory_space<hbm>> -> memref<32x512xf32, #tpu.memory_space<hbm>>
    tpu.wait_dma2 semaphore(%arg30 : memref<!tpu.dma_semaphore, #tpu.memory_space<semaphore_mem>>) src(%arg25 : memref<32x512xf32, #tpu.memory_space<vmem>>) dst(%dma_wait3A_1048 : memref<32x512xf32, #tpu.memory_space<hbm>>)
    %dma_wait3A_1049 = arith.constant 0 : i32
    %dma_wait3A_1050 = tpu.memref_slice %arg12[%add3A_238, %add3A_409, %dma_wait3A_1049] : memref<77x1024x512xf32, #tpu.memory_space<hbm>> -> memref<1x32x512xf32, #tpu.memory_space<hbm>>
    %dma_wait3A_1051 = tpu.memref_squeeze %dma_wait3A_1050 : memref<1x32x512xf32, #tpu.memory_space<hbm>> -> memref<32x512xf32, #tpu.memory_space<hbm>>
    %dma_wait3A_1052 = arith.constant 0 : i32
    %dma_wait3A_1053 = tpu.memref_slice %arg12[%add3A_238, %add3A_409, %dma_wait3A_1052] : memref<77x1024x512xf32, #tpu.memory_space<hbm>> -> memref<1x32x512xf32, #tpu.memory_space<hbm>>
    %dma_wait3A_1054 = tpu.memref_squeeze %dma_wait3A_1053 : memref<1x32x512xf32, #tpu.memory_space<hbm>> -> memref<32x512xf32, #tpu.memory_space<hbm>>
    tpu.wait_dma2 semaphore(%arg30 : memref<!tpu.dma_semaphore, #tpu.memory_space<semaphore_mem>>) src(%arg25 : memref<32x512xf32, #tpu.memory_space<vmem>>) dst(%dma_wait3A_1054 : memref<32x512xf32, #tpu.memory_space<hbm>>)
    %dma_wait3A_1055 = arith.constant 0 : i32
    %dma_wait3A_1056 = tpu.memref_slice %arg12[%add3A_238, %add3A_409, %dma_wait3A_1055] : memref<77x1024x512xf32, #tpu.memory_space<hbm>> -> memref<1x32x512xf32, #tpu.memory_space<hbm>>
    %dma_wait3A_1057 = tpu.memref_squeeze %dma_wait3A_1056 : memref<1x32x512xf32, #tpu.memory_space<hbm>> -> memref<32x512xf32, #tpu.memory_space<hbm>>
    %dma_wait3A_1058 = arith.constant 0 : i32
    %dma_wait3A_1059 = tpu.memref_slice %arg12[%add3A_238, %add3A_409, %dma_wait3A_1058] : memref<77x1024x512xf32, #tpu.memory_space<hbm>> -> memref<1x32x512xf32, #tpu.memory_space<hbm>>
    %dma_wait3A_1060 = tpu.memref_squeeze %dma_wait3A_1059 : memref<1x32x512xf32, #tpu.memory_space<hbm>> -> memref<32x512xf32, #tpu.memory_space<hbm>>
    tpu.wait_dma2 semaphore(%arg30 : memref<!tpu.dma_semaphore, #tpu.memory_space<semaphore_mem>>) src(%arg25 : memref<32x512xf32, #tpu.memory_space<vmem>>) dst(%dma_wait3A_1060 : memref<32x512xf32, #tpu.memory_space<hbm>>)
    %add3A_1061 = arith.constant 96 : i32
    %add3A_1062 = arith.addi %add3A, %add3A_1061 : i32
    %jit3A_1063 = arith.constant 2 : i32
    %div3A_1064 = arith.divsi %add3A_1062, %jit3A_1063 : i32
    %sign3A_1065 = arith.constant 0 : i32
    %sign3A_1066 = arith.cmpi sgt, %add3A_1062, %sign3A_1065 : i32
    %sign3A_1067 = arith.extui %sign3A_1066 : i1 to i32
    %sign3A_1068 = arith.constant 0 : i32
    %sign3A_1069 = arith.cmpi slt, %add3A_1062, %sign3A_1068 : i32
    %sign3A_1070 = arith.extui %sign3A_1069 : i1 to i32
    %sign3A_1071 = arith.subi %sign3A_1067, %sign3A_1070 : i32
    %sign3A_1072 = arith.constant 0 : i32
    %sign3A_1073 = arith.cmpi sgt, %jit3A_1063, %sign3A_1072 : i32
    %sign3A_1074 = arith.extui %sign3A_1073 : i1 to i32
    %sign3A_1075 = arith.constant 0 : i32
    %sign3A_1076 = arith.cmpi slt, %jit3A_1063, %sign3A_1075 : i32
    %sign3A_1077 = arith.extui %sign3A_1076 : i1 to i32
    %sign3A_1078 = arith.subi %sign3A_1074, %sign3A_1077 : i32
    %ne3A_1079 = arith.cmpi ne, %sign3A_1071, %sign3A_1078 : i32
    %rem3A_1080 = arith.remsi %add3A_1062, %jit3A_1063 : i32
    %ne3A_1081 = arith.constant 0 : i32
    %ne3A_1082 = arith.cmpi ne, %rem3A_1080, %ne3A_1081 : i32
    %and3A_1083 = arith.andi %ne3A_1079, %ne3A_1082 : i1
    %sub3A_1084 = arith.constant 1 : i32
    %sub3A_1085 = arith.subi %div3A_1064, %sub3A_1084 : i32
    %select_n3A_1086 = arith.select %and3A_1083, %sub3A_1085, %div3A_1064 : i32
    %mul3A_1087 = arith.constant 2 : i32
    %mul3A_1088 = arith.muli %mul3A_1087, %select_n3A_1086 : i32
    %sub3A_1089 = arith.subi %add3A_1062, %mul3A_1088 : i32
    %ge3A_1090 = arith.constant 9 : i32
    %ge3A_1091 = arith.cmpi sge, %select_n3A_1086, %ge3A_1090 : i32
    %jit3A_1092 = arith.constant 4 : i32
    %jit3A_1093 = arith.constant 0 : i32
    %select_n3A_1094 = arith.select %ge3A_1091, %jit3A_1092, %jit3A_1093 : i32
    %add3A_1095 = arith.addi %select_n3A_1086, %select_n3A_1094 : i32
    %jit3A_1096 = arith.constant 9 : i32
    %jit3A_1097 = arith.constant 0 : i32
    %select_n3A_1098 = arith.select %ge3A_1091, %jit3A_1096, %jit3A_1097 : i32
    %sub3A_1099 = arith.subi %select_n3A_1086, %select_n3A_1098 : i32
    %broadcast_in_dim3A_1100 = vector.broadcast %sub3A_1099 : i32 to vector<16xi32>
    %swap3A_1101 = arith.constant 0 : index
    %swap3A_1102 = tpu.vector_load %arg17[%swap3A_1101] {strides = array<i32>} : memref<32xi32, #tpu.memory_space<vmem>>, vector<16xi32>,
    tpu.vector_store %arg17[%swap3A_1101], %broadcast_in_dim3A_1100 {strides = array<i32>} : memref<32xi32, #tpu.memory_space<vmem>>, vector<16xi32>,
    %swap3A_1103 = arith.constant 16 : index
    %swap3A_1104 = tpu.vector_load %arg17[%swap3A_1103] {strides = array<i32>} : memref<32xi32, #tpu.memory_space<vmem>>, vector<16xi32>,
    tpu.vector_store %arg17[%swap3A_1103], %broadcast_in_dim3A_1100 {strides = array<i32>} : memref<32xi32, #tpu.memory_space<vmem>>, vector<16xi32>,
    %not3A_1105 = arith.constant true
    %not3A_1106 = arith.xori %ge3A_1091, %not3A_1105 : i1
    %convert_element_type3A_1107 = arith.extui %not3A_1106 : i1 to i32
    %cond3A_1108 = arith.constant 0 : i32
    %cond3A_1109 = arith.cmpi ne, %convert_element_type3A_1107, %cond3A_1108 : i32
    scf.if %cond3A_1109 {
      %dma_start3A_1840 = arith.constant 0 : i32
      %dma_start3A_1841 = arith.constant 0 : i32
      %dma_start3A_1842 = tpu.memref_slice %arg10[%dma_start3A_1840, %dma_start3A_1841] : memref<9x512xf32, #tpu.memory_space<hbm>> -> memref<9x512xf32, #tpu.memory_space<hbm>>
      tpu.enqueue_indirect_dma source(%dma_start3A_1842 : memref<9x512xf32, #tpu.memory_space<hbm>>) target(%arg25 : memref<32x512xf32, #tpu.memory_space<vmem>>) offsets(%arg17 : memref<32xi32, #tpu.memory_space<vmem>>) semaphore(%arg27 : memref<!tpu.dma_semaphore, #tpu.memory_space<semaphore_mem>>)
      %dma_wait3A_1843 = arith.constant 0 : i32
      %dma_wait3A_1844 = arith.constant 0 : i32
      %dma_wait3A_1845 = tpu.memref_slice %arg10[%dma_wait3A_1843, %dma_wait3A_1844] : memref<9x512xf32, #tpu.memory_space<hbm>> -> memref<9x512xf32, #tpu.memory_space<hbm>>
      tpu.wait_indirect_dma semaphore(%arg27 : memref<!tpu.dma_semaphore, #tpu.memory_space<semaphore_mem>>) src(%dma_wait3A_1845 : memref<9x512xf32, #tpu.memory_space<hbm>>) dst(%arg25 : memref<32x512xf32, #tpu.memory_space<vmem>>)
    } else {
    }
    %convert_element_type3A_1110 = arith.extui %ge3A_1091 : i1 to i32
    %cond3A_1111 = arith.constant 0 : i32
    %cond3A_1112 = arith.cmpi ne, %convert_element_type3A_1110, %cond3A_1111 : i32
    scf.if %cond3A_1112 {
      %dma_start3A_1840 = arith.constant 0 : i32
      %dma_start3A_1841 = arith.constant 0 : i32
      %dma_start3A_1842 = tpu.memref_slice %arg11[%dma_start3A_1840, %dma_start3A_1841] : memref<64x512xf32, #tpu.memory_space<hbm>> -> memref<64x512xf32, #tpu.memory_space<hbm>>
      tpu.enqueue_indirect_dma source(%dma_start3A_1842 : memref<64x512xf32, #tpu.memory_space<hbm>>) target(%arg25 : memref<32x512xf32, #tpu.memory_space<vmem>>) offsets(%arg17 : memref<32xi32, #tpu.memory_space<vmem>>) semaphore(%arg27 : memref<!tpu.dma_semaphore, #tpu.memory_space<semaphore_mem>>)
      %dma_wait3A_1843 = arith.constant 0 : i32
      %dma_wait3A_1844 = arith.constant 0 : i32
      %dma_wait3A_1845 = tpu.memref_slice %arg11[%dma_wait3A_1843, %dma_wait3A_1844] : memref<64x512xf32, #tpu.memory_space<hbm>> -> memref<64x512xf32, #tpu.memory_space<hbm>>
      tpu.wait_indirect_dma semaphore(%arg27 : memref<!tpu.dma_semaphore, #tpu.memory_space<semaphore_mem>>) src(%dma_wait3A_1845 : memref<64x512xf32, #tpu.memory_space<hbm>>) dst(%arg25 : memref<32x512xf32, #tpu.memory_space<vmem>>)
    } else {
    }
    %mul3A_1113 = arith.constant 512 : i32
    %mul3A_1114 = arith.muli %sub3A_1089, %mul3A_1113 : i32
    %add3A_1115 = arith.constant 0 : i32
    %add3A_1116 = arith.addi %mul3A_1114, %add3A_1115 : i32
    %dma_start3A_1117 = arith.constant 0 : i32
    %dma_start3A_1118 = tpu.memref_slice %arg12[%add3A_1095, %add3A_1116, %dma_start3A_1117] : memref<77x1024x512xf32, #tpu.memory_space<hbm>> -> memref<1x32x512xf32, #tpu.memory_space<hbm>>
    %dma_start3A_1119 = tpu.memref_squeeze %dma_start3A_1118 : memref<1x32x512xf32, #tpu.memory_space<hbm>> -> memref<32x512xf32, #tpu.memory_space<hbm>>
    %dma_start3A_1120 = arith.constant 0 : i32
    %dma_start3A_1121 = tpu.memref_slice %arg12[%add3A_1095, %add3A_1116, %dma_start3A_1120] : memref<77x1024x512xf32, #tpu.memory_space<hbm>> -> memref<1x32x512xf32, #tpu.memory_space<hbm>>
    %dma_start3A_1122 = tpu.memref_squeeze %dma_start3A_1121 : memref<1x32x512xf32, #tpu.memory_space<hbm>> -> memref<32x512xf32, #tpu.memory_space<hbm>>
    tpu.enqueue_dma source(%arg25 : memref<32x512xf32, #tpu.memory_space<vmem>>) target(%dma_start3A_1122 : memref<32x512xf32, #tpu.memory_space<hbm>>) target_semaphore(%arg30 : memref<!tpu.dma_semaphore, #tpu.memory_space<semaphore_mem>>)
    %mul3A_1123 = arith.constant 512 : i32
    %mul3A_1124 = arith.muli %sub3A_1089, %mul3A_1123 : i32
    %add3A_1125 = arith.constant 32 : i32
    %add3A_1126 = arith.addi %mul3A_1124, %add3A_1125 : i32
    %dma_start3A_1127 = arith.constant 0 : i32
    %dma_start3A_1128 = tpu.memref_slice %arg12[%add3A_1095, %add3A_1126, %dma_start3A_1127] : memref<77x1024x512xf32, #tpu.memory_space<hbm>> -> memref<1x32x512xf32, #tpu.memory_space<hbm>>
    %dma_start3A_1129 = tpu.memref_squeeze %dma_start3A_1128 : memref<1x32x512xf32, #tpu.memory_space<hbm>> -> memref<32x512xf32, #tpu.memory_space<hbm>>
    %dma_start3A_1130 = arith.constant 0 : i32
    %dma_start3A_1131 = tpu.memref_slice %arg12[%add3A_1095, %add3A_1126, %dma_start3A_1130] : memref<77x1024x512xf32, #tpu.memory_space<hbm>> -> memref<1x32x512xf32, #tpu.memory_space<hbm>>
    %dma_start3A_1132 = tpu.memref_squeeze %dma_start3A_1131 : memref<1x32x512xf32, #tpu.memory_space<hbm>> -> memref<32x512xf32, #tpu.memory_space<hbm>>
    tpu.enqueue_dma source(%arg25 : memref<32x512xf32, #tpu.memory_space<vmem>>) target(%dma_start3A_1132 : memref<32x512xf32, #tpu.memory_space<hbm>>) target_semaphore(%arg30 : memref<!tpu.dma_semaphore, #tpu.memory_space<semaphore_mem>>)
    %mul3A_1133 = arith.constant 512 : i32
    %mul3A_1134 = arith.muli %sub3A_1089, %mul3A_1133 : i32
    %add3A_1135 = arith.constant 64 : i32
    %add3A_1136 = arith.addi %mul3A_1134, %add3A_1135 : i32
    %dma_start3A_1137 = arith.constant 0 : i32
    %dma_start3A_1138 = tpu.memref_slice %arg12[%add3A_1095, %add3A_1136, %dma_start3A_1137] : memref<77x1024x512xf32, #tpu.memory_space<hbm>> -> memref<1x32x512xf32, #tpu.memory_space<hbm>>
    %dma_start3A_1139 = tpu.memref_squeeze %dma_start3A_1138 : memref<1x32x512xf32, #tpu.memory_space<hbm>> -> memref<32x512xf32, #tpu.memory_space<hbm>>
    %dma_start3A_1140 = arith.constant 0 : i32
    %dma_start3A_1141 = tpu.memref_slice %arg12[%add3A_1095, %add3A_1136, %dma_start3A_1140] : memref<77x1024x512xf32, #tpu.memory_space<hbm>> -> memref<1x32x512xf32, #tpu.memory_space<hbm>>
    %dma_start3A_1142 = tpu.memref_squeeze %dma_start3A_1141 : memref<1x32x512xf32, #tpu.memory_space<hbm>> -> memref<32x512xf32, #tpu.memory_space<hbm>>
    tpu.enqueue_dma source(%arg25 : memref<32x512xf32, #tpu.memory_space<vmem>>) target(%dma_start3A_1142 : memref<32x512xf32, #tpu.memory_space<hbm>>) target_semaphore(%arg30 : memref<!tpu.dma_semaphore, #tpu.memory_space<semaphore_mem>>)
    %mul3A_1143 = arith.constant 512 : i32
    %mul3A_1144 = arith.muli %sub3A_1089, %mul3A_1143 : i32
    %add3A_1145 = arith.constant 96 : i32
    %add3A_1146 = arith.addi %mul3A_1144, %add3A_1145 : i32
    %dma_start3A_1147 = arith.constant 0 : i32
    %dma_start3A_1148 = tpu.memref_slice %arg12[%add3A_1095, %add3A_1146, %dma_start3A_1147] : memref<77x1024x512xf32, #tpu.memory_space<hbm>> -> memref<1x32x512xf32, #tpu.memory_space<hbm>>
    %dma_start3A_1149 = tpu.memref_squeeze %dma_start3A_1148 : memref<1x32x512xf32, #tpu.memory_space<hbm>> -> memref<32x512xf32, #tpu.memory_space<hbm>>
    %dma_start3A_1150 = arith.constant 0 : i32
    %dma_start3A_1151 = tpu.memref_slice %arg12[%add3A_1095, %add3A_1146, %dma_start3A_1150] : memref<77x1024x512xf32, #tpu.memory_space<hbm>> -> memref<1x32x512xf32, #tpu.memory_space<hbm>>
    %dma_start3A_1152 = tpu.memref_squeeze %dma_start3A_1151 : memref<1x32x512xf32, #tpu.memory_space<hbm>> -> memref<32x512xf32, #tpu.memory_space<hbm>>
    tpu.enqueue_dma source(%arg25 : memref<32x512xf32, #tpu.memory_space<vmem>>) target(%dma_start3A_1152 : memref<32x512xf32, #tpu.memory_space<hbm>>) target_semaphore(%arg30 : memref<!tpu.dma_semaphore, #tpu.memory_space<semaphore_mem>>)
    %mul3A_1153 = arith.constant 512 : i32
    %mul3A_1154 = arith.muli %sub3A_1089, %mul3A_1153 : i32
    %add3A_1155 = arith.constant 128 : i32
    %add3A_1156 = arith.addi %mul3A_1154, %add3A_1155 : i32
    %dma_start3A_1157 = arith.constant 0 : i32
    %dma_start3A_1158 = tpu.memref_slice %arg12[%add3A_1095, %add3A_1156, %dma_start3A_1157] : memref<77x1024x512xf32, #tpu.memory_space<hbm>> -> memref<1x32x512xf32, #tpu.memory_space<hbm>>
    %dma_start3A_1159 = tpu.memref_squeeze %dma_start3A_1158 : memref<1x32x512xf32, #tpu.memory_space<hbm>> -> memref<32x512xf32, #tpu.memory_space<hbm>>
    %dma_start3A_1160 = arith.constant 0 : i32
    %dma_start3A_1161 = tpu.memref_slice %arg12[%add3A_1095, %add3A_1156, %dma_start3A_1160] : memref<77x1024x512xf32, #tpu.memory_space<hbm>> -> memref<1x32x512xf32, #tpu.memory_space<hbm>>
    %dma_start3A_1162 = tpu.memref_squeeze %dma_start3A_1161 : memref<1x32x512xf32, #tpu.memory_space<hbm>> -> memref<32x512xf32, #tpu.memory_space<hbm>>
    tpu.enqueue_dma source(%arg25 : memref<32x512xf32, #tpu.memory_space<vmem>>) target(%dma_start3A_1162 : memref<32x512xf32, #tpu.memory_space<hbm>>) target_semaphore(%arg30 : memref<!tpu.dma_semaphore, #tpu.memory_space<semaphore_mem>>)
    %mul3A_1163 = arith.constant 512 : i32
    %mul3A_1164 = arith.muli %sub3A_1089, %mul3A_1163 : i32
    %add3A_1165 = arith.constant 160 : i32
    %add3A_1166 = arith.addi %mul3A_1164, %add3A_1165 : i32
    %dma_start3A_1167 = arith.constant 0 : i32
    %dma_start3A_1168 = tpu.memref_slice %arg12[%add3A_1095, %add3A_1166, %dma_start3A_1167] : memref<77x1024x512xf32, #tpu.memory_space<hbm>> -> memref<1x32x512xf32, #tpu.memory_space<hbm>>
    %dma_start3A_1169 = tpu.memref_squeeze %dma_start3A_1168 : memref<1x32x512xf32, #tpu.memory_space<hbm>> -> memref<32x512xf32, #tpu.memory_space<hbm>>
    %dma_start3A_1170 = arith.constant 0 : i32
    %dma_start3A_1171 = tpu.memref_slice %arg12[%add3A_1095, %add3A_1166, %dma_start3A_1170] : memref<77x1024x512xf32, #tpu.memory_space<hbm>> -> memref<1x32x512xf32, #tpu.memory_space<hbm>>
    %dma_start3A_1172 = tpu.memref_squeeze %dma_start3A_1171 : memref<1x32x512xf32, #tpu.memory_space<hbm>> -> memref<32x512xf32, #tpu.memory_space<hbm>>
    tpu.enqueue_dma source(%arg25 : memref<32x512xf32, #tpu.memory_space<vmem>>) target(%dma_start3A_1172 : memref<32x512xf32, #tpu.memory_space<hbm>>) target_semaphore(%arg30 : memref<!tpu.dma_semaphore, #tpu.memory_space<semaphore_mem>>)
    %mul3A_1173 = arith.constant 512 : i32
    %mul3A_1174 = arith.muli %sub3A_1089, %mul3A_1173 : i32
    %add3A_1175 = arith.constant 192 : i32
    %add3A_1176 = arith.addi %mul3A_1174, %add3A_1175 : i32
    %dma_start3A_1177 = arith.constant 0 : i32
    %dma_start3A_1178 = tpu.memref_slice %arg12[%add3A_1095, %add3A_1176, %dma_start3A_1177] : memref<77x1024x512xf32, #tpu.memory_space<hbm>> -> memref<1x32x512xf32, #tpu.memory_space<hbm>>
    %dma_start3A_1179 = tpu.memref_squeeze %dma_start3A_1178 : memref<1x32x512xf32, #tpu.memory_space<hbm>> -> memref<32x512xf32, #tpu.memory_space<hbm>>
    %dma_start3A_1180 = arith.constant 0 : i32
    %dma_start3A_1181 = tpu.memref_slice %arg12[%add3A_1095, %add3A_1176, %dma_start3A_1180] : memref<77x1024x512xf32, #tpu.memory_space<hbm>> -> memref<1x32x512xf32, #tpu.memory_space<hbm>>
    %dma_start3A_1182 = tpu.memref_squeeze %dma_start3A_1181 : memref<1x32x512xf32, #tpu.memory_space<hbm>> -> memref<32x512xf32, #tpu.memory_space<hbm>>
    tpu.enqueue_dma source(%arg25 : memref<32x512xf32, #tpu.memory_space<vmem>>) target(%dma_start3A_1182 : memref<32x512xf32, #tpu.memory_space<hbm>>) target_semaphore(%arg30 : memref<!tpu.dma_semaphore, #tpu.memory_space<semaphore_mem>>)
    %mul3A_1183 = arith.constant 512 : i32
    %mul3A_1184 = arith.muli %sub3A_1089, %mul3A_1183 : i32
    %add3A_1185 = arith.constant 224 : i32
    %add3A_1186 = arith.addi %mul3A_1184, %add3A_1185 : i32
    %dma_start3A_1187 = arith.constant 0 : i32
    %dma_start3A_1188 = tpu.memref_slice %arg12[%add3A_1095, %add3A_1186, %dma_start3A_1187] : memref<77x1024x512xf32, #tpu.memory_space<hbm>> -> memref<1x32x512xf32, #tpu.memory_space<hbm>>
    %dma_start3A_1189 = tpu.memref_squeeze %dma_start3A_1188 : memref<1x32x512xf32, #tpu.memory_space<hbm>> -> memref<32x512xf32, #tpu.memory_space<hbm>>
    %dma_start3A_1190 = arith.constant 0 : i32
    %dma_start3A_1191 = tpu.memref_slice %arg12[%add3A_1095, %add3A_1186, %dma_start3A_1190] : memref<77x1024x512xf32, #tpu.memory_space<hbm>> -> memref<1x32x512xf32, #tpu.memory_space<hbm>>
    %dma_start3A_1192 = tpu.memref_squeeze %dma_start3A_1191 : memref<1x32x512xf32, #tpu.memory_space<hbm>> -> memref<32x512xf32, #tpu.memory_space<hbm>>
    tpu.enqueue_dma source(%arg25 : memref<32x512xf32, #tpu.memory_space<vmem>>) target(%dma_start3A_1192 : memref<32x512xf32, #tpu.memory_space<hbm>>) target_semaphore(%arg30 : memref<!tpu.dma_semaphore, #tpu.memory_space<semaphore_mem>>)
    %mul3A_1193 = arith.constant 512 : i32
    %mul3A_1194 = arith.muli %sub3A_1089, %mul3A_1193 : i32
    %add3A_1195 = arith.constant 256 : i32
    %add3A_1196 = arith.addi %mul3A_1194, %add3A_1195 : i32
    %dma_start3A_1197 = arith.constant 0 : i32
    %dma_start3A_1198 = tpu.memref_slice %arg12[%add3A_1095, %add3A_1196, %dma_start3A_1197] : memref<77x1024x512xf32, #tpu.memory_space<hbm>> -> memref<1x32x512xf32, #tpu.memory_space<hbm>>
    %dma_start3A_1199 = tpu.memref_squeeze %dma_start3A_1198 : memref<1x32x512xf32, #tpu.memory_space<hbm>> -> memref<32x512xf32, #tpu.memory_space<hbm>>
    %dma_start3A_1200 = arith.constant 0 : i32
    %dma_start3A_1201 = tpu.memref_slice %arg12[%add3A_1095, %add3A_1196, %dma_start3A_1200] : memref<77x1024x512xf32, #tpu.memory_space<hbm>> -> memref<1x32x512xf32, #tpu.memory_space<hbm>>
    %dma_start3A_1202 = tpu.memref_squeeze %dma_start3A_1201 : memref<1x32x512xf32, #tpu.memory_space<hbm>> -> memref<32x512xf32, #tpu.memory_space<hbm>>
    tpu.enqueue_dma source(%arg25 : memref<32x512xf32, #tpu.memory_space<vmem>>) target(%dma_start3A_1202 : memref<32x512xf32, #tpu.memory_space<hbm>>) target_semaphore(%arg30 : memref<!tpu.dma_semaphore, #tpu.memory_space<semaphore_mem>>)
    %mul3A_1203 = arith.constant 512 : i32
    %mul3A_1204 = arith.muli %sub3A_1089, %mul3A_1203 : i32
    %add3A_1205 = arith.constant 288 : i32
    %add3A_1206 = arith.addi %mul3A_1204, %add3A_1205 : i32
    %dma_start3A_1207 = arith.constant 0 : i32
    %dma_start3A_1208 = tpu.memref_slice %arg12[%add3A_1095, %add3A_1206, %dma_start3A_1207] : memref<77x1024x512xf32, #tpu.memory_space<hbm>> -> memref<1x32x512xf32, #tpu.memory_space<hbm>>
    %dma_start3A_1209 = tpu.memref_squeeze %dma_start3A_1208 : memref<1x32x512xf32, #tpu.memory_space<hbm>> -> memref<32x512xf32, #tpu.memory_space<hbm>>
    %dma_start3A_1210 = arith.constant 0 : i32
    %dma_start3A_1211 = tpu.memref_slice %arg12[%add3A_1095, %add3A_1206, %dma_start3A_1210] : memref<77x1024x512xf32, #tpu.memory_space<hbm>> -> memref<1x32x512xf32, #tpu.memory_space<hbm>>
    %dma_start3A_1212 = tpu.memref_squeeze %dma_start3A_1211 : memref<1x32x512xf32, #tpu.memory_space<hbm>> -> memref<32x512xf32, #tpu.memory_space<hbm>>
    tpu.enqueue_dma source(%arg25 : memref<32x512xf32, #tpu.memory_space<vmem>>) target(%dma_start3A_1212 : memref<32x512xf32, #tpu.memory_space<hbm>>) target_semaphore(%arg30 : memref<!tpu.dma_semaphore, #tpu.memory_space<semaphore_mem>>)
    %mul3A_1213 = arith.constant 512 : i32
    %mul3A_1214 = arith.muli %sub3A_1089, %mul3A_1213 : i32
    %add3A_1215 = arith.constant 320 : i32
    %add3A_1216 = arith.addi %mul3A_1214, %add3A_1215 : i32
    %dma_start3A_1217 = arith.constant 0 : i32
    %dma_start3A_1218 = tpu.memref_slice %arg12[%add3A_1095, %add3A_1216, %dma_start3A_1217] : memref<77x1024x512xf32, #tpu.memory_space<hbm>> -> memref<1x32x512xf32, #tpu.memory_space<hbm>>
    %dma_start3A_1219 = tpu.memref_squeeze %dma_start3A_1218 : memref<1x32x512xf32, #tpu.memory_space<hbm>> -> memref<32x512xf32, #tpu.memory_space<hbm>>
    %dma_start3A_1220 = arith.constant 0 : i32
    %dma_start3A_1221 = tpu.memref_slice %arg12[%add3A_1095, %add3A_1216, %dma_start3A_1220] : memref<77x1024x512xf32, #tpu.memory_space<hbm>> -> memref<1x32x512xf32, #tpu.memory_space<hbm>>
    %dma_start3A_1222 = tpu.memref_squeeze %dma_start3A_1221 : memref<1x32x512xf32, #tpu.memory_space<hbm>> -> memref<32x512xf32, #tpu.memory_space<hbm>>
    tpu.enqueue_dma source(%arg25 : memref<32x512xf32, #tpu.memory_space<vmem>>) target(%dma_start3A_1222 : memref<32x512xf32, #tpu.memory_space<hbm>>) target_semaphore(%arg30 : memref<!tpu.dma_semaphore, #tpu.memory_space<semaphore_mem>>)
    %mul3A_1223 = arith.constant 512 : i32
    %mul3A_1224 = arith.muli %sub3A_1089, %mul3A_1223 : i32
    %add3A_1225 = arith.constant 352 : i32
    %add3A_1226 = arith.addi %mul3A_1224, %add3A_1225 : i32
    %dma_start3A_1227 = arith.constant 0 : i32
    %dma_start3A_1228 = tpu.memref_slice %arg12[%add3A_1095, %add3A_1226, %dma_start3A_1227] : memref<77x1024x512xf32, #tpu.memory_space<hbm>> -> memref<1x32x512xf32, #tpu.memory_space<hbm>>
    %dma_start3A_1229 = tpu.memref_squeeze %dma_start3A_1228 : memref<1x32x512xf32, #tpu.memory_space<hbm>> -> memref<32x512xf32, #tpu.memory_space<hbm>>
    %dma_start3A_1230 = arith.constant 0 : i32
    %dma_start3A_1231 = tpu.memref_slice %arg12[%add3A_1095, %add3A_1226, %dma_start3A_1230] : memref<77x1024x512xf32, #tpu.memory_space<hbm>> -> memref<1x32x512xf32, #tpu.memory_space<hbm>>
    %dma_start3A_1232 = tpu.memref_squeeze %dma_start3A_1231 : memref<1x32x512xf32, #tpu.memory_space<hbm>> -> memref<32x512xf32, #tpu.memory_space<hbm>>
    tpu.enqueue_dma source(%arg25 : memref<32x512xf32, #tpu.memory_space<vmem>>) target(%dma_start3A_1232 : memref<32x512xf32, #tpu.memory_space<hbm>>) target_semaphore(%arg30 : memref<!tpu.dma_semaphore, #tpu.memory_space<semaphore_mem>>)
    %mul3A_1233 = arith.constant 512 : i32
    %mul3A_1234 = arith.muli %sub3A_1089, %mul3A_1233 : i32
    %add3A_1235 = arith.constant 384 : i32
    %add3A_1236 = arith.addi %mul3A_1234, %add3A_1235 : i32
    %dma_start3A_1237 = arith.constant 0 : i32
    %dma_start3A_1238 = tpu.memref_slice %arg12[%add3A_1095, %add3A_1236, %dma_start3A_1237] : memref<77x1024x512xf32, #tpu.memory_space<hbm>> -> memref<1x32x512xf32, #tpu.memory_space<hbm>>
    %dma_start3A_1239 = tpu.memref_squeeze %dma_start3A_1238 : memref<1x32x512xf32, #tpu.memory_space<hbm>> -> memref<32x512xf32, #tpu.memory_space<hbm>>
    %dma_start3A_1240 = arith.constant 0 : i32
    %dma_start3A_1241 = tpu.memref_slice %arg12[%add3A_1095, %add3A_1236, %dma_start3A_1240] : memref<77x1024x512xf32, #tpu.memory_space<hbm>> -> memref<1x32x512xf32, #tpu.memory_space<hbm>>
    %dma_start3A_1242 = tpu.memref_squeeze %dma_start3A_1241 : memref<1x32x512xf32, #tpu.memory_space<hbm>> -> memref<32x512xf32, #tpu.memory_space<hbm>>
    tpu.enqueue_dma source(%arg25 : memref<32x512xf32, #tpu.memory_space<vmem>>) target(%dma_start3A_1242 : memref<32x512xf32, #tpu.memory_space<hbm>>) target_semaphore(%arg30 : memref<!tpu.dma_semaphore, #tpu.memory_space<semaphore_mem>>)
    %mul3A_1243 = arith.constant 512 : i32
    %mul3A_1244 = arith.muli %sub3A_1089, %mul3A_1243 : i32
    %add3A_1245 = arith.constant 416 : i32
    %add3A_1246 = arith.addi %mul3A_1244, %add3A_1245 : i32
    %dma_start3A_1247 = arith.constant 0 : i32
    %dma_start3A_1248 = tpu.memref_slice %arg12[%add3A_1095, %add3A_1246, %dma_start3A_1247] : memref<77x1024x512xf32, #tpu.memory_space<hbm>> -> memref<1x32x512xf32, #tpu.memory_space<hbm>>
    %dma_start3A_1249 = tpu.memref_squeeze %dma_start3A_1248 : memref<1x32x512xf32, #tpu.memory_space<hbm>> -> memref<32x512xf32, #tpu.memory_space<hbm>>
    %dma_start3A_1250 = arith.constant 0 : i32
    %dma_start3A_1251 = tpu.memref_slice %arg12[%add3A_1095, %add3A_1246, %dma_start3A_1250] : memref<77x1024x512xf32, #tpu.memory_space<hbm>> -> memref<1x32x512xf32, #tpu.memory_space<hbm>>
    %dma_start3A_1252 = tpu.memref_squeeze %dma_start3A_1251 : memref<1x32x512xf32, #tpu.memory_space<hbm>> -> memref<32x512xf32, #tpu.memory_space<hbm>>
    tpu.enqueue_dma source(%arg25 : memref<32x512xf32, #tpu.memory_space<vmem>>) target(%dma_start3A_1252 : memref<32x512xf32, #tpu.memory_space<hbm>>) target_semaphore(%arg30 : memref<!tpu.dma_semaphore, #tpu.memory_space<semaphore_mem>>)
    %mul3A_1253 = arith.constant 512 : i32
    %mul3A_1254 = arith.muli %sub3A_1089, %mul3A_1253 : i32
    %add3A_1255 = arith.constant 448 : i32
    %add3A_1256 = arith.addi %mul3A_1254, %add3A_1255 : i32
    %dma_start3A_1257 = arith.constant 0 : i32
    %dma_start3A_1258 = tpu.memref_slice %arg12[%add3A_1095, %add3A_1256, %dma_start3A_1257] : memref<77x1024x512xf32, #tpu.memory_space<hbm>> -> memref<1x32x512xf32, #tpu.memory_space<hbm>>
    %dma_start3A_1259 = tpu.memref_squeeze %dma_start3A_1258 : memref<1x32x512xf32, #tpu.memory_space<hbm>> -> memref<32x512xf32, #tpu.memory_space<hbm>>
    %dma_start3A_1260 = arith.constant 0 : i32
    %dma_start3A_1261 = tpu.memref_slice %arg12[%add3A_1095, %add3A_1256, %dma_start3A_1260] : memref<77x1024x512xf32, #tpu.memory_space<hbm>> -> memref<1x32x512xf32, #tpu.memory_space<hbm>>
    %dma_start3A_1262 = tpu.memref_squeeze %dma_start3A_1261 : memref<1x32x512xf32, #tpu.memory_space<hbm>> -> memref<32x512xf32, #tpu.memory_space<hbm>>
    tpu.enqueue_dma source(%arg25 : memref<32x512xf32, #tpu.memory_space<vmem>>) target(%dma_start3A_1262 : memref<32x512xf32, #tpu.memory_space<hbm>>) target_semaphore(%arg30 : memref<!tpu.dma_semaphore, #tpu.memory_space<semaphore_mem>>)
    %mul3A_1263 = arith.constant 512 : i32
    %mul3A_1264 = arith.muli %sub3A_1089, %mul3A_1263 : i32
    %add3A_1265 = arith.constant 480 : i32
    %add3A_1266 = arith.addi %mul3A_1264, %add3A_1265 : i32
    %dma_start3A_1267 = arith.constant 0 : i32
    %dma_start3A_1268 = tpu.memref_slice %arg12[%add3A_1095, %add3A_1266, %dma_start3A_1267] : memref<77x1024x512xf32, #tpu.memory_space<hbm>> -> memref<1x32x512xf32, #tpu.memory_space<hbm>>
    %dma_start3A_1269 = tpu.memref_squeeze %dma_start3A_1268 : memref<1x32x512xf32, #tpu.memory_space<hbm>> -> memref<32x512xf32, #tpu.memory_space<hbm>>
    %dma_start3A_1270 = arith.constant 0 : i32
    %dma_start3A_1271 = tpu.memref_slice %arg12[%add3A_1095, %add3A_1266, %dma_start3A_1270] : memref<77x1024x512xf32, #tpu.memory_space<hbm>> -> memref<1x32x512xf32, #tpu.memory_space<hbm>>
    %dma_start3A_1272 = tpu.memref_squeeze %dma_start3A_1271 : memref<1x32x512xf32, #tpu.memory_space<hbm>> -> memref<32x512xf32, #tpu.memory_space<hbm>>
    tpu.enqueue_dma source(%arg25 : memref<32x512xf32, #tpu.memory_space<vmem>>) target(%dma_start3A_1272 : memref<32x512xf32, #tpu.memory_space<hbm>>) target_semaphore(%arg30 : memref<!tpu.dma_semaphore, #tpu.memory_space<semaphore_mem>>)
    %dma_wait3A_1273 = arith.constant 16 : i32
    %dma_wait3A_1274 = tpu.memref_slice %arg13[%dma_wait3A_1273] : memref<32xi32, #tpu.memory_space<vmem>> -> memref<8xi32, #tpu.memory_space<vmem>>
    %dma_wait3A_1275 = arith.constant 0 : i32
    %dma_wait3A_1276 = arith.constant 0 : i32
    %dma_wait3A_1277 = arith.constant 0 : i32
    %dma_wait3A_1278 = tpu.memref_slice %arg6[%dma_wait3A_1275, %dma_wait3A_1276, %dma_wait3A_1277] : memref<100000x4x512xf32, #tpu.memory_space<hbm>> -> memref<100000x4x512xf32, #tpu.memory_space<hbm>>
    tpu.wait_indirect_dma semaphore(%arg26 : memref<!tpu.dma_semaphore, #tpu.memory_space<semaphore_mem>>) src(%dma_wait3A_1278 : memref<100000x4x512xf32, #tpu.memory_space<hbm>>) dst(%arg21 : memref<8x4x512xf32, #tpu.memory_space<vmem>>)
    %dma_start3A_1279 = arith.constant 24 : i32
    %dma_start3A_1280 = tpu.memref_slice %arg13[%dma_start3A_1279] : memref<32xi32, #tpu.memory_space<vmem>> -> memref<8xi32, #tpu.memory_space<vmem>>
    %dma_start3A_1281 = arith.constant 0 : i32
    %dma_start3A_1282 = arith.constant 0 : i32
    %dma_start3A_1283 = arith.constant 0 : i32
    %dma_start3A_1284 = tpu.memref_slice %arg6[%dma_start3A_1281, %dma_start3A_1282, %dma_start3A_1283] : memref<100000x4x512xf32, #tpu.memory_space<hbm>> -> memref<100000x4x512xf32, #tpu.memory_space<hbm>>
    tpu.enqueue_indirect_dma source(%dma_start3A_1284 : memref<100000x4x512xf32, #tpu.memory_space<hbm>>) target(%arg22 : memref<8x4x512xf32, #tpu.memory_space<vmem>>) offsets(%dma_start3A_1280 : memref<8xi32, #tpu.memory_space<vmem>>) semaphore(%arg26 : memref<!tpu.dma_semaphore, #tpu.memory_space<semaphore_mem>>)
    %dma_wait3A_1285 = arith.constant 3 : i32
    %dma_wait3A_1286 = arith.constant 12 : i32
    %dma_wait3A_1287 = arith.constant 0 : i32
    %dma_wait3A_1288 = arith.constant 0 : i32
    %dma_wait3A_1289 = tpu.memref_slice %arg23[%dma_wait3A_1285, %dma_wait3A_1287, %dma_wait3A_1288] : memref<4x8x512xf32, #tpu.memory_space<vmem>> -> memref<1x8x512xf32, #tpu.memory_space<vmem>>
    %dma_wait3A_1290 = tpu.memref_squeeze %dma_wait3A_1289 : memref<1x8x512xf32, #tpu.memory_space<vmem>> -> memref<8x512xf32, #tpu.memory_space<vmem>>
    %dma_wait3A_1291 = arith.constant 0 : i32
    %dma_wait3A_1292 = tpu.memref_slice %arg12[%dma_wait3A_1286, %add3A_900, %dma_wait3A_1291] : memref<77x1024x512xf32, #tpu.memory_space<hbm>> -> memref<1x8x512xf32, #tpu.memory_space<hbm>>
    %dma_wait3A_1293 = tpu.memref_squeeze %dma_wait3A_1292 : memref<1x8x512xf32, #tpu.memory_space<hbm>> -> memref<8x512xf32, #tpu.memory_space<hbm>>
    %dma_wait3A_1294 = arith.constant 0 : i32
    %dma_wait3A_1295 = tpu.memref_slice %arg12[%dma_wait3A_1286, %add3A_900, %dma_wait3A_1294] : memref<77x1024x512xf32, #tpu.memory_space<hbm>> -> memref<1x8x512xf32, #tpu.memory_space<hbm>>
    %dma_wait3A_1296 = tpu.memref_squeeze %dma_wait3A_1295 : memref<1x8x512xf32, #tpu.memory_space<hbm>> -> memref<8x512xf32, #tpu.memory_space<hbm>>
    %dma_wait3A_1297 = arith.constant 0 : i32
    %dma_wait3A_1298 = arith.constant 0 : i32
    %dma_wait3A_1299 = tpu.memref_slice %arg23[%dma_wait3A_1285, %dma_wait3A_1297, %dma_wait3A_1298] : memref<4x8x512xf32, #tpu.memory_space<vmem>> -> memref<1x8x512xf32, #tpu.memory_space<vmem>>
    %dma_wait3A_1300 = tpu.memref_squeeze %dma_wait3A_1299 : memref<1x8x512xf32, #tpu.memory_space<vmem>> -> memref<8x512xf32, #tpu.memory_space<vmem>>
    tpu.wait_dma2 semaphore(%arg28 : memref<!tpu.dma_semaphore, #tpu.memory_space<semaphore_mem>>) src(%dma_wait3A_1300 : memref<8x512xf32, #tpu.memory_space<vmem>>) dst(%dma_wait3A_1296 : memref<8x512xf32, #tpu.memory_space<hbm>>)
    %dma_wait3A_1301 = arith.constant 3 : i32
    %dma_wait3A_1302 = arith.constant 12 : i32
    %dma_wait3A_1303 = arith.constant 0 : i32
    %dma_wait3A_1304 = arith.constant 0 : i32
    %dma_wait3A_1305 = tpu.memref_slice %arg23[%dma_wait3A_1301, %dma_wait3A_1303, %dma_wait3A_1304] : memref<4x8x512xf32, #tpu.memory_space<vmem>> -> memref<1x8x512xf32, #tpu.memory_space<vmem>>
    %dma_wait3A_1306 = tpu.memref_squeeze %dma_wait3A_1305 : memref<1x8x512xf32, #tpu.memory_space<vmem>> -> memref<8x512xf32, #tpu.memory_space<vmem>>
    %dma_wait3A_1307 = arith.constant 0 : i32
    %dma_wait3A_1308 = tpu.memref_slice %arg12[%dma_wait3A_1302, %add3A_900, %dma_wait3A_1307] : memref<77x1024x512xf32, #tpu.memory_space<hbm>> -> memref<1x8x512xf32, #tpu.memory_space<hbm>>
    %dma_wait3A_1309 = tpu.memref_squeeze %dma_wait3A_1308 : memref<1x8x512xf32, #tpu.memory_space<hbm>> -> memref<8x512xf32, #tpu.memory_space<hbm>>
    %dma_wait3A_1310 = arith.constant 0 : i32
    %dma_wait3A_1311 = tpu.memref_slice %arg12[%dma_wait3A_1302, %add3A_900, %dma_wait3A_1310] : memref<77x1024x512xf32, #tpu.memory_space<hbm>> -> memref<1x8x512xf32, #tpu.memory_space<hbm>>
    %dma_wait3A_1312 = tpu.memref_squeeze %dma_wait3A_1311 : memref<1x8x512xf32, #tpu.memory_space<hbm>> -> memref<8x512xf32, #tpu.memory_space<hbm>>
    %dma_wait3A_1313 = arith.constant 0 : i32
    %dma_wait3A_1314 = arith.constant 0 : i32
    %dma_wait3A_1315 = tpu.memref_slice %arg23[%dma_wait3A_1301, %dma_wait3A_1313, %dma_wait3A_1314] : memref<4x8x512xf32, #tpu.memory_space<vmem>> -> memref<1x8x512xf32, #tpu.memory_space<vmem>>
    %dma_wait3A_1316 = tpu.memref_squeeze %dma_wait3A_1315 : memref<1x8x512xf32, #tpu.memory_space<vmem>> -> memref<8x512xf32, #tpu.memory_space<vmem>>
    tpu.wait_dma2 semaphore(%arg28 : memref<!tpu.dma_semaphore, #tpu.memory_space<semaphore_mem>>) src(%dma_wait3A_1316 : memref<8x512xf32, #tpu.memory_space<vmem>>) dst(%dma_wait3A_1312 : memref<8x512xf32, #tpu.memory_space<hbm>>)
    %dma_wait3A_1317 = arith.constant 3 : i32
    %dma_wait3A_1318 = arith.constant 12 : i32
    %dma_wait3A_1319 = arith.constant 0 : i32
    %dma_wait3A_1320 = arith.constant 0 : i32
    %dma_wait3A_1321 = tpu.memref_slice %arg23[%dma_wait3A_1317, %dma_wait3A_1319, %dma_wait3A_1320] : memref<4x8x512xf32, #tpu.memory_space<vmem>> -> memref<1x8x512xf32, #tpu.memory_space<vmem>>
    %dma_wait3A_1322 = tpu.memref_squeeze %dma_wait3A_1321 : memref<1x8x512xf32, #tpu.memory_space<vmem>> -> memref<8x512xf32, #tpu.memory_space<vmem>>
    %dma_wait3A_1323 = arith.constant 0 : i32
    %dma_wait3A_1324 = tpu.memref_slice %arg12[%dma_wait3A_1318, %add3A_900, %dma_wait3A_1323] : memref<77x1024x512xf32, #tpu.memory_space<hbm>> -> memref<1x8x512xf32, #tpu.memory_space<hbm>>
    %dma_wait3A_1325 = tpu.memref_squeeze %dma_wait3A_1324 : memref<1x8x512xf32, #tpu.memory_space<hbm>> -> memref<8x512xf32, #tpu.memory_space<hbm>>
    %dma_wait3A_1326 = arith.constant 0 : i32
    %dma_wait3A_1327 = tpu.memref_slice %arg12[%dma_wait3A_1318, %add3A_900, %dma_wait3A_1326] : memref<77x1024x512xf32, #tpu.memory_space<hbm>> -> memref<1x8x512xf32, #tpu.memory_space<hbm>>
    %dma_wait3A_1328 = tpu.memref_squeeze %dma_wait3A_1327 : memref<1x8x512xf32, #tpu.memory_space<hbm>> -> memref<8x512xf32, #tpu.memory_space<hbm>>
    %dma_wait3A_1329 = arith.constant 0 : i32
    %dma_wait3A_1330 = arith.constant 0 : i32
    %dma_wait3A_1331 = tpu.memref_slice %arg23[%dma_wait3A_1317, %dma_wait3A_1329, %dma_wait3A_1330] : memref<4x8x512xf32, #tpu.memory_space<vmem>> -> memref<1x8x512xf32, #tpu.memory_space<vmem>>
    %dma_wait3A_1332 = tpu.memref_squeeze %dma_wait3A_1331 : memref<1x8x512xf32, #tpu.memory_space<vmem>> -> memref<8x512xf32, #tpu.memory_space<vmem>>
    tpu.wait_dma2 semaphore(%arg28 : memref<!tpu.dma_semaphore, #tpu.memory_space<semaphore_mem>>) src(%dma_wait3A_1332 : memref<8x512xf32, #tpu.memory_space<vmem>>) dst(%dma_wait3A_1328 : memref<8x512xf32, #tpu.memory_space<hbm>>)
    %dma_wait3A_1333 = arith.constant 3 : i32
    %dma_wait3A_1334 = arith.constant 12 : i32
    %dma_wait3A_1335 = arith.constant 0 : i32
    %dma_wait3A_1336 = arith.constant 0 : i32
    %dma_wait3A_1337 = tpu.memref_slice %arg23[%dma_wait3A_1333, %dma_wait3A_1335, %dma_wait3A_1336] : memref<4x8x512xf32, #tpu.memory_space<vmem>> -> memref<1x8x512xf32, #tpu.memory_space<vmem>>
    %dma_wait3A_1338 = tpu.memref_squeeze %dma_wait3A_1337 : memref<1x8x512xf32, #tpu.memory_space<vmem>> -> memref<8x512xf32, #tpu.memory_space<vmem>>
    %dma_wait3A_1339 = arith.constant 0 : i32
    %dma_wait3A_1340 = tpu.memref_slice %arg12[%dma_wait3A_1334, %add3A_900, %dma_wait3A_1339] : memref<77x1024x512xf32, #tpu.memory_space<hbm>> -> memref<1x8x512xf32, #tpu.memory_space<hbm>>
    %dma_wait3A_1341 = tpu.memref_squeeze %dma_wait3A_1340 : memref<1x8x512xf32, #tpu.memory_space<hbm>> -> memref<8x512xf32, #tpu.memory_space<hbm>>
    %dma_wait3A_1342 = arith.constant 0 : i32
    %dma_wait3A_1343 = tpu.memref_slice %arg12[%dma_wait3A_1334, %add3A_900, %dma_wait3A_1342] : memref<77x1024x512xf32, #tpu.memory_space<hbm>> -> memref<1x8x512xf32, #tpu.memory_space<hbm>>
    %dma_wait3A_1344 = tpu.memref_squeeze %dma_wait3A_1343 : memref<1x8x512xf32, #tpu.memory_space<hbm>> -> memref<8x512xf32, #tpu.memory_space<hbm>>
    %dma_wait3A_1345 = arith.constant 0 : i32
    %dma_wait3A_1346 = arith.constant 0 : i32
    %dma_wait3A_1347 = tpu.memref_slice %arg23[%dma_wait3A_1333, %dma_wait3A_1345, %dma_wait3A_1346] : memref<4x8x512xf32, #tpu.memory_space<vmem>> -> memref<1x8x512xf32, #tpu.memory_space<vmem>>
    %dma_wait3A_1348 = tpu.memref_squeeze %dma_wait3A_1347 : memref<1x8x512xf32, #tpu.memory_space<vmem>> -> memref<8x512xf32, #tpu.memory_space<vmem>>
    tpu.wait_dma2 semaphore(%arg28 : memref<!tpu.dma_semaphore, #tpu.memory_space<semaphore_mem>>) src(%dma_wait3A_1348 : memref<8x512xf32, #tpu.memory_space<vmem>>) dst(%dma_wait3A_1344 : memref<8x512xf32, #tpu.memory_space<hbm>>)
    %get3A_1349 = arith.constant 16 : index
    %get3A_1350 = tpu.vector_load %arg14[%get3A_1349] {strides = array<i32>} : memref<32xi32, #tpu.memory_space<vmem>>, vector<16xi32>,
    %get3A_1351 = arith.constant 16 : index
    %get3A_1352 = tpu.vector_load %arg15[%get3A_1351] {strides = array<i32>} : memref<32xi32, #tpu.memory_space<vmem>>, vector<16xi32>,
    %get3A_1353 = arith.constant 16 : index
    %get3A_1354 = tpu.vector_load %arg16[%get3A_1353] {strides = array<i32>} : memref<32xi32, #tpu.memory_space<vmem>>, vector<16xi32>,
    %scan3A_1355 = arith.constant 0 : i32
    %scan3A_1356 = arith.constant 0 : i32
    %scan3A_1357 = arith.constant 8 : i32
    %scan3A_1358 = arith.addi %scan3A_1356, %scan3A_1357 : i32
    %scan3A_1359 = arith.constant 1 : i32
    scf.for %scan3A_1840 = %scan3A_1356 to %scan3A_1358 step %scan3A_1359  : i32 {
      %add3A_1841 = arith.constant 0 : i32
      %add3A_1842 = arith.addi %add3A_1841, %scan3A_1840 : i32
      %iota3A = tpu.iota {dimensions = array<i32: 0>} : vector<16xi32>
      %eq3A = vector.broadcast %add3A_1842 : i32 to vector<16xi32>
      %eq3A_1843 = arith.cmpi eq, %iota3A, %eq3A : vector<16xi32>
      %jit3A_1844 = arith.constant 0 : i32
      %broadcast_in_dim3A_1845 = vector.broadcast %jit3A_1844 : i32 to vector<16xi32>
      %select_n3A_1846 = arith.select %eq3A_1843, %get3A_1350, %broadcast_in_dim3A_1845 : vector<16xi1>, vector<16xi32>
      %reduce_sum3A = arith.constant true
      %reduce_sum3A_1847 = vector.broadcast %reduce_sum3A : i1 to vector<16xi1>
      %reduce_sum3A_1848 = tpu.scan <sum>, %select_n3A_1846 masked %reduce_sum3A_1847 : vector<16xi32>, vector<16xi1> -> vector<16xi32>
      %reduce_sum3A_1849 = vector.extract %reduce_sum3A_1848[15] : i32 from vector<16xi32>
      %broadcast_in_dim3A_1850 = vector.broadcast %reduce_sum3A_1849 : i32 to vector<16xi32>
      %iota3A_1851 = tpu.iota {dimensions = array<i32: 0>} : vector<16xi32>
      %eq3A_1852 = vector.broadcast %add3A_1842 : i32 to vector<16xi32>
      %eq3A_1853 = arith.cmpi eq, %iota3A_1851, %eq3A_1852 : vector<16xi32>
      %jit3A_1854 = arith.constant 0 : i32
      %broadcast_in_dim3A_1855 = vector.broadcast %jit3A_1854 : i32 to vector<16xi32>
      %select_n3A_1856 = arith.select %eq3A_1853, %get3A_1352, %broadcast_in_dim3A_1855 : vector<16xi1>, vector<16xi32>
      %reduce_sum3A_1857 = arith.constant true
      %reduce_sum3A_1858 = vector.broadcast %reduce_sum3A_1857 : i1 to vector<16xi1>
      %reduce_sum3A_1859 = tpu.scan <sum>, %select_n3A_1856 masked %reduce_sum3A_1858 : vector<16xi32>, vector<16xi1> -> vector<16xi32>
      %reduce_sum3A_1860 = vector.extract %reduce_sum3A_1859[15] : i32 from vector<16xi32>
      %broadcast_in_dim3A_1861 = vector.broadcast %reduce_sum3A_1860 : i32 to vector<16xi32>
      %iota3A_1862 = tpu.iota {dimensions = array<i32: 0>} : vector<16xi32>
      %eq3A_1863 = vector.broadcast %add3A_1842 : i32 to vector<16xi32>
      %eq3A_1864 = arith.cmpi eq, %iota3A_1862, %eq3A_1863 : vector<16xi32>
      %jit3A_1865 = arith.constant 0 : i32
      %broadcast_in_dim3A_1866 = vector.broadcast %jit3A_1865 : i32 to vector<16xi32>
      %select_n3A_1867 = arith.select %eq3A_1864, %get3A_1354, %broadcast_in_dim3A_1866 : vector<16xi1>, vector<16xi32>
      %reduce_sum3A_1868 = arith.constant true
      %reduce_sum3A_1869 = vector.broadcast %reduce_sum3A_1868 : i1 to vector<16xi1>
      %reduce_sum3A_1870 = tpu.scan <sum>, %select_n3A_1867 masked %reduce_sum3A_1869 : vector<16xi32>, vector<16xi1> -> vector<16xi32>
      %reduce_sum3A_1871 = vector.extract %reduce_sum3A_1870[15] : i32 from vector<16xi32>
      %broadcast_in_dim3A_1872 = vector.broadcast %reduce_sum3A_1871 : i32 to vector<16xi32>
      %broadcast_in_dim3A_1873 = arith.constant 0 : i32
      %broadcast_in_dim3A_1874 = vector.broadcast %broadcast_in_dim3A_1873 : i32 to vector<16xi32>
      %scan3A_1875 = arith.constant 0 : i32
      %scan3A_1876 = arith.constant 0 : i32
      %scan3A_1877 = arith.constant 32 : i32
      %scan3A_1878 = arith.addi %scan3A_1876, %scan3A_1877 : i32
      %scan3A_1879 = arith.constant 1 : i32
      scf.for %scan3A_1905 = %scan3A_1876 to %scan3A_1878 step %scan3A_1879  : i32 {
        %mul3A_1906 = arith.constant 16 : i32
        %mul3A_1907 = arith.muli %scan3A_1905, %mul3A_1906 : i32
        %iota3A_1908 = tpu.iota {dimensions = array<i32: 0>} : vector<16xi32>
        %add3A_1909 = vector.broadcast %mul3A_1907 : i32 to vector<16xi32>
        %add3A_1910 = arith.addi %iota3A_1908, %add3A_1909 : vector<16xi32>
        %gather3A = tpu.vector_load_idx %arg18[%broadcast_in_dim3A_1850, %broadcast_in_dim3A_1874, %add3A_1910] : memref<3x4x512xf32, #tpu.memory_space<vmem>>[vector<16xi32>, vector<16xi32>, vector<16xi32>], vector<16xf32>,
        %gather3A_1911 = tpu.vector_load_idx %arg19[%broadcast_in_dim3A_1861, %broadcast_in_dim3A_1874, %add3A_1910] : memref<2x4x512xf32, #tpu.memory_space<vmem>>[vector<16xi32>, vector<16xi32>, vector<16xi32>], vector<16xf32>,
        %add3A_1912 = arith.addf %gather3A, %gather3A_1911 : vector<16xf32>
        %gather3A_1913 = tpu.vector_load_idx %arg20[%broadcast_in_dim3A_1872, %broadcast_in_dim3A_1874, %add3A_1910] : memref<4x4x512xf32, #tpu.memory_space<vmem>>[vector<16xi32>, vector<16xi32>, vector<16xi32>], vector<16xf32>,
        %add3A_1914 = arith.addf %add3A_1912, %gather3A_1913 : vector<16xf32>
        %get3A_1915 = arith.constant 0 : i32
        %get3A_1916 = arith.index_cast %scan3A_1840 : i32 to index
        %get3A_1917 = arith.index_cast %get3A_1915 : i32 to index
        %get3A_1918 = arith.index_cast %mul3A_1907 : i32 to index
        %get3A_1919 = tpu.vector_load %arg21[%get3A_1916, %get3A_1917, %get3A_1918] {strides = array<i32>} : memref<8x4x512xf32, #tpu.memory_space<vmem>>, vector<16xf32>,
        %add3A_1920 = arith.addf %get3A_1919, %add3A_1914 : vector<16xf32>
        %swap3A_1921 = arith.constant 0 : i32
        %swap3A_1922 = arith.index_cast %swap3A_1921 : i32 to index
        %swap3A_1923 = arith.index_cast %scan3A_1840 : i32 to index
        %swap3A_1924 = arith.index_cast %mul3A_1907 : i32 to index
        %swap3A_1925 = tpu.vector_load %arg23[%swap3A_1922, %swap3A_1923, %swap3A_1924] {strides = array<i32>} : memref<4x8x512xf32, #tpu.memory_space<vmem>>, vector<16xf32>,
        tpu.vector_store %arg23[%swap3A_1922, %swap3A_1923, %swap3A_1924], %add3A_1920 {strides = array<i32>} : memref<4x8x512xf32, #tpu.memory_space<vmem>>, vector<16xf32>,
      }
      %scan3A_1880 = arith.constant 32 : i32
      %broadcast_in_dim3A_1881 = arith.constant 1 : i32
      %broadcast_in_dim3A_1882 = vector.broadcast %broadcast_in_dim3A_1881 : i32 to vector<16xi32>
      %scan3A_1883 = arith.constant 0 : i32
      %scan3A_1884 = arith.constant 0 : i32
      %scan3A_1885 = arith.constant 32 : i32
      %scan3A_1886 = arith.addi %scan3A_1884, %scan3A_1885 : i32
      %scan3A_1887 = arith.constant 1 : i32
      scf.for %scan3A_1905 = %scan3A_1884 to %scan3A_1886 step %scan3A_1887  : i32 {
        %mul3A_1906 = arith.constant 16 : i32
        %mul3A_1907 = arith.muli %scan3A_1905, %mul3A_1906 : i32
        %iota3A_1908 = tpu.iota {dimensions = array<i32: 0>} : vector<16xi32>
        %add3A_1909 = vector.broadcast %mul3A_1907 : i32 to vector<16xi32>
        %add3A_1910 = arith.addi %iota3A_1908, %add3A_1909 : vector<16xi32>
        %gather3A = tpu.vector_load_idx %arg18[%broadcast_in_dim3A_1850, %broadcast_in_dim3A_1882, %add3A_1910] : memref<3x4x512xf32, #tpu.memory_space<vmem>>[vector<16xi32>, vector<16xi32>, vector<16xi32>], vector<16xf32>,
        %gather3A_1911 = tpu.vector_load_idx %arg19[%broadcast_in_dim3A_1861, %broadcast_in_dim3A_1882, %add3A_1910] : memref<2x4x512xf32, #tpu.memory_space<vmem>>[vector<16xi32>, vector<16xi32>, vector<16xi32>], vector<16xf32>,
        %add3A_1912 = arith.addf %gather3A, %gather3A_1911 : vector<16xf32>
        %gather3A_1913 = tpu.vector_load_idx %arg20[%broadcast_in_dim3A_1872, %broadcast_in_dim3A_1882, %add3A_1910] : memref<4x4x512xf32, #tpu.memory_space<vmem>>[vector<16xi32>, vector<16xi32>, vector<16xi32>], vector<16xf32>,
        %add3A_1914 = arith.addf %add3A_1912, %gather3A_1913 : vector<16xf32>
        %get3A_1915 = arith.constant 1 : i32
        %get3A_1916 = arith.index_cast %scan3A_1840 : i32 to index
        %get3A_1917 = arith.index_cast %get3A_1915 : i32 to index
        %get3A_1918 = arith.index_cast %mul3A_1907 : i32 to index
        %get3A_1919 = tpu.vector_load %arg21[%get3A_1916, %get3A_1917, %get3A_1918] {strides = array<i32>} : memref<8x4x512xf32, #tpu.memory_space<vmem>>, vector<16xf32>,
        %add3A_1920 = arith.addf %get3A_1919, %add3A_1914 : vector<16xf32>
        %swap3A_1921 = arith.constant 1 : i32
        %swap3A_1922 = arith.index_cast %swap3A_1921 : i32 to index
        %swap3A_1923 = arith.index_cast %scan3A_1840 : i32 to index
        %swap3A_1924 = arith.index_cast %mul3A_1907 : i32 to index
        %swap3A_1925 = tpu.vector_load %arg23[%swap3A_1922, %swap3A_1923, %swap3A_1924] {strides = array<i32>} : memref<4x8x512xf32, #tpu.memory_space<vmem>>, vector<16xf32>,
        tpu.vector_store %arg23[%swap3A_1922, %swap3A_1923, %swap3A_1924], %add3A_1920 {strides = array<i32>} : memref<4x8x512xf32, #tpu.memory_space<vmem>>, vector<16xf32>,
      }
      %scan3A_1888 = arith.constant 32 : i32
      %broadcast_in_dim3A_1889 = arith.constant 2 : i32
      %broadcast_in_dim3A_1890 = vector.broadcast %broadcast_in_dim3A_1889 : i32 to vector<16xi32>
      %scan3A_1891 = arith.constant 0 : i32
      %scan3A_1892 = arith.constant 0 : i32
      %scan3A_1893 = arith.constant 32 : i32
      %scan3A_1894 = arith.addi %scan3A_1892, %scan3A_1893 : i32
      %scan3A_1895 = arith.constant 1 : i32
      scf.for %scan3A_1905 = %scan3A_1892 to %scan3A_1894 step %scan3A_1895  : i32 {
        %mul3A_1906 = arith.constant 16 : i32
        %mul3A_1907 = arith.muli %scan3A_1905, %mul3A_1906 : i32
        %iota3A_1908 = tpu.iota {dimensions = array<i32: 0>} : vector<16xi32>
        %add3A_1909 = vector.broadcast %mul3A_1907 : i32 to vector<16xi32>
        %add3A_1910 = arith.addi %iota3A_1908, %add3A_1909 : vector<16xi32>
        %gather3A = tpu.vector_load_idx %arg18[%broadcast_in_dim3A_1850, %broadcast_in_dim3A_1890, %add3A_1910] : memref<3x4x512xf32, #tpu.memory_space<vmem>>[vector<16xi32>, vector<16xi32>, vector<16xi32>], vector<16xf32>,
        %gather3A_1911 = tpu.vector_load_idx %arg19[%broadcast_in_dim3A_1861, %broadcast_in_dim3A_1890, %add3A_1910] : memref<2x4x512xf32, #tpu.memory_space<vmem>>[vector<16xi32>, vector<16xi32>, vector<16xi32>], vector<16xf32>,
        %add3A_1912 = arith.addf %gather3A, %gather3A_1911 : vector<16xf32>
        %gather3A_1913 = tpu.vector_load_idx %arg20[%broadcast_in_dim3A_1872, %broadcast_in_dim3A_1890, %add3A_1910] : memref<4x4x512xf32, #tpu.memory_space<vmem>>[vector<16xi32>, vector<16xi32>, vector<16xi32>], vector<16xf32>,
        %add3A_1914 = arith.addf %add3A_1912, %gather3A_1913 : vector<16xf32>
        %get3A_1915 = arith.constant 2 : i32
        %get3A_1916 = arith.index_cast %scan3A_1840 : i32 to index
        %get3A_1917 = arith.index_cast %get3A_1915 : i32 to index
        %get3A_1918 = arith.index_cast %mul3A_1907 : i32 to index
        %get3A_1919 = tpu.vector_load %arg21[%get3A_1916, %get3A_1917, %get3A_1918] {strides = array<i32>} : memref<8x4x512xf32, #tpu.memory_space<vmem>>, vector<16xf32>,
        %add3A_1920 = arith.addf %get3A_1919, %add3A_1914 : vector<16xf32>
        %swap3A_1921 = arith.constant 2 : i32
        %swap3A_1922 = arith.index_cast %swap3A_1921 : i32 to index
        %swap3A_1923 = arith.index_cast %scan3A_1840 : i32 to index
        %swap3A_1924 = arith.index_cast %mul3A_1907 : i32 to index
        %swap3A_1925 = tpu.vector_load %arg23[%swap3A_1922, %swap3A_1923, %swap3A_1924] {strides = array<i32>} : memref<4x8x512xf32, #tpu.memory_space<vmem>>, vector<16xf32>,
        tpu.vector_store %arg23[%swap3A_1922, %swap3A_1923, %swap3A_1924], %add3A_1920 {strides = array<i32>} : memref<4x8x512xf32, #tpu.memory_space<vmem>>, vector<16xf32>,
      }
      %scan3A_1896 = arith.constant 32 : i32
      %broadcast_in_dim3A_1897 = arith.constant 3 : i32
      %broadcast_in_dim3A_1898 = vector.broadcast %broadcast_in_dim3A_1897 : i32 to vector<16xi32>
      %scan3A_1899 = arith.constant 0 : i32
      %scan3A_1900 = arith.constant 0 : i32
      %scan3A_1901 = arith.constant 32 : i32
      %scan3A_1902 = arith.addi %scan3A_1900, %scan3A_1901 : i32
      %scan3A_1903 = arith.constant 1 : i32
      scf.for %scan3A_1905 = %scan3A_1900 to %scan3A_1902 step %scan3A_1903  : i32 {
        %mul3A_1906 = arith.constant 16 : i32
        %mul3A_1907 = arith.muli %scan3A_1905, %mul3A_1906 : i32
        %iota3A_1908 = tpu.iota {dimensions = array<i32: 0>} : vector<16xi32>
        %add3A_1909 = vector.broadcast %mul3A_1907 : i32 to vector<16xi32>
        %add3A_1910 = arith.addi %iota3A_1908, %add3A_1909 : vector<16xi32>
        %gather3A = tpu.vector_load_idx %arg18[%broadcast_in_dim3A_1850, %broadcast_in_dim3A_1898, %add3A_1910] : memref<3x4x512xf32, #tpu.memory_space<vmem>>[vector<16xi32>, vector<16xi32>, vector<16xi32>], vector<16xf32>,
        %gather3A_1911 = tpu.vector_load_idx %arg19[%broadcast_in_dim3A_1861, %broadcast_in_dim3A_1898, %add3A_1910] : memref<2x4x512xf32, #tpu.memory_space<vmem>>[vector<16xi32>, vector<16xi32>, vector<16xi32>], vector<16xf32>,
        %add3A_1912 = arith.addf %gather3A, %gather3A_1911 : vector<16xf32>
        %gather3A_1913 = tpu.vector_load_idx %arg20[%broadcast_in_dim3A_1872, %broadcast_in_dim3A_1898, %add3A_1910] : memref<4x4x512xf32, #tpu.memory_space<vmem>>[vector<16xi32>, vector<16xi32>, vector<16xi32>], vector<16xf32>,
        %add3A_1914 = arith.addf %add3A_1912, %gather3A_1913 : vector<16xf32>
        %get3A_1915 = arith.constant 3 : i32
        %get3A_1916 = arith.index_cast %scan3A_1840 : i32 to index
        %get3A_1917 = arith.index_cast %get3A_1915 : i32 to index
        %get3A_1918 = arith.index_cast %mul3A_1907 : i32 to index
        %get3A_1919 = tpu.vector_load %arg21[%get3A_1916, %get3A_1917, %get3A_1918] {strides = array<i32>} : memref<8x4x512xf32, #tpu.memory_space<vmem>>, vector<16xf32>,
        %add3A_1920 = arith.addf %get3A_1919, %add3A_1914 : vector<16xf32>
        %swap3A_1921 = arith.constant 3 : i32
        %swap3A_1922 = arith.index_cast %swap3A_1921 : i32 to index
        %swap3A_1923 = arith.index_cast %scan3A_1840 : i32 to index
        %swap3A_1924 = arith.index_cast %mul3A_1907 : i32 to index
        %swap3A_1925 = tpu.vector_load %arg23[%swap3A_1922, %swap3A_1923, %swap3A_1924] {strides = array<i32>} : memref<4x8x512xf32, #tpu.memory_space<vmem>>, vector<16xf32>,
        tpu.vector_store %arg23[%swap3A_1922, %swap3A_1923, %swap3A_1924], %add3A_1920 {strides = array<i32>} : memref<4x8x512xf32, #tpu.memory_space<vmem>>, vector<16xf32>,
      }
      %scan3A_1904 = arith.constant 32 : i32
    }
    %scan3A_1360 = arith.constant 8 : i32
    %add3A_1361 = arith.constant 16 : i32
    %add3A_1362 = arith.addi %mul3A_2, %add3A_1361 : i32
    %dma_start3A_1363 = arith.constant 0 : i32
    %dma_start3A_1364 = arith.constant 9 : i32
    %dma_start3A_1365 = arith.constant 0 : i32
    %dma_start3A_1366 = arith.constant 0 : i32
    %dma_start3A_1367 = tpu.memref_slice %arg23[%dma_start3A_1363, %dma_start3A_1365, %dma_start3A_1366] : memref<4x8x512xf32, #tpu.memory_space<vmem>> -> memref<1x8x512xf32, #tpu.memory_space<vmem>>
    %dma_start3A_1368 = tpu.memref_squeeze %dma_start3A_1367 : memref<1x8x512xf32, #tpu.memory_space<vmem>> -> memref<8x512xf32, #tpu.memory_space<vmem>>
    %dma_start3A_1369 = arith.constant 0 : i32
    %dma_start3A_1370 = tpu.memref_slice %arg12[%dma_start3A_1364, %add3A_1362, %dma_start3A_1369] : memref<77x1024x512xf32, #tpu.memory_space<hbm>> -> memref<1x8x512xf32, #tpu.memory_space<hbm>>
    %dma_start3A_1371 = tpu.memref_squeeze %dma_start3A_1370 : memref<1x8x512xf32, #tpu.memory_space<hbm>> -> memref<8x512xf32, #tpu.memory_space<hbm>>
    %dma_start3A_1372 = arith.constant 0 : i32
    %dma_start3A_1373 = tpu.memref_slice %arg12[%dma_start3A_1364, %add3A_1362, %dma_start3A_1372] : memref<77x1024x512xf32, #tpu.memory_space<hbm>> -> memref<1x8x512xf32, #tpu.memory_space<hbm>>
    %dma_start3A_1374 = tpu.memref_squeeze %dma_start3A_1373 : memref<1x8x512xf32, #tpu.memory_space<hbm>> -> memref<8x512xf32, #tpu.memory_space<hbm>>
    %dma_start3A_1375 = arith.constant 0 : i32
    %dma_start3A_1376 = arith.constant 0 : i32
    %dma_start3A_1377 = tpu.memref_slice %arg23[%dma_start3A_1363, %dma_start3A_1375, %dma_start3A_1376] : memref<4x8x512xf32, #tpu.memory_space<vmem>> -> memref<1x8x512xf32, #tpu.memory_space<vmem>>
    %dma_start3A_1378 = tpu.memref_squeeze %dma_start3A_1377 : memref<1x8x512xf32, #tpu.memory_space<vmem>> -> memref<8x512xf32, #tpu.memory_space<vmem>>
    tpu.enqueue_dma source(%dma_start3A_1378 : memref<8x512xf32, #tpu.memory_space<vmem>>) target(%dma_start3A_1374 : memref<8x512xf32, #tpu.memory_space<hbm>>) target_semaphore(%arg28 : memref<!tpu.dma_semaphore, #tpu.memory_space<semaphore_mem>>)
    %dma_start3A_1379 = arith.constant 1 : i32
    %dma_start3A_1380 = arith.constant 10 : i32
    %dma_start3A_1381 = arith.constant 0 : i32
    %dma_start3A_1382 = arith.constant 0 : i32
    %dma_start3A_1383 = tpu.memref_slice %arg23[%dma_start3A_1379, %dma_start3A_1381, %dma_start3A_1382] : memref<4x8x512xf32, #tpu.memory_space<vmem>> -> memref<1x8x512xf32, #tpu.memory_space<vmem>>
    %dma_start3A_1384 = tpu.memref_squeeze %dma_start3A_1383 : memref<1x8x512xf32, #tpu.memory_space<vmem>> -> memref<8x512xf32, #tpu.memory_space<vmem>>
    %dma_start3A_1385 = arith.constant 0 : i32
    %dma_start3A_1386 = tpu.memref_slice %arg12[%dma_start3A_1380, %add3A_1362, %dma_start3A_1385] : memref<77x1024x512xf32, #tpu.memory_space<hbm>> -> memref<1x8x512xf32, #tpu.memory_space<hbm>>
    %dma_start3A_1387 = tpu.memref_squeeze %dma_start3A_1386 : memref<1x8x512xf32, #tpu.memory_space<hbm>> -> memref<8x512xf32, #tpu.memory_space<hbm>>
    %dma_start3A_1388 = arith.constant 0 : i32
    %dma_start3A_1389 = tpu.memref_slice %arg12[%dma_start3A_1380, %add3A_1362, %dma_start3A_1388] : memref<77x1024x512xf32, #tpu.memory_space<hbm>> -> memref<1x8x512xf32, #tpu.memory_space<hbm>>
    %dma_start3A_1390 = tpu.memref_squeeze %dma_start3A_1389 : memref<1x8x512xf32, #tpu.memory_space<hbm>> -> memref<8x512xf32, #tpu.memory_space<hbm>>
    %dma_start3A_1391 = arith.constant 0 : i32
    %dma_start3A_1392 = arith.constant 0 : i32
    %dma_start3A_1393 = tpu.memref_slice %arg23[%dma_start3A_1379, %dma_start3A_1391, %dma_start3A_1392] : memref<4x8x512xf32, #tpu.memory_space<vmem>> -> memref<1x8x512xf32, #tpu.memory_space<vmem>>
    %dma_start3A_1394 = tpu.memref_squeeze %dma_start3A_1393 : memref<1x8x512xf32, #tpu.memory_space<vmem>> -> memref<8x512xf32, #tpu.memory_space<vmem>>
    tpu.enqueue_dma source(%dma_start3A_1394 : memref<8x512xf32, #tpu.memory_space<vmem>>) target(%dma_start3A_1390 : memref<8x512xf32, #tpu.memory_space<hbm>>) target_semaphore(%arg28 : memref<!tpu.dma_semaphore, #tpu.memory_space<semaphore_mem>>)
    %dma_start3A_1395 = arith.constant 2 : i32
    %dma_start3A_1396 = arith.constant 11 : i32
    %dma_start3A_1397 = arith.constant 0 : i32
    %dma_start3A_1398 = arith.constant 0 : i32
    %dma_start3A_1399 = tpu.memref_slice %arg23[%dma_start3A_1395, %dma_start3A_1397, %dma_start3A_1398] : memref<4x8x512xf32, #tpu.memory_space<vmem>> -> memref<1x8x512xf32, #tpu.memory_space<vmem>>
    %dma_start3A_1400 = tpu.memref_squeeze %dma_start3A_1399 : memref<1x8x512xf32, #tpu.memory_space<vmem>> -> memref<8x512xf32, #tpu.memory_space<vmem>>
    %dma_start3A_1401 = arith.constant 0 : i32
    %dma_start3A_1402 = tpu.memref_slice %arg12[%dma_start3A_1396, %add3A_1362, %dma_start3A_1401] : memref<77x1024x512xf32, #tpu.memory_space<hbm>> -> memref<1x8x512xf32, #tpu.memory_space<hbm>>
    %dma_start3A_1403 = tpu.memref_squeeze %dma_start3A_1402 : memref<1x8x512xf32, #tpu.memory_space<hbm>> -> memref<8x512xf32, #tpu.memory_space<hbm>>
    %dma_start3A_1404 = arith.constant 0 : i32
    %dma_start3A_1405 = tpu.memref_slice %arg12[%dma_start3A_1396, %add3A_1362, %dma_start3A_1404] : memref<77x1024x512xf32, #tpu.memory_space<hbm>> -> memref<1x8x512xf32, #tpu.memory_space<hbm>>
    %dma_start3A_1406 = tpu.memref_squeeze %dma_start3A_1405 : memref<1x8x512xf32, #tpu.memory_space<hbm>> -> memref<8x512xf32, #tpu.memory_space<hbm>>
    %dma_start3A_1407 = arith.constant 0 : i32
    %dma_start3A_1408 = arith.constant 0 : i32
    %dma_start3A_1409 = tpu.memref_slice %arg23[%dma_start3A_1395, %dma_start3A_1407, %dma_start3A_1408] : memref<4x8x512xf32, #tpu.memory_space<vmem>> -> memref<1x8x512xf32, #tpu.memory_space<vmem>>
    %dma_start3A_1410 = tpu.memref_squeeze %dma_start3A_1409 : memref<1x8x512xf32, #tpu.memory_space<vmem>> -> memref<8x512xf32, #tpu.memory_space<vmem>>
    tpu.enqueue_dma source(%dma_start3A_1410 : memref<8x512xf32, #tpu.memory_space<vmem>>) target(%dma_start3A_1406 : memref<8x512xf32, #tpu.memory_space<hbm>>) target_semaphore(%arg28 : memref<!tpu.dma_semaphore, #tpu.memory_space<semaphore_mem>>)
    %dma_start3A_1411 = arith.constant 3 : i32
    %dma_start3A_1412 = arith.constant 12 : i32
    %dma_start3A_1413 = arith.constant 0 : i32
    %dma_start3A_1414 = arith.constant 0 : i32
    %dma_start3A_1415 = tpu.memref_slice %arg23[%dma_start3A_1411, %dma_start3A_1413, %dma_start3A_1414] : memref<4x8x512xf32, #tpu.memory_space<vmem>> -> memref<1x8x512xf32, #tpu.memory_space<vmem>>
    %dma_start3A_1416 = tpu.memref_squeeze %dma_start3A_1415 : memref<1x8x512xf32, #tpu.memory_space<vmem>> -> memref<8x512xf32, #tpu.memory_space<vmem>>
    %dma_start3A_1417 = arith.constant 0 : i32
    %dma_start3A_1418 = tpu.memref_slice %arg12[%dma_start3A_1412, %add3A_1362, %dma_start3A_1417] : memref<77x1024x512xf32, #tpu.memory_space<hbm>> -> memref<1x8x512xf32, #tpu.memory_space<hbm>>
    %dma_start3A_1419 = tpu.memref_squeeze %dma_start3A_1418 : memref<1x8x512xf32, #tpu.memory_space<hbm>> -> memref<8x512xf32, #tpu.memory_space<hbm>>
    %dma_start3A_1420 = arith.constant 0 : i32
    %dma_start3A_1421 = tpu.memref_slice %arg12[%dma_start3A_1412, %add3A_1362, %dma_start3A_1420] : memref<77x1024x512xf32, #tpu.memory_space<hbm>> -> memref<1x8x512xf32, #tpu.memory_space<hbm>>
    %dma_start3A_1422 = tpu.memref_squeeze %dma_start3A_1421 : memref<1x8x512xf32, #tpu.memory_space<hbm>> -> memref<8x512xf32, #tpu.memory_space<hbm>>
    %dma_start3A_1423 = arith.constant 0 : i32
    %dma_start3A_1424 = arith.constant 0 : i32
    %dma_start3A_1425 = tpu.memref_slice %arg23[%dma_start3A_1411, %dma_start3A_1423, %dma_start3A_1424] : memref<4x8x512xf32, #tpu.memory_space<vmem>> -> memref<1x8x512xf32, #tpu.memory_space<vmem>>
    %dma_start3A_1426 = tpu.memref_squeeze %dma_start3A_1425 : memref<1x8x512xf32, #tpu.memory_space<vmem>> -> memref<8x512xf32, #tpu.memory_space<vmem>>
    tpu.enqueue_dma source(%dma_start3A_1426 : memref<8x512xf32, #tpu.memory_space<vmem>>) target(%dma_start3A_1422 : memref<8x512xf32, #tpu.memory_space<hbm>>) target_semaphore(%arg28 : memref<!tpu.dma_semaphore, #tpu.memory_space<semaphore_mem>>)
    %dma_wait3A_1427 = arith.constant 0 : i32
    %dma_wait3A_1428 = tpu.memref_slice %arg12[%add3A_633, %add3A_804, %dma_wait3A_1427] : memref<77x1024x512xf32, #tpu.memory_space<hbm>> -> memref<1x32x512xf32, #tpu.memory_space<hbm>>
    %dma_wait3A_1429 = tpu.memref_squeeze %dma_wait3A_1428 : memref<1x32x512xf32, #tpu.memory_space<hbm>> -> memref<32x512xf32, #tpu.memory_space<hbm>>
    %dma_wait3A_1430 = arith.constant 0 : i32
    %dma_wait3A_1431 = tpu.memref_slice %arg12[%add3A_633, %add3A_804, %dma_wait3A_1430] : memref<77x1024x512xf32, #tpu.memory_space<hbm>> -> memref<1x32x512xf32, #tpu.memory_space<hbm>>
    %dma_wait3A_1432 = tpu.memref_squeeze %dma_wait3A_1431 : memref<1x32x512xf32, #tpu.memory_space<hbm>> -> memref<32x512xf32, #tpu.memory_space<hbm>>
    tpu.wait_dma2 semaphore(%arg29 : memref<!tpu.dma_semaphore, #tpu.memory_space<semaphore_mem>>) src(%arg24 : memref<32x512xf32, #tpu.memory_space<vmem>>) dst(%dma_wait3A_1432 : memref<32x512xf32, #tpu.memory_space<hbm>>)
    %dma_wait3A_1433 = arith.constant 0 : i32
    %dma_wait3A_1434 = tpu.memref_slice %arg12[%add3A_633, %add3A_804, %dma_wait3A_1433] : memref<77x1024x512xf32, #tpu.memory_space<hbm>> -> memref<1x32x512xf32, #tpu.memory_space<hbm>>
    %dma_wait3A_1435 = tpu.memref_squeeze %dma_wait3A_1434 : memref<1x32x512xf32, #tpu.memory_space<hbm>> -> memref<32x512xf32, #tpu.memory_space<hbm>>
    %dma_wait3A_1436 = arith.constant 0 : i32
    %dma_wait3A_1437 = tpu.memref_slice %arg12[%add3A_633, %add3A_804, %dma_wait3A_1436] : memref<77x1024x512xf32, #tpu.memory_space<hbm>> -> memref<1x32x512xf32, #tpu.memory_space<hbm>>
    %dma_wait3A_1438 = tpu.memref_squeeze %dma_wait3A_1437 : memref<1x32x512xf32, #tpu.memory_space<hbm>> -> memref<32x512xf32, #tpu.memory_space<hbm>>
    tpu.wait_dma2 semaphore(%arg29 : memref<!tpu.dma_semaphore, #tpu.memory_space<semaphore_mem>>) src(%arg24 : memref<32x512xf32, #tpu.memory_space<vmem>>) dst(%dma_wait3A_1438 : memref<32x512xf32, #tpu.memory_space<hbm>>)
    %dma_wait3A_1439 = arith.constant 0 : i32
    %dma_wait3A_1440 = tpu.memref_slice %arg12[%add3A_633, %add3A_804, %dma_wait3A_1439] : memref<77x1024x512xf32, #tpu.memory_space<hbm>> -> memref<1x32x512xf32, #tpu.memory_space<hbm>>
    %dma_wait3A_1441 = tpu.memref_squeeze %dma_wait3A_1440 : memref<1x32x512xf32, #tpu.memory_space<hbm>> -> memref<32x512xf32, #tpu.memory_space<hbm>>
    %dma_wait3A_1442 = arith.constant 0 : i32
    %dma_wait3A_1443 = tpu.memref_slice %arg12[%add3A_633, %add3A_804, %dma_wait3A_1442] : memref<77x1024x512xf32, #tpu.memory_space<hbm>> -> memref<1x32x512xf32, #tpu.memory_space<hbm>>
    %dma_wait3A_1444 = tpu.memref_squeeze %dma_wait3A_1443 : memref<1x32x512xf32, #tpu.memory_space<hbm>> -> memref<32x512xf32, #tpu.memory_space<hbm>>
    tpu.wait_dma2 semaphore(%arg29 : memref<!tpu.dma_semaphore, #tpu.memory_space<semaphore_mem>>) src(%arg24 : memref<32x512xf32, #tpu.memory_space<vmem>>) dst(%dma_wait3A_1444 : memref<32x512xf32, #tpu.memory_space<hbm>>)
    %dma_wait3A_1445 = arith.constant 0 : i32
    %dma_wait3A_1446 = tpu.memref_slice %arg12[%add3A_633, %add3A_804, %dma_wait3A_1445] : memref<77x1024x512xf32, #tpu.memory_space<hbm>> -> memref<1x32x512xf32, #tpu.memory_space<hbm>>
    %dma_wait3A_1447 = tpu.memref_squeeze %dma_wait3A_1446 : memref<1x32x512xf32, #tpu.memory_space<hbm>> -> memref<32x512xf32, #tpu.memory_space<hbm>>
    %dma_wait3A_1448 = arith.constant 0 : i32
    %dma_wait3A_1449 = tpu.memref_slice %arg12[%add3A_633, %add3A_804, %dma_wait3A_1448] : memref<77x1024x512xf32, #tpu.memory_space<hbm>> -> memref<1x32x512xf32, #tpu.memory_space<hbm>>
    %dma_wait3A_1450 = tpu.memref_squeeze %dma_wait3A_1449 : memref<1x32x512xf32, #tpu.memory_space<hbm>> -> memref<32x512xf32, #tpu.memory_space<hbm>>
    tpu.wait_dma2 semaphore(%arg29 : memref<!tpu.dma_semaphore, #tpu.memory_space<semaphore_mem>>) src(%arg24 : memref<32x512xf32, #tpu.memory_space<vmem>>) dst(%dma_wait3A_1450 : memref<32x512xf32, #tpu.memory_space<hbm>>)
    %dma_wait3A_1451 = arith.constant 0 : i32
    %dma_wait3A_1452 = tpu.memref_slice %arg12[%add3A_633, %add3A_804, %dma_wait3A_1451] : memref<77x1024x512xf32, #tpu.memory_space<hbm>> -> memref<1x32x512xf32, #tpu.memory_space<hbm>>
    %dma_wait3A_1453 = tpu.memref_squeeze %dma_wait3A_1452 : memref<1x32x512xf32, #tpu.memory_space<hbm>> -> memref<32x512xf32, #tpu.memory_space<hbm>>
    %dma_wait3A_1454 = arith.constant 0 : i32
    %dma_wait3A_1455 = tpu.memref_slice %arg12[%add3A_633, %add3A_804, %dma_wait3A_1454] : memref<77x1024x512xf32, #tpu.memory_space<hbm>> -> memref<1x32x512xf32, #tpu.memory_space<hbm>>
    %dma_wait3A_1456 = tpu.memref_squeeze %dma_wait3A_1455 : memref<1x32x512xf32, #tpu.memory_space<hbm>> -> memref<32x512xf32, #tpu.memory_space<hbm>>
    tpu.wait_dma2 semaphore(%arg29 : memref<!tpu.dma_semaphore, #tpu.memory_space<semaphore_mem>>) src(%arg24 : memref<32x512xf32, #tpu.memory_space<vmem>>) dst(%dma_wait3A_1456 : memref<32x512xf32, #tpu.memory_space<hbm>>)
    %dma_wait3A_1457 = arith.constant 0 : i32
    %dma_wait3A_1458 = tpu.memref_slice %arg12[%add3A_633, %add3A_804, %dma_wait3A_1457] : memref<77x1024x512xf32, #tpu.memory_space<hbm>> -> memref<1x32x512xf32, #tpu.memory_space<hbm>>
    %dma_wait3A_1459 = tpu.memref_squeeze %dma_wait3A_1458 : memref<1x32x512xf32, #tpu.memory_space<hbm>> -> memref<32x512xf32, #tpu.memory_space<hbm>>
    %dma_wait3A_1460 = arith.constant 0 : i32
    %dma_wait3A_1461 = tpu.memref_slice %arg12[%add3A_633, %add3A_804, %dma_wait3A_1460] : memref<77x1024x512xf32, #tpu.memory_space<hbm>> -> memref<1x32x512xf32, #tpu.memory_space<hbm>>
    %dma_wait3A_1462 = tpu.memref_squeeze %dma_wait3A_1461 : memref<1x32x512xf32, #tpu.memory_space<hbm>> -> memref<32x512xf32, #tpu.memory_space<hbm>>
    tpu.wait_dma2 semaphore(%arg29 : memref<!tpu.dma_semaphore, #tpu.memory_space<semaphore_mem>>) src(%arg24 : memref<32x512xf32, #tpu.memory_space<vmem>>) dst(%dma_wait3A_1462 : memref<32x512xf32, #tpu.memory_space<hbm>>)
    %dma_wait3A_1463 = arith.constant 0 : i32
    %dma_wait3A_1464 = tpu.memref_slice %arg12[%add3A_633, %add3A_804, %dma_wait3A_1463] : memref<77x1024x512xf32, #tpu.memory_space<hbm>> -> memref<1x32x512xf32, #tpu.memory_space<hbm>>
    %dma_wait3A_1465 = tpu.memref_squeeze %dma_wait3A_1464 : memref<1x32x512xf32, #tpu.memory_space<hbm>> -> memref<32x512xf32, #tpu.memory_space<hbm>>
    %dma_wait3A_1466 = arith.constant 0 : i32
    %dma_wait3A_1467 = tpu.memref_slice %arg12[%add3A_633, %add3A_804, %dma_wait3A_1466] : memref<77x1024x512xf32, #tpu.memory_space<hbm>> -> memref<1x32x512xf32, #tpu.memory_space<hbm>>
    %dma_wait3A_1468 = tpu.memref_squeeze %dma_wait3A_1467 : memref<1x32x512xf32, #tpu.memory_space<hbm>> -> memref<32x512xf32, #tpu.memory_space<hbm>>
    tpu.wait_dma2 semaphore(%arg29 : memref<!tpu.dma_semaphore, #tpu.memory_space<semaphore_mem>>) src(%arg24 : memref<32x512xf32, #tpu.memory_space<vmem>>) dst(%dma_wait3A_1468 : memref<32x512xf32, #tpu.memory_space<hbm>>)
    %dma_wait3A_1469 = arith.constant 0 : i32
    %dma_wait3A_1470 = tpu.memref_slice %arg12[%add3A_633, %add3A_804, %dma_wait3A_1469] : memref<77x1024x512xf32, #tpu.memory_space<hbm>> -> memref<1x32x512xf32, #tpu.memory_space<hbm>>
    %dma_wait3A_1471 = tpu.memref_squeeze %dma_wait3A_1470 : memref<1x32x512xf32, #tpu.memory_space<hbm>> -> memref<32x512xf32, #tpu.memory_space<hbm>>
    %dma_wait3A_1472 = arith.constant 0 : i32
    %dma_wait3A_1473 = tpu.memref_slice %arg12[%add3A_633, %add3A_804, %dma_wait3A_1472] : memref<77x1024x512xf32, #tpu.memory_space<hbm>> -> memref<1x32x512xf32, #tpu.memory_space<hbm>>
    %dma_wait3A_1474 = tpu.memref_squeeze %dma_wait3A_1473 : memref<1x32x512xf32, #tpu.memory_space<hbm>> -> memref<32x512xf32, #tpu.memory_space<hbm>>
    tpu.wait_dma2 semaphore(%arg29 : memref<!tpu.dma_semaphore, #tpu.memory_space<semaphore_mem>>) src(%arg24 : memref<32x512xf32, #tpu.memory_space<vmem>>) dst(%dma_wait3A_1474 : memref<32x512xf32, #tpu.memory_space<hbm>>)
    %dma_wait3A_1475 = arith.constant 0 : i32
    %dma_wait3A_1476 = tpu.memref_slice %arg12[%add3A_633, %add3A_804, %dma_wait3A_1475] : memref<77x1024x512xf32, #tpu.memory_space<hbm>> -> memref<1x32x512xf32, #tpu.memory_space<hbm>>
    %dma_wait3A_1477 = tpu.memref_squeeze %dma_wait3A_1476 : memref<1x32x512xf32, #tpu.memory_space<hbm>> -> memref<32x512xf32, #tpu.memory_space<hbm>>
    %dma_wait3A_1478 = arith.constant 0 : i32
    %dma_wait3A_1479 = tpu.memref_slice %arg12[%add3A_633, %add3A_804, %dma_wait3A_1478] : memref<77x1024x512xf32, #tpu.memory_space<hbm>> -> memref<1x32x512xf32, #tpu.memory_space<hbm>>
    %dma_wait3A_1480 = tpu.memref_squeeze %dma_wait3A_1479 : memref<1x32x512xf32, #tpu.memory_space<hbm>> -> memref<32x512xf32, #tpu.memory_space<hbm>>
    tpu.wait_dma2 semaphore(%arg29 : memref<!tpu.dma_semaphore, #tpu.memory_space<semaphore_mem>>) src(%arg24 : memref<32x512xf32, #tpu.memory_space<vmem>>) dst(%dma_wait3A_1480 : memref<32x512xf32, #tpu.memory_space<hbm>>)
    %dma_wait3A_1481 = arith.constant 0 : i32
    %dma_wait3A_1482 = tpu.memref_slice %arg12[%add3A_633, %add3A_804, %dma_wait3A_1481] : memref<77x1024x512xf32, #tpu.memory_space<hbm>> -> memref<1x32x512xf32, #tpu.memory_space<hbm>>
    %dma_wait3A_1483 = tpu.memref_squeeze %dma_wait3A_1482 : memref<1x32x512xf32, #tpu.memory_space<hbm>> -> memref<32x512xf32, #tpu.memory_space<hbm>>
    %dma_wait3A_1484 = arith.constant 0 : i32
    %dma_wait3A_1485 = tpu.memref_slice %arg12[%add3A_633, %add3A_804, %dma_wait3A_1484] : memref<77x1024x512xf32, #tpu.memory_space<hbm>> -> memref<1x32x512xf32, #tpu.memory_space<hbm>>
    %dma_wait3A_1486 = tpu.memref_squeeze %dma_wait3A_1485 : memref<1x32x512xf32, #tpu.memory_space<hbm>> -> memref<32x512xf32, #tpu.memory_space<hbm>>
    tpu.wait_dma2 semaphore(%arg29 : memref<!tpu.dma_semaphore, #tpu.memory_space<semaphore_mem>>) src(%arg24 : memref<32x512xf32, #tpu.memory_space<vmem>>) dst(%dma_wait3A_1486 : memref<32x512xf32, #tpu.memory_space<hbm>>)
    %dma_wait3A_1487 = arith.constant 0 : i32
    %dma_wait3A_1488 = tpu.memref_slice %arg12[%add3A_633, %add3A_804, %dma_wait3A_1487] : memref<77x1024x512xf32, #tpu.memory_space<hbm>> -> memref<1x32x512xf32, #tpu.memory_space<hbm>>
    %dma_wait3A_1489 = tpu.memref_squeeze %dma_wait3A_1488 : memref<1x32x512xf32, #tpu.memory_space<hbm>> -> memref<32x512xf32, #tpu.memory_space<hbm>>
    %dma_wait3A_1490 = arith.constant 0 : i32
    %dma_wait3A_1491 = tpu.memref_slice %arg12[%add3A_633, %add3A_804, %dma_wait3A_1490] : memref<77x1024x512xf32, #tpu.memory_space<hbm>> -> memref<1x32x512xf32, #tpu.memory_space<hbm>>
    %dma_wait3A_1492 = tpu.memref_squeeze %dma_wait3A_1491 : memref<1x32x512xf32, #tpu.memory_space<hbm>> -> memref<32x512xf32, #tpu.memory_space<hbm>>
    tpu.wait_dma2 semaphore(%arg29 : memref<!tpu.dma_semaphore, #tpu.memory_space<semaphore_mem>>) src(%arg24 : memref<32x512xf32, #tpu.memory_space<vmem>>) dst(%dma_wait3A_1492 : memref<32x512xf32, #tpu.memory_space<hbm>>)
    %dma_wait3A_1493 = arith.constant 0 : i32
    %dma_wait3A_1494 = tpu.memref_slice %arg12[%add3A_633, %add3A_804, %dma_wait3A_1493] : memref<77x1024x512xf32, #tpu.memory_space<hbm>> -> memref<1x32x512xf32, #tpu.memory_space<hbm>>
    %dma_wait3A_1495 = tpu.memref_squeeze %dma_wait3A_1494 : memref<1x32x512xf32, #tpu.memory_space<hbm>> -> memref<32x512xf32, #tpu.memory_space<hbm>>
    %dma_wait3A_1496 = arith.constant 0 : i32
    %dma_wait3A_1497 = tpu.memref_slice %arg12[%add3A_633, %add3A_804, %dma_wait3A_1496] : memref<77x1024x512xf32, #tpu.memory_space<hbm>> -> memref<1x32x512xf32, #tpu.memory_space<hbm>>
    %dma_wait3A_1498 = tpu.memref_squeeze %dma_wait3A_1497 : memref<1x32x512xf32, #tpu.memory_space<hbm>> -> memref<32x512xf32, #tpu.memory_space<hbm>>
    tpu.wait_dma2 semaphore(%arg29 : memref<!tpu.dma_semaphore, #tpu.memory_space<semaphore_mem>>) src(%arg24 : memref<32x512xf32, #tpu.memory_space<vmem>>) dst(%dma_wait3A_1498 : memref<32x512xf32, #tpu.memory_space<hbm>>)
    %dma_wait3A_1499 = arith.constant 0 : i32
    %dma_wait3A_1500 = tpu.memref_slice %arg12[%add3A_633, %add3A_804, %dma_wait3A_1499] : memref<77x1024x512xf32, #tpu.memory_space<hbm>> -> memref<1x32x512xf32, #tpu.memory_space<hbm>>
    %dma_wait3A_1501 = tpu.memref_squeeze %dma_wait3A_1500 : memref<1x32x512xf32, #tpu.memory_space<hbm>> -> memref<32x512xf32, #tpu.memory_space<hbm>>
    %dma_wait3A_1502 = arith.constant 0 : i32
    %dma_wait3A_1503 = tpu.memref_slice %arg12[%add3A_633, %add3A_804, %dma_wait3A_1502] : memref<77x1024x512xf32, #tpu.memory_space<hbm>> -> memref<1x32x512xf32, #tpu.memory_space<hbm>>
    %dma_wait3A_1504 = tpu.memref_squeeze %dma_wait3A_1503 : memref<1x32x512xf32, #tpu.memory_space<hbm>> -> memref<32x512xf32, #tpu.memory_space<hbm>>
    tpu.wait_dma2 semaphore(%arg29 : memref<!tpu.dma_semaphore, #tpu.memory_space<semaphore_mem>>) src(%arg24 : memref<32x512xf32, #tpu.memory_space<vmem>>) dst(%dma_wait3A_1504 : memref<32x512xf32, #tpu.memory_space<hbm>>)
    %dma_wait3A_1505 = arith.constant 0 : i32
    %dma_wait3A_1506 = tpu.memref_slice %arg12[%add3A_633, %add3A_804, %dma_wait3A_1505] : memref<77x1024x512xf32, #tpu.memory_space<hbm>> -> memref<1x32x512xf32, #tpu.memory_space<hbm>>
    %dma_wait3A_1507 = tpu.memref_squeeze %dma_wait3A_1506 : memref<1x32x512xf32, #tpu.memory_space<hbm>> -> memref<32x512xf32, #tpu.memory_space<hbm>>
    %dma_wait3A_1508 = arith.constant 0 : i32
    %dma_wait3A_1509 = tpu.memref_slice %arg12[%add3A_633, %add3A_804, %dma_wait3A_1508] : memref<77x1024x512xf32, #tpu.memory_space<hbm>> -> memref<1x32x512xf32, #tpu.memory_space<hbm>>
    %dma_wait3A_1510 = tpu.memref_squeeze %dma_wait3A_1509 : memref<1x32x512xf32, #tpu.memory_space<hbm>> -> memref<32x512xf32, #tpu.memory_space<hbm>>
    tpu.wait_dma2 semaphore(%arg29 : memref<!tpu.dma_semaphore, #tpu.memory_space<semaphore_mem>>) src(%arg24 : memref<32x512xf32, #tpu.memory_space<vmem>>) dst(%dma_wait3A_1510 : memref<32x512xf32, #tpu.memory_space<hbm>>)
    %dma_wait3A_1511 = arith.constant 0 : i32
    %dma_wait3A_1512 = tpu.memref_slice %arg12[%add3A_633, %add3A_804, %dma_wait3A_1511] : memref<77x1024x512xf32, #tpu.memory_space<hbm>> -> memref<1x32x512xf32, #tpu.memory_space<hbm>>
    %dma_wait3A_1513 = tpu.memref_squeeze %dma_wait3A_1512 : memref<1x32x512xf32, #tpu.memory_space<hbm>> -> memref<32x512xf32, #tpu.memory_space<hbm>>
    %dma_wait3A_1514 = arith.constant 0 : i32
    %dma_wait3A_1515 = tpu.memref_slice %arg12[%add3A_633, %add3A_804, %dma_wait3A_1514] : memref<77x1024x512xf32, #tpu.memory_space<hbm>> -> memref<1x32x512xf32, #tpu.memory_space<hbm>>
    %dma_wait3A_1516 = tpu.memref_squeeze %dma_wait3A_1515 : memref<1x32x512xf32, #tpu.memory_space<hbm>> -> memref<32x512xf32, #tpu.memory_space<hbm>>
    tpu.wait_dma2 semaphore(%arg29 : memref<!tpu.dma_semaphore, #tpu.memory_space<semaphore_mem>>) src(%arg24 : memref<32x512xf32, #tpu.memory_space<vmem>>) dst(%dma_wait3A_1516 : memref<32x512xf32, #tpu.memory_space<hbm>>)
    %dma_wait3A_1517 = arith.constant 0 : i32
    %dma_wait3A_1518 = tpu.memref_slice %arg12[%add3A_633, %add3A_804, %dma_wait3A_1517] : memref<77x1024x512xf32, #tpu.memory_space<hbm>> -> memref<1x32x512xf32, #tpu.memory_space<hbm>>
    %dma_wait3A_1519 = tpu.memref_squeeze %dma_wait3A_1518 : memref<1x32x512xf32, #tpu.memory_space<hbm>> -> memref<32x512xf32, #tpu.memory_space<hbm>>
    %dma_wait3A_1520 = arith.constant 0 : i32
    %dma_wait3A_1521 = tpu.memref_slice %arg12[%add3A_633, %add3A_804, %dma_wait3A_1520] : memref<77x1024x512xf32, #tpu.memory_space<hbm>> -> memref<1x32x512xf32, #tpu.memory_space<hbm>>
    %dma_wait3A_1522 = tpu.memref_squeeze %dma_wait3A_1521 : memref<1x32x512xf32, #tpu.memory_space<hbm>> -> memref<32x512xf32, #tpu.memory_space<hbm>>
    tpu.wait_dma2 semaphore(%arg29 : memref<!tpu.dma_semaphore, #tpu.memory_space<semaphore_mem>>) src(%arg24 : memref<32x512xf32, #tpu.memory_space<vmem>>) dst(%dma_wait3A_1522 : memref<32x512xf32, #tpu.memory_space<hbm>>)
    %add3A_1523 = arith.constant 128 : i32
    %add3A_1524 = arith.addi %add3A, %add3A_1523 : i32
    %lt3A = arith.constant 146 : i32
    %lt3A_1525 = arith.cmpi slt, %add3A_1524, %lt3A : i32
    %convert_element_type3A_1526 = arith.extui %lt3A_1525 : i1 to i32
    %cond3A_1527 = arith.constant 0 : i32
    %cond3A_1528 = arith.cmpi ne, %convert_element_type3A_1526, %cond3A_1527 : i32
    scf.if %cond3A_1528 {
      %jit3A_1840 = arith.constant 2 : i32
      %div3A_1841 = arith.divsi %add3A_1524, %jit3A_1840 : i32
      %sign3A_1842 = arith.constant 0 : i32
      %sign3A_1843 = arith.cmpi sgt, %add3A_1524, %sign3A_1842 : i32
      %sign3A_1844 = arith.extui %sign3A_1843 : i1 to i32
      %sign3A_1845 = arith.constant 0 : i32
      %sign3A_1846 = arith.cmpi slt, %add3A_1524, %sign3A_1845 : i32
      %sign3A_1847 = arith.extui %sign3A_1846 : i1 to i32
      %sign3A_1848 = arith.subi %sign3A_1844, %sign3A_1847 : i32
      %sign3A_1849 = arith.constant 0 : i32
      %sign3A_1850 = arith.cmpi sgt, %jit3A_1840, %sign3A_1849 : i32
      %sign3A_1851 = arith.extui %sign3A_1850 : i1 to i32
      %sign3A_1852 = arith.constant 0 : i32
      %sign3A_1853 = arith.cmpi slt, %jit3A_1840, %sign3A_1852 : i32
      %sign3A_1854 = arith.extui %sign3A_1853 : i1 to i32
      %sign3A_1855 = arith.subi %sign3A_1851, %sign3A_1854 : i32
      %ne3A_1856 = arith.cmpi ne, %sign3A_1848, %sign3A_1855 : i32
      %rem3A_1857 = arith.remsi %add3A_1524, %jit3A_1840 : i32
      %ne3A_1858 = arith.constant 0 : i32
      %ne3A_1859 = arith.cmpi ne, %rem3A_1857, %ne3A_1858 : i32
      %and3A_1860 = arith.andi %ne3A_1856, %ne3A_1859 : i1
      %sub3A_1861 = arith.constant 1 : i32
      %sub3A_1862 = arith.subi %div3A_1841, %sub3A_1861 : i32
      %select_n3A_1863 = arith.select %and3A_1860, %sub3A_1862, %div3A_1841 : i32
      %mul3A_1864 = arith.constant 2 : i32
      %mul3A_1865 = arith.muli %mul3A_1864, %select_n3A_1863 : i32
      %sub3A_1866 = arith.subi %add3A_1524, %mul3A_1865 : i32
      %ge3A_1867 = arith.constant 9 : i32
      %ge3A_1868 = arith.cmpi sge, %select_n3A_1863, %ge3A_1867 : i32
      %jit3A_1869 = arith.constant 4 : i32
      %jit3A_1870 = arith.constant 0 : i32
      %select_n3A_1871 = arith.select %ge3A_1868, %jit3A_1869, %jit3A_1870 : i32
      %add3A_1872 = arith.addi %select_n3A_1863, %select_n3A_1871 : i32
      %jit3A_1873 = arith.constant 9 : i32
      %jit3A_1874 = arith.constant 0 : i32
      %select_n3A_1875 = arith.select %ge3A_1868, %jit3A_1873, %jit3A_1874 : i32
      %sub3A_1876 = arith.subi %select_n3A_1863, %select_n3A_1875 : i32
      %broadcast_in_dim3A_1877 = vector.broadcast %sub3A_1876 : i32 to vector<16xi32>
      %swap3A_1878 = arith.constant 0 : index
      %swap3A_1879 = tpu.vector_load %arg17[%swap3A_1878] {strides = array<i32>} : memref<32xi32, #tpu.memory_space<vmem>>, vector<16xi32>,
      tpu.vector_store %arg17[%swap3A_1878], %broadcast_in_dim3A_1877 {strides = array<i32>} : memref<32xi32, #tpu.memory_space<vmem>>, vector<16xi32>,
      %swap3A_1880 = arith.constant 16 : index
      %swap3A_1881 = tpu.vector_load %arg17[%swap3A_1880] {strides = array<i32>} : memref<32xi32, #tpu.memory_space<vmem>>, vector<16xi32>,
      tpu.vector_store %arg17[%swap3A_1880], %broadcast_in_dim3A_1877 {strides = array<i32>} : memref<32xi32, #tpu.memory_space<vmem>>, vector<16xi32>,
      %not3A_1882 = arith.constant true
      %not3A_1883 = arith.xori %ge3A_1868, %not3A_1882 : i1
      %convert_element_type3A_1884 = arith.extui %not3A_1883 : i1 to i32
      %cond3A_1885 = arith.constant 0 : i32
      %cond3A_1886 = arith.cmpi ne, %convert_element_type3A_1884, %cond3A_1885 : i32
      scf.if %cond3A_1886 {
        %dma_start3A_2050 = arith.constant 0 : i32
        %dma_start3A_2051 = arith.constant 0 : i32
        %dma_start3A_2052 = tpu.memref_slice %arg10[%dma_start3A_2050, %dma_start3A_2051] : memref<9x512xf32, #tpu.memory_space<hbm>> -> memref<9x512xf32, #tpu.memory_space<hbm>>
        tpu.enqueue_indirect_dma source(%dma_start3A_2052 : memref<9x512xf32, #tpu.memory_space<hbm>>) target(%arg24 : memref<32x512xf32, #tpu.memory_space<vmem>>) offsets(%arg17 : memref<32xi32, #tpu.memory_space<vmem>>) semaphore(%arg27 : memref<!tpu.dma_semaphore, #tpu.memory_space<semaphore_mem>>)
        %dma_wait3A_2053 = arith.constant 0 : i32
        %dma_wait3A_2054 = arith.constant 0 : i32
        %dma_wait3A_2055 = tpu.memref_slice %arg10[%dma_wait3A_2053, %dma_wait3A_2054] : memref<9x512xf32, #tpu.memory_space<hbm>> -> memref<9x512xf32, #tpu.memory_space<hbm>>
        tpu.wait_indirect_dma semaphore(%arg27 : memref<!tpu.dma_semaphore, #tpu.memory_space<semaphore_mem>>) src(%dma_wait3A_2055 : memref<9x512xf32, #tpu.memory_space<hbm>>) dst(%arg24 : memref<32x512xf32, #tpu.memory_space<vmem>>)
      } else {
      }
      %convert_element_type3A_1887 = arith.extui %ge3A_1868 : i1 to i32
      %cond3A_1888 = arith.constant 0 : i32
      %cond3A_1889 = arith.cmpi ne, %convert_element_type3A_1887, %cond3A_1888 : i32
      scf.if %cond3A_1889 {
        %dma_start3A_2050 = arith.constant 0 : i32
        %dma_start3A_2051 = arith.constant 0 : i32
        %dma_start3A_2052 = tpu.memref_slice %arg11[%dma_start3A_2050, %dma_start3A_2051] : memref<64x512xf32, #tpu.memory_space<hbm>> -> memref<64x512xf32, #tpu.memory_space<hbm>>
        tpu.enqueue_indirect_dma source(%dma_start3A_2052 : memref<64x512xf32, #tpu.memory_space<hbm>>) target(%arg24 : memref<32x512xf32, #tpu.memory_space<vmem>>) offsets(%arg17 : memref<32xi32, #tpu.memory_space<vmem>>) semaphore(%arg27 : memref<!tpu.dma_semaphore, #tpu.memory_space<semaphore_mem>>)
        %dma_wait3A_2053 = arith.constant 0 : i32
        %dma_wait3A_2054 = arith.constant 0 : i32
        %dma_wait3A_2055 = tpu.memref_slice %arg11[%dma_wait3A_2053, %dma_wait3A_2054] : memref<64x512xf32, #tpu.memory_space<hbm>> -> memref<64x512xf32, #tpu.memory_space<hbm>>
        tpu.wait_indirect_dma semaphore(%arg27 : memref<!tpu.dma_semaphore, #tpu.memory_space<semaphore_mem>>) src(%dma_wait3A_2055 : memref<64x512xf32, #tpu.memory_space<hbm>>) dst(%arg24 : memref<32x512xf32, #tpu.memory_space<vmem>>)
      } else {
      }
      %mul3A_1890 = arith.constant 512 : i32
      %mul3A_1891 = arith.muli %sub3A_1866, %mul3A_1890 : i32
      %add3A_1892 = arith.constant 0 : i32
      %add3A_1893 = arith.addi %mul3A_1891, %add3A_1892 : i32
      %dma_start3A_1894 = arith.constant 0 : i32
      %dma_start3A_1895 = tpu.memref_slice %arg12[%add3A_1872, %add3A_1893, %dma_start3A_1894] : memref<77x1024x512xf32, #tpu.memory_space<hbm>> -> memref<1x32x512xf32, #tpu.memory_space<hbm>>
      %dma_start3A_1896 = tpu.memref_squeeze %dma_start3A_1895 : memref<1x32x512xf32, #tpu.memory_space<hbm>> -> memref<32x512xf32, #tpu.memory_space<hbm>>
      %dma_start3A_1897 = arith.constant 0 : i32
      %dma_start3A_1898 = tpu.memref_slice %arg12[%add3A_1872, %add3A_1893, %dma_start3A_1897] : memref<77x1024x512xf32, #tpu.memory_space<hbm>> -> memref<1x32x512xf32, #tpu.memory_space<hbm>>
      %dma_start3A_1899 = tpu.memref_squeeze %dma_start3A_1898 : memref<1x32x512xf32, #tpu.memory_space<hbm>> -> memref<32x512xf32, #tpu.memory_space<hbm>>
      tpu.enqueue_dma source(%arg24 : memref<32x512xf32, #tpu.memory_space<vmem>>) target(%dma_start3A_1899 : memref<32x512xf32, #tpu.memory_space<hbm>>) target_semaphore(%arg29 : memref<!tpu.dma_semaphore, #tpu.memory_space<semaphore_mem>>)
      %mul3A_1900 = arith.constant 512 : i32
      %mul3A_1901 = arith.muli %sub3A_1866, %mul3A_1900 : i32
      %add3A_1902 = arith.constant 32 : i32
      %add3A_1903 = arith.addi %mul3A_1901, %add3A_1902 : i32
      %dma_start3A_1904 = arith.constant 0 : i32
      %dma_start3A_1905 = tpu.memref_slice %arg12[%add3A_1872, %add3A_1903, %dma_start3A_1904] : memref<77x1024x512xf32, #tpu.memory_space<hbm>> -> memref<1x32x512xf32, #tpu.memory_space<hbm>>
      %dma_start3A_1906 = tpu.memref_squeeze %dma_start3A_1905 : memref<1x32x512xf32, #tpu.memory_space<hbm>> -> memref<32x512xf32, #tpu.memory_space<hbm>>
      %dma_start3A_1907 = arith.constant 0 : i32
      %dma_start3A_1908 = tpu.memref_slice %arg12[%add3A_1872, %add3A_1903, %dma_start3A_1907] : memref<77x1024x512xf32, #tpu.memory_space<hbm>> -> memref<1x32x512xf32, #tpu.memory_space<hbm>>
      %dma_start3A_1909 = tpu.memref_squeeze %dma_start3A_1908 : memref<1x32x512xf32, #tpu.memory_space<hbm>> -> memref<32x512xf32, #tpu.memory_space<hbm>>
      tpu.enqueue_dma source(%arg24 : memref<32x512xf32, #tpu.memory_space<vmem>>) target(%dma_start3A_1909 : memref<32x512xf32, #tpu.memory_space<hbm>>) target_semaphore(%arg29 : memref<!tpu.dma_semaphore, #tpu.memory_space<semaphore_mem>>)
      %mul3A_1910 = arith.constant 512 : i32
      %mul3A_1911 = arith.muli %sub3A_1866, %mul3A_1910 : i32
      %add3A_1912 = arith.constant 64 : i32
      %add3A_1913 = arith.addi %mul3A_1911, %add3A_1912 : i32
      %dma_start3A_1914 = arith.constant 0 : i32
      %dma_start3A_1915 = tpu.memref_slice %arg12[%add3A_1872, %add3A_1913, %dma_start3A_1914] : memref<77x1024x512xf32, #tpu.memory_space<hbm>> -> memref<1x32x512xf32, #tpu.memory_space<hbm>>
      %dma_start3A_1916 = tpu.memref_squeeze %dma_start3A_1915 : memref<1x32x512xf32, #tpu.memory_space<hbm>> -> memref<32x512xf32, #tpu.memory_space<hbm>>
      %dma_start3A_1917 = arith.constant 0 : i32
      %dma_start3A_1918 = tpu.memref_slice %arg12[%add3A_1872, %add3A_1913, %dma_start3A_1917] : memref<77x1024x512xf32, #tpu.memory_space<hbm>> -> memref<1x32x512xf32, #tpu.memory_space<hbm>>
      %dma_start3A_1919 = tpu.memref_squeeze %dma_start3A_1918 : memref<1x32x512xf32, #tpu.memory_space<hbm>> -> memref<32x512xf32, #tpu.memory_space<hbm>>
      tpu.enqueue_dma source(%arg24 : memref<32x512xf32, #tpu.memory_space<vmem>>) target(%dma_start3A_1919 : memref<32x512xf32, #tpu.memory_space<hbm>>) target_semaphore(%arg29 : memref<!tpu.dma_semaphore, #tpu.memory_space<semaphore_mem>>)
      %mul3A_1920 = arith.constant 512 : i32
      %mul3A_1921 = arith.muli %sub3A_1866, %mul3A_1920 : i32
      %add3A_1922 = arith.constant 96 : i32
      %add3A_1923 = arith.addi %mul3A_1921, %add3A_1922 : i32
      %dma_start3A_1924 = arith.constant 0 : i32
      %dma_start3A_1925 = tpu.memref_slice %arg12[%add3A_1872, %add3A_1923, %dma_start3A_1924] : memref<77x1024x512xf32, #tpu.memory_space<hbm>> -> memref<1x32x512xf32, #tpu.memory_space<hbm>>
      %dma_start3A_1926 = tpu.memref_squeeze %dma_start3A_1925 : memref<1x32x512xf32, #tpu.memory_space<hbm>> -> memref<32x512xf32, #tpu.memory_space<hbm>>
      %dma_start3A_1927 = arith.constant 0 : i32
      %dma_start3A_1928 = tpu.memref_slice %arg12[%add3A_1872, %add3A_1923, %dma_start3A_1927] : memref<77x1024x512xf32, #tpu.memory_space<hbm>> -> memref<1x32x512xf32, #tpu.memory_space<hbm>>
      %dma_start3A_1929 = tpu.memref_squeeze %dma_start3A_1928 : memref<1x32x512xf32, #tpu.memory_space<hbm>> -> memref<32x512xf32, #tpu.memory_space<hbm>>
      tpu.enqueue_dma source(%arg24 : memref<32x512xf32, #tpu.memory_space<vmem>>) target(%dma_start3A_1929 : memref<32x512xf32, #tpu.memory_space<hbm>>) target_semaphore(%arg29 : memref<!tpu.dma_semaphore, #tpu.memory_space<semaphore_mem>>)
      %mul3A_1930 = arith.constant 512 : i32
      %mul3A_1931 = arith.muli %sub3A_1866, %mul3A_1930 : i32
      %add3A_1932 = arith.constant 128 : i32
      %add3A_1933 = arith.addi %mul3A_1931, %add3A_1932 : i32
      %dma_start3A_1934 = arith.constant 0 : i32
      %dma_start3A_1935 = tpu.memref_slice %arg12[%add3A_1872, %add3A_1933, %dma_start3A_1934] : memref<77x1024x512xf32, #tpu.memory_space<hbm>> -> memref<1x32x512xf32, #tpu.memory_space<hbm>>
      %dma_start3A_1936 = tpu.memref_squeeze %dma_start3A_1935 : memref<1x32x512xf32, #tpu.memory_space<hbm>> -> memref<32x512xf32, #tpu.memory_space<hbm>>
      %dma_start3A_1937 = arith.constant 0 : i32
      %dma_start3A_1938 = tpu.memref_slice %arg12[%add3A_1872, %add3A_1933, %dma_start3A_1937] : memref<77x1024x512xf32, #tpu.memory_space<hbm>> -> memref<1x32x512xf32, #tpu.memory_space<hbm>>
      %dma_start3A_1939 = tpu.memref_squeeze %dma_start3A_1938 : memref<1x32x512xf32, #tpu.memory_space<hbm>> -> memref<32x512xf32, #tpu.memory_space<hbm>>
      tpu.enqueue_dma source(%arg24 : memref<32x512xf32, #tpu.memory_space<vmem>>) target(%dma_start3A_1939 : memref<32x512xf32, #tpu.memory_space<hbm>>) target_semaphore(%arg29 : memref<!tpu.dma_semaphore, #tpu.memory_space<semaphore_mem>>)
      %mul3A_1940 = arith.constant 512 : i32
      %mul3A_1941 = arith.muli %sub3A_1866, %mul3A_1940 : i32
      %add3A_1942 = arith.constant 160 : i32
      %add3A_1943 = arith.addi %mul3A_1941, %add3A_1942 : i32
      %dma_start3A_1944 = arith.constant 0 : i32
      %dma_start3A_1945 = tpu.memref_slice %arg12[%add3A_1872, %add3A_1943, %dma_start3A_1944] : memref<77x1024x512xf32, #tpu.memory_space<hbm>> -> memref<1x32x512xf32, #tpu.memory_space<hbm>>
      %dma_start3A_1946 = tpu.memref_squeeze %dma_start3A_1945 : memref<1x32x512xf32, #tpu.memory_space<hbm>> -> memref<32x512xf32, #tpu.memory_space<hbm>>
      %dma_start3A_1947 = arith.constant 0 : i32
      %dma_start3A_1948 = tpu.memref_slice %arg12[%add3A_1872, %add3A_1943, %dma_start3A_1947] : memref<77x1024x512xf32, #tpu.memory_space<hbm>> -> memref<1x32x512xf32, #tpu.memory_space<hbm>>
      %dma_start3A_1949 = tpu.memref_squeeze %dma_start3A_1948 : memref<1x32x512xf32, #tpu.memory_space<hbm>> -> memref<32x512xf32, #tpu.memory_space<hbm>>
      tpu.enqueue_dma source(%arg24 : memref<32x512xf32, #tpu.memory_space<vmem>>) target(%dma_start3A_1949 : memref<32x512xf32, #tpu.memory_space<hbm>>) target_semaphore(%arg29 : memref<!tpu.dma_semaphore, #tpu.memory_space<semaphore_mem>>)
      %mul3A_1950 = arith.constant 512 : i32
      %mul3A_1951 = arith.muli %sub3A_1866, %mul3A_1950 : i32
      %add3A_1952 = arith.constant 192 : i32
      %add3A_1953 = arith.addi %mul3A_1951, %add3A_1952 : i32
      %dma_start3A_1954 = arith.constant 0 : i32
      %dma_start3A_1955 = tpu.memref_slice %arg12[%add3A_1872, %add3A_1953, %dma_start3A_1954] : memref<77x1024x512xf32, #tpu.memory_space<hbm>> -> memref<1x32x512xf32, #tpu.memory_space<hbm>>
      %dma_start3A_1956 = tpu.memref_squeeze %dma_start3A_1955 : memref<1x32x512xf32, #tpu.memory_space<hbm>> -> memref<32x512xf32, #tpu.memory_space<hbm>>
      %dma_start3A_1957 = arith.constant 0 : i32
      %dma_start3A_1958 = tpu.memref_slice %arg12[%add3A_1872, %add3A_1953, %dma_start3A_1957] : memref<77x1024x512xf32, #tpu.memory_space<hbm>> -> memref<1x32x512xf32, #tpu.memory_space<hbm>>
      %dma_start3A_1959 = tpu.memref_squeeze %dma_start3A_1958 : memref<1x32x512xf32, #tpu.memory_space<hbm>> -> memref<32x512xf32, #tpu.memory_space<hbm>>
      tpu.enqueue_dma source(%arg24 : memref<32x512xf32, #tpu.memory_space<vmem>>) target(%dma_start3A_1959 : memref<32x512xf32, #tpu.memory_space<hbm>>) target_semaphore(%arg29 : memref<!tpu.dma_semaphore, #tpu.memory_space<semaphore_mem>>)
      %mul3A_1960 = arith.constant 512 : i32
      %mul3A_1961 = arith.muli %sub3A_1866, %mul3A_1960 : i32
      %add3A_1962 = arith.constant 224 : i32
      %add3A_1963 = arith.addi %mul3A_1961, %add3A_1962 : i32
      %dma_start3A_1964 = arith.constant 0 : i32
      %dma_start3A_1965 = tpu.memref_slice %arg12[%add3A_1872, %add3A_1963, %dma_start3A_1964] : memref<77x1024x512xf32, #tpu.memory_space<hbm>> -> memref<1x32x512xf32, #tpu.memory_space<hbm>>
      %dma_start3A_1966 = tpu.memref_squeeze %dma_start3A_1965 : memref<1x32x512xf32, #tpu.memory_space<hbm>> -> memref<32x512xf32, #tpu.memory_space<hbm>>
      %dma_start3A_1967 = arith.constant 0 : i32
      %dma_start3A_1968 = tpu.memref_slice %arg12[%add3A_1872, %add3A_1963, %dma_start3A_1967] : memref<77x1024x512xf32, #tpu.memory_space<hbm>> -> memref<1x32x512xf32, #tpu.memory_space<hbm>>
      %dma_start3A_1969 = tpu.memref_squeeze %dma_start3A_1968 : memref<1x32x512xf32, #tpu.memory_space<hbm>> -> memref<32x512xf32, #tpu.memory_space<hbm>>
      tpu.enqueue_dma source(%arg24 : memref<32x512xf32, #tpu.memory_space<vmem>>) target(%dma_start3A_1969 : memref<32x512xf32, #tpu.memory_space<hbm>>) target_semaphore(%arg29 : memref<!tpu.dma_semaphore, #tpu.memory_space<semaphore_mem>>)
      %mul3A_1970 = arith.constant 512 : i32
      %mul3A_1971 = arith.muli %sub3A_1866, %mul3A_1970 : i32
      %add3A_1972 = arith.constant 256 : i32
      %add3A_1973 = arith.addi %mul3A_1971, %add3A_1972 : i32
      %dma_start3A_1974 = arith.constant 0 : i32
      %dma_start3A_1975 = tpu.memref_slice %arg12[%add3A_1872, %add3A_1973, %dma_start3A_1974] : memref<77x1024x512xf32, #tpu.memory_space<hbm>> -> memref<1x32x512xf32, #tpu.memory_space<hbm>>
      %dma_start3A_1976 = tpu.memref_squeeze %dma_start3A_1975 : memref<1x32x512xf32, #tpu.memory_space<hbm>> -> memref<32x512xf32, #tpu.memory_space<hbm>>
      %dma_start3A_1977 = arith.constant 0 : i32
      %dma_start3A_1978 = tpu.memref_slice %arg12[%add3A_1872, %add3A_1973, %dma_start3A_1977] : memref<77x1024x512xf32, #tpu.memory_space<hbm>> -> memref<1x32x512xf32, #tpu.memory_space<hbm>>
      %dma_start3A_1979 = tpu.memref_squeeze %dma_start3A_1978 : memref<1x32x512xf32, #tpu.memory_space<hbm>> -> memref<32x512xf32, #tpu.memory_space<hbm>>
      tpu.enqueue_dma source(%arg24 : memref<32x512xf32, #tpu.memory_space<vmem>>) target(%dma_start3A_1979 : memref<32x512xf32, #tpu.memory_space<hbm>>) target_semaphore(%arg29 : memref<!tpu.dma_semaphore, #tpu.memory_space<semaphore_mem>>)
      %mul3A_1980 = arith.constant 512 : i32
      %mul3A_1981 = arith.muli %sub3A_1866, %mul3A_1980 : i32
      %add3A_1982 = arith.constant 288 : i32
      %add3A_1983 = arith.addi %mul3A_1981, %add3A_1982 : i32
      %dma_start3A_1984 = arith.constant 0 : i32
      %dma_start3A_1985 = tpu.memref_slice %arg12[%add3A_1872, %add3A_1983, %dma_start3A_1984] : memref<77x1024x512xf32, #tpu.memory_space<hbm>> -> memref<1x32x512xf32, #tpu.memory_space<hbm>>
      %dma_start3A_1986 = tpu.memref_squeeze %dma_start3A_1985 : memref<1x32x512xf32, #tpu.memory_space<hbm>> -> memref<32x512xf32, #tpu.memory_space<hbm>>
      %dma_start3A_1987 = arith.constant 0 : i32
      %dma_start3A_1988 = tpu.memref_slice %arg12[%add3A_1872, %add3A_1983, %dma_start3A_1987] : memref<77x1024x512xf32, #tpu.memory_space<hbm>> -> memref<1x32x512xf32, #tpu.memory_space<hbm>>
      %dma_start3A_1989 = tpu.memref_squeeze %dma_start3A_1988 : memref<1x32x512xf32, #tpu.memory_space<hbm>> -> memref<32x512xf32, #tpu.memory_space<hbm>>
      tpu.enqueue_dma source(%arg24 : memref<32x512xf32, #tpu.memory_space<vmem>>) target(%dma_start3A_1989 : memref<32x512xf32, #tpu.memory_space<hbm>>) target_semaphore(%arg29 : memref<!tpu.dma_semaphore, #tpu.memory_space<semaphore_mem>>)
      %mul3A_1990 = arith.constant 512 : i32
      %mul3A_1991 = arith.muli %sub3A_1866, %mul3A_1990 : i32
      %add3A_1992 = arith.constant 320 : i32
      %add3A_1993 = arith.addi %mul3A_1991, %add3A_1992 : i32
      %dma_start3A_1994 = arith.constant 0 : i32
      %dma_start3A_1995 = tpu.memref_slice %arg12[%add3A_1872, %add3A_1993, %dma_start3A_1994] : memref<77x1024x512xf32, #tpu.memory_space<hbm>> -> memref<1x32x512xf32, #tpu.memory_space<hbm>>
      %dma_start3A_1996 = tpu.memref_squeeze %dma_start3A_1995 : memref<1x32x512xf32, #tpu.memory_space<hbm>> -> memref<32x512xf32, #tpu.memory_space<hbm>>
      %dma_start3A_1997 = arith.constant 0 : i32
      %dma_start3A_1998 = tpu.memref_slice %arg12[%add3A_1872, %add3A_1993, %dma_start3A_1997] : memref<77x1024x512xf32, #tpu.memory_space<hbm>> -> memref<1x32x512xf32, #tpu.memory_space<hbm>>
      %dma_start3A_1999 = tpu.memref_squeeze %dma_start3A_1998 : memref<1x32x512xf32, #tpu.memory_space<hbm>> -> memref<32x512xf32, #tpu.memory_space<hbm>>
      tpu.enqueue_dma source(%arg24 : memref<32x512xf32, #tpu.memory_space<vmem>>) target(%dma_start3A_1999 : memref<32x512xf32, #tpu.memory_space<hbm>>) target_semaphore(%arg29 : memref<!tpu.dma_semaphore, #tpu.memory_space<semaphore_mem>>)
      %mul3A_2000 = arith.constant 512 : i32
      %mul3A_2001 = arith.muli %sub3A_1866, %mul3A_2000 : i32
      %add3A_2002 = arith.constant 352 : i32
      %add3A_2003 = arith.addi %mul3A_2001, %add3A_2002 : i32
      %dma_start3A_2004 = arith.constant 0 : i32
      %dma_start3A_2005 = tpu.memref_slice %arg12[%add3A_1872, %add3A_2003, %dma_start3A_2004] : memref<77x1024x512xf32, #tpu.memory_space<hbm>> -> memref<1x32x512xf32, #tpu.memory_space<hbm>>
      %dma_start3A_2006 = tpu.memref_squeeze %dma_start3A_2005 : memref<1x32x512xf32, #tpu.memory_space<hbm>> -> memref<32x512xf32, #tpu.memory_space<hbm>>
      %dma_start3A_2007 = arith.constant 0 : i32
      %dma_start3A_2008 = tpu.memref_slice %arg12[%add3A_1872, %add3A_2003, %dma_start3A_2007] : memref<77x1024x512xf32, #tpu.memory_space<hbm>> -> memref<1x32x512xf32, #tpu.memory_space<hbm>>
      %dma_start3A_2009 = tpu.memref_squeeze %dma_start3A_2008 : memref<1x32x512xf32, #tpu.memory_space<hbm>> -> memref<32x512xf32, #tpu.memory_space<hbm>>
      tpu.enqueue_dma source(%arg24 : memref<32x512xf32, #tpu.memory_space<vmem>>) target(%dma_start3A_2009 : memref<32x512xf32, #tpu.memory_space<hbm>>) target_semaphore(%arg29 : memref<!tpu.dma_semaphore, #tpu.memory_space<semaphore_mem>>)
      %mul3A_2010 = arith.constant 512 : i32
      %mul3A_2011 = arith.muli %sub3A_1866, %mul3A_2010 : i32
      %add3A_2012 = arith.constant 384 : i32
      %add3A_2013 = arith.addi %mul3A_2011, %add3A_2012 : i32
      %dma_start3A_2014 = arith.constant 0 : i32
      %dma_start3A_2015 = tpu.memref_slice %arg12[%add3A_1872, %add3A_2013, %dma_start3A_2014] : memref<77x1024x512xf32, #tpu.memory_space<hbm>> -> memref<1x32x512xf32, #tpu.memory_space<hbm>>
      %dma_start3A_2016 = tpu.memref_squeeze %dma_start3A_2015 : memref<1x32x512xf32, #tpu.memory_space<hbm>> -> memref<32x512xf32, #tpu.memory_space<hbm>>
      %dma_start3A_2017 = arith.constant 0 : i32
      %dma_start3A_2018 = tpu.memref_slice %arg12[%add3A_1872, %add3A_2013, %dma_start3A_2017] : memref<77x1024x512xf32, #tpu.memory_space<hbm>> -> memref<1x32x512xf32, #tpu.memory_space<hbm>>
      %dma_start3A_2019 = tpu.memref_squeeze %dma_start3A_2018 : memref<1x32x512xf32, #tpu.memory_space<hbm>> -> memref<32x512xf32, #tpu.memory_space<hbm>>
      tpu.enqueue_dma source(%arg24 : memref<32x512xf32, #tpu.memory_space<vmem>>) target(%dma_start3A_2019 : memref<32x512xf32, #tpu.memory_space<hbm>>) target_semaphore(%arg29 : memref<!tpu.dma_semaphore, #tpu.memory_space<semaphore_mem>>)
      %mul3A_2020 = arith.constant 512 : i32
      %mul3A_2021 = arith.muli %sub3A_1866, %mul3A_2020 : i32
      %add3A_2022 = arith.constant 416 : i32
      %add3A_2023 = arith.addi %mul3A_2021, %add3A_2022 : i32
      %dma_start3A_2024 = arith.constant 0 : i32
      %dma_start3A_2025 = tpu.memref_slice %arg12[%add3A_1872, %add3A_2023, %dma_start3A_2024] : memref<77x1024x512xf32, #tpu.memory_space<hbm>> -> memref<1x32x512xf32, #tpu.memory_space<hbm>>
      %dma_start3A_2026 = tpu.memref_squeeze %dma_start3A_2025 : memref<1x32x512xf32, #tpu.memory_space<hbm>> -> memref<32x512xf32, #tpu.memory_space<hbm>>
      %dma_start3A_2027 = arith.constant 0 : i32
      %dma_start3A_2028 = tpu.memref_slice %arg12[%add3A_1872, %add3A_2023, %dma_start3A_2027] : memref<77x1024x512xf32, #tpu.memory_space<hbm>> -> memref<1x32x512xf32, #tpu.memory_space<hbm>>
      %dma_start3A_2029 = tpu.memref_squeeze %dma_start3A_2028 : memref<1x32x512xf32, #tpu.memory_space<hbm>> -> memref<32x512xf32, #tpu.memory_space<hbm>>
      tpu.enqueue_dma source(%arg24 : memref<32x512xf32, #tpu.memory_space<vmem>>) target(%dma_start3A_2029 : memref<32x512xf32, #tpu.memory_space<hbm>>) target_semaphore(%arg29 : memref<!tpu.dma_semaphore, #tpu.memory_space<semaphore_mem>>)
      %mul3A_2030 = arith.constant 512 : i32
      %mul3A_2031 = arith.muli %sub3A_1866, %mul3A_2030 : i32
      %add3A_2032 = arith.constant 448 : i32
      %add3A_2033 = arith.addi %mul3A_2031, %add3A_2032 : i32
      %dma_start3A_2034 = arith.constant 0 : i32
      %dma_start3A_2035 = tpu.memref_slice %arg12[%add3A_1872, %add3A_2033, %dma_start3A_2034] : memref<77x1024x512xf32, #tpu.memory_space<hbm>> -> memref<1x32x512xf32, #tpu.memory_space<hbm>>
      %dma_start3A_2036 = tpu.memref_squeeze %dma_start3A_2035 : memref<1x32x512xf32, #tpu.memory_space<hbm>> -> memref<32x512xf32, #tpu.memory_space<hbm>>
      %dma_start3A_2037 = arith.constant 0 : i32
      %dma_start3A_2038 = tpu.memref_slice %arg12[%add3A_1872, %add3A_2033, %dma_start3A_2037] : memref<77x1024x512xf32, #tpu.memory_space<hbm>> -> memref<1x32x512xf32, #tpu.memory_space<hbm>>
      %dma_start3A_2039 = tpu.memref_squeeze %dma_start3A_2038 : memref<1x32x512xf32, #tpu.memory_space<hbm>> -> memref<32x512xf32, #tpu.memory_space<hbm>>
      tpu.enqueue_dma source(%arg24 : memref<32x512xf32, #tpu.memory_space<vmem>>) target(%dma_start3A_2039 : memref<32x512xf32, #tpu.memory_space<hbm>>) target_semaphore(%arg29 : memref<!tpu.dma_semaphore, #tpu.memory_space<semaphore_mem>>)
      %mul3A_2040 = arith.constant 512 : i32
      %mul3A_2041 = arith.muli %sub3A_1866, %mul3A_2040 : i32
      %add3A_2042 = arith.constant 480 : i32
      %add3A_2043 = arith.addi %mul3A_2041, %add3A_2042 : i32
      %dma_start3A_2044 = arith.constant 0 : i32
      %dma_start3A_2045 = tpu.memref_slice %arg12[%add3A_1872, %add3A_2043, %dma_start3A_2044] : memref<77x1024x512xf32, #tpu.memory_space<hbm>> -> memref<1x32x512xf32, #tpu.memory_space<hbm>>
      %dma_start3A_2046 = tpu.memref_squeeze %dma_start3A_2045 : memref<1x32x512xf32, #tpu.memory_space<hbm>> -> memref<32x512xf32, #tpu.memory_space<hbm>>
      %dma_start3A_2047 = arith.constant 0 : i32
      %dma_start3A_2048 = tpu.memref_slice %arg12[%add3A_1872, %add3A_2043, %dma_start3A_2047] : memref<77x1024x512xf32, #tpu.memory_space<hbm>> -> memref<1x32x512xf32, #tpu.memory_space<hbm>>
      %dma_start3A_2049 = tpu.memref_squeeze %dma_start3A_2048 : memref<1x32x512xf32, #tpu.memory_space<hbm>> -> memref<32x512xf32, #tpu.memory_space<hbm>>
      tpu.enqueue_dma source(%arg24 : memref<32x512xf32, #tpu.memory_space<vmem>>) target(%dma_start3A_2049 : memref<32x512xf32, #tpu.memory_space<hbm>>) target_semaphore(%arg29 : memref<!tpu.dma_semaphore, #tpu.memory_space<semaphore_mem>>)
    } else {
    }
    %dma_wait3A_1529 = arith.constant 24 : i32
    %dma_wait3A_1530 = tpu.memref_slice %arg13[%dma_wait3A_1529] : memref<32xi32, #tpu.memory_space<vmem>> -> memref<8xi32, #tpu.memory_space<vmem>>
    %dma_wait3A_1531 = arith.constant 0 : i32
    %dma_wait3A_1532 = arith.constant 0 : i32
    %dma_wait3A_1533 = arith.constant 0 : i32
    %dma_wait3A_1534 = tpu.memref_slice %arg6[%dma_wait3A_1531, %dma_wait3A_1532, %dma_wait3A_1533] : memref<100000x4x512xf32, #tpu.memory_space<hbm>> -> memref<100000x4x512xf32, #tpu.memory_space<hbm>>
    tpu.wait_indirect_dma semaphore(%arg26 : memref<!tpu.dma_semaphore, #tpu.memory_space<semaphore_mem>>) src(%dma_wait3A_1534 : memref<100000x4x512xf32, #tpu.memory_space<hbm>>) dst(%arg22 : memref<8x4x512xf32, #tpu.memory_space<vmem>>)
    %dma_wait3A_1535 = arith.constant 3 : i32
    %dma_wait3A_1536 = arith.constant 12 : i32
    %dma_wait3A_1537 = arith.constant 0 : i32
    %dma_wait3A_1538 = arith.constant 0 : i32
    %dma_wait3A_1539 = tpu.memref_slice %arg23[%dma_wait3A_1535, %dma_wait3A_1537, %dma_wait3A_1538] : memref<4x8x512xf32, #tpu.memory_space<vmem>> -> memref<1x8x512xf32, #tpu.memory_space<vmem>>
    %dma_wait3A_1540 = tpu.memref_squeeze %dma_wait3A_1539 : memref<1x8x512xf32, #tpu.memory_space<vmem>> -> memref<8x512xf32, #tpu.memory_space<vmem>>
    %dma_wait3A_1541 = arith.constant 0 : i32
    %dma_wait3A_1542 = tpu.memref_slice %arg12[%dma_wait3A_1536, %add3A_1362, %dma_wait3A_1541] : memref<77x1024x512xf32, #tpu.memory_space<hbm>> -> memref<1x8x512xf32, #tpu.memory_space<hbm>>
    %dma_wait3A_1543 = tpu.memref_squeeze %dma_wait3A_1542 : memref<1x8x512xf32, #tpu.memory_space<hbm>> -> memref<8x512xf32, #tpu.memory_space<hbm>>
    %dma_wait3A_1544 = arith.constant 0 : i32
    %dma_wait3A_1545 = tpu.memref_slice %arg12[%dma_wait3A_1536, %add3A_1362, %dma_wait3A_1544] : memref<77x1024x512xf32, #tpu.memory_space<hbm>> -> memref<1x8x512xf32, #tpu.memory_space<hbm>>
    %dma_wait3A_1546 = tpu.memref_squeeze %dma_wait3A_1545 : memref<1x8x512xf32, #tpu.memory_space<hbm>> -> memref<8x512xf32, #tpu.memory_space<hbm>>
    %dma_wait3A_1547 = arith.constant 0 : i32
    %dma_wait3A_1548 = arith.constant 0 : i32
    %dma_wait3A_1549 = tpu.memref_slice %arg23[%dma_wait3A_1535, %dma_wait3A_1547, %dma_wait3A_1548] : memref<4x8x512xf32, #tpu.memory_space<vmem>> -> memref<1x8x512xf32, #tpu.memory_space<vmem>>
    %dma_wait3A_1550 = tpu.memref_squeeze %dma_wait3A_1549 : memref<1x8x512xf32, #tpu.memory_space<vmem>> -> memref<8x512xf32, #tpu.memory_space<vmem>>
    tpu.wait_dma2 semaphore(%arg28 : memref<!tpu.dma_semaphore, #tpu.memory_space<semaphore_mem>>) src(%dma_wait3A_1550 : memref<8x512xf32, #tpu.memory_space<vmem>>) dst(%dma_wait3A_1546 : memref<8x512xf32, #tpu.memory_space<hbm>>)
    %dma_wait3A_1551 = arith.constant 3 : i32
    %dma_wait3A_1552 = arith.constant 12 : i32
    %dma_wait3A_1553 = arith.constant 0 : i32
    %dma_wait3A_1554 = arith.constant 0 : i32
    %dma_wait3A_1555 = tpu.memref_slice %arg23[%dma_wait3A_1551, %dma_wait3A_1553, %dma_wait3A_1554] : memref<4x8x512xf32, #tpu.memory_space<vmem>> -> memref<1x8x512xf32, #tpu.memory_space<vmem>>
    %dma_wait3A_1556 = tpu.memref_squeeze %dma_wait3A_1555 : memref<1x8x512xf32, #tpu.memory_space<vmem>> -> memref<8x512xf32, #tpu.memory_space<vmem>>
    %dma_wait3A_1557 = arith.constant 0 : i32
    %dma_wait3A_1558 = tpu.memref_slice %arg12[%dma_wait3A_1552, %add3A_1362, %dma_wait3A_1557] : memref<77x1024x512xf32, #tpu.memory_space<hbm>> -> memref<1x8x512xf32, #tpu.memory_space<hbm>>
    %dma_wait3A_1559 = tpu.memref_squeeze %dma_wait3A_1558 : memref<1x8x512xf32, #tpu.memory_space<hbm>> -> memref<8x512xf32, #tpu.memory_space<hbm>>
    %dma_wait3A_1560 = arith.constant 0 : i32
    %dma_wait3A_1561 = tpu.memref_slice %arg12[%dma_wait3A_1552, %add3A_1362, %dma_wait3A_1560] : memref<77x1024x512xf32, #tpu.memory_space<hbm>> -> memref<1x8x512xf32, #tpu.memory_space<hbm>>
    %dma_wait3A_1562 = tpu.memref_squeeze %dma_wait3A_1561 : memref<1x8x512xf32, #tpu.memory_space<hbm>> -> memref<8x512xf32, #tpu.memory_space<hbm>>
    %dma_wait3A_1563 = arith.constant 0 : i32
    %dma_wait3A_1564 = arith.constant 0 : i32
    %dma_wait3A_1565 = tpu.memref_slice %arg23[%dma_wait3A_1551, %dma_wait3A_1563, %dma_wait3A_1564] : memref<4x8x512xf32, #tpu.memory_space<vmem>> -> memref<1x8x512xf32, #tpu.memory_space<vmem>>
    %dma_wait3A_1566 = tpu.memref_squeeze %dma_wait3A_1565 : memref<1x8x512xf32, #tpu.memory_space<vmem>> -> memref<8x512xf32, #tpu.memory_space<vmem>>
    tpu.wait_dma2 semaphore(%arg28 : memref<!tpu.dma_semaphore, #tpu.memory_space<semaphore_mem>>) src(%dma_wait3A_1566 : memref<8x512xf32, #tpu.memory_space<vmem>>) dst(%dma_wait3A_1562 : memref<8x512xf32, #tpu.memory_space<hbm>>)
    %dma_wait3A_1567 = arith.constant 3 : i32
    %dma_wait3A_1568 = arith.constant 12 : i32
    %dma_wait3A_1569 = arith.constant 0 : i32
    %dma_wait3A_1570 = arith.constant 0 : i32
    %dma_wait3A_1571 = tpu.memref_slice %arg23[%dma_wait3A_1567, %dma_wait3A_1569, %dma_wait3A_1570] : memref<4x8x512xf32, #tpu.memory_space<vmem>> -> memref<1x8x512xf32, #tpu.memory_space<vmem>>
    %dma_wait3A_1572 = tpu.memref_squeeze %dma_wait3A_1571 : memref<1x8x512xf32, #tpu.memory_space<vmem>> -> memref<8x512xf32, #tpu.memory_space<vmem>>
    %dma_wait3A_1573 = arith.constant 0 : i32
    %dma_wait3A_1574 = tpu.memref_slice %arg12[%dma_wait3A_1568, %add3A_1362, %dma_wait3A_1573] : memref<77x1024x512xf32, #tpu.memory_space<hbm>> -> memref<1x8x512xf32, #tpu.memory_space<hbm>>
    %dma_wait3A_1575 = tpu.memref_squeeze %dma_wait3A_1574 : memref<1x8x512xf32, #tpu.memory_space<hbm>> -> memref<8x512xf32, #tpu.memory_space<hbm>>
    %dma_wait3A_1576 = arith.constant 0 : i32
    %dma_wait3A_1577 = tpu.memref_slice %arg12[%dma_wait3A_1568, %add3A_1362, %dma_wait3A_1576] : memref<77x1024x512xf32, #tpu.memory_space<hbm>> -> memref<1x8x512xf32, #tpu.memory_space<hbm>>
    %dma_wait3A_1578 = tpu.memref_squeeze %dma_wait3A_1577 : memref<1x8x512xf32, #tpu.memory_space<hbm>> -> memref<8x512xf32, #tpu.memory_space<hbm>>
    %dma_wait3A_1579 = arith.constant 0 : i32
    %dma_wait3A_1580 = arith.constant 0 : i32
    %dma_wait3A_1581 = tpu.memref_slice %arg23[%dma_wait3A_1567, %dma_wait3A_1579, %dma_wait3A_1580] : memref<4x8x512xf32, #tpu.memory_space<vmem>> -> memref<1x8x512xf32, #tpu.memory_space<vmem>>
    %dma_wait3A_1582 = tpu.memref_squeeze %dma_wait3A_1581 : memref<1x8x512xf32, #tpu.memory_space<vmem>> -> memref<8x512xf32, #tpu.memory_space<vmem>>
    tpu.wait_dma2 semaphore(%arg28 : memref<!tpu.dma_semaphore, #tpu.memory_space<semaphore_mem>>) src(%dma_wait3A_1582 : memref<8x512xf32, #tpu.memory_space<vmem>>) dst(%dma_wait3A_1578 : memref<8x512xf32, #tpu.memory_space<hbm>>)
    %dma_wait3A_1583 = arith.constant 3 : i32
    %dma_wait3A_1584 = arith.constant 12 : i32
    %dma_wait3A_1585 = arith.constant 0 : i32
    %dma_wait3A_1586 = arith.constant 0 : i32
    %dma_wait3A_1587 = tpu.memref_slice %arg23[%dma_wait3A_1583, %dma_wait3A_1585, %dma_wait3A_1586] : memref<4x8x512xf32, #tpu.memory_space<vmem>> -> memref<1x8x512xf32, #tpu.memory_space<vmem>>
    %dma_wait3A_1588 = tpu.memref_squeeze %dma_wait3A_1587 : memref<1x8x512xf32, #tpu.memory_space<vmem>> -> memref<8x512xf32, #tpu.memory_space<vmem>>
    %dma_wait3A_1589 = arith.constant 0 : i32
    %dma_wait3A_1590 = tpu.memref_slice %arg12[%dma_wait3A_1584, %add3A_1362, %dma_wait3A_1589] : memref<77x1024x512xf32, #tpu.memory_space<hbm>> -> memref<1x8x512xf32, #tpu.memory_space<hbm>>
    %dma_wait3A_1591 = tpu.memref_squeeze %dma_wait3A_1590 : memref<1x8x512xf32, #tpu.memory_space<hbm>> -> memref<8x512xf32, #tpu.memory_space<hbm>>
    %dma_wait3A_1592 = arith.constant 0 : i32
    %dma_wait3A_1593 = tpu.memref_slice %arg12[%dma_wait3A_1584, %add3A_1362, %dma_wait3A_1592] : memref<77x1024x512xf32, #tpu.memory_space<hbm>> -> memref<1x8x512xf32, #tpu.memory_space<hbm>>
    %dma_wait3A_1594 = tpu.memref_squeeze %dma_wait3A_1593 : memref<1x8x512xf32, #tpu.memory_space<hbm>> -> memref<8x512xf32, #tpu.memory_space<hbm>>
    %dma_wait3A_1595 = arith.constant 0 : i32
    %dma_wait3A_1596 = arith.constant 0 : i32
    %dma_wait3A_1597 = tpu.memref_slice %arg23[%dma_wait3A_1583, %dma_wait3A_1595, %dma_wait3A_1596] : memref<4x8x512xf32, #tpu.memory_space<vmem>> -> memref<1x8x512xf32, #tpu.memory_space<vmem>>
    %dma_wait3A_1598 = tpu.memref_squeeze %dma_wait3A_1597 : memref<1x8x512xf32, #tpu.memory_space<vmem>> -> memref<8x512xf32, #tpu.memory_space<vmem>>
    tpu.wait_dma2 semaphore(%arg28 : memref<!tpu.dma_semaphore, #tpu.memory_space<semaphore_mem>>) src(%dma_wait3A_1598 : memref<8x512xf32, #tpu.memory_space<vmem>>) dst(%dma_wait3A_1594 : memref<8x512xf32, #tpu.memory_space<hbm>>)
    %get3A_1599 = arith.constant 16 : index
    %get3A_1600 = tpu.vector_load %arg14[%get3A_1599] {strides = array<i32>} : memref<32xi32, #tpu.memory_space<vmem>>, vector<16xi32>,
    %get3A_1601 = arith.constant 16 : index
    %get3A_1602 = tpu.vector_load %arg15[%get3A_1601] {strides = array<i32>} : memref<32xi32, #tpu.memory_space<vmem>>, vector<16xi32>,
    %get3A_1603 = arith.constant 16 : index
    %get3A_1604 = tpu.vector_load %arg16[%get3A_1603] {strides = array<i32>} : memref<32xi32, #tpu.memory_space<vmem>>, vector<16xi32>,
    %scan3A_1605 = arith.constant 0 : i32
    %scan3A_1606 = arith.constant 0 : i32
    %scan3A_1607 = arith.constant 8 : i32
    %scan3A_1608 = arith.addi %scan3A_1606, %scan3A_1607 : i32
    %scan3A_1609 = arith.constant 1 : i32
    scf.for %scan3A_1840 = %scan3A_1606 to %scan3A_1608 step %scan3A_1609  : i32 {
      %add3A_1841 = arith.constant 8 : i32
      %add3A_1842 = arith.addi %add3A_1841, %scan3A_1840 : i32
      %iota3A = tpu.iota {dimensions = array<i32: 0>} : vector<16xi32>
      %eq3A = vector.broadcast %add3A_1842 : i32 to vector<16xi32>
      %eq3A_1843 = arith.cmpi eq, %iota3A, %eq3A : vector<16xi32>
      %jit3A_1844 = arith.constant 0 : i32
      %broadcast_in_dim3A_1845 = vector.broadcast %jit3A_1844 : i32 to vector<16xi32>
      %select_n3A_1846 = arith.select %eq3A_1843, %get3A_1600, %broadcast_in_dim3A_1845 : vector<16xi1>, vector<16xi32>
      %reduce_sum3A = arith.constant true
      %reduce_sum3A_1847 = vector.broadcast %reduce_sum3A : i1 to vector<16xi1>
      %reduce_sum3A_1848 = tpu.scan <sum>, %select_n3A_1846 masked %reduce_sum3A_1847 : vector<16xi32>, vector<16xi1> -> vector<16xi32>
      %reduce_sum3A_1849 = vector.extract %reduce_sum3A_1848[15] : i32 from vector<16xi32>
      %broadcast_in_dim3A_1850 = vector.broadcast %reduce_sum3A_1849 : i32 to vector<16xi32>
      %iota3A_1851 = tpu.iota {dimensions = array<i32: 0>} : vector<16xi32>
      %eq3A_1852 = vector.broadcast %add3A_1842 : i32 to vector<16xi32>
      %eq3A_1853 = arith.cmpi eq, %iota3A_1851, %eq3A_1852 : vector<16xi32>
      %jit3A_1854 = arith.constant 0 : i32
      %broadcast_in_dim3A_1855 = vector.broadcast %jit3A_1854 : i32 to vector<16xi32>
      %select_n3A_1856 = arith.select %eq3A_1853, %get3A_1602, %broadcast_in_dim3A_1855 : vector<16xi1>, vector<16xi32>
      %reduce_sum3A_1857 = arith.constant true
      %reduce_sum3A_1858 = vector.broadcast %reduce_sum3A_1857 : i1 to vector<16xi1>
      %reduce_sum3A_1859 = tpu.scan <sum>, %select_n3A_1856 masked %reduce_sum3A_1858 : vector<16xi32>, vector<16xi1> -> vector<16xi32>
      %reduce_sum3A_1860 = vector.extract %reduce_sum3A_1859[15] : i32 from vector<16xi32>
      %broadcast_in_dim3A_1861 = vector.broadcast %reduce_sum3A_1860 : i32 to vector<16xi32>
      %iota3A_1862 = tpu.iota {dimensions = array<i32: 0>} : vector<16xi32>
      %eq3A_1863 = vector.broadcast %add3A_1842 : i32 to vector<16xi32>
      %eq3A_1864 = arith.cmpi eq, %iota3A_1862, %eq3A_1863 : vector<16xi32>
      %jit3A_1865 = arith.constant 0 : i32
      %broadcast_in_dim3A_1866 = vector.broadcast %jit3A_1865 : i32 to vector<16xi32>
      %select_n3A_1867 = arith.select %eq3A_1864, %get3A_1604, %broadcast_in_dim3A_1866 : vector<16xi1>, vector<16xi32>
      %reduce_sum3A_1868 = arith.constant true
      %reduce_sum3A_1869 = vector.broadcast %reduce_sum3A_1868 : i1 to vector<16xi1>
      %reduce_sum3A_1870 = tpu.scan <sum>, %select_n3A_1867 masked %reduce_sum3A_1869 : vector<16xi32>, vector<16xi1> -> vector<16xi32>
      %reduce_sum3A_1871 = vector.extract %reduce_sum3A_1870[15] : i32 from vector<16xi32>
      %broadcast_in_dim3A_1872 = vector.broadcast %reduce_sum3A_1871 : i32 to vector<16xi32>
      %broadcast_in_dim3A_1873 = arith.constant 0 : i32
      %broadcast_in_dim3A_1874 = vector.broadcast %broadcast_in_dim3A_1873 : i32 to vector<16xi32>
      %scan3A_1875 = arith.constant 0 : i32
      %scan3A_1876 = arith.constant 0 : i32
      %scan3A_1877 = arith.constant 32 : i32
      %scan3A_1878 = arith.addi %scan3A_1876, %scan3A_1877 : i32
      %scan3A_1879 = arith.constant 1 : i32
      scf.for %scan3A_1905 = %scan3A_1876 to %scan3A_1878 step %scan3A_1879  : i32 {
        %mul3A_1906 = arith.constant 16 : i32
        %mul3A_1907 = arith.muli %scan3A_1905, %mul3A_1906 : i32
        %iota3A_1908 = tpu.iota {dimensions = array<i32: 0>} : vector<16xi32>
        %add3A_1909 = vector.broadcast %mul3A_1907 : i32 to vector<16xi32>
        %add3A_1910 = arith.addi %iota3A_1908, %add3A_1909 : vector<16xi32>
        %gather3A = tpu.vector_load_idx %arg18[%broadcast_in_dim3A_1850, %broadcast_in_dim3A_1874, %add3A_1910] : memref<3x4x512xf32, #tpu.memory_space<vmem>>[vector<16xi32>, vector<16xi32>, vector<16xi32>], vector<16xf32>,
        %gather3A_1911 = tpu.vector_load_idx %arg19[%broadcast_in_dim3A_1861, %broadcast_in_dim3A_1874, %add3A_1910] : memref<2x4x512xf32, #tpu.memory_space<vmem>>[vector<16xi32>, vector<16xi32>, vector<16xi32>], vector<16xf32>,
        %add3A_1912 = arith.addf %gather3A, %gather3A_1911 : vector<16xf32>
        %gather3A_1913 = tpu.vector_load_idx %arg20[%broadcast_in_dim3A_1872, %broadcast_in_dim3A_1874, %add3A_1910] : memref<4x4x512xf32, #tpu.memory_space<vmem>>[vector<16xi32>, vector<16xi32>, vector<16xi32>], vector<16xf32>,
        %add3A_1914 = arith.addf %add3A_1912, %gather3A_1913 : vector<16xf32>
        %get3A_1915 = arith.constant 0 : i32
        %get3A_1916 = arith.index_cast %scan3A_1840 : i32 to index
        %get3A_1917 = arith.index_cast %get3A_1915 : i32 to index
        %get3A_1918 = arith.index_cast %mul3A_1907 : i32 to index
        %get3A_1919 = tpu.vector_load %arg22[%get3A_1916, %get3A_1917, %get3A_1918] {strides = array<i32>} : memref<8x4x512xf32, #tpu.memory_space<vmem>>, vector<16xf32>,
        %add3A_1920 = arith.addf %get3A_1919, %add3A_1914 : vector<16xf32>
        %swap3A_1921 = arith.constant 0 : i32
        %swap3A_1922 = arith.index_cast %swap3A_1921 : i32 to index
        %swap3A_1923 = arith.index_cast %scan3A_1840 : i32 to index
        %swap3A_1924 = arith.index_cast %mul3A_1907 : i32 to index
        %swap3A_1925 = tpu.vector_load %arg23[%swap3A_1922, %swap3A_1923, %swap3A_1924] {strides = array<i32>} : memref<4x8x512xf32, #tpu.memory_space<vmem>>, vector<16xf32>,
        tpu.vector_store %arg23[%swap3A_1922, %swap3A_1923, %swap3A_1924], %add3A_1920 {strides = array<i32>} : memref<4x8x512xf32, #tpu.memory_space<vmem>>, vector<16xf32>,
      }
      %scan3A_1880 = arith.constant 32 : i32
      %broadcast_in_dim3A_1881 = arith.constant 1 : i32
      %broadcast_in_dim3A_1882 = vector.broadcast %broadcast_in_dim3A_1881 : i32 to vector<16xi32>
      %scan3A_1883 = arith.constant 0 : i32
      %scan3A_1884 = arith.constant 0 : i32
      %scan3A_1885 = arith.constant 32 : i32
      %scan3A_1886 = arith.addi %scan3A_1884, %scan3A_1885 : i32
      %scan3A_1887 = arith.constant 1 : i32
      scf.for %scan3A_1905 = %scan3A_1884 to %scan3A_1886 step %scan3A_1887  : i32 {
        %mul3A_1906 = arith.constant 16 : i32
        %mul3A_1907 = arith.muli %scan3A_1905, %mul3A_1906 : i32
        %iota3A_1908 = tpu.iota {dimensions = array<i32: 0>} : vector<16xi32>
        %add3A_1909 = vector.broadcast %mul3A_1907 : i32 to vector<16xi32>
        %add3A_1910 = arith.addi %iota3A_1908, %add3A_1909 : vector<16xi32>
        %gather3A = tpu.vector_load_idx %arg18[%broadcast_in_dim3A_1850, %broadcast_in_dim3A_1882, %add3A_1910] : memref<3x4x512xf32, #tpu.memory_space<vmem>>[vector<16xi32>, vector<16xi32>, vector<16xi32>], vector<16xf32>,
        %gather3A_1911 = tpu.vector_load_idx %arg19[%broadcast_in_dim3A_1861, %broadcast_in_dim3A_1882, %add3A_1910] : memref<2x4x512xf32, #tpu.memory_space<vmem>>[vector<16xi32>, vector<16xi32>, vector<16xi32>], vector<16xf32>,
        %add3A_1912 = arith.addf %gather3A, %gather3A_1911 : vector<16xf32>
        %gather3A_1913 = tpu.vector_load_idx %arg20[%broadcast_in_dim3A_1872, %broadcast_in_dim3A_1882, %add3A_1910] : memref<4x4x512xf32, #tpu.memory_space<vmem>>[vector<16xi32>, vector<16xi32>, vector<16xi32>], vector<16xf32>,
        %add3A_1914 = arith.addf %add3A_1912, %gather3A_1913 : vector<16xf32>
        %get3A_1915 = arith.constant 1 : i32
        %get3A_1916 = arith.index_cast %scan3A_1840 : i32 to index
        %get3A_1917 = arith.index_cast %get3A_1915 : i32 to index
        %get3A_1918 = arith.index_cast %mul3A_1907 : i32 to index
        %get3A_1919 = tpu.vector_load %arg22[%get3A_1916, %get3A_1917, %get3A_1918] {strides = array<i32>} : memref<8x4x512xf32, #tpu.memory_space<vmem>>, vector<16xf32>,
        %add3A_1920 = arith.addf %get3A_1919, %add3A_1914 : vector<16xf32>
        %swap3A_1921 = arith.constant 1 : i32
        %swap3A_1922 = arith.index_cast %swap3A_1921 : i32 to index
        %swap3A_1923 = arith.index_cast %scan3A_1840 : i32 to index
        %swap3A_1924 = arith.index_cast %mul3A_1907 : i32 to index
        %swap3A_1925 = tpu.vector_load %arg23[%swap3A_1922, %swap3A_1923, %swap3A_1924] {strides = array<i32>} : memref<4x8x512xf32, #tpu.memory_space<vmem>>, vector<16xf32>,
        tpu.vector_store %arg23[%swap3A_1922, %swap3A_1923, %swap3A_1924], %add3A_1920 {strides = array<i32>} : memref<4x8x512xf32, #tpu.memory_space<vmem>>, vector<16xf32>,
      }
      %scan3A_1888 = arith.constant 32 : i32
      %broadcast_in_dim3A_1889 = arith.constant 2 : i32
      %broadcast_in_dim3A_1890 = vector.broadcast %broadcast_in_dim3A_1889 : i32 to vector<16xi32>
      %scan3A_1891 = arith.constant 0 : i32
      %scan3A_1892 = arith.constant 0 : i32
      %scan3A_1893 = arith.constant 32 : i32
      %scan3A_1894 = arith.addi %scan3A_1892, %scan3A_1893 : i32
      %scan3A_1895 = arith.constant 1 : i32
      scf.for %scan3A_1905 = %scan3A_1892 to %scan3A_1894 step %scan3A_1895  : i32 {
        %mul3A_1906 = arith.constant 16 : i32
        %mul3A_1907 = arith.muli %scan3A_1905, %mul3A_1906 : i32
        %iota3A_1908 = tpu.iota {dimensions = array<i32: 0>} : vector<16xi32>
        %add3A_1909 = vector.broadcast %mul3A_1907 : i32 to vector<16xi32>
        %add3A_1910 = arith.addi %iota3A_1908, %add3A_1909 : vector<16xi32>
        %gather3A = tpu.vector_load_idx %arg18[%broadcast_in_dim3A_1850, %broadcast_in_dim3A_1890, %add3A_1910] : memref<3x4x512xf32, #tpu.memory_space<vmem>>[vector<16xi32>, vector<16xi32>, vector<16xi32>], vector<16xf32>,
        %gather3A_1911 = tpu.vector_load_idx %arg19[%broadcast_in_dim3A_1861, %broadcast_in_dim3A_1890, %add3A_1910] : memref<2x4x512xf32, #tpu.memory_space<vmem>>[vector<16xi32>, vector<16xi32>, vector<16xi32>], vector<16xf32>,
        %add3A_1912 = arith.addf %gather3A, %gather3A_1911 : vector<16xf32>
        %gather3A_1913 = tpu.vector_load_idx %arg20[%broadcast_in_dim3A_1872, %broadcast_in_dim3A_1890, %add3A_1910] : memref<4x4x512xf32, #tpu.memory_space<vmem>>[vector<16xi32>, vector<16xi32>, vector<16xi32>], vector<16xf32>,
        %add3A_1914 = arith.addf %add3A_1912, %gather3A_1913 : vector<16xf32>
        %get3A_1915 = arith.constant 2 : i32
        %get3A_1916 = arith.index_cast %scan3A_1840 : i32 to index
        %get3A_1917 = arith.index_cast %get3A_1915 : i32 to index
        %get3A_1918 = arith.index_cast %mul3A_1907 : i32 to index
        %get3A_1919 = tpu.vector_load %arg22[%get3A_1916, %get3A_1917, %get3A_1918] {strides = array<i32>} : memref<8x4x512xf32, #tpu.memory_space<vmem>>, vector<16xf32>,
        %add3A_1920 = arith.addf %get3A_1919, %add3A_1914 : vector<16xf32>
        %swap3A_1921 = arith.constant 2 : i32
        %swap3A_1922 = arith.index_cast %swap3A_1921 : i32 to index
        %swap3A_1923 = arith.index_cast %scan3A_1840 : i32 to index
        %swap3A_1924 = arith.index_cast %mul3A_1907 : i32 to index
        %swap3A_1925 = tpu.vector_load %arg23[%swap3A_1922, %swap3A_1923, %swap3A_1924] {strides = array<i32>} : memref<4x8x512xf32, #tpu.memory_space<vmem>>, vector<16xf32>,
        tpu.vector_store %arg23[%swap3A_1922, %swap3A_1923, %swap3A_1924], %add3A_1920 {strides = array<i32>} : memref<4x8x512xf32, #tpu.memory_space<vmem>>, vector<16xf32>,
      }
      %scan3A_1896 = arith.constant 32 : i32
      %broadcast_in_dim3A_1897 = arith.constant 3 : i32
      %broadcast_in_dim3A_1898 = vector.broadcast %broadcast_in_dim3A_1897 : i32 to vector<16xi32>
      %scan3A_1899 = arith.constant 0 : i32
      %scan3A_1900 = arith.constant 0 : i32
      %scan3A_1901 = arith.constant 32 : i32
      %scan3A_1902 = arith.addi %scan3A_1900, %scan3A_1901 : i32
      %scan3A_1903 = arith.constant 1 : i32
      scf.for %scan3A_1905 = %scan3A_1900 to %scan3A_1902 step %scan3A_1903  : i32 {
        %mul3A_1906 = arith.constant 16 : i32
        %mul3A_1907 = arith.muli %scan3A_1905, %mul3A_1906 : i32
        %iota3A_1908 = tpu.iota {dimensions = array<i32: 0>} : vector<16xi32>
        %add3A_1909 = vector.broadcast %mul3A_1907 : i32 to vector<16xi32>
        %add3A_1910 = arith.addi %iota3A_1908, %add3A_1909 : vector<16xi32>
        %gather3A = tpu.vector_load_idx %arg18[%broadcast_in_dim3A_1850, %broadcast_in_dim3A_1898, %add3A_1910] : memref<3x4x512xf32, #tpu.memory_space<vmem>>[vector<16xi32>, vector<16xi32>, vector<16xi32>], vector<16xf32>,
        %gather3A_1911 = tpu.vector_load_idx %arg19[%broadcast_in_dim3A_1861, %broadcast_in_dim3A_1898, %add3A_1910] : memref<2x4x512xf32, #tpu.memory_space<vmem>>[vector<16xi32>, vector<16xi32>, vector<16xi32>], vector<16xf32>,
        %add3A_1912 = arith.addf %gather3A, %gather3A_1911 : vector<16xf32>
        %gather3A_1913 = tpu.vector_load_idx %arg20[%broadcast_in_dim3A_1872, %broadcast_in_dim3A_1898, %add3A_1910] : memref<4x4x512xf32, #tpu.memory_space<vmem>>[vector<16xi32>, vector<16xi32>, vector<16xi32>], vector<16xf32>,
        %add3A_1914 = arith.addf %add3A_1912, %gather3A_1913 : vector<16xf32>
        %get3A_1915 = arith.constant 3 : i32
        %get3A_1916 = arith.index_cast %scan3A_1840 : i32 to index
        %get3A_1917 = arith.index_cast %get3A_1915 : i32 to index
        %get3A_1918 = arith.index_cast %mul3A_1907 : i32 to index
        %get3A_1919 = tpu.vector_load %arg22[%get3A_1916, %get3A_1917, %get3A_1918] {strides = array<i32>} : memref<8x4x512xf32, #tpu.memory_space<vmem>>, vector<16xf32>,
        %add3A_1920 = arith.addf %get3A_1919, %add3A_1914 : vector<16xf32>
        %swap3A_1921 = arith.constant 3 : i32
        %swap3A_1922 = arith.index_cast %swap3A_1921 : i32 to index
        %swap3A_1923 = arith.index_cast %scan3A_1840 : i32 to index
        %swap3A_1924 = arith.index_cast %mul3A_1907 : i32 to index
        %swap3A_1925 = tpu.vector_load %arg23[%swap3A_1922, %swap3A_1923, %swap3A_1924] {strides = array<i32>} : memref<4x8x512xf32, #tpu.memory_space<vmem>>, vector<16xf32>,
        tpu.vector_store %arg23[%swap3A_1922, %swap3A_1923, %swap3A_1924], %add3A_1920 {strides = array<i32>} : memref<4x8x512xf32, #tpu.memory_space<vmem>>, vector<16xf32>,
      }
      %scan3A_1904 = arith.constant 32 : i32
    }
    %scan3A_1610 = arith.constant 8 : i32
    %add3A_1611 = arith.constant 24 : i32
    %add3A_1612 = arith.addi %mul3A_2, %add3A_1611 : i32
    %dma_start3A_1613 = arith.constant 0 : i32
    %dma_start3A_1614 = arith.constant 9 : i32
    %dma_start3A_1615 = arith.constant 0 : i32
    %dma_start3A_1616 = arith.constant 0 : i32
    %dma_start3A_1617 = tpu.memref_slice %arg23[%dma_start3A_1613, %dma_start3A_1615, %dma_start3A_1616] : memref<4x8x512xf32, #tpu.memory_space<vmem>> -> memref<1x8x512xf32, #tpu.memory_space<vmem>>
    %dma_start3A_1618 = tpu.memref_squeeze %dma_start3A_1617 : memref<1x8x512xf32, #tpu.memory_space<vmem>> -> memref<8x512xf32, #tpu.memory_space<vmem>>
    %dma_start3A_1619 = arith.constant 0 : i32
    %dma_start3A_1620 = tpu.memref_slice %arg12[%dma_start3A_1614, %add3A_1612, %dma_start3A_1619] : memref<77x1024x512xf32, #tpu.memory_space<hbm>> -> memref<1x8x512xf32, #tpu.memory_space<hbm>>
    %dma_start3A_1621 = tpu.memref_squeeze %dma_start3A_1620 : memref<1x8x512xf32, #tpu.memory_space<hbm>> -> memref<8x512xf32, #tpu.memory_space<hbm>>
    %dma_start3A_1622 = arith.constant 0 : i32
    %dma_start3A_1623 = tpu.memref_slice %arg12[%dma_start3A_1614, %add3A_1612, %dma_start3A_1622] : memref<77x1024x512xf32, #tpu.memory_space<hbm>> -> memref<1x8x512xf32, #tpu.memory_space<hbm>>
    %dma_start3A_1624 = tpu.memref_squeeze %dma_start3A_1623 : memref<1x8x512xf32, #tpu.memory_space<hbm>> -> memref<8x512xf32, #tpu.memory_space<hbm>>
    %dma_start3A_1625 = arith.constant 0 : i32
    %dma_start3A_1626 = arith.constant 0 : i32
    %dma_start3A_1627 = tpu.memref_slice %arg23[%dma_start3A_1613, %dma_start3A_1625, %dma_start3A_1626] : memref<4x8x512xf32, #tpu.memory_space<vmem>> -> memref<1x8x512xf32, #tpu.memory_space<vmem>>
    %dma_start3A_1628 = tpu.memref_squeeze %dma_start3A_1627 : memref<1x8x512xf32, #tpu.memory_space<vmem>> -> memref<8x512xf32, #tpu.memory_space<vmem>>
    tpu.enqueue_dma source(%dma_start3A_1628 : memref<8x512xf32, #tpu.memory_space<vmem>>) target(%dma_start3A_1624 : memref<8x512xf32, #tpu.memory_space<hbm>>) target_semaphore(%arg28 : memref<!tpu.dma_semaphore, #tpu.memory_space<semaphore_mem>>)
    %dma_start3A_1629 = arith.constant 1 : i32
    %dma_start3A_1630 = arith.constant 10 : i32
    %dma_start3A_1631 = arith.constant 0 : i32
    %dma_start3A_1632 = arith.constant 0 : i32
    %dma_start3A_1633 = tpu.memref_slice %arg23[%dma_start3A_1629, %dma_start3A_1631, %dma_start3A_1632] : memref<4x8x512xf32, #tpu.memory_space<vmem>> -> memref<1x8x512xf32, #tpu.memory_space<vmem>>
    %dma_start3A_1634 = tpu.memref_squeeze %dma_start3A_1633 : memref<1x8x512xf32, #tpu.memory_space<vmem>> -> memref<8x512xf32, #tpu.memory_space<vmem>>
    %dma_start3A_1635 = arith.constant 0 : i32
    %dma_start3A_1636 = tpu.memref_slice %arg12[%dma_start3A_1630, %add3A_1612, %dma_start3A_1635] : memref<77x1024x512xf32, #tpu.memory_space<hbm>> -> memref<1x8x512xf32, #tpu.memory_space<hbm>>
    %dma_start3A_1637 = tpu.memref_squeeze %dma_start3A_1636 : memref<1x8x512xf32, #tpu.memory_space<hbm>> -> memref<8x512xf32, #tpu.memory_space<hbm>>
    %dma_start3A_1638 = arith.constant 0 : i32
    %dma_start3A_1639 = tpu.memref_slice %arg12[%dma_start3A_1630, %add3A_1612, %dma_start3A_1638] : memref<77x1024x512xf32, #tpu.memory_space<hbm>> -> memref<1x8x512xf32, #tpu.memory_space<hbm>>
    %dma_start3A_1640 = tpu.memref_squeeze %dma_start3A_1639 : memref<1x8x512xf32, #tpu.memory_space<hbm>> -> memref<8x512xf32, #tpu.memory_space<hbm>>
    %dma_start3A_1641 = arith.constant 0 : i32
    %dma_start3A_1642 = arith.constant 0 : i32
    %dma_start3A_1643 = tpu.memref_slice %arg23[%dma_start3A_1629, %dma_start3A_1641, %dma_start3A_1642] : memref<4x8x512xf32, #tpu.memory_space<vmem>> -> memref<1x8x512xf32, #tpu.memory_space<vmem>>
    %dma_start3A_1644 = tpu.memref_squeeze %dma_start3A_1643 : memref<1x8x512xf32, #tpu.memory_space<vmem>> -> memref<8x512xf32, #tpu.memory_space<vmem>>
    tpu.enqueue_dma source(%dma_start3A_1644 : memref<8x512xf32, #tpu.memory_space<vmem>>) target(%dma_start3A_1640 : memref<8x512xf32, #tpu.memory_space<hbm>>) target_semaphore(%arg28 : memref<!tpu.dma_semaphore, #tpu.memory_space<semaphore_mem>>)
    %dma_start3A_1645 = arith.constant 2 : i32
    %dma_start3A_1646 = arith.constant 11 : i32
    %dma_start3A_1647 = arith.constant 0 : i32
    %dma_start3A_1648 = arith.constant 0 : i32
    %dma_start3A_1649 = tpu.memref_slice %arg23[%dma_start3A_1645, %dma_start3A_1647, %dma_start3A_1648] : memref<4x8x512xf32, #tpu.memory_space<vmem>> -> memref<1x8x512xf32, #tpu.memory_space<vmem>>
    %dma_start3A_1650 = tpu.memref_squeeze %dma_start3A_1649 : memref<1x8x512xf32, #tpu.memory_space<vmem>> -> memref<8x512xf32, #tpu.memory_space<vmem>>
    %dma_start3A_1651 = arith.constant 0 : i32
    %dma_start3A_1652 = tpu.memref_slice %arg12[%dma_start3A_1646, %add3A_1612, %dma_start3A_1651] : memref<77x1024x512xf32, #tpu.memory_space<hbm>> -> memref<1x8x512xf32, #tpu.memory_space<hbm>>
    %dma_start3A_1653 = tpu.memref_squeeze %dma_start3A_1652 : memref<1x8x512xf32, #tpu.memory_space<hbm>> -> memref<8x512xf32, #tpu.memory_space<hbm>>
    %dma_start3A_1654 = arith.constant 0 : i32
    %dma_start3A_1655 = tpu.memref_slice %arg12[%dma_start3A_1646, %add3A_1612, %dma_start3A_1654] : memref<77x1024x512xf32, #tpu.memory_space<hbm>> -> memref<1x8x512xf32, #tpu.memory_space<hbm>>
    %dma_start3A_1656 = tpu.memref_squeeze %dma_start3A_1655 : memref<1x8x512xf32, #tpu.memory_space<hbm>> -> memref<8x512xf32, #tpu.memory_space<hbm>>
    %dma_start3A_1657 = arith.constant 0 : i32
    %dma_start3A_1658 = arith.constant 0 : i32
    %dma_start3A_1659 = tpu.memref_slice %arg23[%dma_start3A_1645, %dma_start3A_1657, %dma_start3A_1658] : memref<4x8x512xf32, #tpu.memory_space<vmem>> -> memref<1x8x512xf32, #tpu.memory_space<vmem>>
    %dma_start3A_1660 = tpu.memref_squeeze %dma_start3A_1659 : memref<1x8x512xf32, #tpu.memory_space<vmem>> -> memref<8x512xf32, #tpu.memory_space<vmem>>
    tpu.enqueue_dma source(%dma_start3A_1660 : memref<8x512xf32, #tpu.memory_space<vmem>>) target(%dma_start3A_1656 : memref<8x512xf32, #tpu.memory_space<hbm>>) target_semaphore(%arg28 : memref<!tpu.dma_semaphore, #tpu.memory_space<semaphore_mem>>)
    %dma_start3A_1661 = arith.constant 3 : i32
    %dma_start3A_1662 = arith.constant 12 : i32
    %dma_start3A_1663 = arith.constant 0 : i32
    %dma_start3A_1664 = arith.constant 0 : i32
    %dma_start3A_1665 = tpu.memref_slice %arg23[%dma_start3A_1661, %dma_start3A_1663, %dma_start3A_1664] : memref<4x8x512xf32, #tpu.memory_space<vmem>> -> memref<1x8x512xf32, #tpu.memory_space<vmem>>
    %dma_start3A_1666 = tpu.memref_squeeze %dma_start3A_1665 : memref<1x8x512xf32, #tpu.memory_space<vmem>> -> memref<8x512xf32, #tpu.memory_space<vmem>>
    %dma_start3A_1667 = arith.constant 0 : i32
    %dma_start3A_1668 = tpu.memref_slice %arg12[%dma_start3A_1662, %add3A_1612, %dma_start3A_1667] : memref<77x1024x512xf32, #tpu.memory_space<hbm>> -> memref<1x8x512xf32, #tpu.memory_space<hbm>>
    %dma_start3A_1669 = tpu.memref_squeeze %dma_start3A_1668 : memref<1x8x512xf32, #tpu.memory_space<hbm>> -> memref<8x512xf32, #tpu.memory_space<hbm>>
    %dma_start3A_1670 = arith.constant 0 : i32
    %dma_start3A_1671 = tpu.memref_slice %arg12[%dma_start3A_1662, %add3A_1612, %dma_start3A_1670] : memref<77x1024x512xf32, #tpu.memory_space<hbm>> -> memref<1x8x512xf32, #tpu.memory_space<hbm>>
    %dma_start3A_1672 = tpu.memref_squeeze %dma_start3A_1671 : memref<1x8x512xf32, #tpu.memory_space<hbm>> -> memref<8x512xf32, #tpu.memory_space<hbm>>
    %dma_start3A_1673 = arith.constant 0 : i32
    %dma_start3A_1674 = arith.constant 0 : i32
    %dma_start3A_1675 = tpu.memref_slice %arg23[%dma_start3A_1661, %dma_start3A_1673, %dma_start3A_1674] : memref<4x8x512xf32, #tpu.memory_space<vmem>> -> memref<1x8x512xf32, #tpu.memory_space<vmem>>
    %dma_start3A_1676 = tpu.memref_squeeze %dma_start3A_1675 : memref<1x8x512xf32, #tpu.memory_space<vmem>> -> memref<8x512xf32, #tpu.memory_space<vmem>>
    tpu.enqueue_dma source(%dma_start3A_1676 : memref<8x512xf32, #tpu.memory_space<vmem>>) target(%dma_start3A_1672 : memref<8x512xf32, #tpu.memory_space<hbm>>) target_semaphore(%arg28 : memref<!tpu.dma_semaphore, #tpu.memory_space<semaphore_mem>>)
    %dma_wait3A_1677 = arith.constant 0 : i32
    %dma_wait3A_1678 = tpu.memref_slice %arg12[%add3A_1095, %add3A_1266, %dma_wait3A_1677] : memref<77x1024x512xf32, #tpu.memory_space<hbm>> -> memref<1x32x512xf32, #tpu.memory_space<hbm>>
    %dma_wait3A_1679 = tpu.memref_squeeze %dma_wait3A_1678 : memref<1x32x512xf32, #tpu.memory_space<hbm>> -> memref<32x512xf32, #tpu.memory_space<hbm>>
    %dma_wait3A_1680 = arith.constant 0 : i32
    %dma_wait3A_1681 = tpu.memref_slice %arg12[%add3A_1095, %add3A_1266, %dma_wait3A_1680] : memref<77x1024x512xf32, #tpu.memory_space<hbm>> -> memref<1x32x512xf32, #tpu.memory_space<hbm>>
    %dma_wait3A_1682 = tpu.memref_squeeze %dma_wait3A_1681 : memref<1x32x512xf32, #tpu.memory_space<hbm>> -> memref<32x512xf32, #tpu.memory_space<hbm>>
    tpu.wait_dma2 semaphore(%arg30 : memref<!tpu.dma_semaphore, #tpu.memory_space<semaphore_mem>>) src(%arg25 : memref<32x512xf32, #tpu.memory_space<vmem>>) dst(%dma_wait3A_1682 : memref<32x512xf32, #tpu.memory_space<hbm>>)
    %dma_wait3A_1683 = arith.constant 0 : i32
    %dma_wait3A_1684 = tpu.memref_slice %arg12[%add3A_1095, %add3A_1266, %dma_wait3A_1683] : memref<77x1024x512xf32, #tpu.memory_space<hbm>> -> memref<1x32x512xf32, #tpu.memory_space<hbm>>
    %dma_wait3A_1685 = tpu.memref_squeeze %dma_wait3A_1684 : memref<1x32x512xf32, #tpu.memory_space<hbm>> -> memref<32x512xf32, #tpu.memory_space<hbm>>
    %dma_wait3A_1686 = arith.constant 0 : i32
    %dma_wait3A_1687 = tpu.memref_slice %arg12[%add3A_1095, %add3A_1266, %dma_wait3A_1686] : memref<77x1024x512xf32, #tpu.memory_space<hbm>> -> memref<1x32x512xf32, #tpu.memory_space<hbm>>
    %dma_wait3A_1688 = tpu.memref_squeeze %dma_wait3A_1687 : memref<1x32x512xf32, #tpu.memory_space<hbm>> -> memref<32x512xf32, #tpu.memory_space<hbm>>
    tpu.wait_dma2 semaphore(%arg30 : memref<!tpu.dma_semaphore, #tpu.memory_space<semaphore_mem>>) src(%arg25 : memref<32x512xf32, #tpu.memory_space<vmem>>) dst(%dma_wait3A_1688 : memref<32x512xf32, #tpu.memory_space<hbm>>)
    %dma_wait3A_1689 = arith.constant 0 : i32
    %dma_wait3A_1690 = tpu.memref_slice %arg12[%add3A_1095, %add3A_1266, %dma_wait3A_1689] : memref<77x1024x512xf32, #tpu.memory_space<hbm>> -> memref<1x32x512xf32, #tpu.memory_space<hbm>>
    %dma_wait3A_1691 = tpu.memref_squeeze %dma_wait3A_1690 : memref<1x32x512xf32, #tpu.memory_space<hbm>> -> memref<32x512xf32, #tpu.memory_space<hbm>>
    %dma_wait3A_1692 = arith.constant 0 : i32
    %dma_wait3A_1693 = tpu.memref_slice %arg12[%add3A_1095, %add3A_1266, %dma_wait3A_1692] : memref<77x1024x512xf32, #tpu.memory_space<hbm>> -> memref<1x32x512xf32, #tpu.memory_space<hbm>>
    %dma_wait3A_1694 = tpu.memref_squeeze %dma_wait3A_1693 : memref<1x32x512xf32, #tpu.memory_space<hbm>> -> memref<32x512xf32, #tpu.memory_space<hbm>>
    tpu.wait_dma2 semaphore(%arg30 : memref<!tpu.dma_semaphore, #tpu.memory_space<semaphore_mem>>) src(%arg25 : memref<32x512xf32, #tpu.memory_space<vmem>>) dst(%dma_wait3A_1694 : memref<32x512xf32, #tpu.memory_space<hbm>>)
    %dma_wait3A_1695 = arith.constant 0 : i32
    %dma_wait3A_1696 = tpu.memref_slice %arg12[%add3A_1095, %add3A_1266, %dma_wait3A_1695] : memref<77x1024x512xf32, #tpu.memory_space<hbm>> -> memref<1x32x512xf32, #tpu.memory_space<hbm>>
    %dma_wait3A_1697 = tpu.memref_squeeze %dma_wait3A_1696 : memref<1x32x512xf32, #tpu.memory_space<hbm>> -> memref<32x512xf32, #tpu.memory_space<hbm>>
    %dma_wait3A_1698 = arith.constant 0 : i32
    %dma_wait3A_1699 = tpu.memref_slice %arg12[%add3A_1095, %add3A_1266, %dma_wait3A_1698] : memref<77x1024x512xf32, #tpu.memory_space<hbm>> -> memref<1x32x512xf32, #tpu.memory_space<hbm>>
    %dma_wait3A_1700 = tpu.memref_squeeze %dma_wait3A_1699 : memref<1x32x512xf32, #tpu.memory_space<hbm>> -> memref<32x512xf32, #tpu.memory_space<hbm>>
    tpu.wait_dma2 semaphore(%arg30 : memref<!tpu.dma_semaphore, #tpu.memory_space<semaphore_mem>>) src(%arg25 : memref<32x512xf32, #tpu.memory_space<vmem>>) dst(%dma_wait3A_1700 : memref<32x512xf32, #tpu.memory_space<hbm>>)
    %dma_wait3A_1701 = arith.constant 0 : i32
    %dma_wait3A_1702 = tpu.memref_slice %arg12[%add3A_1095, %add3A_1266, %dma_wait3A_1701] : memref<77x1024x512xf32, #tpu.memory_space<hbm>> -> memref<1x32x512xf32, #tpu.memory_space<hbm>>
    %dma_wait3A_1703 = tpu.memref_squeeze %dma_wait3A_1702 : memref<1x32x512xf32, #tpu.memory_space<hbm>> -> memref<32x512xf32, #tpu.memory_space<hbm>>
    %dma_wait3A_1704 = arith.constant 0 : i32
    %dma_wait3A_1705 = tpu.memref_slice %arg12[%add3A_1095, %add3A_1266, %dma_wait3A_1704] : memref<77x1024x512xf32, #tpu.memory_space<hbm>> -> memref<1x32x512xf32, #tpu.memory_space<hbm>>
    %dma_wait3A_1706 = tpu.memref_squeeze %dma_wait3A_1705 : memref<1x32x512xf32, #tpu.memory_space<hbm>> -> memref<32x512xf32, #tpu.memory_space<hbm>>
    tpu.wait_dma2 semaphore(%arg30 : memref<!tpu.dma_semaphore, #tpu.memory_space<semaphore_mem>>) src(%arg25 : memref<32x512xf32, #tpu.memory_space<vmem>>) dst(%dma_wait3A_1706 : memref<32x512xf32, #tpu.memory_space<hbm>>)
    %dma_wait3A_1707 = arith.constant 0 : i32
    %dma_wait3A_1708 = tpu.memref_slice %arg12[%add3A_1095, %add3A_1266, %dma_wait3A_1707] : memref<77x1024x512xf32, #tpu.memory_space<hbm>> -> memref<1x32x512xf32, #tpu.memory_space<hbm>>
    %dma_wait3A_1709 = tpu.memref_squeeze %dma_wait3A_1708 : memref<1x32x512xf32, #tpu.memory_space<hbm>> -> memref<32x512xf32, #tpu.memory_space<hbm>>
    %dma_wait3A_1710 = arith.constant 0 : i32
    %dma_wait3A_1711 = tpu.memref_slice %arg12[%add3A_1095, %add3A_1266, %dma_wait3A_1710] : memref<77x1024x512xf32, #tpu.memory_space<hbm>> -> memref<1x32x512xf32, #tpu.memory_space<hbm>>
    %dma_wait3A_1712 = tpu.memref_squeeze %dma_wait3A_1711 : memref<1x32x512xf32, #tpu.memory_space<hbm>> -> memref<32x512xf32, #tpu.memory_space<hbm>>
    tpu.wait_dma2 semaphore(%arg30 : memref<!tpu.dma_semaphore, #tpu.memory_space<semaphore_mem>>) src(%arg25 : memref<32x512xf32, #tpu.memory_space<vmem>>) dst(%dma_wait3A_1712 : memref<32x512xf32, #tpu.memory_space<hbm>>)
    %dma_wait3A_1713 = arith.constant 0 : i32
    %dma_wait3A_1714 = tpu.memref_slice %arg12[%add3A_1095, %add3A_1266, %dma_wait3A_1713] : memref<77x1024x512xf32, #tpu.memory_space<hbm>> -> memref<1x32x512xf32, #tpu.memory_space<hbm>>
    %dma_wait3A_1715 = tpu.memref_squeeze %dma_wait3A_1714 : memref<1x32x512xf32, #tpu.memory_space<hbm>> -> memref<32x512xf32, #tpu.memory_space<hbm>>
    %dma_wait3A_1716 = arith.constant 0 : i32
    %dma_wait3A_1717 = tpu.memref_slice %arg12[%add3A_1095, %add3A_1266, %dma_wait3A_1716] : memref<77x1024x512xf32, #tpu.memory_space<hbm>> -> memref<1x32x512xf32, #tpu.memory_space<hbm>>
    %dma_wait3A_1718 = tpu.memref_squeeze %dma_wait3A_1717 : memref<1x32x512xf32, #tpu.memory_space<hbm>> -> memref<32x512xf32, #tpu.memory_space<hbm>>
    tpu.wait_dma2 semaphore(%arg30 : memref<!tpu.dma_semaphore, #tpu.memory_space<semaphore_mem>>) src(%arg25 : memref<32x512xf32, #tpu.memory_space<vmem>>) dst(%dma_wait3A_1718 : memref<32x512xf32, #tpu.memory_space<hbm>>)
    %dma_wait3A_1719 = arith.constant 0 : i32
    %dma_wait3A_1720 = tpu.memref_slice %arg12[%add3A_1095, %add3A_1266, %dma_wait3A_1719] : memref<77x1024x512xf32, #tpu.memory_space<hbm>> -> memref<1x32x512xf32, #tpu.memory_space<hbm>>
    %dma_wait3A_1721 = tpu.memref_squeeze %dma_wait3A_1720 : memref<1x32x512xf32, #tpu.memory_space<hbm>> -> memref<32x512xf32, #tpu.memory_space<hbm>>
    %dma_wait3A_1722 = arith.constant 0 : i32
    %dma_wait3A_1723 = tpu.memref_slice %arg12[%add3A_1095, %add3A_1266, %dma_wait3A_1722] : memref<77x1024x512xf32, #tpu.memory_space<hbm>> -> memref<1x32x512xf32, #tpu.memory_space<hbm>>
    %dma_wait3A_1724 = tpu.memref_squeeze %dma_wait3A_1723 : memref<1x32x512xf32, #tpu.memory_space<hbm>> -> memref<32x512xf32, #tpu.memory_space<hbm>>
    tpu.wait_dma2 semaphore(%arg30 : memref<!tpu.dma_semaphore, #tpu.memory_space<semaphore_mem>>) src(%arg25 : memref<32x512xf32, #tpu.memory_space<vmem>>) dst(%dma_wait3A_1724 : memref<32x512xf32, #tpu.memory_space<hbm>>)
    %dma_wait3A_1725 = arith.constant 0 : i32
    %dma_wait3A_1726 = tpu.memref_slice %arg12[%add3A_1095, %add3A_1266, %dma_wait3A_1725] : memref<77x1024x512xf32, #tpu.memory_space<hbm>> -> memref<1x32x512xf32, #tpu.memory_space<hbm>>
    %dma_wait3A_1727 = tpu.memref_squeeze %dma_wait3A_1726 : memref<1x32x512xf32, #tpu.memory_space<hbm>> -> memref<32x512xf32, #tpu.memory_space<hbm>>
    %dma_wait3A_1728 = arith.constant 0 : i32
    %dma_wait3A_1729 = tpu.memref_slice %arg12[%add3A_1095, %add3A_1266, %dma_wait3A_1728] : memref<77x1024x512xf32, #tpu.memory_space<hbm>> -> memref<1x32x512xf32, #tpu.memory_space<hbm>>
    %dma_wait3A_1730 = tpu.memref_squeeze %dma_wait3A_1729 : memref<1x32x512xf32, #tpu.memory_space<hbm>> -> memref<32x512xf32, #tpu.memory_space<hbm>>
    tpu.wait_dma2 semaphore(%arg30 : memref<!tpu.dma_semaphore, #tpu.memory_space<semaphore_mem>>) src(%arg25 : memref<32x512xf32, #tpu.memory_space<vmem>>) dst(%dma_wait3A_1730 : memref<32x512xf32, #tpu.memory_space<hbm>>)
    %dma_wait3A_1731 = arith.constant 0 : i32
    %dma_wait3A_1732 = tpu.memref_slice %arg12[%add3A_1095, %add3A_1266, %dma_wait3A_1731] : memref<77x1024x512xf32, #tpu.memory_space<hbm>> -> memref<1x32x512xf32, #tpu.memory_space<hbm>>
    %dma_wait3A_1733 = tpu.memref_squeeze %dma_wait3A_1732 : memref<1x32x512xf32, #tpu.memory_space<hbm>> -> memref<32x512xf32, #tpu.memory_space<hbm>>
    %dma_wait3A_1734 = arith.constant 0 : i32
    %dma_wait3A_1735 = tpu.memref_slice %arg12[%add3A_1095, %add3A_1266, %dma_wait3A_1734] : memref<77x1024x512xf32, #tpu.memory_space<hbm>> -> memref<1x32x512xf32, #tpu.memory_space<hbm>>
    %dma_wait3A_1736 = tpu.memref_squeeze %dma_wait3A_1735 : memref<1x32x512xf32, #tpu.memory_space<hbm>> -> memref<32x512xf32, #tpu.memory_space<hbm>>
    tpu.wait_dma2 semaphore(%arg30 : memref<!tpu.dma_semaphore, #tpu.memory_space<semaphore_mem>>) src(%arg25 : memref<32x512xf32, #tpu.memory_space<vmem>>) dst(%dma_wait3A_1736 : memref<32x512xf32, #tpu.memory_space<hbm>>)
    %dma_wait3A_1737 = arith.constant 0 : i32
    %dma_wait3A_1738 = tpu.memref_slice %arg12[%add3A_1095, %add3A_1266, %dma_wait3A_1737] : memref<77x1024x512xf32, #tpu.memory_space<hbm>> -> memref<1x32x512xf32, #tpu.memory_space<hbm>>
    %dma_wait3A_1739 = tpu.memref_squeeze %dma_wait3A_1738 : memref<1x32x512xf32, #tpu.memory_space<hbm>> -> memref<32x512xf32, #tpu.memory_space<hbm>>
    %dma_wait3A_1740 = arith.constant 0 : i32
    %dma_wait3A_1741 = tpu.memref_slice %arg12[%add3A_1095, %add3A_1266, %dma_wait3A_1740] : memref<77x1024x512xf32, #tpu.memory_space<hbm>> -> memref<1x32x512xf32, #tpu.memory_space<hbm>>
    %dma_wait3A_1742 = tpu.memref_squeeze %dma_wait3A_1741 : memref<1x32x512xf32, #tpu.memory_space<hbm>> -> memref<32x512xf32, #tpu.memory_space<hbm>>
    tpu.wait_dma2 semaphore(%arg30 : memref<!tpu.dma_semaphore, #tpu.memory_space<semaphore_mem>>) src(%arg25 : memref<32x512xf32, #tpu.memory_space<vmem>>) dst(%dma_wait3A_1742 : memref<32x512xf32, #tpu.memory_space<hbm>>)
    %dma_wait3A_1743 = arith.constant 0 : i32
    %dma_wait3A_1744 = tpu.memref_slice %arg12[%add3A_1095, %add3A_1266, %dma_wait3A_1743] : memref<77x1024x512xf32, #tpu.memory_space<hbm>> -> memref<1x32x512xf32, #tpu.memory_space<hbm>>
    %dma_wait3A_1745 = tpu.memref_squeeze %dma_wait3A_1744 : memref<1x32x512xf32, #tpu.memory_space<hbm>> -> memref<32x512xf32, #tpu.memory_space<hbm>>
    %dma_wait3A_1746 = arith.constant 0 : i32
    %dma_wait3A_1747 = tpu.memref_slice %arg12[%add3A_1095, %add3A_1266, %dma_wait3A_1746] : memref<77x1024x512xf32, #tpu.memory_space<hbm>> -> memref<1x32x512xf32, #tpu.memory_space<hbm>>
    %dma_wait3A_1748 = tpu.memref_squeeze %dma_wait3A_1747 : memref<1x32x512xf32, #tpu.memory_space<hbm>> -> memref<32x512xf32, #tpu.memory_space<hbm>>
    tpu.wait_dma2 semaphore(%arg30 : memref<!tpu.dma_semaphore, #tpu.memory_space<semaphore_mem>>) src(%arg25 : memref<32x512xf32, #tpu.memory_space<vmem>>) dst(%dma_wait3A_1748 : memref<32x512xf32, #tpu.memory_space<hbm>>)
    %dma_wait3A_1749 = arith.constant 0 : i32
    %dma_wait3A_1750 = tpu.memref_slice %arg12[%add3A_1095, %add3A_1266, %dma_wait3A_1749] : memref<77x1024x512xf32, #tpu.memory_space<hbm>> -> memref<1x32x512xf32, #tpu.memory_space<hbm>>
    %dma_wait3A_1751 = tpu.memref_squeeze %dma_wait3A_1750 : memref<1x32x512xf32, #tpu.memory_space<hbm>> -> memref<32x512xf32, #tpu.memory_space<hbm>>
    %dma_wait3A_1752 = arith.constant 0 : i32
    %dma_wait3A_1753 = tpu.memref_slice %arg12[%add3A_1095, %add3A_1266, %dma_wait3A_1752] : memref<77x1024x512xf32, #tpu.memory_space<hbm>> -> memref<1x32x512xf32, #tpu.memory_space<hbm>>
    %dma_wait3A_1754 = tpu.memref_squeeze %dma_wait3A_1753 : memref<1x32x512xf32, #tpu.memory_space<hbm>> -> memref<32x512xf32, #tpu.memory_space<hbm>>
    tpu.wait_dma2 semaphore(%arg30 : memref<!tpu.dma_semaphore, #tpu.memory_space<semaphore_mem>>) src(%arg25 : memref<32x512xf32, #tpu.memory_space<vmem>>) dst(%dma_wait3A_1754 : memref<32x512xf32, #tpu.memory_space<hbm>>)
    %dma_wait3A_1755 = arith.constant 0 : i32
    %dma_wait3A_1756 = tpu.memref_slice %arg12[%add3A_1095, %add3A_1266, %dma_wait3A_1755] : memref<77x1024x512xf32, #tpu.memory_space<hbm>> -> memref<1x32x512xf32, #tpu.memory_space<hbm>>
    %dma_wait3A_1757 = tpu.memref_squeeze %dma_wait3A_1756 : memref<1x32x512xf32, #tpu.memory_space<hbm>> -> memref<32x512xf32, #tpu.memory_space<hbm>>
    %dma_wait3A_1758 = arith.constant 0 : i32
    %dma_wait3A_1759 = tpu.memref_slice %arg12[%add3A_1095, %add3A_1266, %dma_wait3A_1758] : memref<77x1024x512xf32, #tpu.memory_space<hbm>> -> memref<1x32x512xf32, #tpu.memory_space<hbm>>
    %dma_wait3A_1760 = tpu.memref_squeeze %dma_wait3A_1759 : memref<1x32x512xf32, #tpu.memory_space<hbm>> -> memref<32x512xf32, #tpu.memory_space<hbm>>
    tpu.wait_dma2 semaphore(%arg30 : memref<!tpu.dma_semaphore, #tpu.memory_space<semaphore_mem>>) src(%arg25 : memref<32x512xf32, #tpu.memory_space<vmem>>) dst(%dma_wait3A_1760 : memref<32x512xf32, #tpu.memory_space<hbm>>)
    %dma_wait3A_1761 = arith.constant 0 : i32
    %dma_wait3A_1762 = tpu.memref_slice %arg12[%add3A_1095, %add3A_1266, %dma_wait3A_1761] : memref<77x1024x512xf32, #tpu.memory_space<hbm>> -> memref<1x32x512xf32, #tpu.memory_space<hbm>>
    %dma_wait3A_1763 = tpu.memref_squeeze %dma_wait3A_1762 : memref<1x32x512xf32, #tpu.memory_space<hbm>> -> memref<32x512xf32, #tpu.memory_space<hbm>>
    %dma_wait3A_1764 = arith.constant 0 : i32
    %dma_wait3A_1765 = tpu.memref_slice %arg12[%add3A_1095, %add3A_1266, %dma_wait3A_1764] : memref<77x1024x512xf32, #tpu.memory_space<hbm>> -> memref<1x32x512xf32, #tpu.memory_space<hbm>>
    %dma_wait3A_1766 = tpu.memref_squeeze %dma_wait3A_1765 : memref<1x32x512xf32, #tpu.memory_space<hbm>> -> memref<32x512xf32, #tpu.memory_space<hbm>>
    tpu.wait_dma2 semaphore(%arg30 : memref<!tpu.dma_semaphore, #tpu.memory_space<semaphore_mem>>) src(%arg25 : memref<32x512xf32, #tpu.memory_space<vmem>>) dst(%dma_wait3A_1766 : memref<32x512xf32, #tpu.memory_space<hbm>>)
    %dma_wait3A_1767 = arith.constant 0 : i32
    %dma_wait3A_1768 = tpu.memref_slice %arg12[%add3A_1095, %add3A_1266, %dma_wait3A_1767] : memref<77x1024x512xf32, #tpu.memory_space<hbm>> -> memref<1x32x512xf32, #tpu.memory_space<hbm>>
    %dma_wait3A_1769 = tpu.memref_squeeze %dma_wait3A_1768 : memref<1x32x512xf32, #tpu.memory_space<hbm>> -> memref<32x512xf32, #tpu.memory_space<hbm>>
    %dma_wait3A_1770 = arith.constant 0 : i32
    %dma_wait3A_1771 = tpu.memref_slice %arg12[%add3A_1095, %add3A_1266, %dma_wait3A_1770] : memref<77x1024x512xf32, #tpu.memory_space<hbm>> -> memref<1x32x512xf32, #tpu.memory_space<hbm>>
    %dma_wait3A_1772 = tpu.memref_squeeze %dma_wait3A_1771 : memref<1x32x512xf32, #tpu.memory_space<hbm>> -> memref<32x512xf32, #tpu.memory_space<hbm>>
    tpu.wait_dma2 semaphore(%arg30 : memref<!tpu.dma_semaphore, #tpu.memory_space<semaphore_mem>>) src(%arg25 : memref<32x512xf32, #tpu.memory_space<vmem>>) dst(%dma_wait3A_1772 : memref<32x512xf32, #tpu.memory_space<hbm>>)
    %convert_element_type3A_1773 = arith.extui %lt3A_1525 : i1 to i32
    %cond3A_1774 = arith.constant 0 : i32
    %cond3A_1775 = arith.cmpi ne, %convert_element_type3A_1773, %cond3A_1774 : i32
    scf.if %cond3A_1775 {
      %dma_wait3A_1840 = arith.constant 0 : i32
      %dma_wait3A_1841 = arith.constant 0 : i32
      %dma_wait3A_1842 = arith.constant 0 : i32
      %dma_wait3A_1843 = tpu.memref_slice %arg12[%dma_wait3A_1840, %dma_wait3A_1841, %dma_wait3A_1842] : memref<77x1024x512xf32, #tpu.memory_space<hbm>> -> memref<1x32x512xf32, #tpu.memory_space<hbm>>
      %dma_wait3A_1844 = tpu.memref_squeeze %dma_wait3A_1843 : memref<1x32x512xf32, #tpu.memory_space<hbm>> -> memref<32x512xf32, #tpu.memory_space<hbm>>
      %dma_wait3A_1845 = arith.constant 0 : i32
      %dma_wait3A_1846 = arith.constant 0 : i32
      %dma_wait3A_1847 = tpu.memref_slice %arg12[%dma_wait3A_1840, %dma_wait3A_1845, %dma_wait3A_1846] : memref<77x1024x512xf32, #tpu.memory_space<hbm>> -> memref<1x32x512xf32, #tpu.memory_space<hbm>>
      %dma_wait3A_1848 = tpu.memref_squeeze %dma_wait3A_1847 : memref<1x32x512xf32, #tpu.memory_space<hbm>> -> memref<32x512xf32, #tpu.memory_space<hbm>>
      tpu.wait_dma2 semaphore(%arg29 : memref<!tpu.dma_semaphore, #tpu.memory_space<semaphore_mem>>) src(%arg24 : memref<32x512xf32, #tpu.memory_space<vmem>>) dst(%dma_wait3A_1848 : memref<32x512xf32, #tpu.memory_space<hbm>>)
      %dma_wait3A_1849 = arith.constant 0 : i32
      %dma_wait3A_1850 = arith.constant 32 : i32
      %dma_wait3A_1851 = arith.constant 0 : i32
      %dma_wait3A_1852 = tpu.memref_slice %arg12[%dma_wait3A_1849, %dma_wait3A_1850, %dma_wait3A_1851] : memref<77x1024x512xf32, #tpu.memory_space<hbm>> -> memref<1x32x512xf32, #tpu.memory_space<hbm>>
      %dma_wait3A_1853 = tpu.memref_squeeze %dma_wait3A_1852 : memref<1x32x512xf32, #tpu.memory_space<hbm>> -> memref<32x512xf32, #tpu.memory_space<hbm>>
      %dma_wait3A_1854 = arith.constant 32 : i32
      %dma_wait3A_1855 = arith.constant 0 : i32
      %dma_wait3A_1856 = tpu.memref_slice %arg12[%dma_wait3A_1849, %dma_wait3A_1854, %dma_wait3A_1855] : memref<77x1024x512xf32, #tpu.memory_space<hbm>> -> memref<1x32x512xf32, #tpu.memory_space<hbm>>
      %dma_wait3A_1857 = tpu.memref_squeeze %dma_wait3A_1856 : memref<1x32x512xf32, #tpu.memory_space<hbm>> -> memref<32x512xf32, #tpu.memory_space<hbm>>
      tpu.wait_dma2 semaphore(%arg29 : memref<!tpu.dma_semaphore, #tpu.memory_space<semaphore_mem>>) src(%arg24 : memref<32x512xf32, #tpu.memory_space<vmem>>) dst(%dma_wait3A_1857 : memref<32x512xf32, #tpu.memory_space<hbm>>)
      %dma_wait3A_1858 = arith.constant 0 : i32
      %dma_wait3A_1859 = arith.constant 64 : i32
      %dma_wait3A_1860 = arith.constant 0 : i32
      %dma_wait3A_1861 = tpu.memref_slice %arg12[%dma_wait3A_1858, %dma_wait3A_1859, %dma_wait3A_1860] : memref<77x1024x512xf32, #tpu.memory_space<hbm>> -> memref<1x32x512xf32, #tpu.memory_space<hbm>>
      %dma_wait3A_1862 = tpu.memref_squeeze %dma_wait3A_1861 : memref<1x32x512xf32, #tpu.memory_space<hbm>> -> memref<32x512xf32, #tpu.memory_space<hbm>>
      %dma_wait3A_1863 = arith.constant 64 : i32
      %dma_wait3A_1864 = arith.constant 0 : i32
      %dma_wait3A_1865 = tpu.memref_slice %arg12[%dma_wait3A_1858, %dma_wait3A_1863, %dma_wait3A_1864] : memref<77x1024x512xf32, #tpu.memory_space<hbm>> -> memref<1x32x512xf32, #tpu.memory_space<hbm>>
      %dma_wait3A_1866 = tpu.memref_squeeze %dma_wait3A_1865 : memref<1x32x512xf32, #tpu.memory_space<hbm>> -> memref<32x512xf32, #tpu.memory_space<hbm>>
      tpu.wait_dma2 semaphore(%arg29 : memref<!tpu.dma_semaphore, #tpu.memory_space<semaphore_mem>>) src(%arg24 : memref<32x512xf32, #tpu.memory_space<vmem>>) dst(%dma_wait3A_1866 : memref<32x512xf32, #tpu.memory_space<hbm>>)
      %dma_wait3A_1867 = arith.constant 0 : i32
      %dma_wait3A_1868 = arith.constant 96 : i32
      %dma_wait3A_1869 = arith.constant 0 : i32
      %dma_wait3A_1870 = tpu.memref_slice %arg12[%dma_wait3A_1867, %dma_wait3A_1868, %dma_wait3A_1869] : memref<77x1024x512xf32, #tpu.memory_space<hbm>> -> memref<1x32x512xf32, #tpu.memory_space<hbm>>
      %dma_wait3A_1871 = tpu.memref_squeeze %dma_wait3A_1870 : memref<1x32x512xf32, #tpu.memory_space<hbm>> -> memref<32x512xf32, #tpu.memory_space<hbm>>
      %dma_wait3A_1872 = arith.constant 96 : i32
      %dma_wait3A_1873 = arith.constant 0 : i32
      %dma_wait3A_1874 = tpu.memref_slice %arg12[%dma_wait3A_1867, %dma_wait3A_1872, %dma_wait3A_1873] : memref<77x1024x512xf32, #tpu.memory_space<hbm>> -> memref<1x32x512xf32, #tpu.memory_space<hbm>>
      %dma_wait3A_1875 = tpu.memref_squeeze %dma_wait3A_1874 : memref<1x32x512xf32, #tpu.memory_space<hbm>> -> memref<32x512xf32, #tpu.memory_space<hbm>>
      tpu.wait_dma2 semaphore(%arg29 : memref<!tpu.dma_semaphore, #tpu.memory_space<semaphore_mem>>) src(%arg24 : memref<32x512xf32, #tpu.memory_space<vmem>>) dst(%dma_wait3A_1875 : memref<32x512xf32, #tpu.memory_space<hbm>>)
      %dma_wait3A_1876 = arith.constant 0 : i32
      %dma_wait3A_1877 = arith.constant 128 : i32
      %dma_wait3A_1878 = arith.constant 0 : i32
      %dma_wait3A_1879 = tpu.memref_slice %arg12[%dma_wait3A_1876, %dma_wait3A_1877, %dma_wait3A_1878] : memref<77x1024x512xf32, #tpu.memory_space<hbm>> -> memref<1x32x512xf32, #tpu.memory_space<hbm>>
      %dma_wait3A_1880 = tpu.memref_squeeze %dma_wait3A_1879 : memref<1x32x512xf32, #tpu.memory_space<hbm>> -> memref<32x512xf32, #tpu.memory_space<hbm>>
      %dma_wait3A_1881 = arith.constant 128 : i32
      %dma_wait3A_1882 = arith.constant 0 : i32
      %dma_wait3A_1883 = tpu.memref_slice %arg12[%dma_wait3A_1876, %dma_wait3A_1881, %dma_wait3A_1882] : memref<77x1024x512xf32, #tpu.memory_space<hbm>> -> memref<1x32x512xf32, #tpu.memory_space<hbm>>
      %dma_wait3A_1884 = tpu.memref_squeeze %dma_wait3A_1883 : memref<1x32x512xf32, #tpu.memory_space<hbm>> -> memref<32x512xf32, #tpu.memory_space<hbm>>
      tpu.wait_dma2 semaphore(%arg29 : memref<!tpu.dma_semaphore, #tpu.memory_space<semaphore_mem>>) src(%arg24 : memref<32x512xf32, #tpu.memory_space<vmem>>) dst(%dma_wait3A_1884 : memref<32x512xf32, #tpu.memory_space<hbm>>)
      %dma_wait3A_1885 = arith.constant 0 : i32
      %dma_wait3A_1886 = arith.constant 160 : i32
      %dma_wait3A_1887 = arith.constant 0 : i32
      %dma_wait3A_1888 = tpu.memref_slice %arg12[%dma_wait3A_1885, %dma_wait3A_1886, %dma_wait3A_1887] : memref<77x1024x512xf32, #tpu.memory_space<hbm>> -> memref<1x32x512xf32, #tpu.memory_space<hbm>>
      %dma_wait3A_1889 = tpu.memref_squeeze %dma_wait3A_1888 : memref<1x32x512xf32, #tpu.memory_space<hbm>> -> memref<32x512xf32, #tpu.memory_space<hbm>>
      %dma_wait3A_1890 = arith.constant 160 : i32
      %dma_wait3A_1891 = arith.constant 0 : i32
      %dma_wait3A_1892 = tpu.memref_slice %arg12[%dma_wait3A_1885, %dma_wait3A_1890, %dma_wait3A_1891] : memref<77x1024x512xf32, #tpu.memory_space<hbm>> -> memref<1x32x512xf32, #tpu.memory_space<hbm>>
      %dma_wait3A_1893 = tpu.memref_squeeze %dma_wait3A_1892 : memref<1x32x512xf32, #tpu.memory_space<hbm>> -> memref<32x512xf32, #tpu.memory_space<hbm>>
      tpu.wait_dma2 semaphore(%arg29 : memref<!tpu.dma_semaphore, #tpu.memory_space<semaphore_mem>>) src(%arg24 : memref<32x512xf32, #tpu.memory_space<vmem>>) dst(%dma_wait3A_1893 : memref<32x512xf32, #tpu.memory_space<hbm>>)
      %dma_wait3A_1894 = arith.constant 0 : i32
      %dma_wait3A_1895 = arith.constant 192 : i32
      %dma_wait3A_1896 = arith.constant 0 : i32
      %dma_wait3A_1897 = tpu.memref_slice %arg12[%dma_wait3A_1894, %dma_wait3A_1895, %dma_wait3A_1896] : memref<77x1024x512xf32, #tpu.memory_space<hbm>> -> memref<1x32x512xf32, #tpu.memory_space<hbm>>
      %dma_wait3A_1898 = tpu.memref_squeeze %dma_wait3A_1897 : memref<1x32x512xf32, #tpu.memory_space<hbm>> -> memref<32x512xf32, #tpu.memory_space<hbm>>
      %dma_wait3A_1899 = arith.constant 192 : i32
      %dma_wait3A_1900 = arith.constant 0 : i32
      %dma_wait3A_1901 = tpu.memref_slice %arg12[%dma_wait3A_1894, %dma_wait3A_1899, %dma_wait3A_1900] : memref<77x1024x512xf32, #tpu.memory_space<hbm>> -> memref<1x32x512xf32, #tpu.memory_space<hbm>>
      %dma_wait3A_1902 = tpu.memref_squeeze %dma_wait3A_1901 : memref<1x32x512xf32, #tpu.memory_space<hbm>> -> memref<32x512xf32, #tpu.memory_space<hbm>>
      tpu.wait_dma2 semaphore(%arg29 : memref<!tpu.dma_semaphore, #tpu.memory_space<semaphore_mem>>) src(%arg24 : memref<32x512xf32, #tpu.memory_space<vmem>>) dst(%dma_wait3A_1902 : memref<32x512xf32, #tpu.memory_space<hbm>>)
      %dma_wait3A_1903 = arith.constant 0 : i32
      %dma_wait3A_1904 = arith.constant 224 : i32
      %dma_wait3A_1905 = arith.constant 0 : i32
      %dma_wait3A_1906 = tpu.memref_slice %arg12[%dma_wait3A_1903, %dma_wait3A_1904, %dma_wait3A_1905] : memref<77x1024x512xf32, #tpu.memory_space<hbm>> -> memref<1x32x512xf32, #tpu.memory_space<hbm>>
      %dma_wait3A_1907 = tpu.memref_squeeze %dma_wait3A_1906 : memref<1x32x512xf32, #tpu.memory_space<hbm>> -> memref<32x512xf32, #tpu.memory_space<hbm>>
      %dma_wait3A_1908 = arith.constant 224 : i32
      %dma_wait3A_1909 = arith.constant 0 : i32
      %dma_wait3A_1910 = tpu.memref_slice %arg12[%dma_wait3A_1903, %dma_wait3A_1908, %dma_wait3A_1909] : memref<77x1024x512xf32, #tpu.memory_space<hbm>> -> memref<1x32x512xf32, #tpu.memory_space<hbm>>
      %dma_wait3A_1911 = tpu.memref_squeeze %dma_wait3A_1910 : memref<1x32x512xf32, #tpu.memory_space<hbm>> -> memref<32x512xf32, #tpu.memory_space<hbm>>
      tpu.wait_dma2 semaphore(%arg29 : memref<!tpu.dma_semaphore, #tpu.memory_space<semaphore_mem>>) src(%arg24 : memref<32x512xf32, #tpu.memory_space<vmem>>) dst(%dma_wait3A_1911 : memref<32x512xf32, #tpu.memory_space<hbm>>)
      %dma_wait3A_1912 = arith.constant 0 : i32
      %dma_wait3A_1913 = arith.constant 256 : i32
      %dma_wait3A_1914 = arith.constant 0 : i32
      %dma_wait3A_1915 = tpu.memref_slice %arg12[%dma_wait3A_1912, %dma_wait3A_1913, %dma_wait3A_1914] : memref<77x1024x512xf32, #tpu.memory_space<hbm>> -> memref<1x32x512xf32, #tpu.memory_space<hbm>>
      %dma_wait3A_1916 = tpu.memref_squeeze %dma_wait3A_1915 : memref<1x32x512xf32, #tpu.memory_space<hbm>> -> memref<32x512xf32, #tpu.memory_space<hbm>>
      %dma_wait3A_1917 = arith.constant 256 : i32
      %dma_wait3A_1918 = arith.constant 0 : i32
      %dma_wait3A_1919 = tpu.memref_slice %arg12[%dma_wait3A_1912, %dma_wait3A_1917, %dma_wait3A_1918] : memref<77x1024x512xf32, #tpu.memory_space<hbm>> -> memref<1x32x512xf32, #tpu.memory_space<hbm>>
      %dma_wait3A_1920 = tpu.memref_squeeze %dma_wait3A_1919 : memref<1x32x512xf32, #tpu.memory_space<hbm>> -> memref<32x512xf32, #tpu.memory_space<hbm>>
      tpu.wait_dma2 semaphore(%arg29 : memref<!tpu.dma_semaphore, #tpu.memory_space<semaphore_mem>>) src(%arg24 : memref<32x512xf32, #tpu.memory_space<vmem>>) dst(%dma_wait3A_1920 : memref<32x512xf32, #tpu.memory_space<hbm>>)
      %dma_wait3A_1921 = arith.constant 0 : i32
      %dma_wait3A_1922 = arith.constant 288 : i32
      %dma_wait3A_1923 = arith.constant 0 : i32
      %dma_wait3A_1924 = tpu.memref_slice %arg12[%dma_wait3A_1921, %dma_wait3A_1922, %dma_wait3A_1923] : memref<77x1024x512xf32, #tpu.memory_space<hbm>> -> memref<1x32x512xf32, #tpu.memory_space<hbm>>
      %dma_wait3A_1925 = tpu.memref_squeeze %dma_wait3A_1924 : memref<1x32x512xf32, #tpu.memory_space<hbm>> -> memref<32x512xf32, #tpu.memory_space<hbm>>
      %dma_wait3A_1926 = arith.constant 288 : i32
      %dma_wait3A_1927 = arith.constant 0 : i32
      %dma_wait3A_1928 = tpu.memref_slice %arg12[%dma_wait3A_1921, %dma_wait3A_1926, %dma_wait3A_1927] : memref<77x1024x512xf32, #tpu.memory_space<hbm>> -> memref<1x32x512xf32, #tpu.memory_space<hbm>>
      %dma_wait3A_1929 = tpu.memref_squeeze %dma_wait3A_1928 : memref<1x32x512xf32, #tpu.memory_space<hbm>> -> memref<32x512xf32, #tpu.memory_space<hbm>>
      tpu.wait_dma2 semaphore(%arg29 : memref<!tpu.dma_semaphore, #tpu.memory_space<semaphore_mem>>) src(%arg24 : memref<32x512xf32, #tpu.memory_space<vmem>>) dst(%dma_wait3A_1929 : memref<32x512xf32, #tpu.memory_space<hbm>>)
      %dma_wait3A_1930 = arith.constant 0 : i32
      %dma_wait3A_1931 = arith.constant 320 : i32
      %dma_wait3A_1932 = arith.constant 0 : i32
      %dma_wait3A_1933 = tpu.memref_slice %arg12[%dma_wait3A_1930, %dma_wait3A_1931, %dma_wait3A_1932] : memref<77x1024x512xf32, #tpu.memory_space<hbm>> -> memref<1x32x512xf32, #tpu.memory_space<hbm>>
      %dma_wait3A_1934 = tpu.memref_squeeze %dma_wait3A_1933 : memref<1x32x512xf32, #tpu.memory_space<hbm>> -> memref<32x512xf32, #tpu.memory_space<hbm>>
      %dma_wait3A_1935 = arith.constant 320 : i32
      %dma_wait3A_1936 = arith.constant 0 : i32
      %dma_wait3A_1937 = tpu.memref_slice %arg12[%dma_wait3A_1930, %dma_wait3A_1935, %dma_wait3A_1936] : memref<77x1024x512xf32, #tpu.memory_space<hbm>> -> memref<1x32x512xf32, #tpu.memory_space<hbm>>
      %dma_wait3A_1938 = tpu.memref_squeeze %dma_wait3A_1937 : memref<1x32x512xf32, #tpu.memory_space<hbm>> -> memref<32x512xf32, #tpu.memory_space<hbm>>
      tpu.wait_dma2 semaphore(%arg29 : memref<!tpu.dma_semaphore, #tpu.memory_space<semaphore_mem>>) src(%arg24 : memref<32x512xf32, #tpu.memory_space<vmem>>) dst(%dma_wait3A_1938 : memref<32x512xf32, #tpu.memory_space<hbm>>)
      %dma_wait3A_1939 = arith.constant 0 : i32
      %dma_wait3A_1940 = arith.constant 352 : i32
      %dma_wait3A_1941 = arith.constant 0 : i32
      %dma_wait3A_1942 = tpu.memref_slice %arg12[%dma_wait3A_1939, %dma_wait3A_1940, %dma_wait3A_1941] : memref<77x1024x512xf32, #tpu.memory_space<hbm>> -> memref<1x32x512xf32, #tpu.memory_space<hbm>>
      %dma_wait3A_1943 = tpu.memref_squeeze %dma_wait3A_1942 : memref<1x32x512xf32, #tpu.memory_space<hbm>> -> memref<32x512xf32, #tpu.memory_space<hbm>>
      %dma_wait3A_1944 = arith.constant 352 : i32
      %dma_wait3A_1945 = arith.constant 0 : i32
      %dma_wait3A_1946 = tpu.memref_slice %arg12[%dma_wait3A_1939, %dma_wait3A_1944, %dma_wait3A_1945] : memref<77x1024x512xf32, #tpu.memory_space<hbm>> -> memref<1x32x512xf32, #tpu.memory_space<hbm>>
      %dma_wait3A_1947 = tpu.memref_squeeze %dma_wait3A_1946 : memref<1x32x512xf32, #tpu.memory_space<hbm>> -> memref<32x512xf32, #tpu.memory_space<hbm>>
      tpu.wait_dma2 semaphore(%arg29 : memref<!tpu.dma_semaphore, #tpu.memory_space<semaphore_mem>>) src(%arg24 : memref<32x512xf32, #tpu.memory_space<vmem>>) dst(%dma_wait3A_1947 : memref<32x512xf32, #tpu.memory_space<hbm>>)
      %dma_wait3A_1948 = arith.constant 0 : i32
      %dma_wait3A_1949 = arith.constant 384 : i32
      %dma_wait3A_1950 = arith.constant 0 : i32
      %dma_wait3A_1951 = tpu.memref_slice %arg12[%dma_wait3A_1948, %dma_wait3A_1949, %dma_wait3A_1950] : memref<77x1024x512xf32, #tpu.memory_space<hbm>> -> memref<1x32x512xf32, #tpu.memory_space<hbm>>
      %dma_wait3A_1952 = tpu.memref_squeeze %dma_wait3A_1951 : memref<1x32x512xf32, #tpu.memory_space<hbm>> -> memref<32x512xf32, #tpu.memory_space<hbm>>
      %dma_wait3A_1953 = arith.constant 384 : i32
      %dma_wait3A_1954 = arith.constant 0 : i32
      %dma_wait3A_1955 = tpu.memref_slice %arg12[%dma_wait3A_1948, %dma_wait3A_1953, %dma_wait3A_1954] : memref<77x1024x512xf32, #tpu.memory_space<hbm>> -> memref<1x32x512xf32, #tpu.memory_space<hbm>>
      %dma_wait3A_1956 = tpu.memref_squeeze %dma_wait3A_1955 : memref<1x32x512xf32, #tpu.memory_space<hbm>> -> memref<32x512xf32, #tpu.memory_space<hbm>>
      tpu.wait_dma2 semaphore(%arg29 : memref<!tpu.dma_semaphore, #tpu.memory_space<semaphore_mem>>) src(%arg24 : memref<32x512xf32, #tpu.memory_space<vmem>>) dst(%dma_wait3A_1956 : memref<32x512xf32, #tpu.memory_space<hbm>>)
      %dma_wait3A_1957 = arith.constant 0 : i32
      %dma_wait3A_1958 = arith.constant 416 : i32
      %dma_wait3A_1959 = arith.constant 0 : i32
      %dma_wait3A_1960 = tpu.memref_slice %arg12[%dma_wait3A_1957, %dma_wait3A_1958, %dma_wait3A_1959] : memref<77x1024x512xf32, #tpu.memory_space<hbm>> -> memref<1x32x512xf32, #tpu.memory_space<hbm>>
      %dma_wait3A_1961 = tpu.memref_squeeze %dma_wait3A_1960 : memref<1x32x512xf32, #tpu.memory_space<hbm>> -> memref<32x512xf32, #tpu.memory_space<hbm>>
      %dma_wait3A_1962 = arith.constant 416 : i32
      %dma_wait3A_1963 = arith.constant 0 : i32
      %dma_wait3A_1964 = tpu.memref_slice %arg12[%dma_wait3A_1957, %dma_wait3A_1962, %dma_wait3A_1963] : memref<77x1024x512xf32, #tpu.memory_space<hbm>> -> memref<1x32x512xf32, #tpu.memory_space<hbm>>
      %dma_wait3A_1965 = tpu.memref_squeeze %dma_wait3A_1964 : memref<1x32x512xf32, #tpu.memory_space<hbm>> -> memref<32x512xf32, #tpu.memory_space<hbm>>
      tpu.wait_dma2 semaphore(%arg29 : memref<!tpu.dma_semaphore, #tpu.memory_space<semaphore_mem>>) src(%arg24 : memref<32x512xf32, #tpu.memory_space<vmem>>) dst(%dma_wait3A_1965 : memref<32x512xf32, #tpu.memory_space<hbm>>)
      %dma_wait3A_1966 = arith.constant 0 : i32
      %dma_wait3A_1967 = arith.constant 448 : i32
      %dma_wait3A_1968 = arith.constant 0 : i32
      %dma_wait3A_1969 = tpu.memref_slice %arg12[%dma_wait3A_1966, %dma_wait3A_1967, %dma_wait3A_1968] : memref<77x1024x512xf32, #tpu.memory_space<hbm>> -> memref<1x32x512xf32, #tpu.memory_space<hbm>>
      %dma_wait3A_1970 = tpu.memref_squeeze %dma_wait3A_1969 : memref<1x32x512xf32, #tpu.memory_space<hbm>> -> memref<32x512xf32, #tpu.memory_space<hbm>>
      %dma_wait3A_1971 = arith.constant 448 : i32
      %dma_wait3A_1972 = arith.constant 0 : i32
      %dma_wait3A_1973 = tpu.memref_slice %arg12[%dma_wait3A_1966, %dma_wait3A_1971, %dma_wait3A_1972] : memref<77x1024x512xf32, #tpu.memory_space<hbm>> -> memref<1x32x512xf32, #tpu.memory_space<hbm>>
      %dma_wait3A_1974 = tpu.memref_squeeze %dma_wait3A_1973 : memref<1x32x512xf32, #tpu.memory_space<hbm>> -> memref<32x512xf32, #tpu.memory_space<hbm>>
      tpu.wait_dma2 semaphore(%arg29 : memref<!tpu.dma_semaphore, #tpu.memory_space<semaphore_mem>>) src(%arg24 : memref<32x512xf32, #tpu.memory_space<vmem>>) dst(%dma_wait3A_1974 : memref<32x512xf32, #tpu.memory_space<hbm>>)
      %dma_wait3A_1975 = arith.constant 0 : i32
      %dma_wait3A_1976 = arith.constant 480 : i32
      %dma_wait3A_1977 = arith.constant 0 : i32
      %dma_wait3A_1978 = tpu.memref_slice %arg12[%dma_wait3A_1975, %dma_wait3A_1976, %dma_wait3A_1977] : memref<77x1024x512xf32, #tpu.memory_space<hbm>> -> memref<1x32x512xf32, #tpu.memory_space<hbm>>
      %dma_wait3A_1979 = tpu.memref_squeeze %dma_wait3A_1978 : memref<1x32x512xf32, #tpu.memory_space<hbm>> -> memref<32x512xf32, #tpu.memory_space<hbm>>
      %dma_wait3A_1980 = arith.constant 480 : i32
      %dma_wait3A_1981 = arith.constant 0 : i32
      %dma_wait3A_1982 = tpu.memref_slice %arg12[%dma_wait3A_1975, %dma_wait3A_1980, %dma_wait3A_1981] : memref<77x1024x512xf32, #tpu.memory_space<hbm>> -> memref<1x32x512xf32, #tpu.memory_space<hbm>>
      %dma_wait3A_1983 = tpu.memref_squeeze %dma_wait3A_1982 : memref<1x32x512xf32, #tpu.memory_space<hbm>> -> memref<32x512xf32, #tpu.memory_space<hbm>>
      tpu.wait_dma2 semaphore(%arg29 : memref<!tpu.dma_semaphore, #tpu.memory_space<semaphore_mem>>) src(%arg24 : memref<32x512xf32, #tpu.memory_space<vmem>>) dst(%dma_wait3A_1983 : memref<32x512xf32, #tpu.memory_space<hbm>>)
    } else {
    }
    %dma_wait3A_1776 = arith.constant 3 : i32
    %dma_wait3A_1777 = arith.constant 12 : i32
    %dma_wait3A_1778 = arith.constant 0 : i32
    %dma_wait3A_1779 = arith.constant 0 : i32
    %dma_wait3A_1780 = tpu.memref_slice %arg23[%dma_wait3A_1776, %dma_wait3A_1778, %dma_wait3A_1779] : memref<4x8x512xf32, #tpu.memory_space<vmem>> -> memref<1x8x512xf32, #tpu.memory_space<vmem>>
    %dma_wait3A_1781 = tpu.memref_squeeze %dma_wait3A_1780 : memref<1x8x512xf32, #tpu.memory_space<vmem>> -> memref<8x512xf32, #tpu.memory_space<vmem>>
    %dma_wait3A_1782 = arith.constant 0 : i32
    %dma_wait3A_1783 = tpu.memref_slice %arg12[%dma_wait3A_1777, %add3A_1612, %dma_wait3A_1782] : memref<77x1024x512xf32, #tpu.memory_space<hbm>> -> memref<1x8x512xf32, #tpu.memory_space<hbm>>
    %dma_wait3A_1784 = tpu.memref_squeeze %dma_wait3A_1783 : memref<1x8x512xf32, #tpu.memory_space<hbm>> -> memref<8x512xf32, #tpu.memory_space<hbm>>
    %dma_wait3A_1785 = arith.constant 0 : i32
    %dma_wait3A_1786 = tpu.memref_slice %arg12[%dma_wait3A_1777, %add3A_1612, %dma_wait3A_1785] : memref<77x1024x512xf32, #tpu.memory_space<hbm>> -> memref<1x8x512xf32, #tpu.memory_space<hbm>>
    %dma_wait3A_1787 = tpu.memref_squeeze %dma_wait3A_1786 : memref<1x8x512xf32, #tpu.memory_space<hbm>> -> memref<8x512xf32, #tpu.memory_space<hbm>>
    %dma_wait3A_1788 = arith.constant 0 : i32
    %dma_wait3A_1789 = arith.constant 0 : i32
    %dma_wait3A_1790 = tpu.memref_slice %arg23[%dma_wait3A_1776, %dma_wait3A_1788, %dma_wait3A_1789] : memref<4x8x512xf32, #tpu.memory_space<vmem>> -> memref<1x8x512xf32, #tpu.memory_space<vmem>>
    %dma_wait3A_1791 = tpu.memref_squeeze %dma_wait3A_1790 : memref<1x8x512xf32, #tpu.memory_space<vmem>> -> memref<8x512xf32, #tpu.memory_space<vmem>>
    tpu.wait_dma2 semaphore(%arg28 : memref<!tpu.dma_semaphore, #tpu.memory_space<semaphore_mem>>) src(%dma_wait3A_1791 : memref<8x512xf32, #tpu.memory_space<vmem>>) dst(%dma_wait3A_1787 : memref<8x512xf32, #tpu.memory_space<hbm>>)
    %dma_wait3A_1792 = arith.constant 3 : i32
    %dma_wait3A_1793 = arith.constant 12 : i32
    %dma_wait3A_1794 = arith.constant 0 : i32
    %dma_wait3A_1795 = arith.constant 0 : i32
    %dma_wait3A_1796 = tpu.memref_slice %arg23[%dma_wait3A_1792, %dma_wait3A_1794, %dma_wait3A_1795] : memref<4x8x512xf32, #tpu.memory_space<vmem>> -> memref<1x8x512xf32, #tpu.memory_space<vmem>>
    %dma_wait3A_1797 = tpu.memref_squeeze %dma_wait3A_1796 : memref<1x8x512xf32, #tpu.memory_space<vmem>> -> memref<8x512xf32, #tpu.memory_space<vmem>>
    %dma_wait3A_1798 = arith.constant 0 : i32
    %dma_wait3A_1799 = tpu.memref_slice %arg12[%dma_wait3A_1793, %add3A_1612, %dma_wait3A_1798] : memref<77x1024x512xf32, #tpu.memory_space<hbm>> -> memref<1x8x512xf32, #tpu.memory_space<hbm>>
    %dma_wait3A_1800 = tpu.memref_squeeze %dma_wait3A_1799 : memref<1x8x512xf32, #tpu.memory_space<hbm>> -> memref<8x512xf32, #tpu.memory_space<hbm>>
    %dma_wait3A_1801 = arith.constant 0 : i32
    %dma_wait3A_1802 = tpu.memref_slice %arg12[%dma_wait3A_1793, %add3A_1612, %dma_wait3A_1801] : memref<77x1024x512xf32, #tpu.memory_space<hbm>> -> memref<1x8x512xf32, #tpu.memory_space<hbm>>
    %dma_wait3A_1803 = tpu.memref_squeeze %dma_wait3A_1802 : memref<1x8x512xf32, #tpu.memory_space<hbm>> -> memref<8x512xf32, #tpu.memory_space<hbm>>
    %dma_wait3A_1804 = arith.constant 0 : i32
    %dma_wait3A_1805 = arith.constant 0 : i32
    %dma_wait3A_1806 = tpu.memref_slice %arg23[%dma_wait3A_1792, %dma_wait3A_1804, %dma_wait3A_1805] : memref<4x8x512xf32, #tpu.memory_space<vmem>> -> memref<1x8x512xf32, #tpu.memory_space<vmem>>
    %dma_wait3A_1807 = tpu.memref_squeeze %dma_wait3A_1806 : memref<1x8x512xf32, #tpu.memory_space<vmem>> -> memref<8x512xf32, #tpu.memory_space<vmem>>
    tpu.wait_dma2 semaphore(%arg28 : memref<!tpu.dma_semaphore, #tpu.memory_space<semaphore_mem>>) src(%dma_wait3A_1807 : memref<8x512xf32, #tpu.memory_space<vmem>>) dst(%dma_wait3A_1803 : memref<8x512xf32, #tpu.memory_space<hbm>>)
    %dma_wait3A_1808 = arith.constant 3 : i32
    %dma_wait3A_1809 = arith.constant 12 : i32
    %dma_wait3A_1810 = arith.constant 0 : i32
    %dma_wait3A_1811 = arith.constant 0 : i32
    %dma_wait3A_1812 = tpu.memref_slice %arg23[%dma_wait3A_1808, %dma_wait3A_1810, %dma_wait3A_1811] : memref<4x8x512xf32, #tpu.memory_space<vmem>> -> memref<1x8x512xf32, #tpu.memory_space<vmem>>
    %dma_wait3A_1813 = tpu.memref_squeeze %dma_wait3A_1812 : memref<1x8x512xf32, #tpu.memory_space<vmem>> -> memref<8x512xf32, #tpu.memory_space<vmem>>
    %dma_wait3A_1814 = arith.constant 0 : i32
    %dma_wait3A_1815 = tpu.memref_slice %arg12[%dma_wait3A_1809, %add3A_1612, %dma_wait3A_1814] : memref<77x1024x512xf32, #tpu.memory_space<hbm>> -> memref<1x8x512xf32, #tpu.memory_space<hbm>>
    %dma_wait3A_1816 = tpu.memref_squeeze %dma_wait3A_1815 : memref<1x8x512xf32, #tpu.memory_space<hbm>> -> memref<8x512xf32, #tpu.memory_space<hbm>>
    %dma_wait3A_1817 = arith.constant 0 : i32
    %dma_wait3A_1818 = tpu.memref_slice %arg12[%dma_wait3A_1809, %add3A_1612, %dma_wait3A_1817] : memref<77x1024x512xf32, #tpu.memory_space<hbm>> -> memref<1x8x512xf32, #tpu.memory_space<hbm>>
    %dma_wait3A_1819 = tpu.memref_squeeze %dma_wait3A_1818 : memref<1x8x512xf32, #tpu.memory_space<hbm>> -> memref<8x512xf32, #tpu.memory_space<hbm>>
    %dma_wait3A_1820 = arith.constant 0 : i32
    %dma_wait3A_1821 = arith.constant 0 : i32
    %dma_wait3A_1822 = tpu.memref_slice %arg23[%dma_wait3A_1808, %dma_wait3A_1820, %dma_wait3A_1821] : memref<4x8x512xf32, #tpu.memory_space<vmem>> -> memref<1x8x512xf32, #tpu.memory_space<vmem>>
    %dma_wait3A_1823 = tpu.memref_squeeze %dma_wait3A_1822 : memref<1x8x512xf32, #tpu.memory_space<vmem>> -> memref<8x512xf32, #tpu.memory_space<vmem>>
    tpu.wait_dma2 semaphore(%arg28 : memref<!tpu.dma_semaphore, #tpu.memory_space<semaphore_mem>>) src(%dma_wait3A_1823 : memref<8x512xf32, #tpu.memory_space<vmem>>) dst(%dma_wait3A_1819 : memref<8x512xf32, #tpu.memory_space<hbm>>)
    %dma_wait3A_1824 = arith.constant 3 : i32
    %dma_wait3A_1825 = arith.constant 12 : i32
    %dma_wait3A_1826 = arith.constant 0 : i32
    %dma_wait3A_1827 = arith.constant 0 : i32
    %dma_wait3A_1828 = tpu.memref_slice %arg23[%dma_wait3A_1824, %dma_wait3A_1826, %dma_wait3A_1827] : memref<4x8x512xf32, #tpu.memory_space<vmem>> -> memref<1x8x512xf32, #tpu.memory_space<vmem>>
    %dma_wait3A_1829 = tpu.memref_squeeze %dma_wait3A_1828 : memref<1x8x512xf32, #tpu.memory_space<vmem>> -> memref<8x512xf32, #tpu.memory_space<vmem>>
    %dma_wait3A_1830 = arith.constant 0 : i32
    %dma_wait3A_1831 = tpu.memref_slice %arg12[%dma_wait3A_1825, %add3A_1612, %dma_wait3A_1830] : memref<77x1024x512xf32, #tpu.memory_space<hbm>> -> memref<1x8x512xf32, #tpu.memory_space<hbm>>
    %dma_wait3A_1832 = tpu.memref_squeeze %dma_wait3A_1831 : memref<1x8x512xf32, #tpu.memory_space<hbm>> -> memref<8x512xf32, #tpu.memory_space<hbm>>
    %dma_wait3A_1833 = arith.constant 0 : i32
    %dma_wait3A_1834 = tpu.memref_slice %arg12[%dma_wait3A_1825, %add3A_1612, %dma_wait3A_1833] : memref<77x1024x512xf32, #tpu.memory_space<hbm>> -> memref<1x8x512xf32, #tpu.memory_space<hbm>>
    %dma_wait3A_1835 = tpu.memref_squeeze %dma_wait3A_1834 : memref<1x8x512xf32, #tpu.memory_space<hbm>> -> memref<8x512xf32, #tpu.memory_space<hbm>>
    %dma_wait3A_1836 = arith.constant 0 : i32
    %dma_wait3A_1837 = arith.constant 0 : i32
    %dma_wait3A_1838 = tpu.memref_slice %arg23[%dma_wait3A_1824, %dma_wait3A_1836, %dma_wait3A_1837] : memref<4x8x512xf32, #tpu.memory_space<vmem>> -> memref<1x8x512xf32, #tpu.memory_space<vmem>>
    %dma_wait3A_1839 = tpu.memref_squeeze %dma_wait3A_1838 : memref<1x8x512xf32, #tpu.memory_space<vmem>> -> memref<8x512xf32, #tpu.memory_space<vmem>>
    tpu.wait_dma2 semaphore(%arg28 : memref<!tpu.dma_semaphore, #tpu.memory_space<semaphore_mem>>) src(%dma_wait3A_1839 : memref<8x512xf32, #tpu.memory_space<vmem>>) dst(%dma_wait3A_1835 : memref<8x512xf32, #tpu.memory_space<hbm>>)
    return
  }
}

</mosaic_0001>

<sc_bundles>
// kernel: kernel.3.cloned.1.call-start
scs
__scs_entry_jumppad:
0x0: {  	(pc) =	sbr.rel $0x88, $3  }
0x1: {  	(tag) =	ssettag $0x0;
	lr =	simm.s32 $0x1  }
0x2: {  	[smem:$0x3F97] =	sst lr;
	_ =	strace $0xD0000000  }
0x3: {  	_ = 	snop  }
0x4: {  	_ = 	snop  }
0x5: {  	_ = 	snop  }
0x6: {  	_ = 	snop  }
0x7: {  	_ = 	snop  }
__scs_overlays_trampoline_lowered:
0x8: {  	[smem:$0x3FA6] =	sst s0  }
0x9: {  	[smem:$0x3FA7] =	sst s1  }
0xa: {  	[smem:$0x3FA8] =	sst s2  }
0xb: {  	[smem:$0x3FA9] =	sst s3  }
0xc: {  	[smem:$0x3FAA] =	sst s4  }
0xd: {  	[smem:$0x3FAB] =	sst s5  }
0xe: {  	[smem:$0x3FAC] =	sst s6  }
0xf: {  	[smem:$0x3FAD] =	sst s7  }
0x10: {  	[smem:$0x3FAE] =	sst s8  }
0x11: {  	[smem:$0x3FAF] =	sst s9;
	s0 =	simm.s32 @!p0 $0x0  }
0x12: {  	s1 =	sld [smem:$0x3F95];
	s0 =	simm.s32 @p0 $0x1  }
0x13: {  	[smem:$0x3FB0] =	sst s0;
	s0 =	simm.s32 @!p1 $0x0  }
0x14: {  	s2 =	sld [smem:$0x3F94];
	s0 =	simm.s32 @p1 $0x1  }
0x15: {  	[smem:$0x3FB1] =	sst s0;
	s0 =	simm.s32 @!p2 $0x0  }
0x16: {  	s3 =	sld [smem:$0x3FDB];
	s0 =	simm.s32 @p2 $0x1  }
0x17: {  	s4 =	simm.s32 $0x1BF5;
	[smem:$0x3FB3] =	sst s0  }
0x18: {  	s0 =	sld [smem:$0x3F96];
	_ =	swait.ge [sflag:s4], $0x0  }
0x19: {  	s7 =	sld [smem:$0x3F97]  }
0x1a: {  	s8 =	sadd.s32 $0xFFFFE003, lr  }
0x1b: {  	s9 =	sadd.s32 $0xFFFFFEF7, lr;
	s5 =	simm.s32 $0xFFFFFFFF;
	p2 =	slt.u32 s8, $0xFFFFF086  }
0x1c: {  	p1 =	slt.u32 s9, $0xF7A;
	s5 =	simm.s32 @!p2 $0x0  }
0x1d: {  	s5 =	simm.s32 @p1 $0x1;
	p0 =	seq.s32 s7, s2  }
0x1e: {  	s7 =	smul.u32 @!p0 $0xF7A, s2;
	p2 =	seq.s32 @!p0 s5, $0x0  }
0x1f: {  	s9 =	smul.u32 $0xF7A, s1;
	s8 =	simm.s32 @!p0 $0x1BF5;
	p2 =	por !p2, p0  }
0x20: {  	[sflag:s8] =	ssyncset.s32 @!p0 $0xFFFFF086;
	s6 =	sadd.s32 @!p0 s3, s7;
	s7 =	simm.s32 @!p0 $0x108  }
0x21: {  	s3 =	sadd.s32 s3, s9;
	s6 =	sadd.s32 @!p0 $0x88, s6;
	s7 =	simm.s32 @p2 $0x1082  }
0x22: {  	[simem:s7], [sflag:s8] =	dma.local @!p0 [hbm:s6], $0xF7A  }
0x23: {  	s9 =	sor.u32 $0xD0000000, s2;
	s6 =	simm.s32 $0x108;
	_ =	swait.ge @!p0 [sflag:s8], $0x0  }
0x24: {  	s3 =	sadd.s32 $0x88, s3;
	s6 =	simm.s32 @!p1 $0x1082;
	[sflag:s4] =	ssyncset.s32 $0xFFFFF086  }
0x25: {  	[simem:s6], [sflag:s4] =	dma.local [hbm:s3], $0xF7A  }
0x26: {  	[smem:$0x3F97] =	sst s1;
	(tag) =	ssettag s2;
	_ =	strace s9  }
0x27: {  	s1 =	sld [smem:$0x3FA7]  }
0x28: {  	s2 =	sld [smem:$0x3FA8]  }
0x29: {  	s4 =	sld [smem:$0x3FAA]  }
0x2a: {  	p0 =	seq.s32 s5, $0x0;
	s5 =	sld [smem:$0x3FAB]  }
0x2b: {  	s6 =	sld [smem:$0x3FAC]  }
0x2c: {  	s7 =	sld [smem:$0x3FAD]  }
0x2d: {  	s3 =	simm.s32 $0x108;
	s8 =	sld [smem:$0x3FAE]  }
0x2e: {  	s3 =	simm.s32 @!p0 $0x1082;
	s9 =	sld [smem:$0x3FAF]  }
0x2f: {  	lr =	sadd.s32 s0, s3;
	s0 =	sld [smem:$0x3FA6]  }
0x30: {  	s3 =	sld [smem:$0x3FA9]  }
0x31: {  	[smem:$0x3FB2] =	sst s10  }
0x32: {  	s10 =	sld [smem:$0x3FB0];
	_ =	sdelay $0x3  }
0x33: {  	p0 =	seq.s32 s10, $0x1;
	s10 =	sld [smem:$0x3FB2];
	_ =	sdelay $0x3  }
0x34: {  	[smem:$0x3FB2] =	sst s10  }
0x35: {  	s10 =	sld [smem:$0x3FB1];
	_ =	sdelay $0x3  }
0x36: {  	p1 =	seq.s32 s10, $0x1;
	s10 =	sld [smem:$0x3FB2];
	_ =	sdelay $0x3  }
0x37: {  	[smem:$0x3FB2] =	sst s10  }
0x38: {  	s10 =	sld [smem:$0x3FB3]  }
0x39: {  	_ = 	snop;
	(pc) =	sbr.ind lr, $3  }
0x3a: {  	_ = 	snop  }
0x3b: {  	_ = 	snop  }
0x3c: {  	p2 =	seq.s32 s10, $0x1;
	s10 =	sld [smem:$0x3FB2]  }
0x3d: {  	_ =	shalt  }
0x3e: {  	_ =	shalt  }
0x3f: {  	_ =	shalt  }
0x40: {  	_ =	shalt  }
0x41: {  	_ =	shalt  }
0x42: {  	_ =	shalt  }
0x43: {  	_ =	shalt  }
0x44: {  	_ =	shalt  }
0x45: {  	_ =	shalt  }
0x46: {  	_ =	shalt  }
0x47: {  	_ =	shalt  }
0x48: {  	_ =	shalt  }
0x49: {  	_ =	shalt  }
0x4a: {  	_ =	shalt  }
0x4b: {  	_ =	shalt  }
0x4c: {  	_ =	shalt  }
0x4d: {  	_ =	shalt  }
0x4e: {  	_ =	shalt  }
0x4f: {  	_ =	shalt  }
0x50: {  	_ =	shalt  }
0x51: {  	_ =	shalt  }
0x52: {  	_ =	shalt  }
0x53: {  	_ =	shalt  }
0x54: {  	_ =	shalt  }
0x55: {  	_ =	shalt  }
0x56: {  	_ =	shalt  }
0x57: {  	_ =	shalt  }
0x58: {  	_ =	shalt  }
0x59: {  	_ =	shalt  }
0x5a: {  	_ =	shalt  }
0x5b: {  	_ =	shalt  }
0x5c: {  	_ =	shalt  }
0x5d: {  	_ =	shalt  }
0x5e: {  	_ =	shalt  }
0x5f: {  	_ =	shalt  }
0x60: {  	_ =	shalt  }
0x61: {  	_ =	shalt  }
0x62: {  	_ =	shalt  }
0x63: {  	_ =	shalt  }
0x64: {  	_ =	shalt  }
0x65: {  	_ =	shalt  }
0x66: {  	_ =	shalt  }
0x67: {  	_ =	shalt  }
0x68: {  	_ =	shalt  }
0x69: {  	_ =	shalt  }
0x6a: {  	_ =	shalt  }
0x6b: {  	_ =	shalt  }
0x6c: {  	_ =	shalt  }
0x6d: {  	_ =	shalt  }
0x6e: {  	_ =	shalt  }
0x6f: {  	_ =	shalt  }
0x70: {  	_ =	shalt  }
0x71: {  	_ =	shalt  }
0x72: {  	_ =	shalt  }
0x73: {  	_ =	shalt  }
0x74: {  	_ =	shalt  }
0x75: {  	_ =	shalt  }
0x76: {  	_ =	shalt  }
0x77: {  	_ =	shalt  }
0x78: {  	_ =	shalt  }
0x79: {  	_ =	shalt  }
0x7a: {  	_ =	shalt  }
0x7b: {  	_ =	shalt  }
0x7c: {  	_ =	shalt  }
0x7d: {  	_ =	shalt  }
0x7e: {  	_ =	shalt  }
0x7f: {  	_ =	shalt  }
0x80: {  	_ =	shalt  }
0x81: {  	_ =	shalt  }
0x82: {  	_ =	shalt  }
0x83: {  	_ =	shalt  }
0x84: {  	_ =	shalt  }
0x85: {  	_ =	shalt  }
0x86: {  	_ =	shalt  }
0x87: {  	_ =	shalt  }
.Lfunc_end0:
.L_simem_size_0:
called_computation_lowered:
.L_overlay_start_0:
0x88: {  	s2 =	sld [smem:$0x3FD9]  }
0x89: {  	s3 =	sld [smem:$0x3FFE];
	_ =	sdelay $0x1  }
0x8a: {  	s1 =	srdreg.scid  }
0x8b: {  	s0 =	sand.u32 $0x1, s1  }
0x8c: {  	s17 =	sshll.u32 s0, $0xA;
	s2 =	sadd.s32 s3, s2  }
0x8d: {  	s2 =	sadd.s32 s2, s17  }
0x8e: {  	[smem:$0x3FBE] =	sst s2  }
0x8f: {  	_ = 	snop  }
0x90: {  	s2 =	sld [smem:$0x3FC9]  }
0x91: {  	s18 =	sld [smem:$0x3FC8]  }
0x92: {  	s4 =	sld [smem:$0x3FC7]  }
0x93: {  	s5 =	sld [smem:$0x3FC6]  }
0x94: {  	s6 =	sld [smem:$0x3FC5]  }
0x95: {  	s7 =	sld [smem:$0x3FC4]  }
0x96: {  	s8 =	sld [smem:$0x3FC3]  }
0x97: {  	s9 =	sld [smem:$0x3FC2]  }
0x98: {  	s10 =	sld [smem:$0x3FC0]  }
0x99: {  	s11 =	sld [smem:$0x3FD0];
	(tm) =	ssettm $0x1  }
0x9a: {  	s12 =	sld [smem:$0x3FFB];
	_ =	sdelay $0x3  }
0x9b: {  	_ =	strace s12  }
0x9c: {  	s12 =	sld [smem:$0x3FFC];
	_ =	sdelay $0x3  }
0x9d: {  	_ =	strace s12  }
0x9e: {  	s12 =	sld [smem:$0x3FFD];
	_ =	sdelay $0x3  }
0x9f: {  	_ =	strace s12  }
0xa0: {  	_ =	strace $0x8FFFFFFF  }
0xa1: {  	s19 =	sld [smem:$0x3FDB];
	_ =	sdelay $0x1  }
0xa2: {  	s13 =	simm.s32 $_scs_section_size  }
0xa3: {  	s14 =	simm.s32 $_size__tile_overlayer_lowered;
	s15 =	simm.s32 $_tile_overlayer_lowered  }
0xa4: {  	s22 =	simm.s32 $0x1BFF;
	s21 =	sshll.u32 s15, $0x1;
	s12 =	sadd.s32 s13, s19  }
0xa5: {  	s16 =	simm.s32 $0x0;
	s20 =	sshll.u32 s14, $0x1;
	s14 =	sadd.s32 s21, s12  }
0xa6: {  	[timem:s16], [sflag:s22] =	dma.local [hbm:s14], s20  }
0xa7: {  	_ =	swait.ge [sflag:s22], s20  }
0xa8: {  	s13 =	ssub.s32 $0x0, s20;
	[sflag:s22] =	ssyncset.done $0x0  }
0xa9: {  	[sflag:s22] =	ssyncadd.s32 s13;
	_ =	sdelay $0x1  }
0xaa: {  	s23 =	simm.s32 $0x1B8B  }
0xab: {  	_ =	swait.ge [sflag:s23], $0x1  }
0xac: {  	[sflag:s23] =	ssyncset.done $0x0  }
0xad: {  	s25 =	simm.s32 $0x1B8E;
	s24 =	sld [smem:$0x3FFE];
	[sflag:s23] =	ssyncadd.s32 $0xFFFFFFFF  }
0xae: {  	s26 =	simm.s32 $execute0_lowered;
	[smem:$0x3FD2] =	sst s25  }
0xaf: {  	s14 =	sshll.u32 s26, $0x1;
	_ =	strace $0x80000046;
	[dreg:$0x1] =	wrdreg $0xFFFFFFFF  }
0xb0: {  	s28 =	simm.s32 $_size_execute0_lowered;
	s12 =	sadd.s32 s12, s14;
	[dreg:$0x0] =	wrdreg $0x0  }
0xb1: {  	s14 =	sshll.u32 s28, $0x1;
	[dreg:$0x2] =	wrdreg s12  }
0xb2: {  	[dreg:$0x3] =	wrdreg s14  }
0xb3: {  	[dreg:$0x4] =	wrdreg $0xC0  }
0xb4: {  	_ =	task [dreg:s16], $0x5FFFF  }
0xb5: {  	[dreg:$0x1] =	wrdreg $0xFFFFFFFF  }
0xb6: {  	[dreg:$0x0] =	wrdreg $0x60  }
0xb7: {  	[dreg:$0x2] =	wrdreg s2  }
0xb8: {  	[dreg:$0x3] =	wrdreg s18  }
0xb9: {  	[dreg:$0x4] =	wrdreg s4  }
0xba: {  	[dreg:$0x5] =	wrdreg s5  }
0xbb: {  	[dreg:$0x6] =	wrdreg s6  }
0xbc: {  	[dreg:$0x7] =	wrdreg s7  }
0xbd: {  	[dreg:$0x8] =	wrdreg s8  }
0xbe: {  	[dreg:$0x9] =	wrdreg s9  }
0xbf: {  	[dreg:$0xa] =	wrdreg s24  }
0xc0: {  	[dreg:$0xb] =	wrdreg s10  }
0xc1: {  	[dreg:$0xc] =	wrdreg s11  }
0xc2: {  	[dreg:$0xd] =	wrdreg $0x9  }
0xc3: {  	_ =	task.clear_ibuf [dreg:s16], $0xEFFFF;
	_ =	strace $0x90000046  }
0xc4: {  	s29 =	simm.s32 $0x9;
	_ =	strace $0x80000048  }
0xc5: {  	_ =	swait.ge [sflag:s29], $0x1  }
0xc6: {  	[sflag:s29] =	ssyncadd.s32 $0xFFFFFFFF  }
0xc7: {  	_ =	strace $0x90000048  }
0xc8: {  	_ =	sfence  }
0xc9: {  	s30 =	sld [smem:$0x0];
	_ =	sdelay $0x2  }
0xca: {  	s31 =	sshll.u32 s1, $0xD;
	s1 =	sshrl.u32 s1, $0x2  }
0xcb: {  	s3 =	sand.u32 $0x4000, s31;
	s1 =	sadd.s32 s1, s30  }
0xcc: {  	s0 =	sor.u32 s3, s0;
	s1 =	sshll.u32 s1, $0x11  }
0xcd: {  	s0 =	sor.u32 s1, s0  }
0xce: {  	s0 =	sadd.s32 $0x8F2B, s0  }
0xcf: {  	[sflag:s0] =	ssyncadd.remote.s32 $0x1  }
0xd0: {  	_ =	sfence.sel $0xFFFF  }
0xd1: {  	[dreg:$0x0] =	wrdreg $0xFFFFFFFF;
	(pc) =	sbr.abs _section_cstart, $3  }
0xd2: {  	[dreg:$0x1] =	wrdreg $0xFFFFFFFF  }
0xd3: {  	_ =	task.clear_ibuf [dreg:s16], $0x2FFFF;
	_ =	strace $0x9FFFFFFF  }
0xd4: {  	(tm) =	ssettm $0x7FFFFFFF  }
0xd5: {  	_ =	shalt  }
tec
execute0_lowered:
.L_overlay_start_1:
0x0: {  	(tag) =	ssettag $0x1  }
0x1: {  	s3 =	rddreg [dreg:$0x0]  }
0x2: {  	s5 =	rddreg [dreg:$0x1]  }
0x3: {  	s6 =	rddreg [dreg:$0x2]  }
0x4: {  	s0 =	srdreg.scid;
	s7 =	rddreg [dreg:$0x3]  }
0x5: {  	s13 =	stileid.u32;
	s2 =	rddreg [dreg:$0xa];
	s8 =	simm.s32 $0x1  }
0x6: {  	s11 =	simm.s32 $0x4;
	s28 =	rddreg [dreg:$0x9];
	s0 =	sand.u32 $0x1, s0  }
0x7: {  	s1 =	sshll.u32 s13, $0x1;
	s29 =	sadd.s32 $0x100, s28;
	s30 =	smov.u32 s28  }
0x8: {  	s4 =	sor.u32 s0, s1;
	p1 =	seq.s32 s0, $0x1;
	s1 =	simm.s32 $0x0  }
0x9: {  	s0 =	ssub.s32 $0x2, s0;
	p0 =	seq.s32 s4, $0x0;
	[smem:$0x7FF] =	sst s1  }
0xa: {  	s9 =	sshrl.u32 s0, $0x1;
	s10 =	sshll.u32 s4, $0x2;
	p0 =	por !p0, !p1  }
0xb: {  	s26 =	sshll.u32 s4, $0x12;
	s0 =	ssub.s32 s0, s9;
	p0 =	por !p0, !p0  }
0xc: {  	s3 =	sadd.s32 s3, s10;
	s22 =	sadd.s32 s5, s10;
	s8 =	simm.s32 @!p0 $0x0  }
0xd: {  	s23 =	sadd.s32 s6, s10;
	[dreg:$0xc] =	wrdreg s3;
	s8 =	ssub.s32 s13, s8  }
0xe: {  	s5 =	simm.s32 $0xFFFFFFF7;
	[dreg:$0xd] =	wrdreg s22;
	p0 =	sgt.s32 s8, $0x8  }
0xf: {  	s10 =	sadd.s32 s7, s10;
	[dreg:$0xe] =	wrdreg s23;
	s11 =	simm.s32 @!p0 $0x0  }
0x10: {  	[dreg:$0xf] =	wrdreg s10;
	s25 =	sshll.u32 s8, $0x13;
	s24 =	sadd.s32 s8, s11  }
0x11: {  	s5 =	simm.s32 @!p0 $0x0;
	s6 =	ssub.s32 s26, s25;
	s11 =	sshll.u32 s24, $0x13  }
0x12: {  	p0 =	slt.s32 s8, $0x9;
	s3 =	sadd.s32 s8, s5;
	s6 =	sadd.s32 s6, s11  }
0x13: {  	s12 =	sshrl.u32 s6, $0x3;
	s14 =	sor.u32 $0x4000, s6;
	s16 =	sor.u32 $0x8000, s6  }
0x14: {  	s18 =	sor.u32 $0xC000, s6;
	s20 =	sor.u32 $0x10000, s6;
	s22 =	sor.u32 $0x14000, s6  }
0x15: {  	s24 =	sor.u32 $0x18000, s6;
	s26 =	sor.u32 $0x1C000, s6;
	s9 =	sor.u32 $0x20000, s6  }
0x16: {  	s11 =	sor.u32 $0x24000, s6;
	s5 =	sadd.s32 s2, s12;
	s15 =	sshrl.u32 s14, $0x3  }
0x17: {  	s17 =	sshrl.u32 s16, $0x3;
	s19 =	sshrl.u32 s18, $0x3;
	s21 =	sshrl.u32 s20, $0x3  }
0x18: {  	s23 =	sshrl.u32 s22, $0x3;
	s25 =	sshrl.u32 s24, $0x3;
	s8 =	sshrl.u32 s26, $0x3  }
0x19: {  	s22 =	sor.u32 $0x38000, s6;
	[dreg:$0x10] =	wrdreg s5;
	s5 =	sadd.s32 s2, s15  }
0x1a: {  	s7 =	sshrl.u32 s22, $0x3;
	[dreg:$0x11] =	wrdreg s5;
	s5 =	sadd.s32 s2, s17  }
0x1b: {  	s10 =	sshrl.u32 s9, $0x3;
	s7 =	sadd.s32 s2, s7;
	[dreg:$0x12] =	wrdreg s5  }
0x1c: {  	s12 =	sshrl.u32 s11, $0x3;
	s5 =	sadd.s32 s2, s19;
	[dreg:$0x1e] =	wrdreg s7  }
0x1d: {  	s14 =	sor.u32 $0x28000, s6;
	[dreg:$0x13] =	wrdreg s5;
	s5 =	sadd.s32 s2, s21  }
0x1e: {  	s16 =	sor.u32 $0x2C000, s6;
	[dreg:$0x14] =	wrdreg s5;
	s5 =	sadd.s32 s2, s23  }
0x1f: {  	s18 =	sor.u32 $0x30000, s6;
	[dreg:$0x15] =	wrdreg s5;
	s5 =	sadd.s32 s2, s25  }
0x20: {  	s20 =	sor.u32 $0x34000, s6;
	[dreg:$0x16] =	wrdreg s5;
	s5 =	sadd.s32 s2, s8  }
0x21: {  	s6 =	sor.u32 $0x3C000, s6;
	[dreg:$0x17] =	wrdreg s5;
	s5 =	sadd.s32 s2, s10  }
0x22: {  	s15 =	sshrl.u32 s14, $0x3;
	[dreg:$0x18] =	wrdreg s5;
	s5 =	sadd.s32 s2, s12  }
0x23: {  	s17 =	sshrl.u32 s16, $0x3;
	[dreg:$0x19] =	wrdreg s5;
	s5 =	sadd.s32 s2, s15  }
0x24: {  	s19 =	sshrl.u32 s18, $0x3;
	[dreg:$0x1a] =	wrdreg s5;
	s5 =	sadd.s32 s2, s17  }
0x25: {  	s21 =	sshrl.u32 s20, $0x3;
	[dreg:$0x1b] =	wrdreg s5;
	s5 =	sadd.s32 s2, s19  }
0x26: {  	s6 =	sshrl.u32 s6, $0x3;
	[dreg:$0x1c] =	wrdreg s5;
	s5 =	sadd.s32 s2, s21  }
0x27: {  	s6 =	sadd.s32 s2, s6;
	[dreg:$0x1d] =	wrdreg s5;
	s5 =	sor.u32 $0x20, s4  }
0x28: {  	s31 =	smov.u32 s29;
	[dreg:$0x1f] =	wrdreg s6;
	s7 =	sshll.u32 s5, $0x12  }
0x29: {  	s5 =	sshrl.u32 s5, $0x1;
	s23 =	sadd.s32 $0x200000, s7;
	s24 =	sadd.s32 $0x204000, s7  }
0x2a: {  	s9 =	sadd.s32 $0x208000, s7;
	s10 =	sadd.s32 $0x20C000, s7;
	s11 =	sadd.s32 $0x210000, s7  }
0x2b: {  	s16 =	sadd.s32 $0x214000, s7;
	s17 =	sadd.s32 $0x218000, s7;
	s18 =	sadd.s32 $0x21C000, s7  }
0x2c: {  	s22 =	sadd.s32 $0x220000, s7;
	s25 =	sshrl.u32 s23, $0x3;
	s26 =	sshrl.u32 s24, $0x3  }
0x2d: {  	s12 =	sshrl.u32 s10, $0x3;
	s14 =	sshrl.u32 s11, $0x3;
	s19 =	sshrl.u32 s17, $0x3  }
0x2e: {  	s20 =	sshrl.u32 s18, $0x3;
	s23 =	sadd.s32 $0x224000, s7;
	s24 =	sadd.s32 $0x228000, s7  }
0x2f: {  	s10 =	sadd.s32 $0x22C000, s7;
	s11 =	sadd.s32 $0x230000, s7;
	s6 =	sadd.s32 s2, s25  }
0x30: {  	s17 =	sadd.s32 $0x238000, s7;
	s8 =	sadd.s32 s2, s26;
	[smem:$0x7AD] =	sst s6  }
0x31: {  	s18 =	sadd.s32 $0x23C000, s7;
	s15 =	sadd.s32 s2, s14;
	[smem:$0x7AE] =	sst s8  }
0x32: {  	s21 =	sadd.s32 s2, s20;
	s26 =	sshrl.u32 s24, $0x3;
	[smem:$0x7B1] =	sst s15  }
0x33: {  	s6 =	sshrl.u32 s9, $0x3;
	[smem:$0x7B4] =	sst s21;
	s9 =	sadd.s32 s2, s26  }
0x34: {  	s25 =	sshrl.u32 s23, $0x3;
	s6 =	sadd.s32 s2, s6;
	[smem:$0x7B7] =	sst s9  }
0x35: {  	s14 =	sshrl.u32 s11, $0x3;
	s20 =	sshll.u32 s4, $0xB;
	[smem:$0x7AF] =	sst s6  }
0x36: {  	s6 =	sadd.s32 s2, s12;
	s12 =	sadd.s32 $0x234000, s7;
	s7 =	sor.u32 $0x40, s4  }
0x37: {  	[smem:$0x7B0] =	sst s6;
	s6 =	sshrl.u32 s16, $0x3;
	s15 =	sshrl.u32 s12, $0x3  }
0x38: {  	s9 =	sshll.u32 s7, $0x12;
	s7 =	sshrl.u32 s7, $0x1;
	s6 =	sadd.s32 s2, s6  }
0x39: {  	s16 =	sadd.s32 s2, s15;
	s21 =	sadd.s32 $0x200000, s9;
	s24 =	sadd.s32 $0x208000, s9  }
0x3a: {  	s26 =	sadd.s32 $0x20C000, s9;
	s11 =	sadd.s32 $0x210000, s9;
	[smem:$0x7B2] =	sst s6  }
0x3b: {  	s6 =	sadd.s32 s2, s19;
	[smem:$0x7BA] =	sst s16;
	s19 =	sshrl.u32 s18, $0x3  }
0x3c: {  	s8 =	sshrl.u32 s21, $0x3;
	s12 =	sshrl.u32 s11, $0x3;
	s16 =	sadd.s32 $0x218000, s9  }
0x3d: {  	s18 =	sadd.s32 $0x21C000, s9;
	s11 =	sadd.s32 $0x230000, s9;
	[smem:$0x7B3] =	sst s6  }
0x3e: {  	s6 =	sshrl.u32 s22, $0x3;
	s22 =	sadd.s32 $0x204000, s9;
	s8 =	sadd.s32 s2, s8  }
0x3f: {  	s6 =	sadd.s32 s2, s6;
	[smem:$0x7BD] =	sst s8;
	s23 =	sshrl.u32 s22, $0x3  }
0x40: {  	s22 =	sadd.s32 $0x224000, s9;
	[smem:$0x7B5] =	sst s6;
	s6 =	sadd.s32 s2, s25  }
0x41: {  	s8 =	sadd.s32 s2, s23;
	s25 =	sshrl.u32 s24, $0x3;
	s23 =	sshrl.u32 s22, $0x3  }
0x42: {  	s24 =	sadd.s32 $0x228000, s9;
	[smem:$0x7B6] =	sst s6;
	s6 =	sshrl.u32 s10, $0x3  }
0x43: {  	[smem:$0x7BE] =	sst s8;
	s8 =	sadd.s32 s2, s25;
	s10 =	sshrl.u32 s26, $0x3  }
0x44: {  	s25 =	sshrl.u32 s24, $0x3;
	s6 =	sadd.s32 s2, s6;
	[smem:$0x7BF] =	sst s8  }
0x45: {  	s26 =	sadd.s32 $0x22C000, s9;
	s8 =	sadd.s32 s2, s10;
	[smem:$0x7B8] =	sst s6  }
0x46: {  	s10 =	sshrl.u32 s26, $0x3;
	s6 =	sadd.s32 s2, s14;
	[smem:$0x7C0] =	sst s8  }
0x47: {  	s14 =	sadd.s32 $0x214000, s9;
	s8 =	sadd.s32 s2, s12;
	[smem:$0x7B9] =	sst s6  }
0x48: {  	s12 =	sshrl.u32 s11, $0x3;
	s6 =	sshrl.u32 s17, $0x3;
	[smem:$0x7C1] =	sst s8  }
0x49: {  	s15 =	sshrl.u32 s14, $0x3;
	s17 =	sshrl.u32 s16, $0x3;
	s6 =	sadd.s32 s2, s6  }
0x4a: {  	s8 =	sadd.s32 s2, s15;
	[smem:$0x7BB] =	sst s6;
	s6 =	sadd.s32 s2, s19  }
0x4b: {  	[smem:$0x7C2] =	sst s8;
	s8 =	sadd.s32 s2, s17;
	s19 =	sshrl.u32 s18, $0x3  }
0x4c: {  	[smem:$0x7BC] =	sst s6;
	s6 =	sadd.s32 s20, s2;
	s20 =	sadd.s32 $0x220000, s9  }
0x4d: {  	[smem:$0x7C3] =	sst s8;
	s8 =	sadd.s32 s2, s19;
	s21 =	sshrl.u32 s20, $0x3  }
0x4e: {  	s14 =	sadd.s32 $0x234000, s9;
	[smem:$0x7C4] =	sst s8;
	s8 =	sadd.s32 s2, s21  }
0x4f: {  	s16 =	sadd.s32 $0x238000, s9;
	[smem:$0x7C5] =	sst s8;
	s8 =	sadd.s32 s2, s23  }
0x50: {  	s15 =	sshrl.u32 s14, $0x3;
	[smem:$0x7C6] =	sst s8;
	s8 =	sadd.s32 s2, s25  }
0x51: {  	s9 =	sadd.s32 $0x23C000, s9;
	[smem:$0x7C7] =	sst s8;
	s8 =	sadd.s32 s2, s10  }
0x52: {  	s9 =	sshrl.u32 s9, $0x3;
	[smem:$0x7C8] =	sst s8;
	s8 =	sadd.s32 s2, s12  }
0x53: {  	s10 =	sshrl.u32 s16, $0x3;
	[smem:$0x7C9] =	sst s8;
	s8 =	sadd.s32 s2, s15  }
0x54: {  	s10 =	sadd.s32 s2, s10;
	[smem:$0x7CA] =	sst s8;
	s8 =	sor.u32 $0x60, s4  }
0x55: {  	s9 =	sadd.s32 s2, s9;
	[smem:$0x7CB] =	sst s10;
	s10 =	sshll.u32 s8, $0x12  }
0x56: {  	[smem:$0x7CC] =	sst s9;
	s4 =	sor.u32 $0x80, s4;
	s17 =	sadd.s32 $0x200000, s10  }
0x57: {  	s12 =	sadd.s32 $0x204000, s10;
	s21 =	sadd.s32 $0x208000, s10;
	s22 =	sadd.s32 $0x20C000, s10  }
0x58: {  	s23 =	sadd.s32 $0x210000, s10;
	s11 =	sadd.s32 $0x214000, s10;
	s14 =	sadd.s32 $0x21C000, s10  }
0x59: {  	s18 =	sshrl.u32 s17, $0x3;
	s19 =	sshrl.u32 s12, $0x3;
	s24 =	sshrl.u32 s22, $0x3  }
0x5a: {  	s25 =	sshrl.u32 s23, $0x3;
	s12 =	sadd.s32 $0x218000, s10;
	s16 =	sshrl.u32 s14, $0x3  }
0x5b: {  	s9 =	sadd.s32 s2, s18;
	s20 =	sadd.s32 s2, s19;
	s26 =	sadd.s32 s2, s25  }
0x5c: {  	s15 =	sshrl.u32 s12, $0x3;
	s17 =	sadd.s32 s2, s16;
	[smem:$0x7CD] =	sst s9  }
0x5d: {  	s18 =	sadd.s32 $0x220000, s10;
	s19 =	sadd.s32 $0x224000, s10;
	[smem:$0x7CE] =	sst s20  }
0x5e: {  	s25 =	sadd.s32 $0x230000, s10;
	s9 =	sshrl.u32 s21, $0x3;
	[smem:$0x7D1] =	sst s26  }
0x5f: {  	[smem:$0x7D4] =	sst s17;
	s20 =	sadd.s32 $0x228000, s10;
	s21 =	sshrl.u32 s19, $0x3  }
0x60: {  	s26 =	sadd.s32 $0x234000, s10;
	s9 =	sadd.s32 s2, s9;
	s22 =	sshrl.u32 s20, $0x3  }
0x61: {  	s12 =	sshrl.u32 s26, $0x3;
	[smem:$0x7CF] =	sst s9;
	s9 =	sadd.s32 s2, s24  }
0x62: {  	s23 =	sadd.s32 s2, s22;
	s24 =	sadd.s32 $0x22C000, s10;
	[smem:$0x7D0] =	sst s9  }
0x63: {  	s14 =	sadd.s32 s2, s12;
	s9 =	sshrl.u32 s11, $0x3;
	[smem:$0x7D7] =	sst s23  }
0x64: {  	s11 =	sshrl.u32 s25, $0x3;
	[smem:$0x7DA] =	sst s14;
	s9 =	sadd.s32 s2, s9  }
0x65: {  	[smem:$0x7D2] =	sst s9;
	s9 =	sadd.s32 s2, s15;
	s15 =	sadd.s32 $0x238000, s10  }
0x66: {  	s10 =	sadd.s32 $0x23C000, s10;
	[smem:$0x7D3] =	sst s9;
	s9 =	sshrl.u32 s18, $0x3  }
0x67: {  	s16 =	sshrl.u32 s10, $0x3;
	s10 =	sshll.u32 s4, $0x12;
	s9 =	sadd.s32 s2, s9  }
0x68: {  	s17 =	sadd.s32 $0x200000, s10;
	s18 =	sadd.s32 $0x204000, s10;
	s19 =	sadd.s32 $0x208000, s10  }
0x69: {  	s22 =	sadd.s32 $0x20C000, s10;
	s23 =	sadd.s32 $0x210000, s10;
	s12 =	sadd.s32 $0x21C000, s10  }
0x6a: {  	s14 =	sadd.s32 $0x220000, s10;
	[smem:$0x7D5] =	sst s9;
	s9 =	sadd.s32 s2, s21  }
0x6b: {  	s21 =	sshrl.u32 s19, $0x3;
	[smem:$0x7D6] =	sst s9;
	s9 =	sshrl.u32 s24, $0x3  }
0x6c: {  	s19 =	sadd.s32 $0x22C000, s10;
	s24 =	sadd.s32 $0x214000, s10;
	s9 =	sadd.s32 s2, s9  }
0x6d: {  	[smem:$0x7D8] =	sst s9;
	s9 =	sadd.s32 s2, s11;
	s11 =	sshrl.u32 s18, $0x3  }
0x6e: {  	[smem:$0x7D9] =	sst s9;
	s9 =	sshrl.u32 s15, $0x3;
	s20 =	sadd.s32 s2, s11  }
0x6f: {  	s26 =	sshrl.u32 s24, $0x3;
	s9 =	sadd.s32 s2, s9;
	[smem:$0x7DE] =	sst s20  }
0x70: {  	s11 =	sshrl.u32 s23, $0x3;
	[smem:$0x7DB] =	sst s9;
	s9 =	sadd.s32 s2, s16  }
0x71: {  	s25 =	sadd.s32 s2, s11;
	[smem:$0x7DC] =	sst s9;
	s9 =	sshrl.u32 s17, $0x3  }
0x72: {  	s18 =	sadd.s32 $0x228000, s10;
	[smem:$0x7E1] =	sst s25;
	s9 =	sadd.s32 s2, s9  }
0x73: {  	s23 =	sadd.s32 $0x234000, s10;
	[smem:$0x7DD] =	sst s9;
	s9 =	sadd.s32 s2, s21  }
0x74: {  	s11 =	sadd.s32 $0x218000, s10;
	[smem:$0x7DF] =	sst s9;
	s9 =	sshrl.u32 s22, $0x3  }
0x75: {  	s16 =	sshrl.u32 s14, $0x3;
	s25 =	sadd.s32 $0x238000, s10;
	s9 =	sadd.s32 s2, s9  }
0x76: {  	s17 =	sadd.s32 $0x224000, s10;
	[smem:$0x7E0] =	sst s9;
	s9 =	sadd.s32 s2, s26  }
0x77: {  	s21 =	sshrl.u32 s19, $0x3;
	[smem:$0x7E2] =	sst s9;
	s9 =	sshrl.u32 s11, $0x3  }
0x78: {  	s22 =	sadd.s32 $0x230000, s10;
	s26 =	rddreg [dreg:$0x8];
	s9 =	sadd.s32 s2, s9  }
0x79: {  	s11 =	sshrl.u32 s12, $0x3;
	[smem:$0x7E3] =	sst s9;
	s9 =	sadd.s32 s2, s16  }
0x7a: {  	s15 =	sadd.s32 s2, s11;
	[smem:$0x7E5] =	sst s9;
	s9 =	sshrl.u32 s17, $0x3  }
0x7b: {  	s10 =	sadd.s32 $0x23C000, s10;
	[smem:$0x7E4] =	sst s15;
	s9 =	sadd.s32 s2, s9  }
0x7c: {  	s11 =	sshrl.u32 s18, $0x3;
	[smem:$0x7E6] =	sst s9;
	s9 =	sadd.s32 s2, s21  }
0x7d: {  	s20 =	sadd.s32 s2, s11;
	[smem:$0x7E8] =	sst s9;
	s9 =	sshrl.u32 s22, $0x3  }
0x7e: {  	s11 =	sshrl.u32 s23, $0x3;
	[smem:$0x7E7] =	sst s20;
	s9 =	sadd.s32 s2, s9  }
0x7f: {  	s24 =	sadd.s32 s2, s11;
	[smem:$0x7E9] =	sst s9;
	s9 =	sshrl.u32 s25, $0x3  }
0x80: {  	s10 =	sshrl.u32 s10, $0x3;
	[smem:$0x7EA] =	sst s24;
	s9 =	sadd.s32 s2, s9  }
0x81: {  	s14 =	sadd.s32 $0xC0000, s6;
	s2 =	sadd.s32 s2, s10;
	[smem:$0x7EB] =	sst s9  }
0x82: {  	s12 =	sadd.s32 $0xB0000, s6;
	s10 =	sadd.s32 $0x90000, s6;
	[smem:$0x7EC] =	sst s2  }
0x83: {  	s11 =	sadd.s32 $0xA0000, s6;
	_ =	strace $0x80000047;
	[smem:$0x7ED] =	sst s10  }
0x84: {  	s18 =	sadd.s32 $0xC0200, s6;
	s15 =	sadd.s32 $0x90200, s6;
	[smem:$0x7EE] =	sst s11  }
0x85: {  	s16 =	sadd.s32 $0xA0200, s6;
	s17 =	sadd.s32 $0xB0200, s6;
	[smem:$0x7EF] =	sst s12  }
0x86: {  	v0 =	vmov s3;
	s2 =	sadd.s32 $0x400, s26;
	s9 =	sshrl.u32 s8, $0x1;
	[smem:$0x7F0] =	sst s14  }
0x87: {  	v4 =	vshll.u32 v0, $0x2;
	s30 =	smov.u32 @p0 s2;
	s2 =	sadd.s32 $0x500, s26;
	[smem:$0x7F1] =	sst s15  }
0x88: {  	v5 =	vand.u32 $0x7, v0;
	v6 =	vand.u32 $0xFFFFFFE0, v4;
	[smem:$0x7F2] =	sst s16;
	s31 =	smov.u32 @p0 s2;
	s2 =	sadd.s32 $0xFFFFFFF7, s5  }
0x89: {  	vm0 =	vmmov $0xff;
	v11 =	vor.u32 v5, v6;
	[smem:$0x7F3] =	sst s17;
	s5 =	sadd.s32 $0xFFFFFFF7, s7;
	s7 =	sadd.s32 $0xFFFFFFF7, s9;
	v1 =	vmov s2  }
0x8a: {  	s19 =	sadd.s32 $0x90400, s6;
	[smem:$0x7F4] =	sst s18;
	v2 =	vmov s5;
	v3 =	vmov s7;
	v5 =	vshll.u32 v1, $0x2  }
0x8b: {  	s4 =	sshrl.u32 s4, $0x1;
	s20 =	sadd.s32 $0xA0400, s6;
	[smem:$0x7F5] =	sst s19;
	v6 =	vand.u32 $0x7, v1;
	v7 =	vshll.u32 v2, $0x2;
	v5 =	vand.u32 $0xFFFFFFE0, v5  }
0x8c: {  	s4 =	sadd.s32 $0xFFFFFFF7, s4;
	s21 =	sadd.s32 $0xB0400, s6;
	[smem:$0x7F6] =	sst s20;
	v12 =	vor.u32 v6, v5;
	v5 =	vand.u32 $0x7, v2;
	v6 =	vand.u32 $0xFFFFFFE0, v7  }
0x8d: {  	v4 =	vmov s4;
	s22 =	sadd.s32 $0xC0400, s6;
	[smem:$0x7F7] =	sst s21;
	v13 =	vor.u32 v5, v6;
	v5 =	vshll.u32 v3, $0x2  }
0x8e: {  	v10 =	vand.u32 $0x7, v4;
	s23 =	sadd.s32 $0x90600, s6;
	[smem:$0x7F8] =	sst s22;
	v9 =	vand.u32 $0xFFFFFFE0, v5;
	v5 =	vlaneseq.u32  }
0x8f: {  	s24 =	sadd.s32 $0xA0600, s6;
	[smem:$0x7F9] =	sst s23;
	v8 =	vand.u32 $0x7, v3;
	v7 =	vshll.u32 v4, $0x2;
	v6 =	vand.u32 $0x7, v5  }
0x90: {  	s0 =	smax.u32 s0, $0x1;
	s25 =	sadd.s32 $0xB0600, s6;
	[smem:$0x7FA] =	sst s24;
	v15 =	vand.u32 $0xFFFFFFE0, v7;
	v14 =	vshrl.u32 v5, $0x3;
	v16 =	vperm.xlane v11, v6  }
0x91: {  	s4 =	simm.s32 $0x4A80;
	s8 =	simm.s32 $0x14A80;
	[smem:$0x7FB] =	sst s25;
	v7 =	vmul.u32 $0x8, v14;
	v14 =	vor.u32 v8, v9;
	v8 =	vor.u32 v10, v15  }
0x92: {  	s26 =	sadd.s32 $0xC0600, s6;
	[smem:$0x7FD] =	sst s0;
	s18 =	simm.s32 $0x1;
	v9 =	vor.u32 $0x8, v5;
	v15 =	vperm.xlane v12, v6;
	v17 =	vperm.xlane v13, v6  }
0x93: {  	vm1 =	vmmov $0xffff;
	s19 =	simm.s32 $0x4;
	s20 =	simm.s32 $0x280;
	p0 =	sgt.u32 s13, $0x8;
	v11 =	vperm.xlane v11, v9;
	v18 =	vperm.xlane v13, v9  }
0x94: {  	s21 =	simm.s32 $0x6;
	s23 =	simm.s32 $0x1A80;
	s24 =	simm.s32 $0x2A80;
	vm2 =	vmmov @!p0 $0xffff;
	v19 =	vperm.xlane v14, v6;
	v20 =	vperm.xlane v14, v9  }
0x95: {  	s25 =	simm.s32 $0x2;
	s14 =	simm.s32 $0xDA80;
	s6 =	simm.s32 $0xFA80;
	v10 =	vadd.s32 v7, v16;
	v16 =	vperm.xlane v12, v9;
	v12 =	vadd.s32 v7, v15  }
0x96: {  	s15 =	simm.s32 $0x3;
	s16 =	simm.s32 $0x5;
	[smem:$0x7FC] =	sst s26;
	v14 =	vadd.s32 v7, v17;
	v11 =	vadd.s32 v7, v11;
	v15 =	vadd.s32 v7, v18  }
0x97: {  	s26 =	simm.s32 $0x10A80;
	s5 =	simm.s32 $0xEA80;
	s7 =	simm.s32 $0x0;
	v17 =	vadd.s32 v7, v20;
	v13 =	vadd.s32 v7, v16;
	v16 =	vadd.s32 v7, v19  }
.LBB2_1:
0x98: {  	s0 =	rddreg [dreg:$0x5]  }
0x99: {  	[tilespmem:s20], [sflag:$0x6] =	stream.linear.gather [hbm4b:s0+s1], $0x1800, $0x38;
	[tilespmem:$0x18A80] =	vst v63  }
0x9a: {  	_ =	swait.ge [sflag:s21], $0x1800  }
0x9b: {  	[sflag:s21] =	ssyncset.done $0x0  }
0x9c: {  	[sflag:s21] =	ssyncadd.s32 $0xFFFFE800  }
0x9d: {  	s10 =	rddreg [dreg:$0x6]  }
0x9e: {  	[tilespmem:s23], [sflag:$0x6] =	stream.linear.gather [hbm4b:s10+s1], $0x1000, $0x38;
	[tilespmem:$0x18A80] =	vst v63  }
0x9f: {  	_ =	swait.ge [sflag:s21], $0x1000  }
0xa0: {  	[sflag:s21] =	ssyncset.done $0x0  }
0xa1: {  	[sflag:s21] =	ssyncadd.s32 $0xFFFFF000  }
0xa2: {  	s11 =	rddreg [dreg:$0x7]  }
0xa3: {  	[tilespmem:s24], [sflag:$0x6] =	stream.linear.gather [hbm4b:s11+s1], $0x2000, $0x38;
	[tilespmem:$0x18A80] =	vst v63  }
0xa4: {  	_ =	swait.ge [sflag:s21], $0x2000  }
0xa5: {  	[sflag:s21] =	ssyncset.done $0x0  }
0xa6: {  	s12 =	rddreg [dreg:$0xc];
	[sflag:s21] =	ssyncadd.s32 $0xFFFFE000  }
0xa7: {  	[tilespmem:s1], [sflag:$0x6] =	stream.linear.gather [hbm4b:s12+s1], $0x20, $0x38;
	[tilespmem:$0x18A80] =	vst v63  }
0xa8: {  	_ =	swait.ge [sflag:s21], $0x20  }
0xa9: {  	[sflag:s21] =	ssyncset.done $0x0  }
0xaa: {  	s2 =	simm.s32 $0x80;
	s13 =	rddreg [dreg:$0xd];
	[sflag:s21] =	ssyncadd.s32 $0xFFFFFFE0  }
0xab: {  	[tilespmem:s2], [sflag:$0x6] =	stream.linear.gather [hbm4b:s13+s1], $0x20, $0x38;
	[tilespmem:$0x18A80] =	vst v63  }
0xac: {  	_ =	swait.ge [sflag:s21], $0x20  }
0xad: {  	[sflag:s21] =	ssyncset.done $0x0  }
0xae: {  	s22 =	simm.s32 $0x100;
	s17 =	rddreg [dreg:$0xe];
	[sflag:s21] =	ssyncadd.s32 $0xFFFFFFE0  }
0xaf: {  	[tilespmem:s22], [sflag:$0x6] =	stream.linear.gather [hbm4b:s17+s1], $0x20, $0x38;
	[tilespmem:$0x18A80] =	vst v63  }
0xb0: {  	_ =	swait.ge [sflag:s21], $0x20  }
0xb1: {  	[sflag:s21] =	ssyncset.done $0x0  }
0xb2: {  	s3 =	simm.s32 $0x180;
	s2 =	rddreg [dreg:$0xf];
	[sflag:s21] =	ssyncadd.s32 $0xFFFFFFE0  }
0xb3: {  	[tilespmem:s3], [sflag:$0x6] =	stream.linear.gather [hbm4b:s2+s1], $0x20, $0x38;
	[tilespmem:$0x18A80] =	vst v63  }
0xb4: {  	_ =	swait.ge [sflag:s21], $0x20  }
0xb5: {  	[sflag:s21] =	ssyncset.done $0x0  }
0xb6: {  	[sflag:s21] =	ssyncadd.s32 $0xFFFFFFE0  }
0xb7: {  	v18 =	vld.msk [tilespmem:$0x0], $0xff;
	_ =	sdelay $0x4  }
0xb8: {  	v18 =	vshll.u32 v18, $0xB  }
0xb9: {  	v18 =	vperm.xlane v18, v5;
	_ =	sdelay $0x4  }
0xba: {  	s2 =	rddreg [dreg:$0x4]  }
0xbb: {  	[tilespmem:s4], [sflag:$0x1] =	stream.indirect_vreg.gather [hbm4b:s2+s1], $0x800, v18, vm0, $0x38;
	[tilespmem:$0x18A80] =	vst v63  }
0xbc: {  	[tilespmem:$0x200] =	vst v0  }
0xbd: {  	[tilespmem:$0x210] =	vst v0  }
0xbe: {  	[tilespmem:s26], [sflag:$0x2] =	stream.indirect_vreg.gather [hbm4b:s30+s1], $0x80, v10, vm1, $0xb8;
	[tilespmem:$0x18A80] =	vst v63  }
0xbf: {  	s9 =	simm.s32 $0x11280  }
0xc0: {  	[tilespmem:s9], [sflag:$0x2] =	stream.indirect_vreg.gather [hbm4b:s31+s1], $0x80, v10, vm1, $0xb8;
	[tilespmem:$0x18A80] =	vst v63  }
0xc1: {  	s10 =	simm.s32 $0x11A80  }
0xc2: {  	[tilespmem:s10], [sflag:$0x2] =	stream.indirect_vreg.gather [hbm4b:s30+s1], $0x80, v11, vm1, $0xb8;
	[tilespmem:$0x18A80] =	vst v63  }
0xc3: {  	s11 =	simm.s32 $0x12280  }
0xc4: {  	[tilespmem:s11], [sflag:$0x2] =	stream.indirect_vreg.gather [hbm4b:s31+s1], $0x80, v11, vm1, $0xb8;
	[tilespmem:$0x18A80] =	vst v63  }
0xc5: {  	v18 =	vld [tilespmem:$0x210];
	_ =	sdelay $0x4  }
0xc6: {  	v19 =	vshll.u32 v18, $0x2  }
0xc7: {  	v18 =	vand.u32 $0x7, v18;
	v19 =	vand.u32 $0xFFFFFFE0, v19  }
0xc8: {  	v18 =	vor.u32 v18, v19  }
0xc9: {  	v19 =	vperm.xlane v18, v6;
	_ =	sdelay $0x1  }
0xca: {  	v19 =	vadd.s32 v7, v19;
	_ =	sdelay $0x1  }
0xcb: {  	v18 =	vperm.xlane v18, v9;
	_ =	sdelay $0x1  }
0xcc: {  	s12 =	simm.s32 $0x12A80;
	v18 =	vadd.s32 v7, v18  }
0xcd: {  	[tilespmem:s12], [sflag:$0x2] =	stream.indirect_vreg.gather [hbm4b:s30+s1], $0x80, v19, vm1, $0xb8;
	[tilespmem:$0x18A80] =	vst v63  }
0xce: {  	s13 =	simm.s32 $0x13280  }
0xcf: {  	[tilespmem:s13], [sflag:$0x2] =	stream.indirect_vreg.gather [hbm4b:s31+s1], $0x80, v19, vm1, $0xb8;
	[tilespmem:$0x18A80] =	vst v63  }
0xd0: {  	s17 =	simm.s32 $0x13A80  }
0xd1: {  	[tilespmem:s17], [sflag:$0x2] =	stream.indirect_vreg.gather [hbm4b:s30+s1], $0x80, v18, vm1, $0xb8;
	[tilespmem:$0x18A80] =	vst v63  }
0xd2: {  	s22 =	simm.s32 $0x14280  }
0xd3: {  	[tilespmem:s22], [sflag:$0x2] =	stream.indirect_vreg.gather [hbm4b:s31+s1], $0x80, v18, vm1, $0xb8;
	[tilespmem:$0x18A80] =	vst v63  }
0xd4: {  	_ =	swait.ge [sflag:s25], $0x4000  }
0xd5: {  	[sflag:s25] =	ssyncset.done $0x0  }
0xd6: {  	s3 =	rddreg [dreg:$0x10];
	[sflag:s25] =	ssyncadd.s32 $0xFFFFC000  }
0xd7: {  	[hbm4b:s3+s1] =	stream.linear.scatter [tilespmem:s26], [sflag:$0x4], $0x4000, $0x38;
	[tilespmem:$0x18A80] =	vst v63  }
0xd8: {  	s9 =	rddreg [dreg:$0x11]  }
0xd9: {  	[hbm4b:s9+s1] =	stream.linear.scatter [tilespmem:s26], [sflag:$0x4], $0x4000, $0x38;
	[tilespmem:$0x18A80] =	vst v63  }
0xda: {  	s10 =	rddreg [dreg:$0x12]  }
0xdb: {  	[hbm4b:s10+s1] =	stream.linear.scatter [tilespmem:s26], [sflag:$0x4], $0x4000, $0x38;
	[tilespmem:$0x18A80] =	vst v63  }
0xdc: {  	s11 =	rddreg [dreg:$0x13]  }
0xdd: {  	[hbm4b:s11+s1] =	stream.linear.scatter [tilespmem:s26], [sflag:$0x4], $0x4000, $0x38;
	[tilespmem:$0x18A80] =	vst v63  }
0xde: {  	s12 =	rddreg [dreg:$0x14]  }
0xdf: {  	[hbm4b:s12+s1] =	stream.linear.scatter [tilespmem:s26], [sflag:$0x4], $0x4000, $0x38;
	[tilespmem:$0x18A80] =	vst v63  }
0xe0: {  	s13 =	rddreg [dreg:$0x15]  }
0xe1: {  	[hbm4b:s13+s1] =	stream.linear.scatter [tilespmem:s26], [sflag:$0x4], $0x4000, $0x38;
	[tilespmem:$0x18A80] =	vst v63  }
0xe2: {  	s17 =	rddreg [dreg:$0x16]  }
0xe3: {  	[hbm4b:s17+s1] =	stream.linear.scatter [tilespmem:s26], [sflag:$0x4], $0x4000, $0x38;
	[tilespmem:$0x18A80] =	vst v63  }
0xe4: {  	s22 =	rddreg [dreg:$0x17]  }
0xe5: {  	[hbm4b:s22+s1] =	stream.linear.scatter [tilespmem:s26], [sflag:$0x4], $0x4000, $0x38;
	[tilespmem:$0x18A80] =	vst v63  }
0xe6: {  	s3 =	rddreg [dreg:$0x18]  }
0xe7: {  	[hbm4b:s3+s1] =	stream.linear.scatter [tilespmem:s26], [sflag:$0x4], $0x4000, $0x38;
	[tilespmem:$0x18A80] =	vst v63  }
0xe8: {  	s9 =	rddreg [dreg:$0x19]  }
0xe9: {  	[hbm4b:s9+s1] =	stream.linear.scatter [tilespmem:s26], [sflag:$0x4], $0x4000, $0x38;
	[tilespmem:$0x18A80] =	vst v63  }
0xea: {  	s10 =	rddreg [dreg:$0x1a]  }
0xeb: {  	[hbm4b:s10+s1] =	stream.linear.scatter [tilespmem:s26], [sflag:$0x4], $0x4000, $0x38;
	[tilespmem:$0x18A80] =	vst v63  }
0xec: {  	s11 =	rddreg [dreg:$0x1b]  }
0xed: {  	[hbm4b:s11+s1] =	stream.linear.scatter [tilespmem:s26], [sflag:$0x4], $0x4000, $0x38;
	[tilespmem:$0x18A80] =	vst v63  }
0xee: {  	s12 =	rddreg [dreg:$0x1c]  }
0xef: {  	[hbm4b:s12+s1] =	stream.linear.scatter [tilespmem:s26], [sflag:$0x4], $0x4000, $0x38;
	[tilespmem:$0x18A80] =	vst v63  }
0xf0: {  	s13 =	rddreg [dreg:$0x1d]  }
0xf1: {  	[hbm4b:s13+s1] =	stream.linear.scatter [tilespmem:s26], [sflag:$0x4], $0x4000, $0x38;
	[tilespmem:$0x18A80] =	vst v63  }
0xf2: {  	s17 =	rddreg [dreg:$0x1e]  }
0xf3: {  	[hbm4b:s17+s1] =	stream.linear.scatter [tilespmem:s26], [sflag:$0x4], $0x4000, $0x38;
	[tilespmem:$0x18A80] =	vst v63  }
0xf4: {  	s22 =	rddreg [dreg:$0x1f]  }
0xf5: {  	[hbm4b:s22+s1] =	stream.linear.scatter [tilespmem:s26], [sflag:$0x4], $0x4000, $0x38;
	[tilespmem:$0x18A80] =	vst v63  }
0xf6: {  	[tilespmem:$0x200] =	vst v1  }
0xf7: {  	[tilespmem:$0x210] =	vst v1  }
0xf8: {  	[tilespmem:s8], [sflag:$0x2] =	stream.indirect_vreg.gather [hbm4b:s28+s1], $0x80, v12, vm1, $0xb8;
	[tilespmem:$0x18A80] =	vst v63  }
0xf9: {  	s3 =	simm.s32 $0x15280  }
0xfa: {  	[tilespmem:s3], [sflag:$0x2] =	stream.indirect_vreg.gather [hbm4b:s29+s1], $0x80, v12, vm1, $0xb8;
	[tilespmem:$0x18A80] =	vst v63  }
0xfb: {  	s9 =	simm.s32 $0x15A80  }
0xfc: {  	[tilespmem:s9], [sflag:$0x2] =	stream.indirect_vreg.gather [hbm4b:s28+s1], $0x80, v13, vm1, $0xb8;
	[tilespmem:$0x18A80] =	vst v63  }
0xfd: {  	s10 =	simm.s32 $0x16280  }
0xfe: {  	[tilespmem:s10], [sflag:$0x2] =	stream.indirect_vreg.gather [hbm4b:s29+s1], $0x80, v13, vm1, $0xb8;
	[tilespmem:$0x18A80] =	vst v63  }
0xff: {  	v18 =	vld [tilespmem:$0x210];
	_ =	sdelay $0x4  }
0x100: {  	v19 =	vshll.u32 v18, $0x2  }
0x101: {  	v18 =	vand.u32 $0x7, v18;
	v19 =	vand.u32 $0xFFFFFFE0, v19  }
0x102: {  	v18 =	vor.u32 v18, v19  }
0x103: {  	v19 =	vperm.xlane v18, v6;
	_ =	sdelay $0x1  }
0x104: {  	v19 =	vadd.s32 v7, v19;
	_ =	sdelay $0x1  }
0x105: {  	v18 =	vperm.xlane v18, v9;
	_ =	sdelay $0x1  }
0x106: {  	s11 =	simm.s32 $0x16A80;
	v18 =	vadd.s32 v7, v18  }
0x107: {  	[tilespmem:s11], [sflag:$0x2] =	stream.indirect_vreg.gather [hbm4b:s28+s1], $0x80, v19, vm1, $0xb8;
	[tilespmem:$0x18A80] =	vst v63  }
0x108: {  	s12 =	simm.s32 $0x17280  }
0x109: {  	[tilespmem:s12], [sflag:$0x2] =	stream.indirect_vreg.gather [hbm4b:s29+s1], $0x80, v19, vm1, $0xb8;
	[tilespmem:$0x18A80] =	vst v63  }
0x10a: {  	s13 =	simm.s32 $0x17A80  }
0x10b: {  	[tilespmem:s13], [sflag:$0x2] =	stream.indirect_vreg.gather [hbm4b:s28+s1], $0x80, v18, vm1, $0xb8;
	[tilespmem:$0x18A80] =	vst v63  }
0x10c: {  	s17 =	simm.s32 $0x18280  }
0x10d: {  	[tilespmem:s17], [sflag:$0x2] =	stream.indirect_vreg.gather [hbm4b:s29+s1], $0x80, v18, vm1, $0xb8;
	[tilespmem:$0x18A80] =	vst v63  }
0x10e: {  	_ =	swait.ge [sflag:s25], $0x4000  }
0x10f: {  	s22 =	sld [smem:$0x7AD]  }
0x110: {  	[sflag:s25] =	ssyncset.done $0x0  }
0x111: {  	s3 =	sld [smem:$0x7AE];
	[sflag:s25] =	ssyncadd.s32 $0xFFFFC000  }
0x112: {  	[hbm4b:s22+s1] =	stream.linear.scatter [tilespmem:s8], [sflag:$0x5], $0x4000, $0x38;
	[tilespmem:$0x18A80] =	vst v63  }
0x113: {  	s9 =	sld [smem:$0x7AF]  }
0x114: {  	[hbm4b:s3+s1] =	stream.linear.scatter [tilespmem:s8], [sflag:$0x5], $0x4000, $0x38;
	[tilespmem:$0x18A80] =	vst v63  }
0x115: {  	s10 =	sld [smem:$0x7B0]  }
0x116: {  	[hbm4b:s9+s1] =	stream.linear.scatter [tilespmem:s8], [sflag:$0x5], $0x4000, $0x38;
	[tilespmem:$0x18A80] =	vst v63  }
0x117: {  	s11 =	sld [smem:$0x7B1]  }
0x118: {  	[hbm4b:s10+s1] =	stream.linear.scatter [tilespmem:s8], [sflag:$0x5], $0x4000, $0x38;
	[tilespmem:$0x18A80] =	vst v63  }
0x119: {  	s12 =	sld [smem:$0x7B2]  }
0x11a: {  	[hbm4b:s11+s1] =	stream.linear.scatter [tilespmem:s8], [sflag:$0x5], $0x4000, $0x38;
	[tilespmem:$0x18A80] =	vst v63  }
0x11b: {  	s13 =	sld [smem:$0x7B3]  }
0x11c: {  	[hbm4b:s12+s1] =	stream.linear.scatter [tilespmem:s8], [sflag:$0x5], $0x4000, $0x38;
	[tilespmem:$0x18A80] =	vst v63  }
0x11d: {  	s17 =	sld [smem:$0x7B4]  }
0x11e: {  	[hbm4b:s13+s1] =	stream.linear.scatter [tilespmem:s8], [sflag:$0x5], $0x4000, $0x38;
	[tilespmem:$0x18A80] =	vst v63  }
0x11f: {  	s22 =	sld [smem:$0x7B5]  }
0x120: {  	[hbm4b:s17+s1] =	stream.linear.scatter [tilespmem:s8], [sflag:$0x5], $0x4000, $0x38;
	[tilespmem:$0x18A80] =	vst v63  }
0x121: {  	s3 =	sld [smem:$0x7B6]  }
0x122: {  	[hbm4b:s22+s1] =	stream.linear.scatter [tilespmem:s8], [sflag:$0x5], $0x4000, $0x38;
	[tilespmem:$0x18A80] =	vst v63  }
0x123: {  	s9 =	sld [smem:$0x7B7]  }
0x124: {  	[hbm4b:s3+s1] =	stream.linear.scatter [tilespmem:s8], [sflag:$0x5], $0x4000, $0x38;
	[tilespmem:$0x18A80] =	vst v63  }
0x125: {  	s10 =	sld [smem:$0x7B8]  }
0x126: {  	[hbm4b:s9+s1] =	stream.linear.scatter [tilespmem:s8], [sflag:$0x5], $0x4000, $0x38;
	[tilespmem:$0x18A80] =	vst v63  }
0x127: {  	s11 =	sld [smem:$0x7B9]  }
0x128: {  	[hbm4b:s10+s1] =	stream.linear.scatter [tilespmem:s8], [sflag:$0x5], $0x4000, $0x38;
	[tilespmem:$0x18A80] =	vst v63  }
0x129: {  	s12 =	sld [smem:$0x7BA]  }
0x12a: {  	[hbm4b:s11+s1] =	stream.linear.scatter [tilespmem:s8], [sflag:$0x5], $0x4000, $0x38;
	[tilespmem:$0x18A80] =	vst v63  }
0x12b: {  	s13 =	sld [smem:$0x7BB]  }
0x12c: {  	[hbm4b:s12+s1] =	stream.linear.scatter [tilespmem:s8], [sflag:$0x5], $0x4000, $0x38;
	[tilespmem:$0x18A80] =	vst v63  }
0x12d: {  	s17 =	sld [smem:$0x7BC]  }
0x12e: {  	[hbm4b:s13+s1] =	stream.linear.scatter [tilespmem:s8], [sflag:$0x5], $0x4000, $0x38;
	[tilespmem:$0x18A80] =	vst v63  }
0x12f: {  	_ = 	snop  }
0x130: {  	[hbm4b:s17+s1] =	stream.linear.scatter [tilespmem:s8], [sflag:$0x5], $0x4000, $0x38;
	[tilespmem:$0x18A80] =	vst v63  }
0x131: {  	_ =	swait.ge [sflag:s18], $0x4000  }
0x132: {  	[sflag:s18] =	ssyncset.done $0x0  }
0x133: {  	[sflag:s18] =	ssyncadd.s32 $0xFFFFC000  }
0x134: {  	v18 =	vld.msk [tilespmem:$0x8], $0xff;
	_ =	sdelay $0x4  }
0x135: {  	v18 =	vshll.u32 v18, $0xB  }
0x136: {  	v18 =	vperm.xlane v18, v5;
	_ =	sdelay $0x4  }
0x137: {  	s22 =	simm.s32 $0x8A80  }
0x138: {  	[tilespmem:s22], [sflag:$0x1] =	stream.indirect_vreg.gather [hbm4b:s2+s1], $0x800, v18, vm0, $0x38;
	[tilespmem:$0x18A80] =	vst v63  }
0x139: {  	v18 =	vld [tilespmem:$0x80]  }
0x13a: {  	v19 =	vld [tilespmem:$0x100]  }
0x13b: {  	s9 =	simm.s32 $0x0;
	v20 =	vld [tilespmem:$0x180]  }
.LBB2_2:
0x13c: {  	v21 =	vmov s9  }
0x13d: {  	vm3 =	veq.s32 v21, v5  }
0x13e: {  	v21 =	vnsel vm3, $0x0, v18  }
0x13f: {  	(xrf0) =	vadd.scan.msk.s32 $0xffff, v21;
	v21 =	vnsel vm3, $0x0, v19  }
0x140: {  	(xrf0) =	vadd.scan.msk.s32 $0xffff, v21;
	_ =	sdelay $0x1  }
0x141: {  	v21 =	vnsel vm3, $0x0, v20  }
0x142: {  	(xrf0) =	vadd.scan.msk.s32 $0xffff, v21;
	_ =	sdelay $0x1  }
0x143: {  	v21, _, _ =	vpop (xrf0)  }
0x144: {  	s11 =	simm.s32 $0x0;
	v22, _, _ =	vpop (xrf0)  }
0x145: {  	v24 =	vmov s11;
	v22 =	vshll.u32 v22, $0xB  }
0x146: {  	v24 =	vshll.u32 v24, $0x2;
	v21 =	vshll.u32 v21, $0xB;
	v22 =	vbroadcast v22, $0xF  }
0x147: {  	v25 =	vor.u32 s11, v5;
	v24 =	vand.u32 $0x600, v24;
	v23, _, _ =	vpop (xrf0);
	v21 =	vbroadcast v21, $0xF  }
0x148: {  	v25 =	vand.u32 $0x7F, v25;
	v23 =	vshll.u32 v23, $0xB;
	v26 =	vor.u32 v22, v24  }
0x149: {  	v23 =	vbroadcast v23, $0xF;
	v27 =	vor.u32 v21, v24;
	v26 =	vor.u32 v25, v26  }
0x14a: {  	v27 =	vor.u32 v25, v27  }
0x14b: {  	v24 =	vor.u32 v23, v24  }
0x14c: {  	v25 =	vor.u32 v25, v24;
	_ =	sdelay $0x1  }
0x14d: {  	s0 =	sshll.u32 s9, $0xB;
	v24 =	vld.idx.msk [tilespmem:v26+s23+$0x0], $0xffff  }
0x14e: {  	s2 =	sshll.u32 s9, $0x9;
	s22 =	simm.s32 $0x0;
	s0 =	sand.u32 $0x3FFFF800, s0;
	v26 =	vld.idx.msk [tilespmem:v27+s20+$0x0], $0xffff  }
0x14f: {  	s10 =	sshrl.u32 s2, $0x2;
	s2 =	sand.u32 $0x3FFFFE00, s22;
	s17 =	sadd.s32 $0x4A80, s0  }
0x150: {  	s3 =	simm.s32 $0x10;
	s12 =	sand.u32 $0x70, s11;
	s2 =	sadd.s32 s2, s17;
	v25 =	vld.idx.msk [tilespmem:v25+s24+$0x0], $0xffff  }
0x151: {  	s22 =	sadd.s32 s12, s2;
	v27 =	vmov s3  }
0x152: {  	s13 =	simm.s32 $0x2;
	s0 =	sadd.s32 $0xCA80, s10;
	s2 =	simm.s32 $0x1;
	v28 =	vshll.u32 v27, $0x2;
	v27 =	vld [tilespmem:s22+$0x0]  }
.LBB2_3:
0x153: {  	p1 =	seq.s32 s13, $0x1F;
	v29 =	vor.u32 s3, v5;
	v28 =	vand.u32 $0x600, v28;
	v24 =	vadd.f32 v24, v26  }
0x154: {  	v26 =	vand.u32 $0x7F, v29;
	v29 =	vor.u32 v22, v28  }
0x155: {  	s22 =	sshll.u32 s11, $0x7;
	s11 =	smov.u32 s2;
	s2 =	smov.u32 s13;
	v30 =	vor.u32 v21, v28;
	v29 =	vor.u32 v26, v29;
	v24 =	vadd.f32 v25, v24  }
0x156: {  	s22 =	sand.u32 $0x3FFFFC00, s22;
	v25 =	vor.u32 v26, v30  }
0x157: {  	v28 =	vor.u32 v23, v28;
	s22 =	sadd.s32 s22, s0;
	v24 =	vadd.f32 v24, v27  }
0x158: {  	s12 =	sadd.s32 s12, s22;
	v27 =	vor.u32 v26, v28  }
0x159: {  	[tilespmem:s12+$0x0] =	vst v24  }
0x15a: {  	v24 =	vld.idx.msk [tilespmem:v29+s23+$0x0], $0xffff  }
0x15b: {  	v26 =	vld.idx.msk [tilespmem:v25+s20+$0x0], $0xffff  }
.Ltmp0:
0x15c: {  	s12 =	sshll.u32 s11, $0x6;
	(pc) =	sbr.rel @!p1 .LBB2_3-.Ltmp0, $4  }
0x15d: {  	s22 =	sand.u32 $0x3FFFFE00, s12;
	v25 =	vld.idx.msk [tilespmem:v27+s24+$0x0], $0xffff  }
0x15e: {  	s12 =	sand.u32 $0x70, s3;
	s3 =	sadd.s32 $0x10, s3;
	s22 =	sadd.s32 s22, s17  }
0x15f: {  	s22 =	sadd.s32 s12, s22;
	v27 =	vmov s3  }
0x160: {  	s13 =	sadd.s32 $0x1, s13;
	v28 =	vshll.u32 v27, $0x2;
	v27 =	vld [tilespmem:s22+$0x0]  }
0x161: {  	v29 =	vor.u32 s3, v5;
	v28 =	vand.u32 $0x600, v28;
	v24 =	vadd.f32 v24, v26  }
0x162: {  	v26 =	vand.u32 $0x7F, v29;
	v29 =	vor.u32 v22, v28  }
0x163: {  	s11 =	sshll.u32 s11, $0x7;
	v30 =	vor.u32 v21, v28;
	v29 =	vor.u32 v26, v29;
	v24 =	vadd.f32 v25, v24  }
0x164: {  	s11 =	sand.u32 $0x3FFFFC00, s11;
	v25 =	vor.u32 v26, v30  }
0x165: {  	v28 =	vor.u32 v23, v28;
	s11 =	sadd.s32 s11, s0;
	v24 =	vadd.f32 v24, v27  }
0x166: {  	v26 =	vor.u32 v26, v28;
	s11 =	sadd.s32 s12, s11  }
0x167: {  	[tilespmem:s11+$0x0] =	vst v24  }
0x168: {  	v24 =	vld.idx.msk [tilespmem:v29+s23+$0x0], $0xffff  }
0x169: {  	s13 =	sshll.u32 s2, $0x6;
	v25 =	vld.idx.msk [tilespmem:v25+s20+$0x0], $0xffff  }
0x16a: {  	s11 =	sand.u32 $0x3FFFFE00, s13  }
0x16b: {  	s22 =	sand.u32 $0x70, s3;
	v26 =	vld.idx.msk [tilespmem:v26+s24+$0x0], $0xffff;
	s11 =	sadd.s32 s11, s17  }
0x16c: {  	s11 =	sadd.s32 s22, s11  }
0x16d: {  	v27 =	vld [tilespmem:s11+$0x0]  }
0x16e: {  	v24 =	vadd.f32 v24, v25;
	_ =	sdelay $0x1  }
0x16f: {  	v24 =	vadd.f32 v26, v24  }
0x170: {  	s11 =	simm.s32 $0x0  }
0x171: {  	v24 =	vadd.f32 v24, v27;
	v27 =	vmov s11  }
0x172: {  	s12 =	sshll.u32 s2, $0x7;
	v27 =	vshll.u32 v27, $0x2  }
0x173: {  	s2 =	sand.u32 $0x3FFFFC00, s12;
	v28 =	vor.u32 s11, v5;
	v26 =	vor.u32 $0x80, v22;
	v27 =	vand.u32 $0x600, v27  }
0x174: {  	s13 =	sadd.s32 s2, s0;
	v28 =	vand.u32 $0x7F, v28;
	v25 =	vor.u32 $0x80, v21;
	v29 =	vor.u32 v26, v27  }
0x175: {  	s0 =	sadd.s32 s22, s13;
	v30 =	vor.u32 v25, v27;
	v29 =	vor.u32 v28, v29  }
0x176: {  	[tilespmem:s0+$0x0] =	vst v24;
	v24 =	vor.u32 $0x80, v23;
	v30 =	vor.u32 v28, v30  }
0x177: {  	v27 =	vor.u32 v24, v27  }
0x178: {  	v28 =	vor.u32 v28, v27;
	_ =	sdelay $0x1  }
0x179: {  	v27 =	vld.idx.msk [tilespmem:v29+s23+$0x0], $0xffff  }
0x17a: {  	s22 =	simm.s32 $0x0;
	v29 =	vld.idx.msk [tilespmem:v30+s20+$0x0], $0xffff  }
0x17b: {  	s2 =	sand.u32 $0x3FFFFE00, s22  }
0x17c: {  	s3 =	simm.s32 $0x10;
	s12 =	sand.u32 $0x70, s11;
	s2 =	sadd.s32 s2, s17;
	v28 =	vld.idx.msk [tilespmem:v28+s24+$0x0], $0xffff  }
0x17d: {  	s22 =	sadd.s32 s12, s2;
	v30 =	vmov s3  }
0x17e: {  	s13 =	simm.s32 $0x2;
	s2 =	simm.s32 $0x1;
	s0 =	sadd.s32 $0xDA80, s10;
	v31 =	vshll.u32 v30, $0x2;
	v30 =	vld [tilespmem:s22+$0x80]  }
.LBB2_5:
0x17f: {  	p1 =	seq.s32 s13, $0x1F;
	v32 =	vor.u32 s3, v5;
	v31 =	vand.u32 $0x600, v31;
	v27 =	vadd.f32 v27, v29  }
0x180: {  	v29 =	vand.u32 $0x7F, v32;
	v32 =	vor.u32 v26, v31  }
0x181: {  	s22 =	sshll.u32 s11, $0x7;
	s11 =	smov.u32 s2;
	s2 =	smov.u32 s13;
	v33 =	vor.u32 v25, v31;
	v32 =	vor.u32 v29, v32;
	v27 =	vadd.f32 v28, v27  }
0x182: {  	s22 =	sand.u32 $0x3FFFFC00, s22;
	v28 =	vor.u32 v29, v33  }
0x183: {  	v31 =	vor.u32 v24, v31;
	s22 =	sadd.s32 s22, s0;
	v27 =	vadd.f32 v27, v30  }
0x184: {  	s12 =	sadd.s32 s12, s22;
	v30 =	vor.u32 v29, v31  }
0x185: {  	[tilespmem:s12+$0x0] =	vst v27  }
0x186: {  	v27 =	vld.idx.msk [tilespmem:v32+s23+$0x0], $0xffff  }
0x187: {  	v29 =	vld.idx.msk [tilespmem:v28+s20+$0x0], $0xffff  }
.Ltmp1:
0x188: {  	s12 =	sshll.u32 s11, $0x6;
	(pc) =	sbr.rel @!p1 .LBB2_5-.Ltmp1, $4  }
0x189: {  	s22 =	sand.u32 $0x3FFFFE00, s12;
	v28 =	vld.idx.msk [tilespmem:v30+s24+$0x0], $0xffff  }
0x18a: {  	s12 =	sand.u32 $0x70, s3;
	s3 =	sadd.s32 $0x10, s3;
	s22 =	sadd.s32 s22, s17  }
0x18b: {  	s22 =	sadd.s32 s12, s22;
	v30 =	vmov s3  }
0x18c: {  	s13 =	sadd.s32 $0x1, s13;
	v31 =	vshll.u32 v30, $0x2;
	v30 =	vld [tilespmem:s22+$0x80]  }
0x18d: {  	v32 =	vor.u32 s3, v5;
	v31 =	vand.u32 $0x600, v31;
	v27 =	vadd.f32 v27, v29  }
0x18e: {  	v29 =	vand.u32 $0x7F, v32;
	v26 =	vor.u32 v26, v31  }
0x18f: {  	s11 =	sshll.u32 s11, $0x7;
	v25 =	vor.u32 v25, v31;
	v26 =	vor.u32 v29, v26;
	v27 =	vadd.f32 v28, v27  }
0x190: {  	s11 =	sand.u32 $0x3FFFFC00, s11;
	v25 =	vor.u32 v29, v25  }
0x191: {  	v24 =	vor.u32 v24, v31;
	s11 =	sadd.s32 s11, s0;
	v27 =	vadd.f32 v27, v30  }
0x192: {  	v24 =	vor.u32 v29, v24;
	s11 =	sadd.s32 s12, s11  }
0x193: {  	[tilespmem:s11+$0x0] =	vst v27  }
0x194: {  	v26 =	vld.idx.msk [tilespmem:v26+s23+$0x0], $0xffff  }
0x195: {  	s13 =	sshll.u32 s2, $0x6;
	v25 =	vld.idx.msk [tilespmem:v25+s20+$0x0], $0xffff  }
0x196: {  	s11 =	sand.u32 $0x3FFFFE00, s13  }
0x197: {  	s22 =	sand.u32 $0x70, s3;
	v24 =	vld.idx.msk [tilespmem:v24+s24+$0x0], $0xffff;
	s11 =	sadd.s32 s11, s17  }
0x198: {  	s11 =	sadd.s32 s22, s11  }
0x199: {  	v27 =	vld [tilespmem:s11+$0x80]  }
0x19a: {  	v25 =	vadd.f32 v26, v25;
	_ =	sdelay $0x1  }
0x19b: {  	v24 =	vadd.f32 v24, v25  }
0x19c: {  	s11 =	simm.s32 $0x0  }
0x19d: {  	v24 =	vadd.f32 v24, v27;
	v27 =	vmov s11  }
0x19e: {  	s12 =	sshll.u32 s2, $0x7;
	v27 =	vshll.u32 v27, $0x2  }
0x19f: {  	s2 =	sand.u32 $0x3FFFFC00, s12;
	v28 =	vor.u32 s11, v5;
	v26 =	vor.u32 $0x100, v22;
	v27 =	vand.u32 $0x600, v27  }
0x1a0: {  	s13 =	sadd.s32 s2, s0;
	v28 =	vand.u32 $0x7F, v28;
	v25 =	vor.u32 $0x100, v21;
	v29 =	vor.u32 v26, v27  }
0x1a1: {  	s0 =	sadd.s32 s22, s13;
	v30 =	vor.u32 v25, v27;
	v29 =	vor.u32 v28, v29  }
0x1a2: {  	[tilespmem:s0+$0x0] =	vst v24;
	v24 =	vor.u32 $0x100, v23;
	v30 =	vor.u32 v28, v30  }
0x1a3: {  	v27 =	vor.u32 v24, v27  }
0x1a4: {  	v28 =	vor.u32 v28, v27;
	_ =	sdelay $0x1  }
0x1a5: {  	v27 =	vld.idx.msk [tilespmem:v29+s23+$0x0], $0xffff  }
0x1a6: {  	s22 =	simm.s32 $0x0;
	v29 =	vld.idx.msk [tilespmem:v30+s20+$0x0], $0xffff  }
0x1a7: {  	s2 =	sand.u32 $0x3FFFFE00, s22  }
0x1a8: {  	s3 =	simm.s32 $0x10;
	s12 =	sand.u32 $0x70, s11;
	s2 =	sadd.s32 s2, s17;
	v28 =	vld.idx.msk [tilespmem:v28+s24+$0x0], $0xffff  }
0x1a9: {  	s22 =	sadd.s32 s12, s2;
	v30 =	vmov s3  }
0x1aa: {  	s13 =	simm.s32 $0x2;
	s2 =	simm.s32 $0x1;
	s0 =	sadd.s32 $0xEA80, s10;
	v31 =	vshll.u32 v30, $0x2;
	v30 =	vld [tilespmem:s22+$0x100]  }
.LBB2_7:
0x1ab: {  	p1 =	seq.s32 s13, $0x1F;
	v32 =	vor.u32 s3, v5;
	v31 =	vand.u32 $0x600, v31;
	v27 =	vadd.f32 v27, v29  }
0x1ac: {  	v29 =	vand.u32 $0x7F, v32;
	v32 =	vor.u32 v26, v31  }
0x1ad: {  	s22 =	sshll.u32 s11, $0x7;
	s11 =	smov.u32 s2;
	s2 =	smov.u32 s13;
	v33 =	vor.u32 v25, v31;
	v32 =	vor.u32 v29, v32;
	v27 =	vadd.f32 v28, v27  }
0x1ae: {  	s22 =	sand.u32 $0x3FFFFC00, s22;
	v28 =	vor.u32 v29, v33  }
0x1af: {  	v31 =	vor.u32 v24, v31;
	s22 =	sadd.s32 s22, s0;
	v27 =	vadd.f32 v27, v30  }
0x1b0: {  	s12 =	sadd.s32 s12, s22;
	v30 =	vor.u32 v29, v31  }
0x1b1: {  	[tilespmem:s12+$0x0] =	vst v27  }
0x1b2: {  	v27 =	vld.idx.msk [tilespmem:v32+s23+$0x0], $0xffff  }
0x1b3: {  	v29 =	vld.idx.msk [tilespmem:v28+s20+$0x0], $0xffff  }
.Ltmp2:
0x1b4: {  	s12 =	sshll.u32 s11, $0x6;
	(pc) =	sbr.rel @!p1 .LBB2_7-.Ltmp2, $4  }
0x1b5: {  	s22 =	sand.u32 $0x3FFFFE00, s12;
	v28 =	vld.idx.msk [tilespmem:v30+s24+$0x0], $0xffff  }
0x1b6: {  	s12 =	sand.u32 $0x70, s3;
	s3 =	sadd.s32 $0x10, s3;
	s22 =	sadd.s32 s22, s17  }
0x1b7: {  	s22 =	sadd.s32 s12, s22;
	v30 =	vmov s3  }
0x1b8: {  	s13 =	sadd.s32 $0x1, s13;
	v31 =	vshll.u32 v30, $0x2;
	v30 =	vld [tilespmem:s22+$0x100]  }
0x1b9: {  	v32 =	vor.u32 s3, v5;
	v31 =	vand.u32 $0x600, v31;
	v27 =	vadd.f32 v27, v29  }
0x1ba: {  	v29 =	vand.u32 $0x7F, v32;
	v26 =	vor.u32 v26, v31  }
0x1bb: {  	s11 =	sshll.u32 s11, $0x7;
	v25 =	vor.u32 v25, v31;
	v26 =	vor.u32 v29, v26;
	v27 =	vadd.f32 v28, v27  }
0x1bc: {  	s11 =	sand.u32 $0x3FFFFC00, s11;
	v25 =	vor.u32 v29, v25  }
0x1bd: {  	v24 =	vor.u32 v24, v31;
	s11 =	sadd.s32 s11, s0;
	v27 =	vadd.f32 v27, v30  }
0x1be: {  	v24 =	vor.u32 v29, v24;
	s11 =	sadd.s32 s12, s11  }
0x1bf: {  	[tilespmem:s11+$0x0] =	vst v27  }
0x1c0: {  	v26 =	vld.idx.msk [tilespmem:v26+s23+$0x0], $0xffff  }
0x1c1: {  	s13 =	sshll.u32 s2, $0x6;
	v25 =	vld.idx.msk [tilespmem:v25+s20+$0x0], $0xffff  }
0x1c2: {  	s11 =	sand.u32 $0x3FFFFE00, s13  }
0x1c3: {  	s22 =	sand.u32 $0x70, s3;
	v24 =	vld.idx.msk [tilespmem:v24+s24+$0x0], $0xffff;
	s11 =	sadd.s32 s11, s17  }
0x1c4: {  	s11 =	sadd.s32 s22, s11  }
0x1c5: {  	v27 =	vld [tilespmem:s11+$0x100]  }
0x1c6: {  	v25 =	vadd.f32 v26, v25;
	_ =	sdelay $0x1  }
0x1c7: {  	s12 =	sshll.u32 s2, $0x7;
	v24 =	vadd.f32 v24, v25  }
0x1c8: {  	s2 =	sand.u32 $0x3FFFFC00, s12  }
0x1c9: {  	s13 =	sadd.s32 s2, s0;
	v24 =	vadd.f32 v24, v27  }
0x1ca: {  	s0 =	sadd.s32 s22, s13  }
0x1cb: {  	[tilespmem:s0+$0x0] =	vst v24;
	s0 =	sadd.s32 $0xFA80, s10;
	s10 =	simm.s32 $0x0  }
0x1cc: {  	v24 =	vor.u32 $0x180, v21;
	v21 =	vor.u32 $0x180, v23;
	v23 =	vmov s10  }
0x1cd: {  	v23 =	vshll.u32 v23, $0x2  }
0x1ce: {  	v22 =	vor.u32 $0x180, v22;
	v25 =	vor.u32 s10, v5;
	v23 =	vand.u32 $0x600, v23  }
0x1cf: {  	v25 =	vand.u32 $0x7F, v25;
	v26 =	vor.u32 v22, v23  }
0x1d0: {  	v27 =	vor.u32 v24, v23;
	v26 =	vor.u32 v25, v26  }
0x1d1: {  	v27 =	vor.u32 v25, v27  }
0x1d2: {  	v23 =	vor.u32 v21, v23  }
0x1d3: {  	v25 =	vor.u32 v25, v23;
	_ =	sdelay $0x1  }
0x1d4: {  	v23 =	vld.idx.msk [tilespmem:v26+s23+$0x0], $0xffff  }
0x1d5: {  	s22 =	simm.s32 $0x0;
	v26 =	vld.idx.msk [tilespmem:v27+s20+$0x0], $0xffff  }
0x1d6: {  	s2 =	sand.u32 $0x3FFFFE00, s22  }
0x1d7: {  	s3 =	simm.s32 $0x10;
	s2 =	sadd.s32 s2, s17;
	s11 =	sand.u32 $0x70, s10;
	v25 =	vld.idx.msk [tilespmem:v25+s24+$0x0], $0xffff  }
0x1d8: {  	s13 =	sadd.s32 s11, s2;
	v27 =	vmov s3  }
0x1d9: {  	s12 =	simm.s32 $0x2;
	s2 =	simm.s32 $0x1;
	v28 =	vshll.u32 v27, $0x2;
	v27 =	vld [tilespmem:s13+$0x180]  }
.LBB2_9:
0x1da: {  	p1 =	sne.s32 s12, $0x1F;
	v29 =	vor.u32 s3, v5;
	v28 =	vand.u32 $0x600, v28;
	v23 =	vadd.f32 v23, v26  }
0x1db: {  	v26 =	vand.u32 $0x7F, v29;
	v29 =	vor.u32 v22, v28  }
0x1dc: {  	s13 =	sshll.u32 s10, $0x7;
	s10 =	smov.u32 s2;
	s2 =	smov.u32 s12;
	v30 =	vor.u32 v24, v28;
	v29 =	vor.u32 v26, v29;
	v23 =	vadd.f32 v25, v23  }
0x1dd: {  	s13 =	sand.u32 $0x3FFFFC00, s13;
	v25 =	vor.u32 v26, v30  }
0x1de: {  	v28 =	vor.u32 v21, v28;
	s13 =	sadd.s32 s13, s0;
	v23 =	vadd.f32 v23, v27  }
0x1df: {  	s11 =	sadd.s32 s11, s13;
	v27 =	vor.u32 v26, v28  }
0x1e0: {  	[tilespmem:s11+$0x0] =	vst v23  }
0x1e1: {  	v23 =	vld.idx.msk [tilespmem:v29+s23+$0x0], $0xffff  }
0x1e2: {  	v26 =	vld.idx.msk [tilespmem:v25+s20+$0x0], $0xffff  }
.Ltmp3:
0x1e3: {  	s11 =	sshll.u32 s10, $0x6;
	(pc) =	sbr.rel @p1 .LBB2_9-.Ltmp3, $4  }
0x1e4: {  	s13 =	sand.u32 $0x3FFFFE00, s11;
	v25 =	vld.idx.msk [tilespmem:v27+s24+$0x0], $0xffff  }
0x1e5: {  	s11 =	sand.u32 $0x70, s3;
	s3 =	sadd.s32 $0x10, s3;
	s13 =	sadd.s32 s13, s17  }
0x1e6: {  	s13 =	sadd.s32 s11, s13;
	v27 =	vmov s3  }
0x1e7: {  	s12 =	sadd.s32 $0x1, s12;
	v28 =	vshll.u32 v27, $0x2;
	v27 =	vld [tilespmem:s13+$0x180]  }
0x1e8: {  	v29 =	vor.u32 s3, v5;
	v28 =	vand.u32 $0x600, v28;
	v23 =	vadd.f32 v23, v26  }
0x1e9: {  	v62 =	vand.u32 $0x7F, v29;
	v22 =	vor.u32 v22, v28  }
0x1ea: {  	s10 =	sshll.u32 s10, $0x7;
	v24 =	vor.u32 v24, v28;
	v22 =	vor.u32 v62, v22;
	v23 =	vadd.f32 v25, v23  }
0x1eb: {  	s10 =	sand.u32 $0x3FFFFC00, s10;
	v24 =	vor.u32 v62, v24  }
0x1ec: {  	v21 =	vor.u32 v21, v28;
	s10 =	sadd.s32 s10, s0;
	v23 =	vadd.f32 v23, v27  }
0x1ed: {  	v21 =	vor.u32 v62, v21;
	s10 =	sadd.s32 s11, s10  }
0x1ee: {  	[tilespmem:s10+$0x0] =	vst v23  }
0x1ef: {  	v22 =	vld.idx.msk [tilespmem:v22+s23+$0x0], $0xffff  }
0x1f0: {  	s12 =	sshll.u32 s2, $0x6;
	v23 =	vld.idx.msk [tilespmem:v24+s20+$0x0], $0xffff  }
0x1f1: {  	s10 =	sand.u32 $0x3FFFFE00, s12  }
0x1f2: {  	s13 =	sand.u32 $0x70, s3;
	v21 =	vld.idx.msk [tilespmem:v21+s24+$0x0], $0xffff;
	s10 =	sadd.s32 s10, s17  }
0x1f3: {  	s10 =	sadd.s32 s13, s10  }
0x1f4: {  	v63 =	vld [tilespmem:s10+$0x180]  }
0x1f5: {  	s9 =	sadd.s32 $0x1, s9;
	v22 =	vadd.f32 v22, v23  }
0x1f6: {  	p1 =	sne.s32 s9, $0x8  }
.Ltmp4:
0x1f7: {  	s17 =	sshll.u32 s2, $0x7;
	v21 =	vadd.f32 v21, v22;
	(pc) =	sbr.rel @p1 .LBB2_2-.Ltmp4, $4  }
0x1f8: {  	s2 =	sand.u32 $0x3FFFFC00, s17  }
0x1f9: {  	s22 =	sadd.s32 s2, s0;
	v21 =	vadd.f32 v21, v63  }
0x1fa: {  	s0 =	sadd.s32 s13, s22  }
0x1fb: {  	[tilespmem:s0+$0x0] =	vst v21  }
0x1fc: {  	s0 =	sld [smem:$0x7ED];
	_ =	sdelay $0x1  }
0x1fd: {  	s17 =	simm.s32 $0x0;
	s2 =	simm.s32 $0xCA80;
	s12 =	sld [smem:$0x7EE]  }
0x1fe: {  	[hbm4b:s0+s17] =	stream.linear.scatter [tilespmem:s2], [sflag:$0x3], $0x1000, $0x38;
	[tilespmem:$0x18A80] =	vst v63  }
0x1ff: {  	s13 =	sld [smem:$0x7EF]  }
0x200: {  	[hbm4b:s12+s17] =	stream.linear.scatter [tilespmem:s14], [sflag:$0x3], $0x1000, $0x38;
	[tilespmem:$0x18A80] =	vst v63  }
0x201: {  	s22 =	sld [smem:$0x7F0]  }
0x202: {  	[hbm4b:s13+s17] =	stream.linear.scatter [tilespmem:s5], [sflag:$0x3], $0x1000, $0x38;
	[tilespmem:$0x18A80] =	vst v63  }
0x203: {  	_ = 	snop  }
0x204: {  	[hbm4b:s22+s17] =	stream.linear.scatter [tilespmem:s6], [sflag:$0x3], $0x1000, $0x38;
	[tilespmem:$0x18A80] =	vst v63  }
0x205: {  	_ =	swait.ge [sflag:s19], $0x4000  }
0x206: {  	[sflag:s19] =	ssyncset.done $0x0  }
0x207: {  	[sflag:s19] =	ssyncadd.s32 $0xFFFFC000  }
0x208: {  	_ =	swait.ge [sflag:s19], $0x4000  }
0x209: {  	[sflag:s19] =	ssyncset.done $0x0  }
0x20a: {  	[sflag:s19] =	ssyncadd.s32 $0xFFFFC000  }
0x20b: {  	_ =	swait.ge [sflag:s19], $0x4000  }
0x20c: {  	[sflag:s19] =	ssyncset.done $0x0  }
0x20d: {  	[sflag:s19] =	ssyncadd.s32 $0xFFFFC000  }
0x20e: {  	_ =	swait.ge [sflag:s19], $0x4000  }
0x20f: {  	[sflag:s19] =	ssyncset.done $0x0  }
0x210: {  	[sflag:s19] =	ssyncadd.s32 $0xFFFFC000  }
0x211: {  	_ =	swait.ge [sflag:s19], $0x4000  }
0x212: {  	[sflag:s19] =	ssyncset.done $0x0  }
0x213: {  	[sflag:s19] =	ssyncadd.s32 $0xFFFFC000  }
0x214: {  	_ =	swait.ge [sflag:s19], $0x4000  }
0x215: {  	[sflag:s19] =	ssyncset.done $0x0  }
0x216: {  	[sflag:s19] =	ssyncadd.s32 $0xFFFFC000  }
0x217: {  	_ =	swait.ge [sflag:s19], $0x4000  }
0x218: {  	[sflag:s19] =	ssyncset.done $0x0  }
0x219: {  	[sflag:s19] =	ssyncadd.s32 $0xFFFFC000  }
0x21a: {  	_ =	swait.ge [sflag:s19], $0x4000  }
0x21b: {  	[sflag:s19] =	ssyncset.done $0x0  }
0x21c: {  	[sflag:s19] =	ssyncadd.s32 $0xFFFFC000  }
0x21d: {  	_ =	swait.ge [sflag:s19], $0x4000  }
0x21e: {  	[sflag:s19] =	ssyncset.done $0x0  }
0x21f: {  	[sflag:s19] =	ssyncadd.s32 $0xFFFFC000  }
0x220: {  	_ =	swait.ge [sflag:s19], $0x4000  }
0x221: {  	[sflag:s19] =	ssyncset.done $0x0  }
0x222: {  	[sflag:s19] =	ssyncadd.s32 $0xFFFFC000  }
0x223: {  	_ =	swait.ge [sflag:s19], $0x4000  }
0x224: {  	[sflag:s19] =	ssyncset.done $0x0  }
0x225: {  	[sflag:s19] =	ssyncadd.s32 $0xFFFFC000  }
0x226: {  	_ =	swait.ge [sflag:s19], $0x4000  }
0x227: {  	[sflag:s19] =	ssyncset.done $0x0  }
0x228: {  	[sflag:s19] =	ssyncadd.s32 $0xFFFFC000  }
0x229: {  	_ =	swait.ge [sflag:s19], $0x4000  }
0x22a: {  	[sflag:s19] =	ssyncset.done $0x0  }
0x22b: {  	[sflag:s19] =	ssyncadd.s32 $0xFFFFC000  }
0x22c: {  	_ =	swait.ge [sflag:s19], $0x4000  }
0x22d: {  	[sflag:s19] =	ssyncset.done $0x0  }
0x22e: {  	[sflag:s19] =	ssyncadd.s32 $0xFFFFC000  }
0x22f: {  	_ =	swait.ge [sflag:s19], $0x4000  }
0x230: {  	[sflag:s19] =	ssyncset.done $0x0  }
0x231: {  	[sflag:s19] =	ssyncadd.s32 $0xFFFFC000  }
0x232: {  	_ =	swait.ge [sflag:s19], $0x4000  }
0x233: {  	[sflag:s19] =	ssyncset.done $0x0  }
0x234: {  	[sflag:s19] =	ssyncadd.s32 $0xFFFFC000  }
0x235: {  	[tilespmem:$0x200] =	vst v2  }
0x236: {  	[tilespmem:$0x210] =	vst v2  }
0x237: {  	[tilespmem:s26], [sflag:$0x2] =	stream.indirect_vreg.gather [hbm4b:s28+s17], $0x80, v14, vm1, $0xb8;
	[tilespmem:$0x18A80] =	vst v63  }
0x238: {  	s2 =	simm.s32 $0x11280  }
0x239: {  	[tilespmem:s2], [sflag:$0x2] =	stream.indirect_vreg.gather [hbm4b:s29+s17], $0x80, v14, vm1, $0xb8;
	[tilespmem:$0x18A80] =	vst v63  }
0x23a: {  	s3 =	simm.s32 $0x11A80  }
0x23b: {  	[tilespmem:s3], [sflag:$0x2] =	stream.indirect_vreg.gather [hbm4b:s28+s17], $0x80, v15, vm1, $0xb8;
	[tilespmem:$0x18A80] =	vst v63  }
0x23c: {  	s9 =	simm.s32 $0x12280  }
0x23d: {  	[tilespmem:s9], [sflag:$0x2] =	stream.indirect_vreg.gather [hbm4b:s29+s17], $0x80, v15, vm1, $0xb8;
	[tilespmem:$0x18A80] =	vst v63  }
0x23e: {  	v18 =	vld [tilespmem:$0x210];
	_ =	sdelay $0x4  }
0x23f: {  	v19 =	vshll.u32 v18, $0x2  }
0x240: {  	v18 =	vand.u32 $0x7, v18;
	v19 =	vand.u32 $0xFFFFFFE0, v19  }
0x241: {  	v18 =	vor.u32 v18, v19  }
0x242: {  	v19 =	vperm.xlane v18, v6;
	_ =	sdelay $0x1  }
0x243: {  	v19 =	vadd.s32 v7, v19;
	_ =	sdelay $0x1  }
0x244: {  	v18 =	vperm.xlane v18, v9;
	_ =	sdelay $0x1  }
0x245: {  	s10 =	simm.s32 $0x12A80;
	v18 =	vadd.s32 v7, v18  }
0x246: {  	[tilespmem:s10], [sflag:$0x2] =	stream.indirect_vreg.gather [hbm4b:s28+s17], $0x80, v19, vm1, $0xb8;
	[tilespmem:$0x18A80] =	vst v63  }
0x247: {  	s11 =	simm.s32 $0x13280  }
0x248: {  	[tilespmem:s11], [sflag:$0x2] =	stream.indirect_vreg.gather [hbm4b:s29+s17], $0x80, v19, vm1, $0xb8;
	[tilespmem:$0x18A80] =	vst v63  }
0x249: {  	s12 =	simm.s32 $0x13A80  }
0x24a: {  	[tilespmem:s12], [sflag:$0x2] =	stream.indirect_vreg.gather [hbm4b:s28+s17], $0x80, v18, vm1, $0xb8;
	[tilespmem:$0x18A80] =	vst v63  }
0x24b: {  	s13 =	simm.s32 $0x14280  }
0x24c: {  	[tilespmem:s13], [sflag:$0x2] =	stream.indirect_vreg.gather [hbm4b:s29+s17], $0x80, v18, vm1, $0xb8;
	[tilespmem:$0x18A80] =	vst v63  }
0x24d: {  	_ =	swait.ge [sflag:s25], $0x4000  }
0x24e: {  	s22 =	sld [smem:$0x7BD]  }
0x24f: {  	[sflag:s25] =	ssyncset.done $0x0  }
0x250: {  	s2 =	sld [smem:$0x7BE];
	[sflag:s25] =	ssyncadd.s32 $0xFFFFC000  }
0x251: {  	[hbm4b:s22+s17] =	stream.linear.scatter [tilespmem:s26], [sflag:$0x4], $0x4000, $0x38;
	[tilespmem:$0x18A80] =	vst v63  }
0x252: {  	s3 =	sld [smem:$0x7BF]  }
0x253: {  	[hbm4b:s2+s17] =	stream.linear.scatter [tilespmem:s26], [sflag:$0x4], $0x4000, $0x38;
	[tilespmem:$0x18A80] =	vst v63  }
0x254: {  	s9 =	sld [smem:$0x7C0]  }
0x255: {  	[hbm4b:s3+s17] =	stream.linear.scatter [tilespmem:s26], [sflag:$0x4], $0x4000, $0x38;
	[tilespmem:$0x18A80] =	vst v63  }
0x256: {  	s10 =	sld [smem:$0x7C1]  }
0x257: {  	[hbm4b:s9+s17] =	stream.linear.scatter [tilespmem:s26], [sflag:$0x4], $0x4000, $0x38;
	[tilespmem:$0x18A80] =	vst v63  }
0x258: {  	s11 =	sld [smem:$0x7C2]  }
0x259: {  	[hbm4b:s10+s17] =	stream.linear.scatter [tilespmem:s26], [sflag:$0x4], $0x4000, $0x38;
	[tilespmem:$0x18A80] =	vst v63  }
0x25a: {  	s12 =	sld [smem:$0x7C3]  }
0x25b: {  	[hbm4b:s11+s17] =	stream.linear.scatter [tilespmem:s26], [sflag:$0x4], $0x4000, $0x38;
	[tilespmem:$0x18A80] =	vst v63  }
0x25c: {  	s13 =	sld [smem:$0x7C4]  }
0x25d: {  	[hbm4b:s12+s17] =	stream.linear.scatter [tilespmem:s26], [sflag:$0x4], $0x4000, $0x38;
	[tilespmem:$0x18A80] =	vst v63  }
0x25e: {  	s22 =	sld [smem:$0x7C5]  }
0x25f: {  	[hbm4b:s13+s17] =	stream.linear.scatter [tilespmem:s26], [sflag:$0x4], $0x4000, $0x38;
	[tilespmem:$0x18A80] =	vst v63  }
0x260: {  	s2 =	sld [smem:$0x7C6]  }
0x261: {  	[hbm4b:s22+s17] =	stream.linear.scatter [tilespmem:s26], [sflag:$0x4], $0x4000, $0x38;
	[tilespmem:$0x18A80] =	vst v63  }
0x262: {  	s3 =	sld [smem:$0x7C7]  }
0x263: {  	[hbm4b:s2+s17] =	stream.linear.scatter [tilespmem:s26], [sflag:$0x4], $0x4000, $0x38;
	[tilespmem:$0x18A80] =	vst v63  }
0x264: {  	s9 =	sld [smem:$0x7C8]  }
0x265: {  	[hbm4b:s3+s17] =	stream.linear.scatter [tilespmem:s26], [sflag:$0x4], $0x4000, $0x38;
	[tilespmem:$0x18A80] =	vst v63  }
0x266: {  	s10 =	sld [smem:$0x7C9]  }
0x267: {  	[hbm4b:s9+s17] =	stream.linear.scatter [tilespmem:s26], [sflag:$0x4], $0x4000, $0x38;
	[tilespmem:$0x18A80] =	vst v63  }
0x268: {  	s11 =	sld [smem:$0x7CA]  }
0x269: {  	[hbm4b:s10+s17] =	stream.linear.scatter [tilespmem:s26], [sflag:$0x4], $0x4000, $0x38;
	[tilespmem:$0x18A80] =	vst v63  }
0x26a: {  	s12 =	sld [smem:$0x7CB]  }
0x26b: {  	[hbm4b:s11+s17] =	stream.linear.scatter [tilespmem:s26], [sflag:$0x4], $0x4000, $0x38;
	[tilespmem:$0x18A80] =	vst v63  }
0x26c: {  	s13 =	sld [smem:$0x7CC]  }
0x26d: {  	[hbm4b:s12+s17] =	stream.linear.scatter [tilespmem:s26], [sflag:$0x4], $0x4000, $0x38;
	[tilespmem:$0x18A80] =	vst v63  }
0x26e: {  	_ = 	snop  }
0x26f: {  	[hbm4b:s13+s17] =	stream.linear.scatter [tilespmem:s26], [sflag:$0x4], $0x4000, $0x38;
	[tilespmem:$0x18A80] =	vst v63  }
0x270: {  	_ =	swait.ge [sflag:s18], $0x4000  }
0x271: {  	[sflag:s18] =	ssyncset.done $0x0  }
0x272: {  	[sflag:s18] =	ssyncadd.s32 $0xFFFFC000  }
0x273: {  	v18 =	vld.msk [tilespmem:$0x10], $0xff;
	_ =	sdelay $0x4  }
0x274: {  	v18 =	vshll.u32 v18, $0xB  }
0x275: {  	v18 =	vperm.xlane v18, v5;
	_ =	sdelay $0x4  }
0x276: {  	s22 =	rddreg [dreg:$0x4]  }
0x277: {  	[tilespmem:s4], [sflag:$0x1] =	stream.indirect_vreg.gather [hbm4b:s22+s17], $0x800, v18, vm0, $0x38;
	[tilespmem:$0x18A80] =	vst v63  }
0x278: {  	_ =	swait.ge [sflag:s15], $0x1000  }
0x279: {  	[sflag:s15] =	ssyncset.done $0x0  }
0x27a: {  	[sflag:s15] =	ssyncadd.s32 $0xFFFFF000  }
0x27b: {  	_ =	swait.ge [sflag:s15], $0x1000  }
0x27c: {  	[sflag:s15] =	ssyncset.done $0x0  }
0x27d: {  	[sflag:s15] =	ssyncadd.s32 $0xFFFFF000  }
0x27e: {  	_ =	swait.ge [sflag:s15], $0x1000  }
0x27f: {  	[sflag:s15] =	ssyncset.done $0x0  }
0x280: {  	[sflag:s15] =	ssyncadd.s32 $0xFFFFF000  }
0x281: {  	_ =	swait.ge [sflag:s15], $0x1000  }
0x282: {  	[sflag:s15] =	ssyncset.done $0x0  }
0x283: {  	[sflag:s15] =	ssyncadd.s32 $0xFFFFF000  }
0x284: {  	v18 =	vld [tilespmem:$0x80]  }
0x285: {  	v19 =	vld [tilespmem:$0x100]  }
0x286: {  	s9 =	simm.s32 $0x0;
	v20 =	vld [tilespmem:$0x180]  }
.LBB2_12:
0x287: {  	s0 =	sor.u32 $0x8, s9  }
0x288: {  	v21 =	vmov s0  }
0x289: {  	vm3 =	veq.s32 v21, v5  }
0x28a: {  	v21 =	vnsel vm3, $0x0, v18  }
0x28b: {  	(xrf0) =	vadd.scan.msk.s32 $0xffff, v21;
	v21 =	vnsel vm3, $0x0, v19  }
0x28c: {  	(xrf0) =	vadd.scan.msk.s32 $0xffff, v21;
	_ =	sdelay $0x1  }
0x28d: {  	v21 =	vnsel vm3, $0x0, v20  }
0x28e: {  	(xrf0) =	vadd.scan.msk.s32 $0xffff, v21;
	_ =	sdelay $0x1  }
0x28f: {  	v21, _, _ =	vpop (xrf0)  }
0x290: {  	v22, _, _ =	vpop (xrf0)  }
0x291: {  	v24 =	vmov s17;
	v22 =	vshll.u32 v22, $0xB  }
0x292: {  	v24 =	vshll.u32 v24, $0x2;
	v21 =	vshll.u32 v21, $0xB;
	v22 =	vbroadcast v22, $0xF  }
0x293: {  	v25 =	vor.u32 s17, v5;
	v24 =	vand.u32 $0x600, v24;
	v23, _, _ =	vpop (xrf0);
	v21 =	vbroadcast v21, $0xF  }
0x294: {  	v25 =	vand.u32 $0x7F, v25;
	v23 =	vshll.u32 v23, $0xB;
	v26 =	vor.u32 v22, v24  }
0x295: {  	v23 =	vbroadcast v23, $0xF;
	v27 =	vor.u32 v21, v24;
	v26 =	vor.u32 v25, v26  }
0x296: {  	v27 =	vor.u32 v25, v27  }
0x297: {  	v24 =	vor.u32 v23, v24  }
0x298: {  	v25 =	vor.u32 v25, v24;
	_ =	sdelay $0x1  }
0x299: {  	s13 =	sshll.u32 s9, $0xB;
	v24 =	vld.idx.msk [tilespmem:v26+s23+$0x0], $0xffff  }
0x29a: {  	s2 =	sshll.u32 s9, $0x9;
	s22 =	simm.s32 $0x0;
	s3 =	sand.u32 $0x3FFFF800, s13;
	v26 =	vld.idx.msk [tilespmem:v27+s20+$0x0], $0xffff  }
0x29b: {  	s0 =	sshrl.u32 s2, $0x2;
	s2 =	sand.u32 $0x3FFFFE00, s22;
	s10 =	sadd.s32 $0x8A80, s3  }
0x29c: {  	s12 =	sand.u32 $0x70, s17;
	s3 =	simm.s32 $0x10;
	s2 =	sadd.s32 s2, s10;
	v25 =	vld.idx.msk [tilespmem:v25+s24+$0x0], $0xffff  }
0x29d: {  	s22 =	simm.s32 $0x2;
	s13 =	sadd.s32 s12, s2;
	v27 =	vmov s3  }
0x29e: {  	s11 =	sadd.s32 $0xCA80, s0;
	s2 =	simm.s32 $0x1;
	v28 =	vshll.u32 v27, $0x2;
	v27 =	vld [tilespmem:s13+$0x0];
	s13 =	simm.s32 $0x0  }
.LBB2_13:
0x29f: {  	p1 =	seq.s32 s22, $0x1F;
	v29 =	vor.u32 s3, v5;
	v28 =	vand.u32 $0x600, v28;
	v24 =	vadd.f32 v24, v26  }
0x2a0: {  	v26 =	vand.u32 $0x7F, v29;
	v29 =	vor.u32 v22, v28  }
0x2a1: {  	s4 =	sshll.u32 s13, $0x7;
	s13 =	smov.u32 s2;
	s2 =	smov.u32 s22;
	v30 =	vor.u32 v21, v28;
	v29 =	vor.u32 v26, v29;
	v24 =	vadd.f32 v25, v24  }
0x2a2: {  	s4 =	sand.u32 $0x3FFFFC00, s4;
	v25 =	vor.u32 v26, v30  }
0x2a3: {  	v28 =	vor.u32 v23, v28;
	s4 =	sadd.s32 s4, s11;
	v24 =	vadd.f32 v24, v27  }
0x2a4: {  	s4 =	sadd.s32 s12, s4;
	v27 =	vor.u32 v26, v28  }
0x2a5: {  	[tilespmem:s4+$0x0] =	vst v24  }
0x2a6: {  	v24 =	vld.idx.msk [tilespmem:v29+s23+$0x0], $0xffff  }
0x2a7: {  	v26 =	vld.idx.msk [tilespmem:v25+s20+$0x0], $0xffff  }
.Ltmp5:
0x2a8: {  	s4 =	sshll.u32 s13, $0x6;
	(pc) =	sbr.rel @!p1 .LBB2_13-.Ltmp5, $4  }
0x2a9: {  	s4 =	sand.u32 $0x3FFFFE00, s4;
	v25 =	vld.idx.msk [tilespmem:v27+s24+$0x0], $0xffff  }
0x2aa: {  	s12 =	sand.u32 $0x70, s3;
	s3 =	sadd.s32 $0x10, s3;
	s4 =	sadd.s32 s4, s10  }
0x2ab: {  	s4 =	sadd.s32 s12, s4;
	v27 =	vmov s3  }
0x2ac: {  	s22 =	sadd.s32 $0x1, s22;
	v28 =	vshll.u32 v27, $0x2;
	v27 =	vld [tilespmem:s4+$0x0]  }
0x2ad: {  	v29 =	vor.u32 s3, v5;
	v28 =	vand.u32 $0x600, v28;
	v24 =	vadd.f32 v24, v26  }
0x2ae: {  	v26 =	vand.u32 $0x7F, v29;
	v29 =	vor.u32 v22, v28  }
0x2af: {  	s4 =	sshll.u32 s13, $0x7;
	v30 =	vor.u32 v21, v28;
	v29 =	vor.u32 v26, v29;
	v24 =	vadd.f32 v25, v24  }
0x2b0: {  	s4 =	sand.u32 $0x3FFFFC00, s4;
	v25 =	vor.u32 v26, v30  }
0x2b1: {  	v28 =	vor.u32 v23, v28;
	s4 =	sadd.s32 s4, s11;
	v24 =	vadd.f32 v24, v27  }
0x2b2: {  	v26 =	vor.u32 v26, v28;
	s4 =	sadd.s32 s12, s4  }
0x2b3: {  	[tilespmem:s4+$0x0] =	vst v24  }
0x2b4: {  	v24 =	vld.idx.msk [tilespmem:v29+s23+$0x0], $0xffff  }
0x2b5: {  	s22 =	sshll.u32 s2, $0x6;
	v25 =	vld.idx.msk [tilespmem:v25+s20+$0x0], $0xffff  }
0x2b6: {  	s4 =	sand.u32 $0x3FFFFE00, s22  }
0x2b7: {  	s12 =	sand.u32 $0x70, s3;
	v26 =	vld.idx.msk [tilespmem:v26+s24+$0x0], $0xffff;
	s4 =	sadd.s32 s4, s10  }
0x2b8: {  	s4 =	sadd.s32 s12, s4  }
0x2b9: {  	v27 =	vld [tilespmem:s4+$0x0]  }
0x2ba: {  	v24 =	vadd.f32 v24, v25;
	_ =	sdelay $0x1  }
0x2bb: {  	s13 =	sshll.u32 s2, $0x7;
	v24 =	vadd.f32 v26, v24  }
0x2bc: {  	s2 =	sand.u32 $0x3FFFFC00, s13  }
0x2bd: {  	s2 =	sadd.s32 s2, s11;
	v24 =	vadd.f32 v24, v27  }
0x2be: {  	s2 =	sadd.s32 s12, s2  }
0x2bf: {  	[tilespmem:s2+$0x0] =	vst v24;
	s2 =	simm.s32 $0x0  }
0x2c0: {  	v27 =	vmov s2  }
0x2c1: {  	v27 =	vshll.u32 v27, $0x2  }
0x2c2: {  	v26 =	vor.u32 $0x80, v22;
	v28 =	vor.u32 s2, v5;
	v27 =	vand.u32 $0x600, v27  }
0x2c3: {  	v25 =	vor.u32 $0x80, v21;
	v28 =	vand.u32 $0x7F, v28;
	v29 =	vor.u32 v26, v27  }
0x2c4: {  	v30 =	vor.u32 v25, v27;
	v29 =	vor.u32 v28, v29  }
0x2c5: {  	v24 =	vor.u32 $0x80, v23;
	v30 =	vor.u32 v28, v30  }
0x2c6: {  	v27 =	vor.u32 v24, v27  }
0x2c7: {  	v28 =	vor.u32 v28, v27;
	_ =	sdelay $0x1  }
0x2c8: {  	v27 =	vld.idx.msk [tilespmem:v29+s23+$0x0], $0xffff  }
0x2c9: {  	s22 =	simm.s32 $0x0;
	v29 =	vld.idx.msk [tilespmem:v30+s20+$0x0], $0xffff  }
0x2ca: {  	s3 =	sand.u32 $0x3FFFFE00, s22  }
0x2cb: {  	s3 =	sadd.s32 s3, s10;
	s12 =	simm.s32 $0x10;
	s13 =	sand.u32 $0x70, s2;
	v28 =	vld.idx.msk [tilespmem:v28+s24+$0x0], $0xffff  }
0x2cc: {  	s4 =	sadd.s32 s13, s3;
	v30 =	vmov s12  }
0x2cd: {  	s11 =	sadd.s32 $0xDA80, s0;
	s22 =	simm.s32 $0x2;
	s3 =	simm.s32 $0x1;
	v31 =	vshll.u32 v30, $0x2;
	v30 =	vld [tilespmem:s4+$0x80]  }
.LBB2_15:
0x2ce: {  	p1 =	seq.s32 s22, $0x1F;
	v32 =	vor.u32 s12, v5;
	v31 =	vand.u32 $0x600, v31;
	v27 =	vadd.f32 v27, v29  }
0x2cf: {  	v29 =	vand.u32 $0x7F, v32;
	v32 =	vor.u32 v26, v31  }
0x2d0: {  	s4 =	sshll.u32 s2, $0x7;
	s2 =	smov.u32 s3;
	s3 =	smov.u32 s22;
	v33 =	vor.u32 v25, v31;
	v32 =	vor.u32 v29, v32;
	v27 =	vadd.f32 v28, v27  }
0x2d1: {  	s4 =	sand.u32 $0x3FFFFC00, s4;
	v28 =	vor.u32 v29, v33  }
0x2d2: {  	v31 =	vor.u32 v24, v31;
	s4 =	sadd.s32 s4, s11;
	v27 =	vadd.f32 v27, v30  }
0x2d3: {  	s4 =	sadd.s32 s13, s4;
	v30 =	vor.u32 v29, v31  }
0x2d4: {  	[tilespmem:s4+$0x0] =	vst v27  }
0x2d5: {  	v27 =	vld.idx.msk [tilespmem:v32+s23+$0x0], $0xffff  }
0x2d6: {  	v29 =	vld.idx.msk [tilespmem:v28+s20+$0x0], $0xffff  }
.Ltmp6:
0x2d7: {  	s4 =	sshll.u32 s2, $0x6;
	(pc) =	sbr.rel @!p1 .LBB2_15-.Ltmp6, $4  }
0x2d8: {  	s4 =	sand.u32 $0x3FFFFE00, s4;
	v28 =	vld.idx.msk [tilespmem:v30+s24+$0x0], $0xffff  }
0x2d9: {  	s13 =	sand.u32 $0x70, s12;
	s12 =	sadd.s32 $0x10, s12;
	s4 =	sadd.s32 s4, s10  }
0x2da: {  	s4 =	sadd.s32 s13, s4;
	v30 =	vmov s12  }
0x2db: {  	s22 =	sadd.s32 $0x1, s22;
	v31 =	vshll.u32 v30, $0x2;
	v30 =	vld [tilespmem:s4+$0x80]  }
0x2dc: {  	v32 =	vor.u32 s12, v5;
	v31 =	vand.u32 $0x600, v31;
	v27 =	vadd.f32 v27, v29  }
0x2dd: {  	v29 =	vand.u32 $0x7F, v32;
	v26 =	vor.u32 v26, v31  }
0x2de: {  	s2 =	sshll.u32 s2, $0x7;
	v25 =	vor.u32 v25, v31;
	v26 =	vor.u32 v29, v26;
	v27 =	vadd.f32 v28, v27  }
0x2df: {  	s2 =	sand.u32 $0x3FFFFC00, s2;
	v25 =	vor.u32 v29, v25  }
0x2e0: {  	v24 =	vor.u32 v24, v31;
	s2 =	sadd.s32 s2, s11;
	v27 =	vadd.f32 v27, v30  }
0x2e1: {  	v24 =	vor.u32 v29, v24;
	s2 =	sadd.s32 s13, s2  }
0x2e2: {  	[tilespmem:s2+$0x0] =	vst v27  }
0x2e3: {  	v26 =	vld.idx.msk [tilespmem:v26+s23+$0x0], $0xffff  }
0x2e4: {  	s4 =	sshll.u32 s3, $0x6;
	v25 =	vld.idx.msk [tilespmem:v25+s20+$0x0], $0xffff  }
0x2e5: {  	s2 =	sand.u32 $0x3FFFFE00, s4  }
0x2e6: {  	s4 =	sand.u32 $0x70, s12;
	v24 =	vld.idx.msk [tilespmem:v24+s24+$0x0], $0xffff;
	s2 =	sadd.s32 s2, s10  }
0x2e7: {  	s2 =	sadd.s32 s4, s2  }
0x2e8: {  	v27 =	vld [tilespmem:s2+$0x80]  }
0x2e9: {  	v25 =	vadd.f32 v26, v25;
	_ =	sdelay $0x1  }
0x2ea: {  	s13 =	sshll.u32 s3, $0x7;
	v24 =	vadd.f32 v24, v25  }
0x2eb: {  	s2 =	sand.u32 $0x3FFFFC00, s13  }
0x2ec: {  	s2 =	sadd.s32 s2, s11;
	v24 =	vadd.f32 v24, v27  }
0x2ed: {  	s2 =	sadd.s32 s4, s2  }
0x2ee: {  	[tilespmem:s2+$0x0] =	vst v24;
	s2 =	simm.s32 $0x0  }
0x2ef: {  	v27 =	vmov s2  }
0x2f0: {  	v27 =	vshll.u32 v27, $0x2  }
0x2f1: {  	v26 =	vor.u32 $0x100, v22;
	v28 =	vor.u32 s2, v5;
	v27 =	vand.u32 $0x600, v27  }
0x2f2: {  	v25 =	vor.u32 $0x100, v21;
	v28 =	vand.u32 $0x7F, v28;
	v29 =	vor.u32 v26, v27  }
0x2f3: {  	v30 =	vor.u32 v25, v27;
	v29 =	vor.u32 v28, v29  }
0x2f4: {  	v24 =	vor.u32 $0x100, v23;
	v30 =	vor.u32 v28, v30  }
0x2f5: {  	v27 =	vor.u32 v24, v27  }
0x2f6: {  	v28 =	vor.u32 v28, v27;
	_ =	sdelay $0x1  }
0x2f7: {  	v27 =	vld.idx.msk [tilespmem:v29+s23+$0x0], $0xffff  }
0x2f8: {  	s22 =	simm.s32 $0x0;
	v29 =	vld.idx.msk [tilespmem:v30+s20+$0x0], $0xffff  }
0x2f9: {  	s3 =	sand.u32 $0x3FFFFE00, s22  }
0x2fa: {  	s3 =	sadd.s32 s3, s10;
	s12 =	simm.s32 $0x10;
	s13 =	sand.u32 $0x70, s2;
	v28 =	vld.idx.msk [tilespmem:v28+s24+$0x0], $0xffff  }
0x2fb: {  	s4 =	sadd.s32 s13, s3;
	v30 =	vmov s12  }
0x2fc: {  	s22 =	simm.s32 $0x2;
	s11 =	sadd.s32 $0xEA80, s0;
	s3 =	simm.s32 $0x1;
	v31 =	vshll.u32 v30, $0x2;
	v30 =	vld [tilespmem:s4+$0x100]  }
.LBB2_17:
0x2fd: {  	p1 =	seq.s32 s22, $0x1F;
	v32 =	vor.u32 s12, v5;
	v31 =	vand.u32 $0x600, v31;
	v27 =	vadd.f32 v27, v29  }
0x2fe: {  	v29 =	vand.u32 $0x7F, v32;
	v32 =	vor.u32 v26, v31  }
0x2ff: {  	s4 =	sshll.u32 s2, $0x7;
	s2 =	smov.u32 s3;
	s3 =	smov.u32 s22;
	v33 =	vor.u32 v25, v31;
	v32 =	vor.u32 v29, v32;
	v27 =	vadd.f32 v28, v27  }
0x300: {  	s4 =	sand.u32 $0x3FFFFC00, s4;
	v28 =	vor.u32 v29, v33  }
0x301: {  	v31 =	vor.u32 v24, v31;
	s4 =	sadd.s32 s4, s11;
	v27 =	vadd.f32 v27, v30  }
0x302: {  	s4 =	sadd.s32 s13, s4;
	v30 =	vor.u32 v29, v31  }
0x303: {  	[tilespmem:s4+$0x0] =	vst v27  }
0x304: {  	v27 =	vld.idx.msk [tilespmem:v32+s23+$0x0], $0xffff  }
0x305: {  	v29 =	vld.idx.msk [tilespmem:v28+s20+$0x0], $0xffff  }
.Ltmp7:
0x306: {  	s4 =	sshll.u32 s2, $0x6;
	(pc) =	sbr.rel @!p1 .LBB2_17-.Ltmp7, $4  }
0x307: {  	s4 =	sand.u32 $0x3FFFFE00, s4;
	v28 =	vld.idx.msk [tilespmem:v30+s24+$0x0], $0xffff  }
0x308: {  	s13 =	sand.u32 $0x70, s12;
	s12 =	sadd.s32 $0x10, s12;
	s4 =	sadd.s32 s4, s10  }
0x309: {  	s4 =	sadd.s32 s13, s4;
	v30 =	vmov s12  }
0x30a: {  	s22 =	sadd.s32 $0x1, s22;
	v31 =	vshll.u32 v30, $0x2;
	v30 =	vld [tilespmem:s4+$0x100]  }
0x30b: {  	v32 =	vor.u32 s12, v5;
	v31 =	vand.u32 $0x600, v31;
	v27 =	vadd.f32 v27, v29  }
0x30c: {  	v29 =	vand.u32 $0x7F, v32;
	v26 =	vor.u32 v26, v31  }
0x30d: {  	s2 =	sshll.u32 s2, $0x7;
	v25 =	vor.u32 v25, v31;
	v26 =	vor.u32 v29, v26;
	v27 =	vadd.f32 v28, v27  }
0x30e: {  	s2 =	sand.u32 $0x3FFFFC00, s2;
	v25 =	vor.u32 v29, v25  }
0x30f: {  	v24 =	vor.u32 v24, v31;
	s2 =	sadd.s32 s2, s11;
	v27 =	vadd.f32 v27, v30  }
0x310: {  	v24 =	vor.u32 v29, v24;
	s2 =	sadd.s32 s13, s2  }
0x311: {  	[tilespmem:s2+$0x0] =	vst v27  }
0x312: {  	v26 =	vld.idx.msk [tilespmem:v26+s23+$0x0], $0xffff  }
0x313: {  	s4 =	sshll.u32 s3, $0x6;
	v25 =	vld.idx.msk [tilespmem:v25+s20+$0x0], $0xffff  }
0x314: {  	s2 =	sand.u32 $0x3FFFFE00, s4  }
0x315: {  	s4 =	sand.u32 $0x70, s12;
	v24 =	vld.idx.msk [tilespmem:v24+s24+$0x0], $0xffff;
	s2 =	sadd.s32 s2, s10  }
0x316: {  	s2 =	sadd.s32 s4, s2  }
0x317: {  	v27 =	vld [tilespmem:s2+$0x100]  }
0x318: {  	v25 =	vadd.f32 v26, v25;
	_ =	sdelay $0x1  }
0x319: {  	s12 =	sshll.u32 s3, $0x7;
	v24 =	vadd.f32 v24, v25  }
0x31a: {  	s2 =	sand.u32 $0x3FFFFC00, s12  }
0x31b: {  	s2 =	sadd.s32 s2, s11;
	v24 =	vadd.f32 v24, v27  }
0x31c: {  	s2 =	sadd.s32 s4, s2  }
0x31d: {  	[tilespmem:s2+$0x0] =	vst v24;
	s2 =	simm.s32 $0x0  }
0x31e: {  	v24 =	vor.u32 $0x180, v21;
	v21 =	vor.u32 $0x180, v23;
	v23 =	vmov s2  }
0x31f: {  	v23 =	vshll.u32 v23, $0x2  }
0x320: {  	v22 =	vor.u32 $0x180, v22;
	v25 =	vor.u32 s2, v5;
	v23 =	vand.u32 $0x600, v23  }
0x321: {  	v25 =	vand.u32 $0x7F, v25;
	v26 =	vor.u32 v22, v23  }
0x322: {  	v27 =	vor.u32 v24, v23;
	v26 =	vor.u32 v25, v26  }
0x323: {  	v27 =	vor.u32 v25, v27  }
0x324: {  	v23 =	vor.u32 v21, v23  }
0x325: {  	v25 =	vor.u32 v25, v23;
	_ =	sdelay $0x1  }
0x326: {  	v23 =	vld.idx.msk [tilespmem:v26+s23+$0x0], $0xffff  }
0x327: {  	s13 =	simm.s32 $0x0;
	v26 =	vld.idx.msk [tilespmem:v27+s20+$0x0], $0xffff  }
0x328: {  	s3 =	sand.u32 $0x3FFFFE00, s13  }
0x329: {  	s3 =	sadd.s32 s3, s10;
	s11 =	simm.s32 $0x10;
	s12 =	sand.u32 $0x70, s2;
	v25 =	vld.idx.msk [tilespmem:v25+s24+$0x0], $0xffff  }
0x32a: {  	s22 =	sadd.s32 s12, s3;
	v27 =	vmov s11  }
0x32b: {  	s0 =	sadd.s32 $0xFA80, s0;
	s13 =	simm.s32 $0x2;
	s3 =	simm.s32 $0x1;
	v28 =	vshll.u32 v27, $0x2;
	v27 =	vld [tilespmem:s22+$0x180]  }
.LBB2_19:
0x32c: {  	p1 =	sne.s32 s13, $0x1F;
	v29 =	vor.u32 s11, v5;
	v28 =	vand.u32 $0x600, v28;
	v23 =	vadd.f32 v23, v26  }
0x32d: {  	v26 =	vand.u32 $0x7F, v29;
	v29 =	vor.u32 v22, v28  }
0x32e: {  	s4 =	sshll.u32 s2, $0x7;
	s2 =	smov.u32 s3;
	s3 =	smov.u32 s13;
	v30 =	vor.u32 v24, v28;
	v29 =	vor.u32 v26, v29;
	v23 =	vadd.f32 v25, v23  }
0x32f: {  	s4 =	sand.u32 $0x3FFFFC00, s4;
	v25 =	vor.u32 v26, v30  }
0x330: {  	v28 =	vor.u32 v21, v28;
	s4 =	sadd.s32 s4, s0;
	v23 =	vadd.f32 v23, v27  }
0x331: {  	s4 =	sadd.s32 s12, s4;
	v27 =	vor.u32 v26, v28  }
0x332: {  	[tilespmem:s4+$0x0] =	vst v23  }
0x333: {  	v23 =	vld.idx.msk [tilespmem:v29+s23+$0x0], $0xffff  }
0x334: {  	v26 =	vld.idx.msk [tilespmem:v25+s20+$0x0], $0xffff  }
.Ltmp8:
0x335: {  	s4 =	sshll.u32 s2, $0x6;
	(pc) =	sbr.rel @p1 .LBB2_19-.Ltmp8, $4  }
0x336: {  	s4 =	sand.u32 $0x3FFFFE00, s4;
	v25 =	vld.idx.msk [tilespmem:v27+s24+$0x0], $0xffff  }
0x337: {  	s12 =	sand.u32 $0x70, s11;
	s11 =	sadd.s32 $0x10, s11;
	s4 =	sadd.s32 s4, s10  }
0x338: {  	s4 =	sadd.s32 s12, s4;
	v27 =	vmov s11  }
0x339: {  	s13 =	sadd.s32 $0x1, s13;
	v28 =	vshll.u32 v27, $0x2;
	v27 =	vld [tilespmem:s4+$0x180]  }
0x33a: {  	v29 =	vor.u32 s11, v5;
	v28 =	vand.u32 $0x600, v28;
	v23 =	vadd.f32 v23, v26  }
0x33b: {  	v62 =	vand.u32 $0x7F, v29;
	v22 =	vor.u32 v22, v28  }
0x33c: {  	s2 =	sshll.u32 s2, $0x7;
	v24 =	vor.u32 v24, v28;
	v22 =	vor.u32 v62, v22;
	v23 =	vadd.f32 v25, v23  }
0x33d: {  	s2 =	sand.u32 $0x3FFFFC00, s2;
	v24 =	vor.u32 v62, v24  }
0x33e: {  	v21 =	vor.u32 v21, v28;
	s2 =	sadd.s32 s2, s0;
	v23 =	vadd.f32 v23, v27  }
0x33f: {  	v21 =	vor.u32 v62, v21;
	s2 =	sadd.s32 s12, s2  }
0x340: {  	[tilespmem:s2+$0x0] =	vst v23  }
0x341: {  	v22 =	vld.idx.msk [tilespmem:v22+s23+$0x0], $0xffff  }
0x342: {  	s12 =	sshll.u32 s3, $0x6;
	v23 =	vld.idx.msk [tilespmem:v24+s20+$0x0], $0xffff  }
0x343: {  	s2 =	sand.u32 $0x3FFFFE00, s12  }
0x344: {  	s4 =	sand.u32 $0x70, s11;
	v21 =	vld.idx.msk [tilespmem:v21+s24+$0x0], $0xffff;
	s2 =	sadd.s32 s2, s10  }
0x345: {  	s2 =	sadd.s32 s4, s2  }
0x346: {  	v63 =	vld [tilespmem:s2+$0x180]  }
0x347: {  	s9 =	sadd.s32 $0x1, s9;
	v22 =	vadd.f32 v22, v23  }
0x348: {  	p1 =	sne.s32 s9, $0x8  }
.Ltmp9:
0x349: {  	s13 =	sshll.u32 s3, $0x7;
	v21 =	vadd.f32 v21, v22;
	(pc) =	sbr.rel @p1 .LBB2_12-.Ltmp9, $4  }
0x34a: {  	s2 =	sand.u32 $0x3FFFFC00, s13  }
0x34b: {  	s22 =	sadd.s32 s2, s0;
	v21 =	vadd.f32 v21, v63  }
0x34c: {  	s0 =	sadd.s32 s4, s22  }
0x34d: {  	[tilespmem:s0+$0x0] =	vst v21  }
0x34e: {  	s0 =	sld [smem:$0x7F1];
	_ =	sdelay $0x1  }
0x34f: {  	s17 =	simm.s32 $0x0;
	s2 =	simm.s32 $0xCA80;
	s22 =	sld [smem:$0x7F2]  }
0x350: {  	[hbm4b:s0+s17] =	stream.linear.scatter [tilespmem:s2], [sflag:$0x3], $0x1000, $0x38;
	[tilespmem:$0x18A80] =	vst v63  }
0x351: {  	s2 =	sld [smem:$0x7F3]  }
0x352: {  	[hbm4b:s22+s17] =	stream.linear.scatter [tilespmem:s14], [sflag:$0x3], $0x1000, $0x38;
	[tilespmem:$0x18A80] =	vst v63  }
0x353: {  	s3 =	sld [smem:$0x7F4]  }
0x354: {  	[hbm4b:s2+s17] =	stream.linear.scatter [tilespmem:s5], [sflag:$0x3], $0x1000, $0x38;
	[tilespmem:$0x18A80] =	vst v63  }
0x355: {  	_ = 	snop  }
0x356: {  	[hbm4b:s3+s17] =	stream.linear.scatter [tilespmem:s6], [sflag:$0x3], $0x1000, $0x38;
	[tilespmem:$0x18A80] =	vst v63  }
0x357: {  	_ =	swait.ge [sflag:s16], $0x4000  }
0x358: {  	[sflag:s16] =	ssyncset.done $0x0  }
0x359: {  	[sflag:s16] =	ssyncadd.s32 $0xFFFFC000  }
0x35a: {  	_ =	swait.ge [sflag:s16], $0x4000  }
0x35b: {  	[sflag:s16] =	ssyncset.done $0x0  }
0x35c: {  	[sflag:s16] =	ssyncadd.s32 $0xFFFFC000  }
0x35d: {  	_ =	swait.ge [sflag:s16], $0x4000  }
0x35e: {  	[sflag:s16] =	ssyncset.done $0x0  }
0x35f: {  	[sflag:s16] =	ssyncadd.s32 $0xFFFFC000  }
0x360: {  	_ =	swait.ge [sflag:s16], $0x4000  }
0x361: {  	[sflag:s16] =	ssyncset.done $0x0  }
0x362: {  	[sflag:s16] =	ssyncadd.s32 $0xFFFFC000  }
0x363: {  	_ =	swait.ge [sflag:s16], $0x4000  }
0x364: {  	[sflag:s16] =	ssyncset.done $0x0  }
0x365: {  	[sflag:s16] =	ssyncadd.s32 $0xFFFFC000  }
0x366: {  	_ =	swait.ge [sflag:s16], $0x4000  }
0x367: {  	[sflag:s16] =	ssyncset.done $0x0  }
0x368: {  	[sflag:s16] =	ssyncadd.s32 $0xFFFFC000  }
0x369: {  	_ =	swait.ge [sflag:s16], $0x4000  }
0x36a: {  	[sflag:s16] =	ssyncset.done $0x0  }
0x36b: {  	[sflag:s16] =	ssyncadd.s32 $0xFFFFC000  }
0x36c: {  	_ =	swait.ge [sflag:s16], $0x4000  }
0x36d: {  	[sflag:s16] =	ssyncset.done $0x0  }
0x36e: {  	[sflag:s16] =	ssyncadd.s32 $0xFFFFC000  }
0x36f: {  	_ =	swait.ge [sflag:s16], $0x4000  }
0x370: {  	[sflag:s16] =	ssyncset.done $0x0  }
0x371: {  	[sflag:s16] =	ssyncadd.s32 $0xFFFFC000  }
0x372: {  	_ =	swait.ge [sflag:s16], $0x4000  }
0x373: {  	[sflag:s16] =	ssyncset.done $0x0  }
0x374: {  	[sflag:s16] =	ssyncadd.s32 $0xFFFFC000  }
0x375: {  	_ =	swait.ge [sflag:s16], $0x4000  }
0x376: {  	[sflag:s16] =	ssyncset.done $0x0  }
0x377: {  	[sflag:s16] =	ssyncadd.s32 $0xFFFFC000  }
0x378: {  	_ =	swait.ge [sflag:s16], $0x4000  }
0x379: {  	[sflag:s16] =	ssyncset.done $0x0  }
0x37a: {  	[sflag:s16] =	ssyncadd.s32 $0xFFFFC000  }
0x37b: {  	_ =	swait.ge [sflag:s16], $0x4000  }
0x37c: {  	[sflag:s16] =	ssyncset.done $0x0  }
0x37d: {  	[sflag:s16] =	ssyncadd.s32 $0xFFFFC000  }
0x37e: {  	_ =	swait.ge [sflag:s16], $0x4000  }
0x37f: {  	[sflag:s16] =	ssyncset.done $0x0  }
0x380: {  	[sflag:s16] =	ssyncadd.s32 $0xFFFFC000  }
0x381: {  	_ =	swait.ge [sflag:s16], $0x4000  }
0x382: {  	[sflag:s16] =	ssyncset.done $0x0  }
0x383: {  	[sflag:s16] =	ssyncadd.s32 $0xFFFFC000  }
0x384: {  	_ =	swait.ge [sflag:s16], $0x4000  }
0x385: {  	[sflag:s16] =	ssyncset.done $0x0  }
0x386: {  	[sflag:s16] =	ssyncadd.s32 $0xFFFFC000  }
0x387: {  	[tilespmem:$0x200] =	vst v3  }
0x388: {  	[tilespmem:$0x210] =	vst v3  }
0x389: {  	[tilespmem:s8], [sflag:$0x2] =	stream.indirect_vreg.gather [hbm4b:s28+s17], $0x80, v16, vm1, $0xb8;
	[tilespmem:$0x18A80] =	vst v63  }
0x38a: {  	s4 =	simm.s32 $0x15280  }
0x38b: {  	[tilespmem:s4], [sflag:$0x2] =	stream.indirect_vreg.gather [hbm4b:s29+s17], $0x80, v16, vm1, $0xb8;
	[tilespmem:$0x18A80] =	vst v63  }
0x38c: {  	s9 =	simm.s32 $0x15A80  }
0x38d: {  	[tilespmem:s9], [sflag:$0x2] =	stream.indirect_vreg.gather [hbm4b:s28+s17], $0x80, v17, vm1, $0xb8;
	[tilespmem:$0x18A80] =	vst v63  }
0x38e: {  	s10 =	simm.s32 $0x16280  }
0x38f: {  	[tilespmem:s10], [sflag:$0x2] =	stream.indirect_vreg.gather [hbm4b:s29+s17], $0x80, v17, vm1, $0xb8;
	[tilespmem:$0x18A80] =	vst v63  }
0x390: {  	v18 =	vld [tilespmem:$0x210];
	_ =	sdelay $0x4  }
0x391: {  	v19 =	vshll.u32 v18, $0x2  }
0x392: {  	v18 =	vand.u32 $0x7, v18;
	v19 =	vand.u32 $0xFFFFFFE0, v19  }
0x393: {  	v18 =	vor.u32 v18, v19  }
0x394: {  	v19 =	vperm.xlane v18, v6;
	_ =	sdelay $0x1  }
0x395: {  	v19 =	vadd.s32 v7, v19;
	_ =	sdelay $0x1  }
0x396: {  	v18 =	vperm.xlane v18, v9;
	_ =	sdelay $0x1  }
0x397: {  	s11 =	simm.s32 $0x16A80;
	v18 =	vadd.s32 v7, v18  }
0x398: {  	[tilespmem:s11], [sflag:$0x2] =	stream.indirect_vreg.gather [hbm4b:s28+s17], $0x80, v19, vm1, $0xb8;
	[tilespmem:$0x18A80] =	vst v63  }
0x399: {  	s12 =	simm.s32 $0x17280  }
0x39a: {  	[tilespmem:s12], [sflag:$0x2] =	stream.indirect_vreg.gather [hbm4b:s29+s17], $0x80, v19, vm1, $0xb8;
	[tilespmem:$0x18A80] =	vst v63  }
0x39b: {  	s13 =	simm.s32 $0x17A80  }
0x39c: {  	[tilespmem:s13], [sflag:$0x2] =	stream.indirect_vreg.gather [hbm4b:s28+s17], $0x80, v18, vm1, $0xb8;
	[tilespmem:$0x18A80] =	vst v63  }
0x39d: {  	s22 =	simm.s32 $0x18280  }
0x39e: {  	[tilespmem:s22], [sflag:$0x2] =	stream.indirect_vreg.gather [hbm4b:s29+s17], $0x80, v18, vm1, $0xb8;
	[tilespmem:$0x18A80] =	vst v63  }
0x39f: {  	_ =	swait.ge [sflag:s25], $0x4000  }
0x3a0: {  	s2 =	sld [smem:$0x7CD]  }
0x3a1: {  	[sflag:s25] =	ssyncset.done $0x0  }
0x3a2: {  	s3 =	sld [smem:$0x7CE];
	[sflag:s25] =	ssyncadd.s32 $0xFFFFC000  }
0x3a3: {  	[hbm4b:s2+s17] =	stream.linear.scatter [tilespmem:s8], [sflag:$0x5], $0x4000, $0x38;
	[tilespmem:$0x18A80] =	vst v63  }
0x3a4: {  	s4 =	sld [smem:$0x7CF]  }
0x3a5: {  	[hbm4b:s3+s17] =	stream.linear.scatter [tilespmem:s8], [sflag:$0x5], $0x4000, $0x38;
	[tilespmem:$0x18A80] =	vst v63  }
0x3a6: {  	s9 =	sld [smem:$0x7D0]  }
0x3a7: {  	[hbm4b:s4+s17] =	stream.linear.scatter [tilespmem:s8], [sflag:$0x5], $0x4000, $0x38;
	[tilespmem:$0x18A80] =	vst v63  }
0x3a8: {  	s10 =	sld [smem:$0x7D1]  }
0x3a9: {  	[hbm4b:s9+s17] =	stream.linear.scatter [tilespmem:s8], [sflag:$0x5], $0x4000, $0x38;
	[tilespmem:$0x18A80] =	vst v63  }
0x3aa: {  	s11 =	sld [smem:$0x7D2]  }
0x3ab: {  	[hbm4b:s10+s17] =	stream.linear.scatter [tilespmem:s8], [sflag:$0x5], $0x4000, $0x38;
	[tilespmem:$0x18A80] =	vst v63  }
0x3ac: {  	s12 =	sld [smem:$0x7D3]  }
0x3ad: {  	[hbm4b:s11+s17] =	stream.linear.scatter [tilespmem:s8], [sflag:$0x5], $0x4000, $0x38;
	[tilespmem:$0x18A80] =	vst v63  }
0x3ae: {  	s13 =	sld [smem:$0x7D4]  }
0x3af: {  	[hbm4b:s12+s17] =	stream.linear.scatter [tilespmem:s8], [sflag:$0x5], $0x4000, $0x38;
	[tilespmem:$0x18A80] =	vst v63  }
0x3b0: {  	s22 =	sld [smem:$0x7D5]  }
0x3b1: {  	[hbm4b:s13+s17] =	stream.linear.scatter [tilespmem:s8], [sflag:$0x5], $0x4000, $0x38;
	[tilespmem:$0x18A80] =	vst v63  }
0x3b2: {  	s2 =	sld [smem:$0x7D6]  }
0x3b3: {  	[hbm4b:s22+s17] =	stream.linear.scatter [tilespmem:s8], [sflag:$0x5], $0x4000, $0x38;
	[tilespmem:$0x18A80] =	vst v63  }
0x3b4: {  	s3 =	sld [smem:$0x7D7]  }
0x3b5: {  	[hbm4b:s2+s17] =	stream.linear.scatter [tilespmem:s8], [sflag:$0x5], $0x4000, $0x38;
	[tilespmem:$0x18A80] =	vst v63  }
0x3b6: {  	s4 =	sld [smem:$0x7D8]  }
0x3b7: {  	[hbm4b:s3+s17] =	stream.linear.scatter [tilespmem:s8], [sflag:$0x5], $0x4000, $0x38;
	[tilespmem:$0x18A80] =	vst v63  }
0x3b8: {  	s9 =	sld [smem:$0x7D9]  }
0x3b9: {  	[hbm4b:s4+s17] =	stream.linear.scatter [tilespmem:s8], [sflag:$0x5], $0x4000, $0x38;
	[tilespmem:$0x18A80] =	vst v63  }
0x3ba: {  	s10 =	sld [smem:$0x7DA]  }
0x3bb: {  	[hbm4b:s9+s17] =	stream.linear.scatter [tilespmem:s8], [sflag:$0x5], $0x4000, $0x38;
	[tilespmem:$0x18A80] =	vst v63  }
0x3bc: {  	s11 =	sld [smem:$0x7DB]  }
0x3bd: {  	[hbm4b:s10+s17] =	stream.linear.scatter [tilespmem:s8], [sflag:$0x5], $0x4000, $0x38;
	[tilespmem:$0x18A80] =	vst v63  }
0x3be: {  	s12 =	sld [smem:$0x7DC]  }
0x3bf: {  	[hbm4b:s11+s17] =	stream.linear.scatter [tilespmem:s8], [sflag:$0x5], $0x4000, $0x38;
	[tilespmem:$0x18A80] =	vst v63  }
0x3c0: {  	_ = 	snop  }
0x3c1: {  	[hbm4b:s12+s17] =	stream.linear.scatter [tilespmem:s8], [sflag:$0x5], $0x4000, $0x38;
	[tilespmem:$0x18A80] =	vst v63  }
0x3c2: {  	_ =	swait.ge [sflag:s18], $0x4000  }
0x3c3: {  	[sflag:s18] =	ssyncset.done $0x0  }
0x3c4: {  	[sflag:s18] =	ssyncadd.s32 $0xFFFFC000  }
0x3c5: {  	v18 =	vld.msk [tilespmem:$0x18], $0xff;
	_ =	sdelay $0x4  }
0x3c6: {  	v18 =	vshll.u32 v18, $0xB  }
0x3c7: {  	v18 =	vperm.xlane v18, v5;
	_ =	sdelay $0x4  }
0x3c8: {  	s22 =	simm.s32 $0x8A80;
	s13 =	rddreg [dreg:$0x4]  }
0x3c9: {  	[tilespmem:s22], [sflag:$0x1] =	stream.indirect_vreg.gather [hbm4b:s13+s17], $0x800, v18, vm0, $0x38;
	[tilespmem:$0x18A80] =	vst v63  }
0x3ca: {  	_ =	swait.ge [sflag:s15], $0x1000  }
0x3cb: {  	[sflag:s15] =	ssyncset.done $0x0  }
0x3cc: {  	[sflag:s15] =	ssyncadd.s32 $0xFFFFF000  }
0x3cd: {  	_ =	swait.ge [sflag:s15], $0x1000  }
0x3ce: {  	[sflag:s15] =	ssyncset.done $0x0  }
0x3cf: {  	[sflag:s15] =	ssyncadd.s32 $0xFFFFF000  }
0x3d0: {  	_ =	swait.ge [sflag:s15], $0x1000  }
0x3d1: {  	[sflag:s15] =	ssyncset.done $0x0  }
0x3d2: {  	[sflag:s15] =	ssyncadd.s32 $0xFFFFF000  }
0x3d3: {  	_ =	swait.ge [sflag:s15], $0x1000  }
0x3d4: {  	[sflag:s15] =	ssyncset.done $0x0  }
0x3d5: {  	[sflag:s15] =	ssyncadd.s32 $0xFFFFF000  }
0x3d6: {  	v18 =	vld [tilespmem:$0x90]  }
0x3d7: {  	v19 =	vld [tilespmem:$0x110]  }
0x3d8: {  	s9 =	simm.s32 $0x0;
	v20 =	vld [tilespmem:$0x190]  }
.LBB2_22:
0x3d9: {  	v21 =	vmov s9  }
0x3da: {  	vm3 =	veq.s32 v21, v5  }
0x3db: {  	v21 =	vnsel vm3, $0x0, v18  }
0x3dc: {  	(xrf0) =	vadd.scan.msk.s32 $0xffff, v21;
	v21 =	vnsel vm3, $0x0, v19  }
0x3dd: {  	(xrf0) =	vadd.scan.msk.s32 $0xffff, v21;
	_ =	sdelay $0x1  }
0x3de: {  	v21 =	vnsel vm3, $0x0, v20  }
0x3df: {  	(xrf0) =	vadd.scan.msk.s32 $0xffff, v21;
	_ =	sdelay $0x1  }
0x3e0: {  	v21, _, _ =	vpop (xrf0)  }
0x3e1: {  	v22, _, _ =	vpop (xrf0)  }
0x3e2: {  	v24 =	vmov s17;
	v22 =	vshll.u32 v22, $0xB  }
0x3e3: {  	v24 =	vshll.u32 v24, $0x2;
	v21 =	vshll.u32 v21, $0xB;
	v22 =	vbroadcast v22, $0xF  }
0x3e4: {  	v25 =	vor.u32 s17, v5;
	v24 =	vand.u32 $0x600, v24;
	v23, _, _ =	vpop (xrf0);
	v21 =	vbroadcast v21, $0xF  }
0x3e5: {  	v25 =	vand.u32 $0x7F, v25;
	v23 =	vshll.u32 v23, $0xB;
	v26 =	vor.u32 v22, v24  }
0x3e6: {  	v23 =	vbroadcast v23, $0xF;
	v27 =	vor.u32 v21, v24;
	v26 =	vor.u32 v25, v26  }
0x3e7: {  	v27 =	vor.u32 v25, v27  }
0x3e8: {  	v24 =	vor.u32 v23, v24  }
0x3e9: {  	v25 =	vor.u32 v25, v24;
	_ =	sdelay $0x1  }
0x3ea: {  	s0 =	sshll.u32 s9, $0xB;
	v24 =	vld.idx.msk [tilespmem:v26+s23+$0x0], $0xffff  }
0x3eb: {  	s2 =	sshll.u32 s9, $0x9;
	s22 =	simm.s32 $0x0;
	s3 =	sand.u32 $0x3FFFF800, s0;
	v26 =	vld.idx.msk [tilespmem:v27+s20+$0x0], $0xffff  }
0x3ec: {  	s0 =	sshrl.u32 s2, $0x2;
	s2 =	sand.u32 $0x3FFFFE00, s22;
	s10 =	sadd.s32 $0x4A80, s3  }
0x3ed: {  	s12 =	sand.u32 $0x70, s17;
	s3 =	simm.s32 $0x10;
	s2 =	sadd.s32 s2, s10;
	v25 =	vld.idx.msk [tilespmem:v25+s24+$0x0], $0xffff  }
0x3ee: {  	s13 =	simm.s32 $0x0;
	s4 =	sadd.s32 s12, s2;
	v27 =	vmov s3  }
0x3ef: {  	s22 =	simm.s32 $0x2;
	s11 =	sadd.s32 $0xCA80, s0;
	s2 =	simm.s32 $0x1;
	v28 =	vshll.u32 v27, $0x2;
	v27 =	vld [tilespmem:s4+$0x0]  }
.LBB2_23:
0x3f0: {  	p1 =	seq.s32 s22, $0x1F;
	v29 =	vor.u32 s3, v5;
	v28 =	vand.u32 $0x600, v28;
	v24 =	vadd.f32 v24, v26  }
0x3f1: {  	v26 =	vand.u32 $0x7F, v29;
	v29 =	vor.u32 v22, v28  }
0x3f2: {  	s4 =	sshll.u32 s13, $0x7;
	s13 =	smov.u32 s2;
	s2 =	smov.u32 s22;
	v30 =	vor.u32 v21, v28;
	v29 =	vor.u32 v26, v29;
	v24 =	vadd.f32 v25, v24  }
0x3f3: {  	s4 =	sand.u32 $0x3FFFFC00, s4;
	v25 =	vor.u32 v26, v30  }
0x3f4: {  	v28 =	vor.u32 v23, v28;
	s4 =	sadd.s32 s4, s11;
	v24 =	vadd.f32 v24, v27  }
0x3f5: {  	s4 =	sadd.s32 s12, s4;
	v27 =	vor.u32 v26, v28  }
0x3f6: {  	[tilespmem:s4+$0x0] =	vst v24  }
0x3f7: {  	v24 =	vld.idx.msk [tilespmem:v29+s23+$0x0], $0xffff  }
0x3f8: {  	v26 =	vld.idx.msk [tilespmem:v25+s20+$0x0], $0xffff  }
.Ltmp10:
0x3f9: {  	s4 =	sshll.u32 s13, $0x6;
	(pc) =	sbr.rel @!p1 .LBB2_23-.Ltmp10, $4  }
0x3fa: {  	s4 =	sand.u32 $0x3FFFFE00, s4;
	v25 =	vld.idx.msk [tilespmem:v27+s24+$0x0], $0xffff  }
0x3fb: {  	s12 =	sand.u32 $0x70, s3;
	s3 =	sadd.s32 $0x10, s3;
	s4 =	sadd.s32 s4, s10  }
0x3fc: {  	s4 =	sadd.s32 s12, s4;
	v27 =	vmov s3  }
0x3fd: {  	s22 =	sadd.s32 $0x1, s22;
	v28 =	vshll.u32 v27, $0x2;
	v27 =	vld [tilespmem:s4+$0x0]  }
0x3fe: {  	v29 =	vor.u32 s3, v5;
	v28 =	vand.u32 $0x600, v28;
	v24 =	vadd.f32 v24, v26  }
0x3ff: {  	v26 =	vand.u32 $0x7F, v29;
	v29 =	vor.u32 v22, v28  }
0x400: {  	s4 =	sshll.u32 s13, $0x7;
	v30 =	vor.u32 v21, v28;
	v29 =	vor.u32 v26, v29;
	v24 =	vadd.f32 v25, v24  }
0x401: {  	s4 =	sand.u32 $0x3FFFFC00, s4;
	v25 =	vor.u32 v26, v30  }
0x402: {  	v28 =	vor.u32 v23, v28;
	s4 =	sadd.s32 s4, s11;
	v24 =	vadd.f32 v24, v27  }
0x403: {  	v26 =	vor.u32 v26, v28;
	s4 =	sadd.s32 s12, s4  }
0x404: {  	[tilespmem:s4+$0x0] =	vst v24  }
0x405: {  	v24 =	vld.idx.msk [tilespmem:v29+s23+$0x0], $0xffff  }
0x406: {  	s22 =	sshll.u32 s2, $0x6;
	v25 =	vld.idx.msk [tilespmem:v25+s20+$0x0], $0xffff  }
0x407: {  	s4 =	sand.u32 $0x3FFFFE00, s22  }
0x408: {  	s12 =	sand.u32 $0x70, s3;
	v26 =	vld.idx.msk [tilespmem:v26+s24+$0x0], $0xffff;
	s4 =	sadd.s32 s4, s10  }
0x409: {  	s4 =	sadd.s32 s12, s4  }
0x40a: {  	v27 =	vld [tilespmem:s4+$0x0]  }
0x40b: {  	v24 =	vadd.f32 v24, v25;
	_ =	sdelay $0x1  }
0x40c: {  	s13 =	sshll.u32 s2, $0x7;
	v24 =	vadd.f32 v26, v24  }
0x40d: {  	s2 =	sand.u32 $0x3FFFFC00, s13  }
0x40e: {  	s2 =	sadd.s32 s2, s11;
	v24 =	vadd.f32 v24, v27  }
0x40f: {  	s2 =	sadd.s32 s12, s2  }
0x410: {  	[tilespmem:s2+$0x0] =	vst v24;
	s2 =	simm.s32 $0x0  }
0x411: {  	v27 =	vmov s2  }
0x412: {  	v27 =	vshll.u32 v27, $0x2  }
0x413: {  	v26 =	vor.u32 $0x80, v22;
	v28 =	vor.u32 s2, v5;
	v27 =	vand.u32 $0x600, v27  }
0x414: {  	v25 =	vor.u32 $0x80, v21;
	v28 =	vand.u32 $0x7F, v28;
	v29 =	vor.u32 v26, v27  }
0x415: {  	v30 =	vor.u32 v25, v27;
	v29 =	vor.u32 v28, v29  }
0x416: {  	v24 =	vor.u32 $0x80, v23;
	v30 =	vor.u32 v28, v30  }
0x417: {  	v27 =	vor.u32 v24, v27  }
0x418: {  	v28 =	vor.u32 v28, v27;
	_ =	sdelay $0x1  }
0x419: {  	v27 =	vld.idx.msk [tilespmem:v29+s23+$0x0], $0xffff  }
0x41a: {  	s22 =	simm.s32 $0x0;
	v29 =	vld.idx.msk [tilespmem:v30+s20+$0x0], $0xffff  }
0x41b: {  	s3 =	sand.u32 $0x3FFFFE00, s22  }
0x41c: {  	s3 =	sadd.s32 s3, s10;
	s12 =	simm.s32 $0x10;
	s13 =	sand.u32 $0x70, s2;
	v28 =	vld.idx.msk [tilespmem:v28+s24+$0x0], $0xffff  }
0x41d: {  	s4 =	sadd.s32 s13, s3;
	v30 =	vmov s12  }
0x41e: {  	s11 =	sadd.s32 $0xDA80, s0;
	s22 =	simm.s32 $0x2;
	s3 =	simm.s32 $0x1;
	v31 =	vshll.u32 v30, $0x2;
	v30 =	vld [tilespmem:s4+$0x80]  }
.LBB2_25:
0x41f: {  	p1 =	seq.s32 s22, $0x1F;
	v32 =	vor.u32 s12, v5;
	v31 =	vand.u32 $0x600, v31;
	v27 =	vadd.f32 v27, v29  }
0x420: {  	v29 =	vand.u32 $0x7F, v32;
	v32 =	vor.u32 v26, v31  }
0x421: {  	s4 =	sshll.u32 s2, $0x7;
	s2 =	smov.u32 s3;
	s3 =	smov.u32 s22;
	v33 =	vor.u32 v25, v31;
	v32 =	vor.u32 v29, v32;
	v27 =	vadd.f32 v28, v27  }
0x422: {  	s4 =	sand.u32 $0x3FFFFC00, s4;
	v28 =	vor.u32 v29, v33  }
0x423: {  	v31 =	vor.u32 v24, v31;
	s4 =	sadd.s32 s4, s11;
	v27 =	vadd.f32 v27, v30  }
0x424: {  	s4 =	sadd.s32 s13, s4;
	v30 =	vor.u32 v29, v31  }
0x425: {  	[tilespmem:s4+$0x0] =	vst v27  }
0x426: {  	v27 =	vld.idx.msk [tilespmem:v32+s23+$0x0], $0xffff  }
0x427: {  	v29 =	vld.idx.msk [tilespmem:v28+s20+$0x0], $0xffff  }
.Ltmp11:
0x428: {  	s4 =	sshll.u32 s2, $0x6;
	(pc) =	sbr.rel @!p1 .LBB2_25-.Ltmp11, $4  }
0x429: {  	s4 =	sand.u32 $0x3FFFFE00, s4;
	v28 =	vld.idx.msk [tilespmem:v30+s24+$0x0], $0xffff  }
0x42a: {  	s13 =	sand.u32 $0x70, s12;
	s12 =	sadd.s32 $0x10, s12;
	s4 =	sadd.s32 s4, s10  }
0x42b: {  	s4 =	sadd.s32 s13, s4;
	v30 =	vmov s12  }
0x42c: {  	s22 =	sadd.s32 $0x1, s22;
	v31 =	vshll.u32 v30, $0x2;
	v30 =	vld [tilespmem:s4+$0x80]  }
0x42d: {  	v32 =	vor.u32 s12, v5;
	v31 =	vand.u32 $0x600, v31;
	v27 =	vadd.f32 v27, v29  }
0x42e: {  	v29 =	vand.u32 $0x7F, v32;
	v26 =	vor.u32 v26, v31  }
0x42f: {  	s2 =	sshll.u32 s2, $0x7;
	v25 =	vor.u32 v25, v31;
	v26 =	vor.u32 v29, v26;
	v27 =	vadd.f32 v28, v27  }
0x430: {  	s2 =	sand.u32 $0x3FFFFC00, s2;
	v25 =	vor.u32 v29, v25  }
0x431: {  	v24 =	vor.u32 v24, v31;
	s2 =	sadd.s32 s2, s11;
	v27 =	vadd.f32 v27, v30  }
0x432: {  	v24 =	vor.u32 v29, v24;
	s2 =	sadd.s32 s13, s2  }
0x433: {  	[tilespmem:s2+$0x0] =	vst v27  }
0x434: {  	v26 =	vld.idx.msk [tilespmem:v26+s23+$0x0], $0xffff  }
0x435: {  	s4 =	sshll.u32 s3, $0x6;
	v25 =	vld.idx.msk [tilespmem:v25+s20+$0x0], $0xffff  }
0x436: {  	s2 =	sand.u32 $0x3FFFFE00, s4  }
0x437: {  	s4 =	sand.u32 $0x70, s12;
	v24 =	vld.idx.msk [tilespmem:v24+s24+$0x0], $0xffff;
	s2 =	sadd.s32 s2, s10  }
0x438: {  	s2 =	sadd.s32 s4, s2  }
0x439: {  	v27 =	vld [tilespmem:s2+$0x80]  }
0x43a: {  	v25 =	vadd.f32 v26, v25;
	_ =	sdelay $0x1  }
0x43b: {  	s13 =	sshll.u32 s3, $0x7;
	v24 =	vadd.f32 v24, v25  }
0x43c: {  	s2 =	sand.u32 $0x3FFFFC00, s13  }
0x43d: {  	s2 =	sadd.s32 s2, s11;
	v24 =	vadd.f32 v24, v27  }
0x43e: {  	s2 =	sadd.s32 s4, s2  }
0x43f: {  	[tilespmem:s2+$0x0] =	vst v24;
	s2 =	simm.s32 $0x0  }
0x440: {  	v27 =	vmov s2  }
0x441: {  	v27 =	vshll.u32 v27, $0x2  }
0x442: {  	v26 =	vor.u32 $0x100, v22;
	v28 =	vor.u32 s2, v5;
	v27 =	vand.u32 $0x600, v27  }
0x443: {  	v25 =	vor.u32 $0x100, v21;
	v28 =	vand.u32 $0x7F, v28;
	v29 =	vor.u32 v26, v27  }
0x444: {  	v30 =	vor.u32 v25, v27;
	v29 =	vor.u32 v28, v29  }
0x445: {  	v24 =	vor.u32 $0x100, v23;
	v30 =	vor.u32 v28, v30  }
0x446: {  	v27 =	vor.u32 v24, v27  }
0x447: {  	v28 =	vor.u32 v28, v27;
	_ =	sdelay $0x1  }
0x448: {  	v27 =	vld.idx.msk [tilespmem:v29+s23+$0x0], $0xffff  }
0x449: {  	s22 =	simm.s32 $0x0;
	v29 =	vld.idx.msk [tilespmem:v30+s20+$0x0], $0xffff  }
0x44a: {  	s3 =	sand.u32 $0x3FFFFE00, s22  }
0x44b: {  	s3 =	sadd.s32 s3, s10;
	s12 =	simm.s32 $0x10;
	s13 =	sand.u32 $0x70, s2;
	v28 =	vld.idx.msk [tilespmem:v28+s24+$0x0], $0xffff  }
0x44c: {  	s4 =	sadd.s32 s13, s3;
	v30 =	vmov s12  }
0x44d: {  	s22 =	simm.s32 $0x2;
	s11 =	sadd.s32 $0xEA80, s0;
	s3 =	simm.s32 $0x1;
	v31 =	vshll.u32 v30, $0x2;
	v30 =	vld [tilespmem:s4+$0x100]  }
.LBB2_27:
0x44e: {  	p1 =	seq.s32 s22, $0x1F;
	v32 =	vor.u32 s12, v5;
	v31 =	vand.u32 $0x600, v31;
	v27 =	vadd.f32 v27, v29  }
0x44f: {  	v29 =	vand.u32 $0x7F, v32;
	v32 =	vor.u32 v26, v31  }
0x450: {  	s4 =	sshll.u32 s2, $0x7;
	s2 =	smov.u32 s3;
	s3 =	smov.u32 s22;
	v33 =	vor.u32 v25, v31;
	v32 =	vor.u32 v29, v32;
	v27 =	vadd.f32 v28, v27  }
0x451: {  	s4 =	sand.u32 $0x3FFFFC00, s4;
	v28 =	vor.u32 v29, v33  }
0x452: {  	v31 =	vor.u32 v24, v31;
	s4 =	sadd.s32 s4, s11;
	v27 =	vadd.f32 v27, v30  }
0x453: {  	s4 =	sadd.s32 s13, s4;
	v30 =	vor.u32 v29, v31  }
0x454: {  	[tilespmem:s4+$0x0] =	vst v27  }
0x455: {  	v27 =	vld.idx.msk [tilespmem:v32+s23+$0x0], $0xffff  }
0x456: {  	v29 =	vld.idx.msk [tilespmem:v28+s20+$0x0], $0xffff  }
.Ltmp12:
0x457: {  	s4 =	sshll.u32 s2, $0x6;
	(pc) =	sbr.rel @!p1 .LBB2_27-.Ltmp12, $4  }
0x458: {  	s4 =	sand.u32 $0x3FFFFE00, s4;
	v28 =	vld.idx.msk [tilespmem:v30+s24+$0x0], $0xffff  }
0x459: {  	s13 =	sand.u32 $0x70, s12;
	s12 =	sadd.s32 $0x10, s12;
	s4 =	sadd.s32 s4, s10  }
0x45a: {  	s4 =	sadd.s32 s13, s4;
	v30 =	vmov s12  }
0x45b: {  	s22 =	sadd.s32 $0x1, s22;
	v31 =	vshll.u32 v30, $0x2;
	v30 =	vld [tilespmem:s4+$0x100]  }
0x45c: {  	v32 =	vor.u32 s12, v5;
	v31 =	vand.u32 $0x600, v31;
	v27 =	vadd.f32 v27, v29  }
0x45d: {  	v29 =	vand.u32 $0x7F, v32;
	v26 =	vor.u32 v26, v31  }
0x45e: {  	s2 =	sshll.u32 s2, $0x7;
	v25 =	vor.u32 v25, v31;
	v26 =	vor.u32 v29, v26;
	v27 =	vadd.f32 v28, v27  }
0x45f: {  	s2 =	sand.u32 $0x3FFFFC00, s2;
	v25 =	vor.u32 v29, v25  }
0x460: {  	v24 =	vor.u32 v24, v31;
	s2 =	sadd.s32 s2, s11;
	v27 =	vadd.f32 v27, v30  }
0x461: {  	v24 =	vor.u32 v29, v24;
	s2 =	sadd.s32 s13, s2  }
0x462: {  	[tilespmem:s2+$0x0] =	vst v27  }
0x463: {  	v26 =	vld.idx.msk [tilespmem:v26+s23+$0x0], $0xffff  }
0x464: {  	s4 =	sshll.u32 s3, $0x6;
	v25 =	vld.idx.msk [tilespmem:v25+s20+$0x0], $0xffff  }
0x465: {  	s2 =	sand.u32 $0x3FFFFE00, s4  }
0x466: {  	s4 =	sand.u32 $0x70, s12;
	v24 =	vld.idx.msk [tilespmem:v24+s24+$0x0], $0xffff;
	s2 =	sadd.s32 s2, s10  }
0x467: {  	s2 =	sadd.s32 s4, s2  }
0x468: {  	v27 =	vld [tilespmem:s2+$0x100]  }
0x469: {  	v25 =	vadd.f32 v26, v25;
	_ =	sdelay $0x1  }
0x46a: {  	s12 =	sshll.u32 s3, $0x7;
	v24 =	vadd.f32 v24, v25  }
0x46b: {  	s2 =	sand.u32 $0x3FFFFC00, s12  }
0x46c: {  	s2 =	sadd.s32 s2, s11;
	v24 =	vadd.f32 v24, v27  }
0x46d: {  	s2 =	sadd.s32 s4, s2  }
0x46e: {  	[tilespmem:s2+$0x0] =	vst v24;
	s2 =	simm.s32 $0x0  }
0x46f: {  	v24 =	vor.u32 $0x180, v21;
	v21 =	vor.u32 $0x180, v23;
	v23 =	vmov s2  }
0x470: {  	v23 =	vshll.u32 v23, $0x2  }
0x471: {  	v22 =	vor.u32 $0x180, v22;
	v25 =	vor.u32 s2, v5;
	v23 =	vand.u32 $0x600, v23  }
0x472: {  	v25 =	vand.u32 $0x7F, v25;
	v26 =	vor.u32 v22, v23  }
0x473: {  	v27 =	vor.u32 v24, v23;
	v26 =	vor.u32 v25, v26  }
0x474: {  	v27 =	vor.u32 v25, v27  }
0x475: {  	v23 =	vor.u32 v21, v23  }
0x476: {  	v25 =	vor.u32 v25, v23;
	_ =	sdelay $0x1  }
0x477: {  	v23 =	vld.idx.msk [tilespmem:v26+s23+$0x0], $0xffff  }
0x478: {  	s13 =	simm.s32 $0x0;
	v26 =	vld.idx.msk [tilespmem:v27+s20+$0x0], $0xffff  }
0x479: {  	s3 =	sand.u32 $0x3FFFFE00, s13  }
0x47a: {  	s3 =	sadd.s32 s3, s10;
	s11 =	simm.s32 $0x10;
	s12 =	sand.u32 $0x70, s2;
	v25 =	vld.idx.msk [tilespmem:v25+s24+$0x0], $0xffff  }
0x47b: {  	s22 =	sadd.s32 s12, s3;
	v27 =	vmov s11  }
0x47c: {  	s0 =	sadd.s32 $0xFA80, s0;
	s13 =	simm.s32 $0x2;
	s3 =	simm.s32 $0x1;
	v28 =	vshll.u32 v27, $0x2;
	v27 =	vld [tilespmem:s22+$0x180]  }
.LBB2_29:
0x47d: {  	p1 =	sne.s32 s13, $0x1F;
	v29 =	vor.u32 s11, v5;
	v28 =	vand.u32 $0x600, v28;
	v23 =	vadd.f32 v23, v26  }
0x47e: {  	v26 =	vand.u32 $0x7F, v29;
	v29 =	vor.u32 v22, v28  }
0x47f: {  	s4 =	sshll.u32 s2, $0x7;
	s2 =	smov.u32 s3;
	s3 =	smov.u32 s13;
	v30 =	vor.u32 v24, v28;
	v29 =	vor.u32 v26, v29;
	v23 =	vadd.f32 v25, v23  }
0x480: {  	s4 =	sand.u32 $0x3FFFFC00, s4;
	v25 =	vor.u32 v26, v30  }
0x481: {  	v28 =	vor.u32 v21, v28;
	s4 =	sadd.s32 s4, s0;
	v23 =	vadd.f32 v23, v27  }
0x482: {  	s4 =	sadd.s32 s12, s4;
	v27 =	vor.u32 v26, v28  }
0x483: {  	[tilespmem:s4+$0x0] =	vst v23  }
0x484: {  	v23 =	vld.idx.msk [tilespmem:v29+s23+$0x0], $0xffff  }
0x485: {  	v26 =	vld.idx.msk [tilespmem:v25+s20+$0x0], $0xffff  }
.Ltmp13:
0x486: {  	s4 =	sshll.u32 s2, $0x6;
	(pc) =	sbr.rel @p1 .LBB2_29-.Ltmp13, $4  }
0x487: {  	s4 =	sand.u32 $0x3FFFFE00, s4;
	v25 =	vld.idx.msk [tilespmem:v27+s24+$0x0], $0xffff  }
0x488: {  	s12 =	sand.u32 $0x70, s11;
	s11 =	sadd.s32 $0x10, s11;
	s4 =	sadd.s32 s4, s10  }
0x489: {  	s4 =	sadd.s32 s12, s4;
	v27 =	vmov s11  }
0x48a: {  	s13 =	sadd.s32 $0x1, s13;
	v28 =	vshll.u32 v27, $0x2;
	v27 =	vld [tilespmem:s4+$0x180]  }
0x48b: {  	v29 =	vor.u32 s11, v5;
	v28 =	vand.u32 $0x600, v28;
	v23 =	vadd.f32 v23, v26  }
0x48c: {  	v62 =	vand.u32 $0x7F, v29;
	v22 =	vor.u32 v22, v28  }
0x48d: {  	s2 =	sshll.u32 s2, $0x7;
	v24 =	vor.u32 v24, v28;
	v22 =	vor.u32 v62, v22;
	v23 =	vadd.f32 v25, v23  }
0x48e: {  	s2 =	sand.u32 $0x3FFFFC00, s2;
	v24 =	vor.u32 v62, v24  }
0x48f: {  	v21 =	vor.u32 v21, v28;
	s2 =	sadd.s32 s2, s0;
	v23 =	vadd.f32 v23, v27  }
0x490: {  	v21 =	vor.u32 v62, v21;
	s2 =	sadd.s32 s12, s2  }
0x491: {  	[tilespmem:s2+$0x0] =	vst v23  }
0x492: {  	v22 =	vld.idx.msk [tilespmem:v22+s23+$0x0], $0xffff  }
0x493: {  	s12 =	sshll.u32 s3, $0x6;
	v23 =	vld.idx.msk [tilespmem:v24+s20+$0x0], $0xffff  }
0x494: {  	s2 =	sand.u32 $0x3FFFFE00, s12  }
0x495: {  	s4 =	sand.u32 $0x70, s11;
	v21 =	vld.idx.msk [tilespmem:v21+s24+$0x0], $0xffff;
	s2 =	sadd.s32 s2, s10  }
0x496: {  	s2 =	sadd.s32 s4, s2  }
0x497: {  	v63 =	vld [tilespmem:s2+$0x180]  }
0x498: {  	s9 =	sadd.s32 $0x1, s9;
	v22 =	vadd.f32 v22, v23  }
0x499: {  	p1 =	sne.s32 s9, $0x8  }
.Ltmp14:
0x49a: {  	s13 =	sshll.u32 s3, $0x7;
	v21 =	vadd.f32 v21, v22;
	(pc) =	sbr.rel @p1 .LBB2_22-.Ltmp14, $4  }
0x49b: {  	s2 =	sand.u32 $0x3FFFFC00, s13  }
0x49c: {  	s22 =	sadd.s32 s2, s0;
	v21 =	vadd.f32 v21, v63  }
0x49d: {  	s0 =	sadd.s32 s4, s22  }
0x49e: {  	[tilespmem:s0+$0x0] =	vst v21  }
0x49f: {  	s0 =	sld [smem:$0x7F5];
	_ =	sdelay $0x1  }
0x4a0: {  	s2 =	simm.s32 $0xCA80;
	s13 =	sld [smem:$0x7F6]  }
0x4a1: {  	[hbm4b:s0+s1] =	stream.linear.scatter [tilespmem:s2], [sflag:$0x3], $0x1000, $0x38;
	[tilespmem:$0x18A80] =	vst v63  }
0x4a2: {  	s17 =	sld [smem:$0x7F7]  }
0x4a3: {  	[hbm4b:s13+s1] =	stream.linear.scatter [tilespmem:s14], [sflag:$0x3], $0x1000, $0x38;
	[tilespmem:$0x18A80] =	vst v63  }
0x4a4: {  	s22 =	sld [smem:$0x7F8]  }
0x4a5: {  	[hbm4b:s17+s1] =	stream.linear.scatter [tilespmem:s5], [sflag:$0x3], $0x1000, $0x38;
	[tilespmem:$0x18A80] =	vst v63  }
0x4a6: {  	_ = 	snop  }
0x4a7: {  	[hbm4b:s22+s1] =	stream.linear.scatter [tilespmem:s6], [sflag:$0x3], $0x1000, $0x38;
	[tilespmem:$0x18A80] =	vst v63  }
0x4a8: {  	_ =	swait.ge [sflag:s19], $0x4000  }
0x4a9: {  	[sflag:s19] =	ssyncset.done $0x0  }
0x4aa: {  	[sflag:s19] =	ssyncadd.s32 $0xFFFFC000  }
0x4ab: {  	_ =	swait.ge [sflag:s19], $0x4000  }
0x4ac: {  	[sflag:s19] =	ssyncset.done $0x0  }
0x4ad: {  	[sflag:s19] =	ssyncadd.s32 $0xFFFFC000  }
0x4ae: {  	_ =	swait.ge [sflag:s19], $0x4000  }
0x4af: {  	[sflag:s19] =	ssyncset.done $0x0  }
0x4b0: {  	[sflag:s19] =	ssyncadd.s32 $0xFFFFC000  }
0x4b1: {  	_ =	swait.ge [sflag:s19], $0x4000  }
0x4b2: {  	[sflag:s19] =	ssyncset.done $0x0  }
0x4b3: {  	[sflag:s19] =	ssyncadd.s32 $0xFFFFC000  }
0x4b4: {  	_ =	swait.ge [sflag:s19], $0x4000  }
0x4b5: {  	[sflag:s19] =	ssyncset.done $0x0  }
0x4b6: {  	[sflag:s19] =	ssyncadd.s32 $0xFFFFC000  }
0x4b7: {  	_ =	swait.ge [sflag:s19], $0x4000  }
0x4b8: {  	[sflag:s19] =	ssyncset.done $0x0  }
0x4b9: {  	[sflag:s19] =	ssyncadd.s32 $0xFFFFC000  }
0x4ba: {  	_ =	swait.ge [sflag:s19], $0x4000  }
0x4bb: {  	[sflag:s19] =	ssyncset.done $0x0  }
0x4bc: {  	[sflag:s19] =	ssyncadd.s32 $0xFFFFC000  }
0x4bd: {  	_ =	swait.ge [sflag:s19], $0x4000  }
0x4be: {  	[sflag:s19] =	ssyncset.done $0x0  }
0x4bf: {  	[sflag:s19] =	ssyncadd.s32 $0xFFFFC000  }
0x4c0: {  	_ =	swait.ge [sflag:s19], $0x4000  }
0x4c1: {  	[sflag:s19] =	ssyncset.done $0x0  }
0x4c2: {  	[sflag:s19] =	ssyncadd.s32 $0xFFFFC000  }
0x4c3: {  	_ =	swait.ge [sflag:s19], $0x4000  }
0x4c4: {  	[sflag:s19] =	ssyncset.done $0x0  }
0x4c5: {  	[sflag:s19] =	ssyncadd.s32 $0xFFFFC000  }
0x4c6: {  	_ =	swait.ge [sflag:s19], $0x4000  }
0x4c7: {  	[sflag:s19] =	ssyncset.done $0x0  }
0x4c8: {  	[sflag:s19] =	ssyncadd.s32 $0xFFFFC000  }
0x4c9: {  	_ =	swait.ge [sflag:s19], $0x4000  }
0x4ca: {  	[sflag:s19] =	ssyncset.done $0x0  }
0x4cb: {  	[sflag:s19] =	ssyncadd.s32 $0xFFFFC000  }
0x4cc: {  	_ =	swait.ge [sflag:s19], $0x4000  }
0x4cd: {  	[sflag:s19] =	ssyncset.done $0x0  }
0x4ce: {  	[sflag:s19] =	ssyncadd.s32 $0xFFFFC000  }
0x4cf: {  	_ =	swait.ge [sflag:s19], $0x4000  }
0x4d0: {  	[sflag:s19] =	ssyncset.done $0x0  }
0x4d1: {  	v18 =	vlaneseq.u32 @!p0;
	[sflag:s19] =	ssyncadd.s32 $0xFFFFC000  }
0x4d2: {  	v19 =	vand.u32 @!p0 $0x7, v18;
	v20 =	vshrl.u32 @!p0 v18, $0x3;
	_ =	swait.ge [sflag:s19], $0x4000  }
0x4d3: {  	v21 =	vperm.xlane @!p0 v8, v19;
	v20 =	vmul.u32 @!p0 $0x8, v20;
	[sflag:s19] =	ssyncset.done $0x0  }
0x4d4: {  	[sflag:s19] =	ssyncadd.s32 $0xFFFFC000  }
0x4d5: {  	v21 =	vadd.s32 @!p0 v20, v21;
	_ =	swait.ge [sflag:s19], $0x4000  }
0x4d6: {  	v18 =	vor.u32 @!p0 $0x8, v18;
	[sflag:s19] =	ssyncset.done $0x0  }
0x4d7: {  	v22 =	vperm.xlane @!p0 v8, v18;
	[sflag:s19] =	ssyncadd.s32 $0xFFFFC000  }
0x4d8: {  	[tilespmem:$0x200] =	vst @!p0 v4  }
0x4d9: {  	s0 =	simm.s32 @!p0 $0x0;
	s2 =	simm.s32 @!p0 $0x10A80;
	v22 =	vadd.s32 @!p0 v20, v22;
	[tilespmem:$0x210] =	vst @!p0 v4  }
0x4da: {  	[tilespmem:s2], [sflag:$0x2] =	stream.indirect_vreg.gather @!p0 [hbm4b:s28+s0], $0x80, v21, vm2, $0xb8;
	[tilespmem:$0x18A80] =	vst v63  }
0x4db: {  	s3 =	simm.s32 @!p0 $0x11280  }
0x4dc: {  	[tilespmem:s3], [sflag:$0x2] =	stream.indirect_vreg.gather @!p0 [hbm4b:s29+s0], $0x80, v21, vm2, $0xb8;
	[tilespmem:$0x18A80] =	vst v63  }
0x4dd: {  	s3 =	simm.s32 @!p0 $0x11A80  }
0x4de: {  	[tilespmem:s3], [sflag:$0x2] =	stream.indirect_vreg.gather @!p0 [hbm4b:s28+s0], $0x80, v22, vm2, $0xb8;
	[tilespmem:$0x18A80] =	vst v63  }
0x4df: {  	s3 =	simm.s32 @!p0 $0x12280  }
0x4e0: {  	[tilespmem:s3], [sflag:$0x2] =	stream.indirect_vreg.gather @!p0 [hbm4b:s29+s0], $0x80, v22, vm2, $0xb8;
	[tilespmem:$0x18A80] =	vst v63  }
0x4e1: {  	v21 =	vld @!p0 [tilespmem:$0x210];
	_ =	sdelay $0x4  }
0x4e2: {  	v22 =	vshll.u32 @!p0 v21, $0x2  }
0x4e3: {  	v21 =	vand.u32 @!p0 $0x7, v21;
	v22 =	vand.u32 @!p0 $0xFFFFFFE0, v22  }
0x4e4: {  	v21 =	vor.u32 @!p0 v21, v22  }
0x4e5: {  	v19 =	vperm.xlane @!p0 v21, v19;
	_ =	sdelay $0x1  }
0x4e6: {  	v19 =	vadd.s32 @!p0 v20, v19;
	_ =	sdelay $0x1  }
0x4e7: {  	v18 =	vperm.xlane @!p0 v21, v18;
	_ =	sdelay $0x1  }
0x4e8: {  	s3 =	simm.s32 @!p0 $0x12A80;
	v18 =	vadd.s32 @!p0 v20, v18  }
0x4e9: {  	[tilespmem:s3], [sflag:$0x2] =	stream.indirect_vreg.gather @!p0 [hbm4b:s28+s0], $0x80, v19, vm2, $0xb8;
	[tilespmem:$0x18A80] =	vst v63  }
0x4ea: {  	s3 =	simm.s32 @!p0 $0x13280  }
0x4eb: {  	[tilespmem:s3], [sflag:$0x2] =	stream.indirect_vreg.gather @!p0 [hbm4b:s29+s0], $0x80, v19, vm2, $0xb8;
	[tilespmem:$0x18A80] =	vst v63  }
0x4ec: {  	s3 =	simm.s32 @!p0 $0x13A80  }
0x4ed: {  	[tilespmem:s3], [sflag:$0x2] =	stream.indirect_vreg.gather @!p0 [hbm4b:s28+s0], $0x80, v18, vm2, $0xb8;
	[tilespmem:$0x18A80] =	vst v63  }
0x4ee: {  	s3 =	simm.s32 @!p0 $0x14280  }
0x4ef: {  	[tilespmem:s3], [sflag:$0x2] =	stream.indirect_vreg.gather @!p0 [hbm4b:s29+s0], $0x80, v18, vm2, $0xb8;
	[tilespmem:$0x18A80] =	vst v63  }
0x4f0: {  	s3 =	simm.s32 @!p0 $0x2  }
0x4f1: {  	_ =	swait.ge @!p0 [sflag:s3], $0x4000  }
0x4f2: {  	[sflag:s3] =	ssyncset.done @!p0 $0x0  }
0x4f3: {  	[sflag:s3] =	ssyncadd.s32 @!p0 $0xFFFFC000;
	s3 =	sld [smem:$0x7DD];
	_ =	sdelay $0x2  }
0x4f4: {  	[hbm4b:s3+s0] =	stream.linear.scatter @!p0 [tilespmem:s2], [sflag:$0x4], $0x4000, $0x38;
	[tilespmem:$0x18A80] =	vst v63  }
0x4f5: {  	s3 =	sld [smem:$0x7DE];
	_ =	sdelay $0x2  }
0x4f6: {  	[hbm4b:s3+s0] =	stream.linear.scatter @!p0 [tilespmem:s2], [sflag:$0x4], $0x4000, $0x38;
	[tilespmem:$0x18A80] =	vst v63  }
0x4f7: {  	s3 =	sld [smem:$0x7DF];
	_ =	sdelay $0x2  }
0x4f8: {  	[hbm4b:s3+s0] =	stream.linear.scatter @!p0 [tilespmem:s2], [sflag:$0x4], $0x4000, $0x38;
	[tilespmem:$0x18A80] =	vst v63  }
0x4f9: {  	s3 =	sld [smem:$0x7E0];
	_ =	sdelay $0x2  }
0x4fa: {  	[hbm4b:s3+s0] =	stream.linear.scatter @!p0 [tilespmem:s2], [sflag:$0x4], $0x4000, $0x38;
	[tilespmem:$0x18A80] =	vst v63  }
0x4fb: {  	s3 =	sld [smem:$0x7E1];
	_ =	sdelay $0x2  }
0x4fc: {  	[hbm4b:s3+s0] =	stream.linear.scatter @!p0 [tilespmem:s2], [sflag:$0x4], $0x4000, $0x38;
	[tilespmem:$0x18A80] =	vst v63  }
0x4fd: {  	s3 =	sld [smem:$0x7E2];
	_ =	sdelay $0x2  }
0x4fe: {  	[hbm4b:s3+s0] =	stream.linear.scatter @!p0 [tilespmem:s2], [sflag:$0x4], $0x4000, $0x38;
	[tilespmem:$0x18A80] =	vst v63  }
0x4ff: {  	s3 =	sld [smem:$0x7E3];
	_ =	sdelay $0x2  }
0x500: {  	[hbm4b:s3+s0] =	stream.linear.scatter @!p0 [tilespmem:s2], [sflag:$0x4], $0x4000, $0x38;
	[tilespmem:$0x18A80] =	vst v63  }
0x501: {  	s3 =	sld [smem:$0x7E4];
	_ =	sdelay $0x2  }
0x502: {  	[hbm4b:s3+s0] =	stream.linear.scatter @!p0 [tilespmem:s2], [sflag:$0x4], $0x4000, $0x38;
	[tilespmem:$0x18A80] =	vst v63  }
0x503: {  	s3 =	sld [smem:$0x7E5];
	_ =	sdelay $0x2  }
0x504: {  	[hbm4b:s3+s0] =	stream.linear.scatter @!p0 [tilespmem:s2], [sflag:$0x4], $0x4000, $0x38;
	[tilespmem:$0x18A80] =	vst v63  }
0x505: {  	s3 =	sld [smem:$0x7E6];
	_ =	sdelay $0x2  }
0x506: {  	[hbm4b:s3+s0] =	stream.linear.scatter @!p0 [tilespmem:s2], [sflag:$0x4], $0x4000, $0x38;
	[tilespmem:$0x18A80] =	vst v63  }
0x507: {  	s3 =	sld [smem:$0x7E7];
	_ =	sdelay $0x2  }
0x508: {  	[hbm4b:s3+s0] =	stream.linear.scatter @!p0 [tilespmem:s2], [sflag:$0x4], $0x4000, $0x38;
	[tilespmem:$0x18A80] =	vst v63  }
0x509: {  	s3 =	sld [smem:$0x7E8];
	_ =	sdelay $0x2  }
0x50a: {  	[hbm4b:s3+s0] =	stream.linear.scatter @!p0 [tilespmem:s2], [sflag:$0x4], $0x4000, $0x38;
	[tilespmem:$0x18A80] =	vst v63  }
0x50b: {  	s3 =	sld [smem:$0x7E9];
	_ =	sdelay $0x2  }
0x50c: {  	[hbm4b:s3+s0] =	stream.linear.scatter @!p0 [tilespmem:s2], [sflag:$0x4], $0x4000, $0x38;
	[tilespmem:$0x18A80] =	vst v63  }
0x50d: {  	s3 =	sld [smem:$0x7EA];
	_ =	sdelay $0x2  }
0x50e: {  	[hbm4b:s3+s0] =	stream.linear.scatter @!p0 [tilespmem:s2], [sflag:$0x4], $0x4000, $0x38;
	[tilespmem:$0x18A80] =	vst v63  }
0x50f: {  	s3 =	sld [smem:$0x7EB];
	_ =	sdelay $0x2  }
0x510: {  	[hbm4b:s3+s0] =	stream.linear.scatter @!p0 [tilespmem:s2], [sflag:$0x4], $0x4000, $0x38;
	[tilespmem:$0x18A80] =	vst v63  }
0x511: {  	s3 =	sld [smem:$0x7EC];
	_ =	sdelay $0x2  }
0x512: {  	[hbm4b:s3+s0] =	stream.linear.scatter @!p0 [tilespmem:s2], [sflag:$0x4], $0x4000, $0x38;
	[tilespmem:$0x18A80] =	vst v63  }
0x513: {  	_ =	swait.ge [sflag:s18], $0x4000  }
0x514: {  	[sflag:s18] =	ssyncset.done $0x0  }
0x515: {  	[sflag:s18] =	ssyncadd.s32 $0xFFFFC000  }
0x516: {  	_ =	swait.ge [sflag:s15], $0x1000  }
0x517: {  	[sflag:s15] =	ssyncset.done $0x0  }
0x518: {  	[sflag:s15] =	ssyncadd.s32 $0xFFFFF000  }
0x519: {  	_ =	swait.ge [sflag:s15], $0x1000  }
0x51a: {  	[sflag:s15] =	ssyncset.done $0x0  }
0x51b: {  	[sflag:s15] =	ssyncadd.s32 $0xFFFFF000  }
0x51c: {  	_ =	swait.ge [sflag:s15], $0x1000  }
0x51d: {  	[sflag:s15] =	ssyncset.done $0x0  }
0x51e: {  	[sflag:s15] =	ssyncadd.s32 $0xFFFFF000  }
0x51f: {  	_ =	swait.ge [sflag:s15], $0x1000  }
0x520: {  	[sflag:s15] =	ssyncset.done $0x0  }
0x521: {  	[sflag:s15] =	ssyncadd.s32 $0xFFFFF000  }
0x522: {  	v18 =	vld [tilespmem:$0x90]  }
0x523: {  	v19 =	vld [tilespmem:$0x110]  }
0x524: {  	s9 =	simm.s32 $0x0;
	s17 =	simm.s32 $0x0;
	v20 =	vld [tilespmem:$0x190]  }
.LBB2_32:
0x525: {  	s0 =	sor.u32 $0x8, s9  }
0x526: {  	v21 =	vmov s0  }
0x527: {  	vm3 =	veq.s32 v21, v5  }
0x528: {  	v21 =	vnsel vm3, $0x0, v18  }
0x529: {  	(xrf0) =	vadd.scan.msk.s32 $0xffff, v21;
	v21 =	vnsel vm3, $0x0, v19  }
0x52a: {  	(xrf0) =	vadd.scan.msk.s32 $0xffff, v21;
	_ =	sdelay $0x1  }
0x52b: {  	v21 =	vnsel vm3, $0x0, v20  }
0x52c: {  	(xrf0) =	vadd.scan.msk.s32 $0xffff, v21;
	_ =	sdelay $0x1  }
0x52d: {  	v21, _, _ =	vpop (xrf0)  }
0x52e: {  	v22, _, _ =	vpop (xrf0)  }
0x52f: {  	v24 =	vmov s17;
	v22 =	vshll.u32 v22, $0xB  }
0x530: {  	v24 =	vshll.u32 v24, $0x2;
	v21 =	vshll.u32 v21, $0xB;
	v22 =	vbroadcast v22, $0xF  }
0x531: {  	v25 =	vor.u32 s17, v5;
	v24 =	vand.u32 $0x600, v24;
	v23, _, _ =	vpop (xrf0);
	v21 =	vbroadcast v21, $0xF  }
0x532: {  	v25 =	vand.u32 $0x7F, v25;
	v23 =	vshll.u32 v23, $0xB;
	v26 =	vor.u32 v22, v24  }
0x533: {  	v23 =	vbroadcast v23, $0xF;
	v27 =	vor.u32 v21, v24;
	v26 =	vor.u32 v25, v26  }
0x534: {  	v27 =	vor.u32 v25, v27  }
0x535: {  	v24 =	vor.u32 v23, v24  }
0x536: {  	v25 =	vor.u32 v25, v24;
	_ =	sdelay $0x1  }
0x537: {  	s13 =	sshll.u32 s9, $0xB;
	v24 =	vld.idx.msk [tilespmem:v26+s23+$0x0], $0xffff  }
0x538: {  	s2 =	sshll.u32 s9, $0x9;
	s22 =	simm.s32 $0x0;
	s3 =	sand.u32 $0x3FFFF800, s13;
	v26 =	vld.idx.msk [tilespmem:v27+s20+$0x0], $0xffff  }
0x539: {  	s0 =	sshrl.u32 s2, $0x2;
	s2 =	sand.u32 $0x3FFFFE00, s22;
	s10 =	sadd.s32 $0x8A80, s3  }
0x53a: {  	s12 =	sand.u32 $0x70, s17;
	s3 =	simm.s32 $0x10;
	s2 =	sadd.s32 s2, s10;
	v25 =	vld.idx.msk [tilespmem:v25+s24+$0x0], $0xffff  }
0x53b: {  	s22 =	simm.s32 $0x2;
	s4 =	sadd.s32 s12, s2;
	v27 =	vmov s3  }
0x53c: {  	s13 =	simm.s32 $0x0;
	s11 =	sadd.s32 $0xCA80, s0;
	s2 =	simm.s32 $0x1;
	v28 =	vshll.u32 v27, $0x2;
	v27 =	vld [tilespmem:s4+$0x0]  }
.LBB2_33:
0x53d: {  	p1 =	seq.s32 s22, $0x1F;
	v29 =	vor.u32 s3, v5;
	v28 =	vand.u32 $0x600, v28;
	v24 =	vadd.f32 v24, v26  }
0x53e: {  	v26 =	vand.u32 $0x7F, v29;
	v29 =	vor.u32 v22, v28  }
0x53f: {  	s4 =	sshll.u32 s13, $0x7;
	s13 =	smov.u32 s2;
	s2 =	smov.u32 s22;
	v30 =	vor.u32 v21, v28;
	v29 =	vor.u32 v26, v29;
	v24 =	vadd.f32 v25, v24  }
0x540: {  	s4 =	sand.u32 $0x3FFFFC00, s4;
	v25 =	vor.u32 v26, v30  }
0x541: {  	v28 =	vor.u32 v23, v28;
	s4 =	sadd.s32 s4, s11;
	v24 =	vadd.f32 v24, v27  }
0x542: {  	s4 =	sadd.s32 s12, s4;
	v27 =	vor.u32 v26, v28  }
0x543: {  	[tilespmem:s4+$0x0] =	vst v24  }
0x544: {  	v24 =	vld.idx.msk [tilespmem:v29+s23+$0x0], $0xffff  }
0x545: {  	v26 =	vld.idx.msk [tilespmem:v25+s20+$0x0], $0xffff  }
.Ltmp15:
0x546: {  	s4 =	sshll.u32 s13, $0x6;
	(pc) =	sbr.rel @!p1 .LBB2_33-.Ltmp15, $4  }
0x547: {  	s4 =	sand.u32 $0x3FFFFE00, s4;
	v25 =	vld.idx.msk [tilespmem:v27+s24+$0x0], $0xffff  }
0x548: {  	s12 =	sand.u32 $0x70, s3;
	s3 =	sadd.s32 $0x10, s3;
	s4 =	sadd.s32 s4, s10  }
0x549: {  	s4 =	sadd.s32 s12, s4;
	v27 =	vmov s3  }
0x54a: {  	s22 =	sadd.s32 $0x1, s22;
	v28 =	vshll.u32 v27, $0x2;
	v27 =	vld [tilespmem:s4+$0x0]  }
0x54b: {  	v29 =	vor.u32 s3, v5;
	v28 =	vand.u32 $0x600, v28;
	v24 =	vadd.f32 v24, v26  }
0x54c: {  	v26 =	vand.u32 $0x7F, v29;
	v29 =	vor.u32 v22, v28  }
0x54d: {  	s4 =	sshll.u32 s13, $0x7;
	v30 =	vor.u32 v21, v28;
	v29 =	vor.u32 v26, v29;
	v24 =	vadd.f32 v25, v24  }
0x54e: {  	s4 =	sand.u32 $0x3FFFFC00, s4;
	v25 =	vor.u32 v26, v30  }
0x54f: {  	v28 =	vor.u32 v23, v28;
	s4 =	sadd.s32 s4, s11;
	v24 =	vadd.f32 v24, v27  }
0x550: {  	v26 =	vor.u32 v26, v28;
	s4 =	sadd.s32 s12, s4  }
0x551: {  	[tilespmem:s4+$0x0] =	vst v24  }
0x552: {  	v24 =	vld.idx.msk [tilespmem:v29+s23+$0x0], $0xffff  }
0x553: {  	s22 =	sshll.u32 s2, $0x6;
	v25 =	vld.idx.msk [tilespmem:v25+s20+$0x0], $0xffff  }
0x554: {  	s4 =	sand.u32 $0x3FFFFE00, s22  }
0x555: {  	s12 =	sand.u32 $0x70, s3;
	v26 =	vld.idx.msk [tilespmem:v26+s24+$0x0], $0xffff;
	s4 =	sadd.s32 s4, s10  }
0x556: {  	s4 =	sadd.s32 s12, s4  }
0x557: {  	v27 =	vld [tilespmem:s4+$0x0]  }
0x558: {  	v24 =	vadd.f32 v24, v25;
	_ =	sdelay $0x1  }
0x559: {  	s13 =	sshll.u32 s2, $0x7;
	v24 =	vadd.f32 v26, v24  }
0x55a: {  	s2 =	sand.u32 $0x3FFFFC00, s13  }
0x55b: {  	s2 =	sadd.s32 s2, s11;
	v24 =	vadd.f32 v24, v27  }
0x55c: {  	s2 =	sadd.s32 s12, s2  }
0x55d: {  	[tilespmem:s2+$0x0] =	vst v24;
	s2 =	simm.s32 $0x0  }
0x55e: {  	v27 =	vmov s2  }
0x55f: {  	v27 =	vshll.u32 v27, $0x2  }
0x560: {  	v26 =	vor.u32 $0x80, v22;
	v28 =	vor.u32 s2, v5;
	v27 =	vand.u32 $0x600, v27  }
0x561: {  	v25 =	vor.u32 $0x80, v21;
	v28 =	vand.u32 $0x7F, v28;
	v29 =	vor.u32 v26, v27  }
0x562: {  	v30 =	vor.u32 v25, v27;
	v29 =	vor.u32 v28, v29  }
0x563: {  	v24 =	vor.u32 $0x80, v23;
	v30 =	vor.u32 v28, v30  }
0x564: {  	v27 =	vor.u32 v24, v27  }
0x565: {  	v28 =	vor.u32 v28, v27;
	_ =	sdelay $0x1  }
0x566: {  	v27 =	vld.idx.msk [tilespmem:v29+s23+$0x0], $0xffff  }
0x567: {  	s22 =	simm.s32 $0x0;
	v29 =	vld.idx.msk [tilespmem:v30+s20+$0x0], $0xffff  }
0x568: {  	s3 =	sand.u32 $0x3FFFFE00, s22  }
0x569: {  	s3 =	sadd.s32 s3, s10;
	s12 =	simm.s32 $0x10;
	s13 =	sand.u32 $0x70, s2;
	v28 =	vld.idx.msk [tilespmem:v28+s24+$0x0], $0xffff  }
0x56a: {  	s4 =	sadd.s32 s13, s3;
	v30 =	vmov s12  }
0x56b: {  	s11 =	sadd.s32 $0xDA80, s0;
	s22 =	simm.s32 $0x2;
	s3 =	simm.s32 $0x1;
	v31 =	vshll.u32 v30, $0x2;
	v30 =	vld [tilespmem:s4+$0x80]  }
.LBB2_35:
0x56c: {  	p1 =	seq.s32 s22, $0x1F;
	v32 =	vor.u32 s12, v5;
	v31 =	vand.u32 $0x600, v31;
	v27 =	vadd.f32 v27, v29  }
0x56d: {  	v29 =	vand.u32 $0x7F, v32;
	v32 =	vor.u32 v26, v31  }
0x56e: {  	s4 =	sshll.u32 s2, $0x7;
	s2 =	smov.u32 s3;
	s3 =	smov.u32 s22;
	v33 =	vor.u32 v25, v31;
	v32 =	vor.u32 v29, v32;
	v27 =	vadd.f32 v28, v27  }
0x56f: {  	s4 =	sand.u32 $0x3FFFFC00, s4;
	v28 =	vor.u32 v29, v33  }
0x570: {  	v31 =	vor.u32 v24, v31;
	s4 =	sadd.s32 s4, s11;
	v27 =	vadd.f32 v27, v30  }
0x571: {  	s4 =	sadd.s32 s13, s4;
	v30 =	vor.u32 v29, v31  }
0x572: {  	[tilespmem:s4+$0x0] =	vst v27  }
0x573: {  	v27 =	vld.idx.msk [tilespmem:v32+s23+$0x0], $0xffff  }
0x574: {  	v29 =	vld.idx.msk [tilespmem:v28+s20+$0x0], $0xffff  }
.Ltmp16:
0x575: {  	s4 =	sshll.u32 s2, $0x6;
	(pc) =	sbr.rel @!p1 .LBB2_35-.Ltmp16, $4  }
0x576: {  	s4 =	sand.u32 $0x3FFFFE00, s4;
	v28 =	vld.idx.msk [tilespmem:v30+s24+$0x0], $0xffff  }
0x577: {  	s13 =	sand.u32 $0x70, s12;
	s12 =	sadd.s32 $0x10, s12;
	s4 =	sadd.s32 s4, s10  }
0x578: {  	s4 =	sadd.s32 s13, s4;
	v30 =	vmov s12  }
0x579: {  	s22 =	sadd.s32 $0x1, s22;
	v31 =	vshll.u32 v30, $0x2;
	v30 =	vld [tilespmem:s4+$0x80]  }
0x57a: {  	v32 =	vor.u32 s12, v5;
	v31 =	vand.u32 $0x600, v31;
	v27 =	vadd.f32 v27, v29  }
0x57b: {  	v29 =	vand.u32 $0x7F, v32;
	v26 =	vor.u32 v26, v31  }
0x57c: {  	s2 =	sshll.u32 s2, $0x7;
	v25 =	vor.u32 v25, v31;
	v26 =	vor.u32 v29, v26;
	v27 =	vadd.f32 v28, v27  }
0x57d: {  	s2 =	sand.u32 $0x3FFFFC00, s2;
	v25 =	vor.u32 v29, v25  }
0x57e: {  	v24 =	vor.u32 v24, v31;
	s2 =	sadd.s32 s2, s11;
	v27 =	vadd.f32 v27, v30  }
0x57f: {  	v24 =	vor.u32 v29, v24;
	s2 =	sadd.s32 s13, s2  }
0x580: {  	[tilespmem:s2+$0x0] =	vst v27  }
0x581: {  	v26 =	vld.idx.msk [tilespmem:v26+s23+$0x0], $0xffff  }
0x582: {  	s4 =	sshll.u32 s3, $0x6;
	v25 =	vld.idx.msk [tilespmem:v25+s20+$0x0], $0xffff  }
0x583: {  	s2 =	sand.u32 $0x3FFFFE00, s4  }
0x584: {  	s4 =	sand.u32 $0x70, s12;
	v24 =	vld.idx.msk [tilespmem:v24+s24+$0x0], $0xffff;
	s2 =	sadd.s32 s2, s10  }
0x585: {  	s2 =	sadd.s32 s4, s2  }
0x586: {  	v27 =	vld [tilespmem:s2+$0x80]  }
0x587: {  	v25 =	vadd.f32 v26, v25;
	_ =	sdelay $0x1  }
0x588: {  	s13 =	sshll.u32 s3, $0x7;
	v24 =	vadd.f32 v24, v25  }
0x589: {  	s2 =	sand.u32 $0x3FFFFC00, s13  }
0x58a: {  	s2 =	sadd.s32 s2, s11;
	v24 =	vadd.f32 v24, v27  }
0x58b: {  	s2 =	sadd.s32 s4, s2  }
0x58c: {  	[tilespmem:s2+$0x0] =	vst v24;
	s2 =	simm.s32 $0x0  }
0x58d: {  	v27 =	vmov s2  }
0x58e: {  	v27 =	vshll.u32 v27, $0x2  }
0x58f: {  	v26 =	vor.u32 $0x100, v22;
	v28 =	vor.u32 s2, v5;
	v27 =	vand.u32 $0x600, v27  }
0x590: {  	v25 =	vor.u32 $0x100, v21;
	v28 =	vand.u32 $0x7F, v28;
	v29 =	vor.u32 v26, v27  }
0x591: {  	v30 =	vor.u32 v25, v27;
	v29 =	vor.u32 v28, v29  }
0x592: {  	v24 =	vor.u32 $0x100, v23;
	v30 =	vor.u32 v28, v30  }
0x593: {  	v27 =	vor.u32 v24, v27  }
0x594: {  	v28 =	vor.u32 v28, v27;
	_ =	sdelay $0x1  }
0x595: {  	v27 =	vld.idx.msk [tilespmem:v29+s23+$0x0], $0xffff  }
0x596: {  	s22 =	simm.s32 $0x0;
	v29 =	vld.idx.msk [tilespmem:v30+s20+$0x0], $0xffff  }
0x597: {  	s3 =	sand.u32 $0x3FFFFE00, s22  }
0x598: {  	s3 =	sadd.s32 s3, s10;
	s12 =	simm.s32 $0x10;
	s13 =	sand.u32 $0x70, s2;
	v28 =	vld.idx.msk [tilespmem:v28+s24+$0x0], $0xffff  }
0x599: {  	s4 =	sadd.s32 s13, s3;
	v30 =	vmov s12  }
0x59a: {  	s22 =	simm.s32 $0x2;
	s11 =	sadd.s32 $0xEA80, s0;
	s3 =	simm.s32 $0x1;
	v31 =	vshll.u32 v30, $0x2;
	v30 =	vld [tilespmem:s4+$0x100]  }
.LBB2_37:
0x59b: {  	p1 =	seq.s32 s22, $0x1F;
	v32 =	vor.u32 s12, v5;
	v31 =	vand.u32 $0x600, v31;
	v27 =	vadd.f32 v27, v29  }
0x59c: {  	v29 =	vand.u32 $0x7F, v32;
	v32 =	vor.u32 v26, v31  }
0x59d: {  	s4 =	sshll.u32 s2, $0x7;
	s2 =	smov.u32 s3;
	s3 =	smov.u32 s22;
	v33 =	vor.u32 v25, v31;
	v32 =	vor.u32 v29, v32;
	v27 =	vadd.f32 v28, v27  }
0x59e: {  	s4 =	sand.u32 $0x3FFFFC00, s4;
	v28 =	vor.u32 v29, v33  }
0x59f: {  	v31 =	vor.u32 v24, v31;
	s4 =	sadd.s32 s4, s11;
	v27 =	vadd.f32 v27, v30  }
0x5a0: {  	s4 =	sadd.s32 s13, s4;
	v30 =	vor.u32 v29, v31  }
0x5a1: {  	[tilespmem:s4+$0x0] =	vst v27  }
0x5a2: {  	v27 =	vld.idx.msk [tilespmem:v32+s23+$0x0], $0xffff  }
0x5a3: {  	v29 =	vld.idx.msk [tilespmem:v28+s20+$0x0], $0xffff  }
.Ltmp17:
0x5a4: {  	s4 =	sshll.u32 s2, $0x6;
	(pc) =	sbr.rel @!p1 .LBB2_37-.Ltmp17, $4  }
0x5a5: {  	s4 =	sand.u32 $0x3FFFFE00, s4;
	v28 =	vld.idx.msk [tilespmem:v30+s24+$0x0], $0xffff  }
0x5a6: {  	s13 =	sand.u32 $0x70, s12;
	s12 =	sadd.s32 $0x10, s12;
	s4 =	sadd.s32 s4, s10  }
0x5a7: {  	s4 =	sadd.s32 s13, s4;
	v30 =	vmov s12  }
0x5a8: {  	s22 =	sadd.s32 $0x1, s22;
	v31 =	vshll.u32 v30, $0x2;
	v30 =	vld [tilespmem:s4+$0x100]  }
0x5a9: {  	v32 =	vor.u32 s12, v5;
	v31 =	vand.u32 $0x600, v31;
	v27 =	vadd.f32 v27, v29  }
0x5aa: {  	v29 =	vand.u32 $0x7F, v32;
	v26 =	vor.u32 v26, v31  }
0x5ab: {  	s2 =	sshll.u32 s2, $0x7;
	v25 =	vor.u32 v25, v31;
	v26 =	vor.u32 v29, v26;
	v27 =	vadd.f32 v28, v27  }
0x5ac: {  	s2 =	sand.u32 $0x3FFFFC00, s2;
	v25 =	vor.u32 v29, v25  }
0x5ad: {  	v24 =	vor.u32 v24, v31;
	s2 =	sadd.s32 s2, s11;
	v27 =	vadd.f32 v27, v30  }
0x5ae: {  	v24 =	vor.u32 v29, v24;
	s2 =	sadd.s32 s13, s2  }
0x5af: {  	[tilespmem:s2+$0x0] =	vst v27  }
0x5b0: {  	v26 =	vld.idx.msk [tilespmem:v26+s23+$0x0], $0xffff  }
0x5b1: {  	s4 =	sshll.u32 s3, $0x6;
	v25 =	vld.idx.msk [tilespmem:v25+s20+$0x0], $0xffff  }
0x5b2: {  	s2 =	sand.u32 $0x3FFFFE00, s4  }
0x5b3: {  	s4 =	sand.u32 $0x70, s12;
	v24 =	vld.idx.msk [tilespmem:v24+s24+$0x0], $0xffff;
	s2 =	sadd.s32 s2, s10  }
0x5b4: {  	s2 =	sadd.s32 s4, s2  }
0x5b5: {  	v27 =	vld [tilespmem:s2+$0x100]  }
0x5b6: {  	v25 =	vadd.f32 v26, v25;
	_ =	sdelay $0x1  }
0x5b7: {  	s12 =	sshll.u32 s3, $0x7;
	v24 =	vadd.f32 v24, v25  }
0x5b8: {  	s2 =	sand.u32 $0x3FFFFC00, s12  }
0x5b9: {  	s2 =	sadd.s32 s2, s11;
	v24 =	vadd.f32 v24, v27  }
0x5ba: {  	s2 =	sadd.s32 s4, s2  }
0x5bb: {  	[tilespmem:s2+$0x0] =	vst v24;
	s2 =	simm.s32 $0x0  }
0x5bc: {  	v24 =	vor.u32 $0x180, v21;
	v21 =	vor.u32 $0x180, v23;
	v23 =	vmov s2  }
0x5bd: {  	v23 =	vshll.u32 v23, $0x2  }
0x5be: {  	v22 =	vor.u32 $0x180, v22;
	v25 =	vor.u32 s2, v5;
	v23 =	vand.u32 $0x600, v23  }
0x5bf: {  	v25 =	vand.u32 $0x7F, v25;
	v26 =	vor.u32 v22, v23  }
0x5c0: {  	v27 =	vor.u32 v24, v23;
	v26 =	vor.u32 v25, v26  }
0x5c1: {  	v27 =	vor.u32 v25, v27  }
0x5c2: {  	v23 =	vor.u32 v21, v23  }
0x5c3: {  	v25 =	vor.u32 v25, v23;
	_ =	sdelay $0x1  }
0x5c4: {  	v23 =	vld.idx.msk [tilespmem:v26+s23+$0x0], $0xffff  }
0x5c5: {  	s13 =	simm.s32 $0x0;
	v26 =	vld.idx.msk [tilespmem:v27+s20+$0x0], $0xffff  }
0x5c6: {  	s3 =	sand.u32 $0x3FFFFE00, s13  }
0x5c7: {  	s3 =	sadd.s32 s3, s10;
	s11 =	simm.s32 $0x10;
	s12 =	sand.u32 $0x70, s2;
	v25 =	vld.idx.msk [tilespmem:v25+s24+$0x0], $0xffff  }
0x5c8: {  	s22 =	sadd.s32 s12, s3;
	v27 =	vmov s11  }
0x5c9: {  	s0 =	sadd.s32 $0xFA80, s0;
	s13 =	simm.s32 $0x2;
	s3 =	simm.s32 $0x1;
	v28 =	vshll.u32 v27, $0x2;
	v27 =	vld [tilespmem:s22+$0x180]  }
.LBB2_39:
0x5ca: {  	p1 =	sne.s32 s13, $0x1F;
	v29 =	vor.u32 s11, v5;
	v28 =	vand.u32 $0x600, v28;
	v23 =	vadd.f32 v23, v26  }
0x5cb: {  	v26 =	vand.u32 $0x7F, v29;
	v29 =	vor.u32 v22, v28  }
0x5cc: {  	s4 =	sshll.u32 s2, $0x7;
	s2 =	smov.u32 s3;
	s3 =	smov.u32 s13;
	v30 =	vor.u32 v24, v28;
	v29 =	vor.u32 v26, v29;
	v23 =	vadd.f32 v25, v23  }
0x5cd: {  	s4 =	sand.u32 $0x3FFFFC00, s4;
	v25 =	vor.u32 v26, v30  }
0x5ce: {  	v28 =	vor.u32 v21, v28;
	s4 =	sadd.s32 s4, s0;
	v23 =	vadd.f32 v23, v27  }
0x5cf: {  	s4 =	sadd.s32 s12, s4;
	v27 =	vor.u32 v26, v28  }
0x5d0: {  	[tilespmem:s4+$0x0] =	vst v23  }
0x5d1: {  	v23 =	vld.idx.msk [tilespmem:v29+s23+$0x0], $0xffff  }
0x5d2: {  	v26 =	vld.idx.msk [tilespmem:v25+s20+$0x0], $0xffff  }
.Ltmp18:
0x5d3: {  	s4 =	sshll.u32 s2, $0x6;
	(pc) =	sbr.rel @p1 .LBB2_39-.Ltmp18, $4  }
0x5d4: {  	s4 =	sand.u32 $0x3FFFFE00, s4;
	v25 =	vld.idx.msk [tilespmem:v27+s24+$0x0], $0xffff  }
0x5d5: {  	s12 =	sand.u32 $0x70, s11;
	s11 =	sadd.s32 $0x10, s11;
	s4 =	sadd.s32 s4, s10  }
0x5d6: {  	s4 =	sadd.s32 s12, s4;
	v27 =	vmov s11  }
0x5d7: {  	s13 =	sadd.s32 $0x1, s13;
	v28 =	vshll.u32 v27, $0x2;
	v27 =	vld [tilespmem:s4+$0x180]  }
0x5d8: {  	v29 =	vor.u32 s11, v5;
	v28 =	vand.u32 $0x600, v28;
	v23 =	vadd.f32 v23, v26  }
0x5d9: {  	v62 =	vand.u32 $0x7F, v29;
	v22 =	vor.u32 v22, v28  }
0x5da: {  	s2 =	sshll.u32 s2, $0x7;
	v24 =	vor.u32 v24, v28;
	v22 =	vor.u32 v62, v22;
	v23 =	vadd.f32 v25, v23  }
0x5db: {  	s2 =	sand.u32 $0x3FFFFC00, s2;
	v24 =	vor.u32 v62, v24  }
0x5dc: {  	v21 =	vor.u32 v21, v28;
	s2 =	sadd.s32 s2, s0;
	v23 =	vadd.f32 v23, v27  }
0x5dd: {  	v21 =	vor.u32 v62, v21;
	s2 =	sadd.s32 s12, s2  }
0x5de: {  	[tilespmem:s2+$0x0] =	vst v23  }
0x5df: {  	v22 =	vld.idx.msk [tilespmem:v22+s23+$0x0], $0xffff  }
0x5e0: {  	s12 =	sshll.u32 s3, $0x6;
	v23 =	vld.idx.msk [tilespmem:v24+s20+$0x0], $0xffff  }
0x5e1: {  	s2 =	sand.u32 $0x3FFFFE00, s12  }
0x5e2: {  	s4 =	sand.u32 $0x70, s11;
	v21 =	vld.idx.msk [tilespmem:v21+s24+$0x0], $0xffff;
	s2 =	sadd.s32 s2, s10  }
0x5e3: {  	s2 =	sadd.s32 s4, s2  }
0x5e4: {  	v63 =	vld [tilespmem:s2+$0x180]  }
0x5e5: {  	s9 =	sadd.s32 $0x1, s9;
	v22 =	vadd.f32 v22, v23  }
0x5e6: {  	p1 =	sne.s32 s9, $0x8  }
.Ltmp19:
0x5e7: {  	s13 =	sshll.u32 s3, $0x7;
	v21 =	vadd.f32 v21, v22;
	(pc) =	sbr.rel @p1 .LBB2_32-.Ltmp19, $4  }
0x5e8: {  	s2 =	sand.u32 $0x3FFFFC00, s13  }
0x5e9: {  	s22 =	sadd.s32 s2, s0;
	v21 =	vadd.f32 v21, v63  }
0x5ea: {  	s0 =	sadd.s32 s4, s22  }
0x5eb: {  	[tilespmem:s0+$0x0] =	vst v21  }
0x5ec: {  	s0 =	sld [smem:$0x7F9];
	_ =	sdelay $0x1  }
0x5ed: {  	s2 =	simm.s32 $0xCA80;
	s12 =	sld [smem:$0x7FA]  }
0x5ee: {  	[hbm4b:s0+s1] =	stream.linear.scatter [tilespmem:s2], [sflag:$0x3], $0x1000, $0x38;
	[tilespmem:$0x18A80] =	vst v63  }
0x5ef: {  	s13 =	sld [smem:$0x7FB]  }
0x5f0: {  	[hbm4b:s12+s1] =	stream.linear.scatter [tilespmem:s14], [sflag:$0x3], $0x1000, $0x38;
	[tilespmem:$0x18A80] =	vst v63  }
0x5f1: {  	s17 =	sld [smem:$0x7FC]  }
0x5f2: {  	[hbm4b:s13+s1] =	stream.linear.scatter [tilespmem:s5], [sflag:$0x3], $0x1000, $0x38;
	[tilespmem:$0x18A80] =	vst v63  }
0x5f3: {  	_ = 	snop  }
0x5f4: {  	[hbm4b:s17+s1] =	stream.linear.scatter [tilespmem:s6], [sflag:$0x3], $0x1000, $0x38;
	[tilespmem:$0x18A80] =	vst v63  }
0x5f5: {  	_ =	swait.ge [sflag:s16], $0x4000  }
0x5f6: {  	[sflag:s16] =	ssyncset.done $0x0  }
0x5f7: {  	[sflag:s16] =	ssyncadd.s32 $0xFFFFC000  }
0x5f8: {  	_ =	swait.ge [sflag:s16], $0x4000  }
0x5f9: {  	[sflag:s16] =	ssyncset.done $0x0  }
0x5fa: {  	[sflag:s16] =	ssyncadd.s32 $0xFFFFC000  }
0x5fb: {  	_ =	swait.ge [sflag:s16], $0x4000  }
0x5fc: {  	[sflag:s16] =	ssyncset.done $0x0  }
0x5fd: {  	[sflag:s16] =	ssyncadd.s32 $0xFFFFC000  }
0x5fe: {  	_ =	swait.ge [sflag:s16], $0x4000  }
0x5ff: {  	[sflag:s16] =	ssyncset.done $0x0  }
0x600: {  	[sflag:s16] =	ssyncadd.s32 $0xFFFFC000  }
0x601: {  	_ =	swait.ge [sflag:s16], $0x4000  }
0x602: {  	[sflag:s16] =	ssyncset.done $0x0  }
0x603: {  	[sflag:s16] =	ssyncadd.s32 $0xFFFFC000  }
0x604: {  	_ =	swait.ge [sflag:s16], $0x4000  }
0x605: {  	[sflag:s16] =	ssyncset.done $0x0  }
0x606: {  	[sflag:s16] =	ssyncadd.s32 $0xFFFFC000  }
0x607: {  	_ =	swait.ge [sflag:s16], $0x4000  }
0x608: {  	[sflag:s16] =	ssyncset.done $0x0  }
0x609: {  	[sflag:s16] =	ssyncadd.s32 $0xFFFFC000  }
0x60a: {  	_ =	swait.ge [sflag:s16], $0x4000  }
0x60b: {  	[sflag:s16] =	ssyncset.done $0x0  }
0x60c: {  	[sflag:s16] =	ssyncadd.s32 $0xFFFFC000  }
0x60d: {  	_ =	swait.ge [sflag:s16], $0x4000  }
0x60e: {  	[sflag:s16] =	ssyncset.done $0x0  }
0x60f: {  	[sflag:s16] =	ssyncadd.s32 $0xFFFFC000  }
0x610: {  	_ =	swait.ge [sflag:s16], $0x4000  }
0x611: {  	[sflag:s16] =	ssyncset.done $0x0  }
0x612: {  	[sflag:s16] =	ssyncadd.s32 $0xFFFFC000  }
0x613: {  	_ =	swait.ge [sflag:s16], $0x4000  }
0x614: {  	[sflag:s16] =	ssyncset.done $0x0  }
0x615: {  	[sflag:s16] =	ssyncadd.s32 $0xFFFFC000  }
0x616: {  	_ =	swait.ge [sflag:s16], $0x4000  }
0x617: {  	[sflag:s16] =	ssyncset.done $0x0  }
0x618: {  	[sflag:s16] =	ssyncadd.s32 $0xFFFFC000  }
0x619: {  	_ =	swait.ge [sflag:s16], $0x4000  }
0x61a: {  	[sflag:s16] =	ssyncset.done $0x0  }
0x61b: {  	[sflag:s16] =	ssyncadd.s32 $0xFFFFC000  }
0x61c: {  	_ =	swait.ge [sflag:s16], $0x4000  }
0x61d: {  	[sflag:s16] =	ssyncset.done $0x0  }
0x61e: {  	[sflag:s16] =	ssyncadd.s32 $0xFFFFC000  }
0x61f: {  	_ =	swait.ge [sflag:s16], $0x4000  }
0x620: {  	[sflag:s16] =	ssyncset.done $0x0  }
0x621: {  	[sflag:s16] =	ssyncadd.s32 $0xFFFFC000  }
0x622: {  	_ =	swait.ge [sflag:s16], $0x4000  }
0x623: {  	[sflag:s16] =	ssyncset.done $0x0  }
0x624: {  	s0 =	simm.s32 @!p0 $0x4;
	[sflag:s16] =	ssyncadd.s32 $0xFFFFC000  }
0x625: {  	_ =	swait.ge @!p0 [sflag:s0], $0x4000  }
0x626: {  	[sflag:s0] =	ssyncset.done @!p0 $0x0  }
0x627: {  	[sflag:s0] =	ssyncadd.s32 @!p0 $0xFFFFC000  }
0x628: {  	_ =	swait.ge @!p0 [sflag:s0], $0x4000  }
0x629: {  	[sflag:s0] =	ssyncset.done @!p0 $0x0  }
0x62a: {  	[sflag:s0] =	ssyncadd.s32 @!p0 $0xFFFFC000  }
0x62b: {  	_ =	swait.ge @!p0 [sflag:s0], $0x4000  }
0x62c: {  	[sflag:s0] =	ssyncset.done @!p0 $0x0  }
0x62d: {  	[sflag:s0] =	ssyncadd.s32 @!p0 $0xFFFFC000  }
0x62e: {  	_ =	swait.ge @!p0 [sflag:s0], $0x4000  }
0x62f: {  	[sflag:s0] =	ssyncset.done @!p0 $0x0  }
0x630: {  	[sflag:s0] =	ssyncadd.s32 @!p0 $0xFFFFC000  }
0x631: {  	_ =	swait.ge @!p0 [sflag:s0], $0x4000  }
0x632: {  	[sflag:s0] =	ssyncset.done @!p0 $0x0  }
0x633: {  	[sflag:s0] =	ssyncadd.s32 @!p0 $0xFFFFC000  }
0x634: {  	_ =	swait.ge @!p0 [sflag:s0], $0x4000  }
0x635: {  	[sflag:s0] =	ssyncset.done @!p0 $0x0  }
0x636: {  	[sflag:s0] =	ssyncadd.s32 @!p0 $0xFFFFC000  }
0x637: {  	_ =	swait.ge @!p0 [sflag:s0], $0x4000  }
0x638: {  	[sflag:s0] =	ssyncset.done @!p0 $0x0  }
0x639: {  	[sflag:s0] =	ssyncadd.s32 @!p0 $0xFFFFC000  }
0x63a: {  	_ =	swait.ge @!p0 [sflag:s0], $0x4000  }
0x63b: {  	[sflag:s0] =	ssyncset.done @!p0 $0x0  }
0x63c: {  	[sflag:s0] =	ssyncadd.s32 @!p0 $0xFFFFC000  }
0x63d: {  	_ =	swait.ge @!p0 [sflag:s0], $0x4000  }
0x63e: {  	[sflag:s0] =	ssyncset.done @!p0 $0x0  }
0x63f: {  	[sflag:s0] =	ssyncadd.s32 @!p0 $0xFFFFC000  }
0x640: {  	_ =	swait.ge @!p0 [sflag:s0], $0x4000  }
0x641: {  	[sflag:s0] =	ssyncset.done @!p0 $0x0  }
0x642: {  	[sflag:s0] =	ssyncadd.s32 @!p0 $0xFFFFC000  }
0x643: {  	_ =	swait.ge @!p0 [sflag:s0], $0x4000  }
0x644: {  	[sflag:s0] =	ssyncset.done @!p0 $0x0  }
0x645: {  	[sflag:s0] =	ssyncadd.s32 @!p0 $0xFFFFC000  }
0x646: {  	_ =	swait.ge @!p0 [sflag:s0], $0x4000  }
0x647: {  	[sflag:s0] =	ssyncset.done @!p0 $0x0  }
0x648: {  	[sflag:s0] =	ssyncadd.s32 @!p0 $0xFFFFC000  }
0x649: {  	_ =	swait.ge @!p0 [sflag:s0], $0x4000  }
0x64a: {  	[sflag:s0] =	ssyncset.done @!p0 $0x0  }
0x64b: {  	[sflag:s0] =	ssyncadd.s32 @!p0 $0xFFFFC000  }
0x64c: {  	_ =	swait.ge @!p0 [sflag:s0], $0x4000  }
0x64d: {  	[sflag:s0] =	ssyncset.done @!p0 $0x0  }
0x64e: {  	[sflag:s0] =	ssyncadd.s32 @!p0 $0xFFFFC000  }
0x64f: {  	_ =	swait.ge @!p0 [sflag:s0], $0x4000  }
0x650: {  	[sflag:s0] =	ssyncset.done @!p0 $0x0  }
0x651: {  	[sflag:s0] =	ssyncadd.s32 @!p0 $0xFFFFC000  }
0x652: {  	_ =	swait.ge @!p0 [sflag:s0], $0x4000  }
0x653: {  	[sflag:s0] =	ssyncset.done @!p0 $0x0  }
0x654: {  	[sflag:s0] =	ssyncadd.s32 @!p0 $0xFFFFC000  }
0x655: {  	_ =	swait.ge [sflag:s15], $0x1000  }
0x656: {  	[sflag:s15] =	ssyncset.done $0x0  }
0x657: {  	[sflag:s15] =	ssyncadd.s32 $0xFFFFF000  }
0x658: {  	_ =	swait.ge [sflag:s15], $0x1000  }
0x659: {  	[sflag:s15] =	ssyncset.done $0x0  }
0x65a: {  	[sflag:s15] =	ssyncadd.s32 $0xFFFFF000  }
0x65b: {  	_ =	swait.ge [sflag:s15], $0x1000  }
0x65c: {  	[sflag:s15] =	ssyncset.done $0x0  }
0x65d: {  	[sflag:s15] =	ssyncadd.s32 $0xFFFFF000  }
0x65e: {  	_ =	swait.ge [sflag:s15], $0x1000  }
0x65f: {  	s22 =	sld [smem:$0x7FD];
	_ =	sdelay $0x1  }
0x660: {  	s7 =	sadd.s32 $0x1, s7  }
0x661: {  	p1 =	sne.s32 s7, s22  }
.Ltmp20:
0x662: {  	_ = 	snop;
	(pc) =	sbr.rel @p1 .LBB2_1-.Ltmp20, $3  }
0x663: {  	_ =	sdelay $0x1  }
0x664: {  	[sflag:s15] =	ssyncset.done $0x0  }
0x665: {  	s4 =	simm.s32 $0x4A80;
	[sflag:s15] =	ssyncadd.s32 $0xFFFFF000  }
0x666: {  	_ =	sfence.sel $0x180000  }
0x667: {  	[bflag:$0x0] =	sbarrier.arrive $0xFFFF  }
0x668: {  	_ =	strace $0x90000047  }
0x669: {  	s0 =	stileid.u32;
	[bflag:$0x2] =	sbarrier.arrive $0xFFFF  }
0x66a: {  	p0 =	sne.s32 s0, $0x0;
	s0 =	rddreg [dreg:$0xb]  }
0x66b: {  	s0 =	sadd.s32 @!p0 $0x100000, s0  }
0x66c: {  	[sflag:s0] =	ssyncadd.tile.s32 @!p0 $0x1;
	_ =	shalt  }
.Lfunc_end2:
_tile_overlayer_lowered:
.L_overlay_start_2:
0x66d: {  	(tag) =	ssettag $0x2  }
0x66e: {  	s0 =	rddreg [dreg:$0x0];
	s2 =	stileid.u32  }
0x66f: {  	s1 =	rddreg [dreg:$0x1];
	p0 =	sne.s32 s2, $0x0  }
0x670: {  	s3 =	rddreg [dreg:$0x2];
	[bflag:$0x3] =	sbarrier.arrive $0xFFFF;
	s2 =	simm.s32 @!p0 $0x1C06  }
0x671: {  	[timem:s3], [sflag:s2] =	dma.local @!p0 [hbm:s0], s1  }
0x672: {  	s0 =	simm.s32 @!p0 $0x6  }
0x673: {  	_ =	swait.ge @!p0 [sflag:s0], s1  }
0x674: {  	s1 =	ssub.s32 @!p0 $0x0, s1;
	[sflag:s0] =	ssyncset.done @!p0 $0x0  }
0x675: {  	[sflag:s0] =	ssyncadd.s32 @!p0 s1  }
0x676: {  	[bflag:$0x3] =	sbarrier.arrive $0xFFFF  }
0x677: {  	_ =	shalt  }

</sc_bundles>
